<compile_context>
chip_gen: v7x
topology: tpu7x:2x2x1
jax: 0.10.2.dev20260603
libtpu: 0.0.44.dev20260713+nightly
codegen_flags: <defaults>
</compile_context>

<pallas_src>
import functools

import jax
import jax.numpy as jnp
from jax import lax
from jax.experimental import pallas as pl
from jax.experimental.pallas import tpu as pltpu
from jax.experimental.pallas import tpu_sc as plsc

NUM_SEG = 10000
SEG_BLOCK = 256
ROW_CHUNK = 2048
SC_CHUNK = 80
NUM_WORKERS = 32
SPLIT_ROWS = 153600


def _sc_gather(c0, c1, c2, leaf_table, path_table):
    n = c0.shape[0]
    d = leaf_table.shape[1]
    per_w = n // NUM_WORKERS
    B = SC_CHUNK
    n_chunks = per_w // B
    assert n_chunks >= 3 and per_w % B == 0 and n % NUM_WORKERS == 0
    mesh = plsc.VectorSubcoreMesh(core_axis_name="c", subcore_axis_name="s")
    row_t = jax.ShapeDtypeStruct((n, d), leaf_table.dtype)
    scr = ([pltpu.VMEM((B,), jnp.int32)] * 6
           + [pltpu.VMEM((B, d), leaf_table.dtype)] * 6
           + [pltpu.SemaphoreType.DMA] * 6)

    @functools.partial(pl.kernel, mesh=mesh, out_type=(row_t, row_t, row_t),
                       scratch_types=scr)
    def gather_kernel(c0_h, c1_h, c2_h, leaf_h, path_h, o0_h, o1_h, o2_h,
                      i00, i01, i02, i10, i11, i12,
                      r00, r01, r02, r10, r11, r12,
                      s00, s01, s02, s10, s11, s12):
        ibufs = ((i00, i01, i02), (i10, i11, i12))
        rbufs = ((r00, r01, r02), (r10, r11, r12))
        sems = ((s00, s01, s02), (s10, s11, s12))
        idxs = (c0_h, c1_h, c2_h)
        tabs = (leaf_h, path_h, leaf_h)
        outs = (o0_h, o1_h, o2_h)
        wid = lax.axis_index("s") * 2 + lax.axis_index("c")
        base = wid * per_w

        def stage(c, slot):
            off = base + c * B
            for t in range(3):
                pltpu.sync_copy(idxs[t].at[pl.ds(off, B)], ibufs[slot][t])
            for t in range(3):
                pltpu.async_copy(tabs[t].at[ibufs[slot][t]], rbufs[slot][t],
                                 sems[slot][t])

        def drain(slot):
            for t in range(3):
                pltpu.make_async_copy(tabs[t].at[ibufs[slot][t]],
                                      rbufs[slot][t], sems[slot][t]).wait()

        def writeback(c, slot):
            off = base + c * B
            for t in range(3):
                pltpu.sync_copy(rbufs[slot][t], outs[t].at[pl.ds(off, B)])

        stage(0, 0)

        def outer(g, carry):
            c = 2 * g
            stage(c + 1, 1)
            drain(0)
            writeback(c, 0)
            stage(c + 2, 0)
            drain(1)
            writeback(c + 1, 1)
            return carry

        lax.fori_loop(0, (n_chunks - 1) // 2, outer, 0)
        if n_chunks % 2 == 1:
            drain(0)
            writeback(n_chunks - 1, 0)
        else:
            stage(n_chunks - 1, 1)
            drain(0)
            writeback(n_chunks - 2, 0)
            drain(1)
            writeback(n_chunks - 1, 1)

    return gather_kernel(c0, c1, c2, leaf_table, path_table)


def _segment_fused(p0, p1, mode, idx2, bounds, w1t, w2t, w3t, a2, w_out,
                   b_out2, num_blocks, n_total):
    p0 = tuple(p0)
    p1 = tuple(p1) if p1 is not None else None
    ll0, pm0, lr0 = p0
    two = p1 is not None
    d = ll0.shape[1]
    code = w1t.shape[1]
    out_dim = w_out.shape[0]
    seg_pad = num_blocks * SEG_BLOCK
    C = ROW_CHUNK
    S = SPLIT_ROWS
    c_split = S // C
    assert c_split * C == S and n_total % NUM_WORKERS == 0

    def body(*refs):
        nin = 9 + (3 if two else 0)
        (bounds_r, *data_r) = refs[:1 + (6 if two else 3)]
        i_r, w1_r, w2_r, w3_r, a_r, wout_r, bout_r = refs[
            1 + (6 if two else 3):nin + 2]
        out_r = refs[nin + 2]
        lbuf, pbuf, rbuf, ibuf, sem_l, sem_p, sem_r, sem_i = refs[nin + 3:]
        srcs0 = tuple(data_r[:3])
        srcs1 = tuple(data_r[3:6]) if two else None

        b = pl.program_id(0)
        r0 = bounds_r[b]
        r1 = bounds_r[b + 1]
        if mode == "all":
            process = None
            c_lo = r0 // C
            c_hi = lax.div(r1 + C - 1, C)
        else:
            process = (r1 <= S) if mode == "lower" else (r1 > S)
            c_lo = jnp.where(process, r0 // C, 0)
            c_hi = jnp.where(process, lax.div(r1 + C - 1, C), 0)
        seg0 = b * SEG_BLOCK
        bufs = (lbuf, pbuf, rbuf)
        data_sems = (sem_l, sem_p, sem_r)

        def glob_off(c):
            return jnp.minimum(c * C, n_total - C)

        def copies(c, slot, act):
            off = glob_off(c)
            if two:
                @pl.when(c < c_split)
                def _():
                    for t in range(3):
                        act(pltpu.make_async_copy(
                            srcs0[t].at[pl.ds(off, C)], bufs[t].at[slot],
                            data_sems[t].at[slot]))

                @pl.when(c >= c_split)
                def _():
                    for t in range(3):
                        act(pltpu.make_async_copy(
                            srcs1[t].at[pl.ds(off - S, C)], bufs[t].at[slot],
                            data_sems[t].at[slot]))
            else:
                for t in range(3):
                    act(pltpu.make_async_copy(
                        srcs0[t].at[pl.ds(off, C)], bufs[t].at[slot],
                        data_sems[t].at[slot]))
            act(pltpu.make_async_copy(
                i_r.at[:, pl.ds(off, C)], ibuf.at[slot], sem_i.at[slot]))

        @pl.when(c_lo < c_hi)
        def _():
            copies(c_lo, 0, lambda cp: cp.start())

        def chunk(c, carry):
            m, dnm, acc = carry
            slot = lax.rem(c - c_lo, 2)

            @pl.when(c + 1 < c_hi)
            def _():
                copies(c + 1, 1 - slot, lambda cp: cp.start())

            copies(c, slot, lambda cp: cp.wait())
            z = jnp.dot(lbuf[slot], w1_r[...],
                        preferred_element_type=jnp.float32)
            z = z + jnp.dot(pbuf[slot], w2_r[...],
                            preferred_element_type=jnp.float32)
            z = z + jnp.dot(rbuf[slot], w3_r[...],
                            preferred_element_type=jnp.float32)
            h = jnp.tanh(z)
            sc = lax.dot_general(a_r[...], h, (((1,), (1,)), ((), ())),
                                 preferred_element_type=jnp.float32)
            pos = glob_off(c) + lax.broadcasted_iota(jnp.int32, (1, C), 1)
            rel = jnp.where(pos >= c * C, ibuf[slot] - seg0, -1)
            rows = lax.broadcasted_iota(jnp.int32, (SEG_BLOCK, C), 0)
            onehot = rel == rows
            mc = jnp.max(jnp.where(onehot, sc, -1e30), axis=1, keepdims=True)
            m_new = jnp.maximum(m, mc)
            alpha = jnp.exp(m - m_new)
            ex = jnp.exp(jnp.where(onehot, sc - m_new, -1e30))
            dnm = dnm * alpha + jnp.sum(ex, axis=1, keepdims=True)
            acc = acc * alpha + jnp.dot(
                ex, h, preferred_element_type=jnp.float32)
            return m_new, dnm, acc

        m0 = jnp.full((SEG_BLOCK, 1), -1e30, jnp.float32)
        d0 = jnp.zeros((SEG_BLOCK, 1), jnp.float32)
        a0 = jnp.zeros((SEG_BLOCK, code), jnp.float32)
        m, dnm, acc = lax.fori_loop(c_lo, c_hi, chunk, (m0, d0, a0))
        v = jnp.where(dnm > 0, acc / jnp.where(dnm > 0, dnm, 1.0), 0.0)
        out = lax.dot_general(
            v, wout_r[...], (((1,), (1,)), ((), ())),
            preferred_element_type=jnp.float32)
        out = out + bout_r[...]
        if process is not None:
            out = jnp.where(process, out, 0.0)
        out_r[...] = out

    hbm = pl.BlockSpec(memory_space=pltpu.MemorySpace.HBM)
    in_specs = ([pl.BlockSpec(memory_space=pltpu.MemorySpace.SMEM)]
                + [hbm] * (6 if two else 3)
                + [hbm,
                   pl.BlockSpec((d, code), lambda b: (0, 0)),
                   pl.BlockSpec((d, code), lambda b: (0, 0)),
                   pl.BlockSpec((d, code), lambda b: (0, 0)),
                   pl.BlockSpec((1, code), lambda b: (0, 0)),
                   pl.BlockSpec((out_dim, code), lambda b: (0, 0)),
                   pl.BlockSpec((1, out_dim), lambda b: (0, 0))])
    args = ((bounds,) + p0 + (p1 if two else ())
            + (idx2, w1t, w2t, w3t, a2, w_out, b_out2))
    return pl.pallas_call(
        body,
        grid=(num_blocks,),
        in_specs=in_specs,
        out_specs=pl.BlockSpec((SEG_BLOCK, out_dim), lambda b: (b, 0)),
        out_shape=jax.ShapeDtypeStruct((seg_pad, out_dim), jnp.float32),
        scratch_shapes=[
            pltpu.VMEM((2, C, d), ll0.dtype),
            pltpu.VMEM((2, C, d), ll0.dtype),
            pltpu.VMEM((2, C, d), ll0.dtype),
            pltpu.VMEM((2, 1, C), jnp.int32),
            pltpu.SemaphoreType.DMA((2,)),
            pltpu.SemaphoreType.DMA((2,)),
            pltpu.SemaphoreType.DMA((2,)),
            pltpu.SemaphoreType.DMA((2,)),
        ],
    )(*args)


def kernel(contexts, indices, leaf_table, path_table, W_fc, a, W_out, b_out):
    n = contexts.shape[0]
    d = leaf_table.shape[1]
    num_blocks = (NUM_SEG + SEG_BLOCK - 1) // SEG_BLOCK
    s = SPLIT_ROWS

    ctx_t = contexts.T
    c0 = ctx_t[0]
    c1 = ctx_t[1]
    c2 = ctx_t[2]
    pa = _sc_gather(c0[:s], c1[:s], c2[:s], leaf_table, path_table)
    pb = _sc_gather(c0[s:], c1[s:], c2[s:], leaf_table, path_table)

    wt = W_fc.T
    seg_starts = jnp.arange(num_blocks, dtype=jnp.int32) * SEG_BLOCK
    bounds = jnp.concatenate([
        jnp.searchsorted(indices, seg_starts).astype(jnp.int32),
        jnp.array([n], jnp.int32),
    ])
    idx2 = indices[None, :]
    out_lo = _segment_fused(pa, None, "lower", idx2, bounds,
                            wt[:d], wt[d:2 * d], wt[2 * d:], a[None, :],
                            W_out, b_out[None, :], num_blocks, n)
    out_hi = _segment_fused(pa, pb, "upper", idx2, bounds,
                            wt[:d], wt[d:2 * d], wt[2 * d:], a[None, :],
                            W_out, b_out[None, :], num_blocks, n)
    return (out_lo + out_hi)[:NUM_SEG]

# --- scband reference (transcript-rebuilt; emitter-appended) ---
"""Pipeline reference for scband-c2-vmodel-50620484550697 (READ-ONLY COPY).

The authoritative reference and input builder live on the scoring server;
editing this copy changes nothing except your own understanding.
"""

import jax, jax.numpy as jnp
import numpy as np

N = 320000
NUM_SEG = 10000
LEAF_VOCAB = 100000
PATH_VOCAB = 100000
LEAF_DIM = 128
PATH_DIM = 128
CODE_DIM = 256
OUT_DIM = 1000
CAT_DIM = LEAF_DIM * 2 + PATH_DIM


def setup_inputs(seed: int = 0):
    key = jax.random.key(seed)
    ks = jax.random.split(key, 8)
    contexts = jax.random.randint(ks[0], (N, 3), 0, LEAF_VOCAB, dtype=jnp.int32)
    indices = jnp.sort(jax.random.randint(ks[1], (N,), 0, NUM_SEG, dtype=jnp.int32))
    leaf_table = jax.random.normal(ks[2], (LEAF_VOCAB, LEAF_DIM), dtype=jnp.float32) * 0.02
    path_table = jax.random.normal(ks[3], (PATH_VOCAB, PATH_DIM), dtype=jnp.float32) * 0.02
    W_fc = jax.random.normal(ks[4], (CODE_DIM, CAT_DIM), dtype=jnp.float32) * (1.0 / np.sqrt(CAT_DIM))
    a = jax.random.uniform(ks[5], (CODE_DIM,), dtype=jnp.float32)
    W_out = jax.random.normal(ks[6], (OUT_DIM, CODE_DIM), dtype=jnp.float32) * (1.0 / np.sqrt(CODE_DIM))
    b_out = jnp.zeros((OUT_DIM,), dtype=jnp.float32)
    return {"contexts": contexts, "indices": indices, "leaf_table": leaf_table, "path_table": path_table, "W_fc": W_fc, "a": a, "W_out": W_out, "b_out": b_out}


def reference(contexts, indices, leaf_table, path_table, W_fc, a, W_out, b_out):
    # embedding lookups (gather)
    leaf_l = jnp.take(leaf_table, contexts[:, 0], axis=0)
    path_m = jnp.take(path_table, contexts[:, 1], axis=0)
    leaf_r = jnp.take(leaf_table, contexts[:, 2], axis=0)
    context_emb = jnp.concatenate([leaf_l, path_m, leaf_r], axis=1)  # [N, 384]
    # dropout is identity at inference
    h = jnp.tanh(context_emb @ W_fc.T)  # [N, CODE_DIM]
    attn_score = h @ a  # [N]
    # scatter_softmax over segments
    seg_max = jax.ops.segment_max(attn_score, indices, num_segments=NUM_SEG)
    ex = jnp.exp(attn_score - seg_max[indices])
    denom = jax.ops.segment_sum(ex, indices, num_segments=NUM_SEG)
    attn_weight = ex / denom[indices]
    weighted_context = h * attn_weight[:, None]
    v = jax.ops.segment_sum(weighted_context, indices, num_segments=NUM_SEG)  # [NUM_SEG, CODE_DIM]
    return v @ W_out.T + b_out  # [NUM_SEG, OUT_DIM]

if __name__ == "__main__":
    import jax
    _d = setup_inputs()
    print(jax.jit(kernel)(*tuple(_d.values())))

</pallas_src>

<mosaic_0001>
#map = affine_map<(d0, d1) -> (0)>
#map1 = affine_map<(d0, d1) -> (0, 0)>
module attributes {stable_mosaic.version = 14 : i64} {
  func.func @gather_kernel(%arg0: i32, %arg1: i32, %arg2: memref<153600xi32, #tpu.memory_space<hbm>>, %arg3: memref<153600xi32, #tpu.memory_space<hbm>>, %arg4: memref<153600xi32, #tpu.memory_space<hbm>>, %arg5: memref<100000x128xf32, #tpu.memory_space<hbm>>, %arg6: memref<100000x128xf32, #tpu.memory_space<hbm>>, %arg7: memref<153600x128xf32, #tpu.memory_space<hbm>>, %arg8: memref<153600x128xf32, #tpu.memory_space<hbm>>, %arg9: memref<153600x128xf32, #tpu.memory_space<hbm>>, %arg10: memref<80xi32, #tpu.memory_space<vmem>>, %arg11: memref<80xi32, #tpu.memory_space<vmem>>, %arg12: memref<80xi32, #tpu.memory_space<vmem>>, %arg13: memref<80xi32, #tpu.memory_space<vmem>>, %arg14: memref<80xi32, #tpu.memory_space<vmem>>, %arg15: memref<80xi32, #tpu.memory_space<vmem>>, %arg16: memref<80x128xf32, #tpu.memory_space<vmem>>, %arg17: memref<80x128xf32, #tpu.memory_space<vmem>>, %arg18: memref<80x128xf32, #tpu.memory_space<vmem>>, %arg19: memref<80x128xf32, #tpu.memory_space<vmem>>, %arg20: memref<80x128xf32, #tpu.memory_space<vmem>>, %arg21: memref<80x128xf32, #tpu.memory_space<vmem>>, %arg22: memref<!tpu.dma_semaphore, #tpu.memory_space<semaphore_mem>>, %arg23: memref<!tpu.dma_semaphore, #tpu.memory_space<semaphore_mem>>, %arg24: memref<!tpu.dma_semaphore, #tpu.memory_space<semaphore_mem>>, %arg25: memref<!tpu.dma_semaphore, #tpu.memory_space<semaphore_mem>>, %arg26: memref<!tpu.dma_semaphore, #tpu.memory_space<semaphore_mem>>, %arg27: memref<!tpu.dma_semaphore, #tpu.memory_space<semaphore_mem>>) attributes {dimension_semantics = [#tpu.dimension_semantics<core_parallel>, #tpu.dimension_semantics<subcore_parallel>], iteration_bounds = array<i64: 2, 16>, scalar_prefetch = 0 : i64, scratch_operands = 18 : i64, tpu.core_type = #tpu.core_type<sc_vector_subcore>, window_params = [{transform_indices = #map}, {transform_indices = #map}, {transform_indices = #map}, {transform_indices = #map1}, {transform_indices = #map1}, {transform_indices = #map1}, {transform_indices = #map1}, {transform_indices = #map1}]} {
    %mul3A = arith.constant 2 : i32
    %mul3A_0 = arith.muli %arg1, %mul3A : i32
    %add3A = arith.addi %mul3A_0, %arg0 : i32
    %mul3A_1 = arith.constant 4800 : i32
    %mul3A_2 = arith.muli %add3A, %mul3A_1 : i32
    %add3A_3 = arith.constant 0 : i32
    %add3A_4 = arith.addi %mul3A_2, %add3A_3 : i32
    "tpu.region"() ({
      %run_scoped3A = tpu.sem_alloc : memref<!tpu.dma_semaphore, #tpu.memory_space<semaphore_mem>>
      %dma_start3A_50 = tpu.memref_slice %arg2[%add3A_4] : memref<153600xi32, #tpu.memory_space<hbm>> -> memref<80xi32, #tpu.memory_space<hbm>>
      %dma_start3A_51 = tpu.memref_slice %arg2[%add3A_4] : memref<153600xi32, #tpu.memory_space<hbm>> -> memref<80xi32, #tpu.memory_space<hbm>>
      tpu.enqueue_dma source(%dma_start3A_51 : memref<80xi32, #tpu.memory_space<hbm>>) target(%arg10 : memref<80xi32, #tpu.memory_space<vmem>>) target_semaphore(%run_scoped3A : memref<!tpu.dma_semaphore, #tpu.memory_space<semaphore_mem>>)
      %dma_wait3A_52 = tpu.memref_slice %arg2[%add3A_4] : memref<153600xi32, #tpu.memory_space<hbm>> -> memref<80xi32, #tpu.memory_space<hbm>>
      %dma_wait3A_53 = tpu.memref_slice %arg2[%add3A_4] : memref<153600xi32, #tpu.memory_space<hbm>> -> memref<80xi32, #tpu.memory_space<hbm>>
      tpu.wait_dma2 semaphore(%run_scoped3A : memref<!tpu.dma_semaphore, #tpu.memory_space<semaphore_mem>>) src(%dma_wait3A_53 : memref<80xi32, #tpu.memory_space<hbm>>) dst(%arg10 : memref<80xi32, #tpu.memory_space<vmem>>)
      tpu.yield
    }) : () -> ()
    "tpu.region"() ({
      %run_scoped3A = tpu.sem_alloc : memref<!tpu.dma_semaphore, #tpu.memory_space<semaphore_mem>>
      %dma_start3A_50 = tpu.memref_slice %arg3[%add3A_4] : memref<153600xi32, #tpu.memory_space<hbm>> -> memref<80xi32, #tpu.memory_space<hbm>>
      %dma_start3A_51 = tpu.memref_slice %arg3[%add3A_4] : memref<153600xi32, #tpu.memory_space<hbm>> -> memref<80xi32, #tpu.memory_space<hbm>>
      tpu.enqueue_dma source(%dma_start3A_51 : memref<80xi32, #tpu.memory_space<hbm>>) target(%arg11 : memref<80xi32, #tpu.memory_space<vmem>>) target_semaphore(%run_scoped3A : memref<!tpu.dma_semaphore, #tpu.memory_space<semaphore_mem>>)
      %dma_wait3A_52 = tpu.memref_slice %arg3[%add3A_4] : memref<153600xi32, #tpu.memory_space<hbm>> -> memref<80xi32, #tpu.memory_space<hbm>>
      %dma_wait3A_53 = tpu.memref_slice %arg3[%add3A_4] : memref<153600xi32, #tpu.memory_space<hbm>> -> memref<80xi32, #tpu.memory_space<hbm>>
      tpu.wait_dma2 semaphore(%run_scoped3A : memref<!tpu.dma_semaphore, #tpu.memory_space<semaphore_mem>>) src(%dma_wait3A_53 : memref<80xi32, #tpu.memory_space<hbm>>) dst(%arg11 : memref<80xi32, #tpu.memory_space<vmem>>)
      tpu.yield
    }) : () -> ()
    "tpu.region"() ({
      %run_scoped3A = tpu.sem_alloc : memref<!tpu.dma_semaphore, #tpu.memory_space<semaphore_mem>>
      %dma_start3A_50 = tpu.memref_slice %arg4[%add3A_4] : memref<153600xi32, #tpu.memory_space<hbm>> -> memref<80xi32, #tpu.memory_space<hbm>>
      %dma_start3A_51 = tpu.memref_slice %arg4[%add3A_4] : memref<153600xi32, #tpu.memory_space<hbm>> -> memref<80xi32, #tpu.memory_space<hbm>>
      tpu.enqueue_dma source(%dma_start3A_51 : memref<80xi32, #tpu.memory_space<hbm>>) target(%arg12 : memref<80xi32, #tpu.memory_space<vmem>>) target_semaphore(%run_scoped3A : memref<!tpu.dma_semaphore, #tpu.memory_space<semaphore_mem>>)
      %dma_wait3A_52 = tpu.memref_slice %arg4[%add3A_4] : memref<153600xi32, #tpu.memory_space<hbm>> -> memref<80xi32, #tpu.memory_space<hbm>>
      %dma_wait3A_53 = tpu.memref_slice %arg4[%add3A_4] : memref<153600xi32, #tpu.memory_space<hbm>> -> memref<80xi32, #tpu.memory_space<hbm>>
      tpu.wait_dma2 semaphore(%run_scoped3A : memref<!tpu.dma_semaphore, #tpu.memory_space<semaphore_mem>>) src(%dma_wait3A_53 : memref<80xi32, #tpu.memory_space<hbm>>) dst(%arg12 : memref<80xi32, #tpu.memory_space<vmem>>)
      tpu.yield
    }) : () -> ()
    %dma_start3A = arith.constant 0 : i32
    %dma_start3A_5 = arith.constant 0 : i32
    %dma_start3A_6 = tpu.memref_slice %arg5[%dma_start3A, %dma_start3A_5] : memref<100000x128xf32, #tpu.memory_space<hbm>> -> memref<100000x128xf32, #tpu.memory_space<hbm>>
    tpu.enqueue_indirect_dma source(%dma_start3A_6 : memref<100000x128xf32, #tpu.memory_space<hbm>>) target(%arg16 : memref<80x128xf32, #tpu.memory_space<vmem>>) offsets(%arg10 : memref<80xi32, #tpu.memory_space<vmem>>) semaphore(%arg22 : memref<!tpu.dma_semaphore, #tpu.memory_space<semaphore_mem>>)
    %dma_start3A_7 = arith.constant 0 : i32
    %dma_start3A_8 = arith.constant 0 : i32
    %dma_start3A_9 = tpu.memref_slice %arg6[%dma_start3A_7, %dma_start3A_8] : memref<100000x128xf32, #tpu.memory_space<hbm>> -> memref<100000x128xf32, #tpu.memory_space<hbm>>
    tpu.enqueue_indirect_dma source(%dma_start3A_9 : memref<100000x128xf32, #tpu.memory_space<hbm>>) target(%arg17 : memref<80x128xf32, #tpu.memory_space<vmem>>) offsets(%arg11 : memref<80xi32, #tpu.memory_space<vmem>>) semaphore(%arg23 : memref<!tpu.dma_semaphore, #tpu.memory_space<semaphore_mem>>)
    %dma_start3A_10 = arith.constant 0 : i32
    %dma_start3A_11 = arith.constant 0 : i32
    %dma_start3A_12 = tpu.memref_slice %arg5[%dma_start3A_10, %dma_start3A_11] : memref<100000x128xf32, #tpu.memory_space<hbm>> -> memref<100000x128xf32, #tpu.memory_space<hbm>>
    tpu.enqueue_indirect_dma source(%dma_start3A_12 : memref<100000x128xf32, #tpu.memory_space<hbm>>) target(%arg18 : memref<80x128xf32, #tpu.memory_space<vmem>>) offsets(%arg12 : memref<80xi32, #tpu.memory_space<vmem>>) semaphore(%arg24 : memref<!tpu.dma_semaphore, #tpu.memory_space<semaphore_mem>>)
    %scan3A = arith.constant 0 : i32
    %scan3A_13 = arith.constant 0 : i32
    %scan3A_14 = arith.constant 29 : i32
    %scan3A_15 = arith.addi %scan3A_13, %scan3A_14 : i32
    %scan3A_16 = arith.constant 1 : i32
    scf.for %scan3A_50 = %scan3A_13 to %scan3A_15 step %scan3A_16  : i32 {
      %mul3A_51 = arith.constant 2 : i32
      %mul3A_52 = arith.muli %mul3A_51, %scan3A_50 : i32
      %add3A_53 = arith.constant 1 : i32
      %add3A_54 = arith.addi %mul3A_52, %add3A_53 : i32
      %mul3A_55 = arith.constant 80 : i32
      %mul3A_56 = arith.muli %add3A_54, %mul3A_55 : i32
      %add3A_57 = arith.addi %mul3A_2, %mul3A_56 : i32
      "tpu.region"() ({
        %run_scoped3A = tpu.sem_alloc : memref<!tpu.dma_semaphore, #tpu.memory_space<semaphore_mem>>
        %dma_start3A_107 = tpu.memref_slice %arg2[%add3A_57] : memref<153600xi32, #tpu.memory_space<hbm>> -> memref<80xi32, #tpu.memory_space<hbm>>
        %dma_start3A_108 = tpu.memref_slice %arg2[%add3A_57] : memref<153600xi32, #tpu.memory_space<hbm>> -> memref<80xi32, #tpu.memory_space<hbm>>
        tpu.enqueue_dma source(%dma_start3A_108 : memref<80xi32, #tpu.memory_space<hbm>>) target(%arg13 : memref<80xi32, #tpu.memory_space<vmem>>) target_semaphore(%run_scoped3A : memref<!tpu.dma_semaphore, #tpu.memory_space<semaphore_mem>>)
        %dma_wait3A_109 = tpu.memref_slice %arg2[%add3A_57] : memref<153600xi32, #tpu.memory_space<hbm>> -> memref<80xi32, #tpu.memory_space<hbm>>
        %dma_wait3A_110 = tpu.memref_slice %arg2[%add3A_57] : memref<153600xi32, #tpu.memory_space<hbm>> -> memref<80xi32, #tpu.memory_space<hbm>>
        tpu.wait_dma2 semaphore(%run_scoped3A : memref<!tpu.dma_semaphore, #tpu.memory_space<semaphore_mem>>) src(%dma_wait3A_110 : memref<80xi32, #tpu.memory_space<hbm>>) dst(%arg13 : memref<80xi32, #tpu.memory_space<vmem>>)
        tpu.yield
      }) : () -> ()
      "tpu.region"() ({
        %run_scoped3A = tpu.sem_alloc : memref<!tpu.dma_semaphore, #tpu.memory_space<semaphore_mem>>
        %dma_start3A_107 = tpu.memref_slice %arg3[%add3A_57] : memref<153600xi32, #tpu.memory_space<hbm>> -> memref<80xi32, #tpu.memory_space<hbm>>
        %dma_start3A_108 = tpu.memref_slice %arg3[%add3A_57] : memref<153600xi32, #tpu.memory_space<hbm>> -> memref<80xi32, #tpu.memory_space<hbm>>
        tpu.enqueue_dma source(%dma_start3A_108 : memref<80xi32, #tpu.memory_space<hbm>>) target(%arg14 : memref<80xi32, #tpu.memory_space<vmem>>) target_semaphore(%run_scoped3A : memref<!tpu.dma_semaphore, #tpu.memory_space<semaphore_mem>>)
        %dma_wait3A_109 = tpu.memref_slice %arg3[%add3A_57] : memref<153600xi32, #tpu.memory_space<hbm>> -> memref<80xi32, #tpu.memory_space<hbm>>
        %dma_wait3A_110 = tpu.memref_slice %arg3[%add3A_57] : memref<153600xi32, #tpu.memory_space<hbm>> -> memref<80xi32, #tpu.memory_space<hbm>>
        tpu.wait_dma2 semaphore(%run_scoped3A : memref<!tpu.dma_semaphore, #tpu.memory_space<semaphore_mem>>) src(%dma_wait3A_110 : memref<80xi32, #tpu.memory_space<hbm>>) dst(%arg14 : memref<80xi32, #tpu.memory_space<vmem>>)
        tpu.yield
      }) : () -> ()
      "tpu.region"() ({
        %run_scoped3A = tpu.sem_alloc : memref<!tpu.dma_semaphore, #tpu.memory_space<semaphore_mem>>
        %dma_start3A_107 = tpu.memref_slice %arg4[%add3A_57] : memref<153600xi32, #tpu.memory_space<hbm>> -> memref<80xi32, #tpu.memory_space<hbm>>
        %dma_start3A_108 = tpu.memref_slice %arg4[%add3A_57] : memref<153600xi32, #tpu.memory_space<hbm>> -> memref<80xi32, #tpu.memory_space<hbm>>
        tpu.enqueue_dma source(%dma_start3A_108 : memref<80xi32, #tpu.memory_space<hbm>>) target(%arg15 : memref<80xi32, #tpu.memory_space<vmem>>) target_semaphore(%run_scoped3A : memref<!tpu.dma_semaphore, #tpu.memory_space<semaphore_mem>>)
        %dma_wait3A_109 = tpu.memref_slice %arg4[%add3A_57] : memref<153600xi32, #tpu.memory_space<hbm>> -> memref<80xi32, #tpu.memory_space<hbm>>
        %dma_wait3A_110 = tpu.memref_slice %arg4[%add3A_57] : memref<153600xi32, #tpu.memory_space<hbm>> -> memref<80xi32, #tpu.memory_space<hbm>>
        tpu.wait_dma2 semaphore(%run_scoped3A : memref<!tpu.dma_semaphore, #tpu.memory_space<semaphore_mem>>) src(%dma_wait3A_110 : memref<80xi32, #tpu.memory_space<hbm>>) dst(%arg15 : memref<80xi32, #tpu.memory_space<vmem>>)
        tpu.yield
      }) : () -> ()
      %dma_start3A_58 = arith.constant 0 : i32
      %dma_start3A_59 = arith.constant 0 : i32
      %dma_start3A_60 = tpu.memref_slice %arg5[%dma_start3A_58, %dma_start3A_59] : memref<100000x128xf32, #tpu.memory_space<hbm>> -> memref<100000x128xf32, #tpu.memory_space<hbm>>
      tpu.enqueue_indirect_dma source(%dma_start3A_60 : memref<100000x128xf32, #tpu.memory_space<hbm>>) target(%arg19 : memref<80x128xf32, #tpu.memory_space<vmem>>) offsets(%arg13 : memref<80xi32, #tpu.memory_space<vmem>>) semaphore(%arg25 : memref<!tpu.dma_semaphore, #tpu.memory_space<semaphore_mem>>)
      %dma_start3A_61 = arith.constant 0 : i32
      %dma_start3A_62 = arith.constant 0 : i32
      %dma_start3A_63 = tpu.memref_slice %arg6[%dma_start3A_61, %dma_start3A_62] : memref<100000x128xf32, #tpu.memory_space<hbm>> -> memref<100000x128xf32, #tpu.memory_space<hbm>>
      tpu.enqueue_indirect_dma source(%dma_start3A_63 : memref<100000x128xf32, #tpu.memory_space<hbm>>) target(%arg20 : memref<80x128xf32, #tpu.memory_space<vmem>>) offsets(%arg14 : memref<80xi32, #tpu.memory_space<vmem>>) semaphore(%arg26 : memref<!tpu.dma_semaphore, #tpu.memory_space<semaphore_mem>>)
      %dma_start3A_64 = arith.constant 0 : i32
      %dma_start3A_65 = arith.constant 0 : i32
      %dma_start3A_66 = tpu.memref_slice %arg5[%dma_start3A_64, %dma_start3A_65] : memref<100000x128xf32, #tpu.memory_space<hbm>> -> memref<100000x128xf32, #tpu.memory_space<hbm>>
      tpu.enqueue_indirect_dma source(%dma_start3A_66 : memref<100000x128xf32, #tpu.memory_space<hbm>>) target(%arg21 : memref<80x128xf32, #tpu.memory_space<vmem>>) offsets(%arg15 : memref<80xi32, #tpu.memory_space<vmem>>) semaphore(%arg27 : memref<!tpu.dma_semaphore, #tpu.memory_space<semaphore_mem>>)
      %dma_wait3A_67 = arith.constant 0 : i32
      %dma_wait3A_68 = arith.constant 0 : i32
      %dma_wait3A_69 = tpu.memref_slice %arg5[%dma_wait3A_67, %dma_wait3A_68] : memref<100000x128xf32, #tpu.memory_space<hbm>> -> memref<100000x128xf32, #tpu.memory_space<hbm>>
      tpu.wait_indirect_dma semaphore(%arg22 : memref<!tpu.dma_semaphore, #tpu.memory_space<semaphore_mem>>) src(%dma_wait3A_69 : memref<100000x128xf32, #tpu.memory_space<hbm>>) dst(%arg16 : memref<80x128xf32, #tpu.memory_space<vmem>>)
      %dma_wait3A_70 = arith.constant 0 : i32
      %dma_wait3A_71 = arith.constant 0 : i32
      %dma_wait3A_72 = tpu.memref_slice %arg6[%dma_wait3A_70, %dma_wait3A_71] : memref<100000x128xf32, #tpu.memory_space<hbm>> -> memref<100000x128xf32, #tpu.memory_space<hbm>>
      tpu.wait_indirect_dma semaphore(%arg23 : memref<!tpu.dma_semaphore, #tpu.memory_space<semaphore_mem>>) src(%dma_wait3A_72 : memref<100000x128xf32, #tpu.memory_space<hbm>>) dst(%arg17 : memref<80x128xf32, #tpu.memory_space<vmem>>)
      %dma_wait3A_73 = arith.constant 0 : i32
      %dma_wait3A_74 = arith.constant 0 : i32
      %dma_wait3A_75 = tpu.memref_slice %arg5[%dma_wait3A_73, %dma_wait3A_74] : memref<100000x128xf32, #tpu.memory_space<hbm>> -> memref<100000x128xf32, #tpu.memory_space<hbm>>
      tpu.wait_indirect_dma semaphore(%arg24 : memref<!tpu.dma_semaphore, #tpu.memory_space<semaphore_mem>>) src(%dma_wait3A_75 : memref<100000x128xf32, #tpu.memory_space<hbm>>) dst(%arg18 : memref<80x128xf32, #tpu.memory_space<vmem>>)
      %mul3A_76 = arith.constant 80 : i32
      %mul3A_77 = arith.muli %mul3A_52, %mul3A_76 : i32
      %add3A_78 = arith.addi %mul3A_2, %mul3A_77 : i32
      "tpu.region"() ({
        %run_scoped3A = tpu.sem_alloc : memref<!tpu.dma_semaphore, #tpu.memory_space<semaphore_mem>>
        %dma_start3A_107 = arith.constant 0 : i32
        %dma_start3A_108 = tpu.memref_slice %arg7[%add3A_78, %dma_start3A_107] : memref<153600x128xf32, #tpu.memory_space<hbm>> -> memref<80x128xf32, #tpu.memory_space<hbm>>
        %dma_start3A_109 = arith.constant 0 : i32
        %dma_start3A_110 = tpu.memref_slice %arg7[%add3A_78, %dma_start3A_109] : memref<153600x128xf32, #tpu.memory_space<hbm>> -> memref<80x128xf32, #tpu.memory_space<hbm>>
        tpu.enqueue_dma source(%arg16 : memref<80x128xf32, #tpu.memory_space<vmem>>) target(%dma_start3A_110 : memref<80x128xf32, #tpu.memory_space<hbm>>) target_semaphore(%run_scoped3A : memref<!tpu.dma_semaphore, #tpu.memory_space<semaphore_mem>>)
        %dma_wait3A_111 = arith.constant 0 : i32
        %dma_wait3A_112 = tpu.memref_slice %arg7[%add3A_78, %dma_wait3A_111] : memref<153600x128xf32, #tpu.memory_space<hbm>> -> memref<80x128xf32, #tpu.memory_space<hbm>>
        %dma_wait3A_113 = arith.constant 0 : i32
        %dma_wait3A_114 = tpu.memref_slice %arg7[%add3A_78, %dma_wait3A_113] : memref<153600x128xf32, #tpu.memory_space<hbm>> -> memref<80x128xf32, #tpu.memory_space<hbm>>
        tpu.wait_dma2 semaphore(%run_scoped3A : memref<!tpu.dma_semaphore, #tpu.memory_space<semaphore_mem>>) src(%arg16 : memref<80x128xf32, #tpu.memory_space<vmem>>) dst(%dma_wait3A_114 : memref<80x128xf32, #tpu.memory_space<hbm>>)
        tpu.yield
      }) : () -> ()
      "tpu.region"() ({
        %run_scoped3A = tpu.sem_alloc : memref<!tpu.dma_semaphore, #tpu.memory_space<semaphore_mem>>
        %dma_start3A_107 = arith.constant 0 : i32
        %dma_start3A_108 = tpu.memref_slice %arg8[%add3A_78, %dma_start3A_107] : memref<153600x128xf32, #tpu.memory_space<hbm>> -> memref<80x128xf32, #tpu.memory_space<hbm>>
        %dma_start3A_109 = arith.constant 0 : i32
        %dma_start3A_110 = tpu.memref_slice %arg8[%add3A_78, %dma_start3A_109] : memref<153600x128xf32, #tpu.memory_space<hbm>> -> memref<80x128xf32, #tpu.memory_space<hbm>>
        tpu.enqueue_dma source(%arg17 : memref<80x128xf32, #tpu.memory_space<vmem>>) target(%dma_start3A_110 : memref<80x128xf32, #tpu.memory_space<hbm>>) target_semaphore(%run_scoped3A : memref<!tpu.dma_semaphore, #tpu.memory_space<semaphore_mem>>)
        %dma_wait3A_111 = arith.constant 0 : i32
        %dma_wait3A_112 = tpu.memref_slice %arg8[%add3A_78, %dma_wait3A_111] : memref<153600x128xf32, #tpu.memory_space<hbm>> -> memref<80x128xf32, #tpu.memory_space<hbm>>
        %dma_wait3A_113 = arith.constant 0 : i32
        %dma_wait3A_114 = tpu.memref_slice %arg8[%add3A_78, %dma_wait3A_113] : memref<153600x128xf32, #tpu.memory_space<hbm>> -> memref<80x128xf32, #tpu.memory_space<hbm>>
        tpu.wait_dma2 semaphore(%run_scoped3A : memref<!tpu.dma_semaphore, #tpu.memory_space<semaphore_mem>>) src(%arg17 : memref<80x128xf32, #tpu.memory_space<vmem>>) dst(%dma_wait3A_114 : memref<80x128xf32, #tpu.memory_space<hbm>>)
        tpu.yield
      }) : () -> ()
      "tpu.region"() ({
        %run_scoped3A = tpu.sem_alloc : memref<!tpu.dma_semaphore, #tpu.memory_space<semaphore_mem>>
        %dma_start3A_107 = arith.constant 0 : i32
        %dma_start3A_108 = tpu.memref_slice %arg9[%add3A_78, %dma_start3A_107] : memref<153600x128xf32, #tpu.memory_space<hbm>> -> memref<80x128xf32, #tpu.memory_space<hbm>>
        %dma_start3A_109 = arith.constant 0 : i32
        %dma_start3A_110 = tpu.memref_slice %arg9[%add3A_78, %dma_start3A_109] : memref<153600x128xf32, #tpu.memory_space<hbm>> -> memref<80x128xf32, #tpu.memory_space<hbm>>
        tpu.enqueue_dma source(%arg18 : memref<80x128xf32, #tpu.memory_space<vmem>>) target(%dma_start3A_110 : memref<80x128xf32, #tpu.memory_space<hbm>>) target_semaphore(%run_scoped3A : memref<!tpu.dma_semaphore, #tpu.memory_space<semaphore_mem>>)
        %dma_wait3A_111 = arith.constant 0 : i32
        %dma_wait3A_112 = tpu.memref_slice %arg9[%add3A_78, %dma_wait3A_111] : memref<153600x128xf32, #tpu.memory_space<hbm>> -> memref<80x128xf32, #tpu.memory_space<hbm>>
        %dma_wait3A_113 = arith.constant 0 : i32
        %dma_wait3A_114 = tpu.memref_slice %arg9[%add3A_78, %dma_wait3A_113] : memref<153600x128xf32, #tpu.memory_space<hbm>> -> memref<80x128xf32, #tpu.memory_space<hbm>>
        tpu.wait_dma2 semaphore(%run_scoped3A : memref<!tpu.dma_semaphore, #tpu.memory_space<semaphore_mem>>) src(%arg18 : memref<80x128xf32, #tpu.memory_space<vmem>>) dst(%dma_wait3A_114 : memref<80x128xf32, #tpu.memory_space<hbm>>)
        tpu.yield
      }) : () -> ()
      %add3A_79 = arith.constant 2 : i32
      %add3A_80 = arith.addi %mul3A_52, %add3A_79 : i32
      %mul3A_81 = arith.constant 80 : i32
      %mul3A_82 = arith.muli %add3A_80, %mul3A_81 : i32
      %add3A_83 = arith.addi %mul3A_2, %mul3A_82 : i32
      "tpu.region"() ({
        %run_scoped3A = tpu.sem_alloc : memref<!tpu.dma_semaphore, #tpu.memory_space<semaphore_mem>>
        %dma_start3A_107 = tpu.memref_slice %arg2[%add3A_83] : memref<153600xi32, #tpu.memory_space<hbm>> -> memref<80xi32, #tpu.memory_space<hbm>>
        %dma_start3A_108 = tpu.memref_slice %arg2[%add3A_83] : memref<153600xi32, #tpu.memory_space<hbm>> -> memref<80xi32, #tpu.memory_space<hbm>>
        tpu.enqueue_dma source(%dma_start3A_108 : memref<80xi32, #tpu.memory_space<hbm>>) target(%arg10 : memref<80xi32, #tpu.memory_space<vmem>>) target_semaphore(%run_scoped3A : memref<!tpu.dma_semaphore, #tpu.memory_space<semaphore_mem>>)
        %dma_wait3A_109 = tpu.memref_slice %arg2[%add3A_83] : memref<153600xi32, #tpu.memory_space<hbm>> -> memref<80xi32, #tpu.memory_space<hbm>>
        %dma_wait3A_110 = tpu.memref_slice %arg2[%add3A_83] : memref<153600xi32, #tpu.memory_space<hbm>> -> memref<80xi32, #tpu.memory_space<hbm>>
        tpu.wait_dma2 semaphore(%run_scoped3A : memref<!tpu.dma_semaphore, #tpu.memory_space<semaphore_mem>>) src(%dma_wait3A_110 : memref<80xi32, #tpu.memory_space<hbm>>) dst(%arg10 : memref<80xi32, #tpu.memory_space<vmem>>)
        tpu.yield
      }) : () -> ()
      "tpu.region"() ({
        %run_scoped3A = tpu.sem_alloc : memref<!tpu.dma_semaphore, #tpu.memory_space<semaphore_mem>>
        %dma_start3A_107 = tpu.memref_slice %arg3[%add3A_83] : memref<153600xi32, #tpu.memory_space<hbm>> -> memref<80xi32, #tpu.memory_space<hbm>>
        %dma_start3A_108 = tpu.memref_slice %arg3[%add3A_83] : memref<153600xi32, #tpu.memory_space<hbm>> -> memref<80xi32, #tpu.memory_space<hbm>>
        tpu.enqueue_dma source(%dma_start3A_108 : memref<80xi32, #tpu.memory_space<hbm>>) target(%arg11 : memref<80xi32, #tpu.memory_space<vmem>>) target_semaphore(%run_scoped3A : memref<!tpu.dma_semaphore, #tpu.memory_space<semaphore_mem>>)
        %dma_wait3A_109 = tpu.memref_slice %arg3[%add3A_83] : memref<153600xi32, #tpu.memory_space<hbm>> -> memref<80xi32, #tpu.memory_space<hbm>>
        %dma_wait3A_110 = tpu.memref_slice %arg3[%add3A_83] : memref<153600xi32, #tpu.memory_space<hbm>> -> memref<80xi32, #tpu.memory_space<hbm>>
        tpu.wait_dma2 semaphore(%run_scoped3A : memref<!tpu.dma_semaphore, #tpu.memory_space<semaphore_mem>>) src(%dma_wait3A_110 : memref<80xi32, #tpu.memory_space<hbm>>) dst(%arg11 : memref<80xi32, #tpu.memory_space<vmem>>)
        tpu.yield
      }) : () -> ()
      "tpu.region"() ({
        %run_scoped3A = tpu.sem_alloc : memref<!tpu.dma_semaphore, #tpu.memory_space<semaphore_mem>>
        %dma_start3A_107 = tpu.memref_slice %arg4[%add3A_83] : memref<153600xi32, #tpu.memory_space<hbm>> -> memref<80xi32, #tpu.memory_space<hbm>>
        %dma_start3A_108 = tpu.memref_slice %arg4[%add3A_83] : memref<153600xi32, #tpu.memory_space<hbm>> -> memref<80xi32, #tpu.memory_space<hbm>>
        tpu.enqueue_dma source(%dma_start3A_108 : memref<80xi32, #tpu.memory_space<hbm>>) target(%arg12 : memref<80xi32, #tpu.memory_space<vmem>>) target_semaphore(%run_scoped3A : memref<!tpu.dma_semaphore, #tpu.memory_space<semaphore_mem>>)
        %dma_wait3A_109 = tpu.memref_slice %arg4[%add3A_83] : memref<153600xi32, #tpu.memory_space<hbm>> -> memref<80xi32, #tpu.memory_space<hbm>>
        %dma_wait3A_110 = tpu.memref_slice %arg4[%add3A_83] : memref<153600xi32, #tpu.memory_space<hbm>> -> memref<80xi32, #tpu.memory_space<hbm>>
        tpu.wait_dma2 semaphore(%run_scoped3A : memref<!tpu.dma_semaphore, #tpu.memory_space<semaphore_mem>>) src(%dma_wait3A_110 : memref<80xi32, #tpu.memory_space<hbm>>) dst(%arg12 : memref<80xi32, #tpu.memory_space<vmem>>)
        tpu.yield
      }) : () -> ()
      %dma_start3A_84 = arith.constant 0 : i32
      %dma_start3A_85 = arith.constant 0 : i32
      %dma_start3A_86 = tpu.memref_slice %arg5[%dma_start3A_84, %dma_start3A_85] : memref<100000x128xf32, #tpu.memory_space<hbm>> -> memref<100000x128xf32, #tpu.memory_space<hbm>>
      tpu.enqueue_indirect_dma source(%dma_start3A_86 : memref<100000x128xf32, #tpu.memory_space<hbm>>) target(%arg16 : memref<80x128xf32, #tpu.memory_space<vmem>>) offsets(%arg10 : memref<80xi32, #tpu.memory_space<vmem>>) semaphore(%arg22 : memref<!tpu.dma_semaphore, #tpu.memory_space<semaphore_mem>>)
      %dma_start3A_87 = arith.constant 0 : i32
      %dma_start3A_88 = arith.constant 0 : i32
      %dma_start3A_89 = tpu.memref_slice %arg6[%dma_start3A_87, %dma_start3A_88] : memref<100000x128xf32, #tpu.memory_space<hbm>> -> memref<100000x128xf32, #tpu.memory_space<hbm>>
      tpu.enqueue_indirect_dma source(%dma_start3A_89 : memref<100000x128xf32, #tpu.memory_space<hbm>>) target(%arg17 : memref<80x128xf32, #tpu.memory_space<vmem>>) offsets(%arg11 : memref<80xi32, #tpu.memory_space<vmem>>) semaphore(%arg23 : memref<!tpu.dma_semaphore, #tpu.memory_space<semaphore_mem>>)
      %dma_start3A_90 = arith.constant 0 : i32
      %dma_start3A_91 = arith.constant 0 : i32
      %dma_start3A_92 = tpu.memref_slice %arg5[%dma_start3A_90, %dma_start3A_91] : memref<100000x128xf32, #tpu.memory_space<hbm>> -> memref<100000x128xf32, #tpu.memory_space<hbm>>
      tpu.enqueue_indirect_dma source(%dma_start3A_92 : memref<100000x128xf32, #tpu.memory_space<hbm>>) target(%arg18 : memref<80x128xf32, #tpu.memory_space<vmem>>) offsets(%arg12 : memref<80xi32, #tpu.memory_space<vmem>>) semaphore(%arg24 : memref<!tpu.dma_semaphore, #tpu.memory_space<semaphore_mem>>)
      %dma_wait3A_93 = arith.constant 0 : i32
      %dma_wait3A_94 = arith.constant 0 : i32
      %dma_wait3A_95 = tpu.memref_slice %arg5[%dma_wait3A_93, %dma_wait3A_94] : memref<100000x128xf32, #tpu.memory_space<hbm>> -> memref<100000x128xf32, #tpu.memory_space<hbm>>
      tpu.wait_indirect_dma semaphore(%arg25 : memref<!tpu.dma_semaphore, #tpu.memory_space<semaphore_mem>>) src(%dma_wait3A_95 : memref<100000x128xf32, #tpu.memory_space<hbm>>) dst(%arg19 : memref<80x128xf32, #tpu.memory_space<vmem>>)
      %dma_wait3A_96 = arith.constant 0 : i32
      %dma_wait3A_97 = arith.constant 0 : i32
      %dma_wait3A_98 = tpu.memref_slice %arg6[%dma_wait3A_96, %dma_wait3A_97] : memref<100000x128xf32, #tpu.memory_space<hbm>> -> memref<100000x128xf32, #tpu.memory_space<hbm>>
      tpu.wait_indirect_dma semaphore(%arg26 : memref<!tpu.dma_semaphore, #tpu.memory_space<semaphore_mem>>) src(%dma_wait3A_98 : memref<100000x128xf32, #tpu.memory_space<hbm>>) dst(%arg20 : memref<80x128xf32, #tpu.memory_space<vmem>>)
      %dma_wait3A_99 = arith.constant 0 : i32
      %dma_wait3A_100 = arith.constant 0 : i32
      %dma_wait3A_101 = tpu.memref_slice %arg5[%dma_wait3A_99, %dma_wait3A_100] : memref<100000x128xf32, #tpu.memory_space<hbm>> -> memref<100000x128xf32, #tpu.memory_space<hbm>>
      tpu.wait_indirect_dma semaphore(%arg27 : memref<!tpu.dma_semaphore, #tpu.memory_space<semaphore_mem>>) src(%dma_wait3A_101 : memref<100000x128xf32, #tpu.memory_space<hbm>>) dst(%arg21 : memref<80x128xf32, #tpu.memory_space<vmem>>)
      %add3A_102 = arith.constant 1 : i32
      %add3A_103 = arith.addi %mul3A_52, %add3A_102 : i32
      %mul3A_104 = arith.constant 80 : i32
      %mul3A_105 = arith.muli %add3A_103, %mul3A_104 : i32
      %add3A_106 = arith.addi %mul3A_2, %mul3A_105 : i32
      "tpu.region"() ({
        %run_scoped3A = tpu.sem_alloc : memref<!tpu.dma_semaphore, #tpu.memory_space<semaphore_mem>>
        %dma_start3A_107 = arith.constant 0 : i32
        %dma_start3A_108 = tpu.memref_slice %arg7[%add3A_106, %dma_start3A_107] : memref<153600x128xf32, #tpu.memory_space<hbm>> -> memref<80x128xf32, #tpu.memory_space<hbm>>
        %dma_start3A_109 = arith.constant 0 : i32
        %dma_start3A_110 = tpu.memref_slice %arg7[%add3A_106, %dma_start3A_109] : memref<153600x128xf32, #tpu.memory_space<hbm>> -> memref<80x128xf32, #tpu.memory_space<hbm>>
        tpu.enqueue_dma source(%arg19 : memref<80x128xf32, #tpu.memory_space<vmem>>) target(%dma_start3A_110 : memref<80x128xf32, #tpu.memory_space<hbm>>) target_semaphore(%run_scoped3A : memref<!tpu.dma_semaphore, #tpu.memory_space<semaphore_mem>>)
        %dma_wait3A_111 = arith.constant 0 : i32
        %dma_wait3A_112 = tpu.memref_slice %arg7[%add3A_106, %dma_wait3A_111] : memref<153600x128xf32, #tpu.memory_space<hbm>> -> memref<80x128xf32, #tpu.memory_space<hbm>>
        %dma_wait3A_113 = arith.constant 0 : i32
        %dma_wait3A_114 = tpu.memref_slice %arg7[%add3A_106, %dma_wait3A_113] : memref<153600x128xf32, #tpu.memory_space<hbm>> -> memref<80x128xf32, #tpu.memory_space<hbm>>
        tpu.wait_dma2 semaphore(%run_scoped3A : memref<!tpu.dma_semaphore, #tpu.memory_space<semaphore_mem>>) src(%arg19 : memref<80x128xf32, #tpu.memory_space<vmem>>) dst(%dma_wait3A_114 : memref<80x128xf32, #tpu.memory_space<hbm>>)
        tpu.yield
      }) : () -> ()
      "tpu.region"() ({
        %run_scoped3A = tpu.sem_alloc : memref<!tpu.dma_semaphore, #tpu.memory_space<semaphore_mem>>
        %dma_start3A_107 = arith.constant 0 : i32
        %dma_start3A_108 = tpu.memref_slice %arg8[%add3A_106, %dma_start3A_107] : memref<153600x128xf32, #tpu.memory_space<hbm>> -> memref<80x128xf32, #tpu.memory_space<hbm>>
        %dma_start3A_109 = arith.constant 0 : i32
        %dma_start3A_110 = tpu.memref_slice %arg8[%add3A_106, %dma_start3A_109] : memref<153600x128xf32, #tpu.memory_space<hbm>> -> memref<80x128xf32, #tpu.memory_space<hbm>>
        tpu.enqueue_dma source(%arg20 : memref<80x128xf32, #tpu.memory_space<vmem>>) target(%dma_start3A_110 : memref<80x128xf32, #tpu.memory_space<hbm>>) target_semaphore(%run_scoped3A : memref<!tpu.dma_semaphore, #tpu.memory_space<semaphore_mem>>)
        %dma_wait3A_111 = arith.constant 0 : i32
        %dma_wait3A_112 = tpu.memref_slice %arg8[%add3A_106, %dma_wait3A_111] : memref<153600x128xf32, #tpu.memory_space<hbm>> -> memref<80x128xf32, #tpu.memory_space<hbm>>
        %dma_wait3A_113 = arith.constant 0 : i32
        %dma_wait3A_114 = tpu.memref_slice %arg8[%add3A_106, %dma_wait3A_113] : memref<153600x128xf32, #tpu.memory_space<hbm>> -> memref<80x128xf32, #tpu.memory_space<hbm>>
        tpu.wait_dma2 semaphore(%run_scoped3A : memref<!tpu.dma_semaphore, #tpu.memory_space<semaphore_mem>>) src(%arg20 : memref<80x128xf32, #tpu.memory_space<vmem>>) dst(%dma_wait3A_114 : memref<80x128xf32, #tpu.memory_space<hbm>>)
        tpu.yield
      }) : () -> ()
      "tpu.region"() ({
        %run_scoped3A = tpu.sem_alloc : memref<!tpu.dma_semaphore, #tpu.memory_space<semaphore_mem>>
        %dma_start3A_107 = arith.constant 0 : i32
        %dma_start3A_108 = tpu.memref_slice %arg9[%add3A_106, %dma_start3A_107] : memref<153600x128xf32, #tpu.memory_space<hbm>> -> memref<80x128xf32, #tpu.memory_space<hbm>>
        %dma_start3A_109 = arith.constant 0 : i32
        %dma_start3A_110 = tpu.memref_slice %arg9[%add3A_106, %dma_start3A_109] : memref<153600x128xf32, #tpu.memory_space<hbm>> -> memref<80x128xf32, #tpu.memory_space<hbm>>
        tpu.enqueue_dma source(%arg21 : memref<80x128xf32, #tpu.memory_space<vmem>>) target(%dma_start3A_110 : memref<80x128xf32, #tpu.memory_space<hbm>>) target_semaphore(%run_scoped3A : memref<!tpu.dma_semaphore, #tpu.memory_space<semaphore_mem>>)
        %dma_wait3A_111 = arith.constant 0 : i32
        %dma_wait3A_112 = tpu.memref_slice %arg9[%add3A_106, %dma_wait3A_111] : memref<153600x128xf32, #tpu.memory_space<hbm>> -> memref<80x128xf32, #tpu.memory_space<hbm>>
        %dma_wait3A_113 = arith.constant 0 : i32
        %dma_wait3A_114 = tpu.memref_slice %arg9[%add3A_106, %dma_wait3A_113] : memref<153600x128xf32, #tpu.memory_space<hbm>> -> memref<80x128xf32, #tpu.memory_space<hbm>>
        tpu.wait_dma2 semaphore(%run_scoped3A : memref<!tpu.dma_semaphore, #tpu.memory_space<semaphore_mem>>) src(%arg21 : memref<80x128xf32, #tpu.memory_space<vmem>>) dst(%dma_wait3A_114 : memref<80x128xf32, #tpu.memory_space<hbm>>)
        tpu.yield
      }) : () -> ()
    }
    %scan3A_17 = arith.constant 29 : i32
    %add3A_18 = arith.constant 4720 : i32
    %add3A_19 = arith.addi %mul3A_2, %add3A_18 : i32
    "tpu.region"() ({
      %run_scoped3A = tpu.sem_alloc : memref<!tpu.dma_semaphore, #tpu.memory_space<semaphore_mem>>
      %dma_start3A_50 = tpu.memref_slice %arg2[%add3A_19] : memref<153600xi32, #tpu.memory_space<hbm>> -> memref<80xi32, #tpu.memory_space<hbm>>
      %dma_start3A_51 = tpu.memref_slice %arg2[%add3A_19] : memref<153600xi32, #tpu.memory_space<hbm>> -> memref<80xi32, #tpu.memory_space<hbm>>
      tpu.enqueue_dma source(%dma_start3A_51 : memref<80xi32, #tpu.memory_space<hbm>>) target(%arg13 : memref<80xi32, #tpu.memory_space<vmem>>) target_semaphore(%run_scoped3A : memref<!tpu.dma_semaphore, #tpu.memory_space<semaphore_mem>>)
      %dma_wait3A_52 = tpu.memref_slice %arg2[%add3A_19] : memref<153600xi32, #tpu.memory_space<hbm>> -> memref<80xi32, #tpu.memory_space<hbm>>
      %dma_wait3A_53 = tpu.memref_slice %arg2[%add3A_19] : memref<153600xi32, #tpu.memory_space<hbm>> -> memref<80xi32, #tpu.memory_space<hbm>>
      tpu.wait_dma2 semaphore(%run_scoped3A : memref<!tpu.dma_semaphore, #tpu.memory_space<semaphore_mem>>) src(%dma_wait3A_53 : memref<80xi32, #tpu.memory_space<hbm>>) dst(%arg13 : memref<80xi32, #tpu.memory_space<vmem>>)
      tpu.yield
    }) : () -> ()
    "tpu.region"() ({
      %run_scoped3A = tpu.sem_alloc : memref<!tpu.dma_semaphore, #tpu.memory_space<semaphore_mem>>
      %dma_start3A_50 = tpu.memref_slice %arg3[%add3A_19] : memref<153600xi32, #tpu.memory_space<hbm>> -> memref<80xi32, #tpu.memory_space<hbm>>
      %dma_start3A_51 = tpu.memref_slice %arg3[%add3A_19] : memref<153600xi32, #tpu.memory_space<hbm>> -> memref<80xi32, #tpu.memory_space<hbm>>
      tpu.enqueue_dma source(%dma_start3A_51 : memref<80xi32, #tpu.memory_space<hbm>>) target(%arg14 : memref<80xi32, #tpu.memory_space<vmem>>) target_semaphore(%run_scoped3A : memref<!tpu.dma_semaphore, #tpu.memory_space<semaphore_mem>>)
      %dma_wait3A_52 = tpu.memref_slice %arg3[%add3A_19] : memref<153600xi32, #tpu.memory_space<hbm>> -> memref<80xi32, #tpu.memory_space<hbm>>
      %dma_wait3A_53 = tpu.memref_slice %arg3[%add3A_19] : memref<153600xi32, #tpu.memory_space<hbm>> -> memref<80xi32, #tpu.memory_space<hbm>>
      tpu.wait_dma2 semaphore(%run_scoped3A : memref<!tpu.dma_semaphore, #tpu.memory_space<semaphore_mem>>) src(%dma_wait3A_53 : memref<80xi32, #tpu.memory_space<hbm>>) dst(%arg14 : memref<80xi32, #tpu.memory_space<vmem>>)
      tpu.yield
    }) : () -> ()
    "tpu.region"() ({
      %run_scoped3A = tpu.sem_alloc : memref<!tpu.dma_semaphore, #tpu.memory_space<semaphore_mem>>
      %dma_start3A_50 = tpu.memref_slice %arg4[%add3A_19] : memref<153600xi32, #tpu.memory_space<hbm>> -> memref<80xi32, #tpu.memory_space<hbm>>
      %dma_start3A_51 = tpu.memref_slice %arg4[%add3A_19] : memref<153600xi32, #tpu.memory_space<hbm>> -> memref<80xi32, #tpu.memory_space<hbm>>
      tpu.enqueue_dma source(%dma_start3A_51 : memref<80xi32, #tpu.memory_space<hbm>>) target(%arg15 : memref<80xi32, #tpu.memory_space<vmem>>) target_semaphore(%run_scoped3A : memref<!tpu.dma_semaphore, #tpu.memory_space<semaphore_mem>>)
      %dma_wait3A_52 = tpu.memref_slice %arg4[%add3A_19] : memref<153600xi32, #tpu.memory_space<hbm>> -> memref<80xi32, #tpu.memory_space<hbm>>
      %dma_wait3A_53 = tpu.memref_slice %arg4[%add3A_19] : memref<153600xi32, #tpu.memory_space<hbm>> -> memref<80xi32, #tpu.memory_space<hbm>>
      tpu.wait_dma2 semaphore(%run_scoped3A : memref<!tpu.dma_semaphore, #tpu.memory_space<semaphore_mem>>) src(%dma_wait3A_53 : memref<80xi32, #tpu.memory_space<hbm>>) dst(%arg15 : memref<80xi32, #tpu.memory_space<vmem>>)
      tpu.yield
    }) : () -> ()
    %dma_start3A_20 = arith.constant 0 : i32
    %dma_start3A_21 = arith.constant 0 : i32
    %dma_start3A_22 = tpu.memref_slice %arg5[%dma_start3A_20, %dma_start3A_21] : memref<100000x128xf32, #tpu.memory_space<hbm>> -> memref<100000x128xf32, #tpu.memory_space<hbm>>
    tpu.enqueue_indirect_dma source(%dma_start3A_22 : memref<100000x128xf32, #tpu.memory_space<hbm>>) target(%arg19 : memref<80x128xf32, #tpu.memory_space<vmem>>) offsets(%arg13 : memref<80xi32, #tpu.memory_space<vmem>>) semaphore(%arg25 : memref<!tpu.dma_semaphore, #tpu.memory_space<semaphore_mem>>)
    %dma_start3A_23 = arith.constant 0 : i32
    %dma_start3A_24 = arith.constant 0 : i32
    %dma_start3A_25 = tpu.memref_slice %arg6[%dma_start3A_23, %dma_start3A_24] : memref<100000x128xf32, #tpu.memory_space<hbm>> -> memref<100000x128xf32, #tpu.memory_space<hbm>>
    tpu.enqueue_indirect_dma source(%dma_start3A_25 : memref<100000x128xf32, #tpu.memory_space<hbm>>) target(%arg20 : memref<80x128xf32, #tpu.memory_space<vmem>>) offsets(%arg14 : memref<80xi32, #tpu.memory_space<vmem>>) semaphore(%arg26 : memref<!tpu.dma_semaphore, #tpu.memory_space<semaphore_mem>>)
    %dma_start3A_26 = arith.constant 0 : i32
    %dma_start3A_27 = arith.constant 0 : i32
    %dma_start3A_28 = tpu.memref_slice %arg5[%dma_start3A_26, %dma_start3A_27] : memref<100000x128xf32, #tpu.memory_space<hbm>> -> memref<100000x128xf32, #tpu.memory_space<hbm>>
    tpu.enqueue_indirect_dma source(%dma_start3A_28 : memref<100000x128xf32, #tpu.memory_space<hbm>>) target(%arg21 : memref<80x128xf32, #tpu.memory_space<vmem>>) offsets(%arg15 : memref<80xi32, #tpu.memory_space<vmem>>) semaphore(%arg27 : memref<!tpu.dma_semaphore, #tpu.memory_space<semaphore_mem>>)
    %dma_wait3A = arith.constant 0 : i32
    %dma_wait3A_29 = arith.constant 0 : i32
    %dma_wait3A_30 = tpu.memref_slice %arg5[%dma_wait3A, %dma_wait3A_29] : memref<100000x128xf32, #tpu.memory_space<hbm>> -> memref<100000x128xf32, #tpu.memory_space<hbm>>
    tpu.wait_indirect_dma semaphore(%arg22 : memref<!tpu.dma_semaphore, #tpu.memory_space<semaphore_mem>>) src(%dma_wait3A_30 : memref<100000x128xf32, #tpu.memory_space<hbm>>) dst(%arg16 : memref<80x128xf32, #tpu.memory_space<vmem>>)
    %dma_wait3A_31 = arith.constant 0 : i32
    %dma_wait3A_32 = arith.constant 0 : i32
    %dma_wait3A_33 = tpu.memref_slice %arg6[%dma_wait3A_31, %dma_wait3A_32] : memref<100000x128xf32, #tpu.memory_space<hbm>> -> memref<100000x128xf32, #tpu.memory_space<hbm>>
    tpu.wait_indirect_dma semaphore(%arg23 : memref<!tpu.dma_semaphore, #tpu.memory_space<semaphore_mem>>) src(%dma_wait3A_33 : memref<100000x128xf32, #tpu.memory_space<hbm>>) dst(%arg17 : memref<80x128xf32, #tpu.memory_space<vmem>>)
    %dma_wait3A_34 = arith.constant 0 : i32
    %dma_wait3A_35 = arith.constant 0 : i32
    %dma_wait3A_36 = tpu.memref_slice %arg5[%dma_wait3A_34, %dma_wait3A_35] : memref<100000x128xf32, #tpu.memory_space<hbm>> -> memref<100000x128xf32, #tpu.memory_space<hbm>>
    tpu.wait_indirect_dma semaphore(%arg24 : memref<!tpu.dma_semaphore, #tpu.memory_space<semaphore_mem>>) src(%dma_wait3A_36 : memref<100000x128xf32, #tpu.memory_space<hbm>>) dst(%arg18 : memref<80x128xf32, #tpu.memory_space<vmem>>)
    %add3A_37 = arith.constant 4640 : i32
    %add3A_38 = arith.addi %mul3A_2, %add3A_37 : i32
    "tpu.region"() ({
      %run_scoped3A = tpu.sem_alloc : memref<!tpu.dma_semaphore, #tpu.memory_space<semaphore_mem>>
      %dma_start3A_50 = arith.constant 0 : i32
      %dma_start3A_51 = tpu.memref_slice %arg7[%add3A_38, %dma_start3A_50] : memref<153600x128xf32, #tpu.memory_space<hbm>> -> memref<80x128xf32, #tpu.memory_space<hbm>>
      %dma_start3A_52 = arith.constant 0 : i32
      %dma_start3A_53 = tpu.memref_slice %arg7[%add3A_38, %dma_start3A_52] : memref<153600x128xf32, #tpu.memory_space<hbm>> -> memref<80x128xf32, #tpu.memory_space<hbm>>
      tpu.enqueue_dma source(%arg16 : memref<80x128xf32, #tpu.memory_space<vmem>>) target(%dma_start3A_53 : memref<80x128xf32, #tpu.memory_space<hbm>>) target_semaphore(%run_scoped3A : memref<!tpu.dma_semaphore, #tpu.memory_space<semaphore_mem>>)
      %dma_wait3A_54 = arith.constant 0 : i32
      %dma_wait3A_55 = tpu.memref_slice %arg7[%add3A_38, %dma_wait3A_54] : memref<153600x128xf32, #tpu.memory_space<hbm>> -> memref<80x128xf32, #tpu.memory_space<hbm>>
      %dma_wait3A_56 = arith.constant 0 : i32
      %dma_wait3A_57 = tpu.memref_slice %arg7[%add3A_38, %dma_wait3A_56] : memref<153600x128xf32, #tpu.memory_space<hbm>> -> memref<80x128xf32, #tpu.memory_space<hbm>>
      tpu.wait_dma2 semaphore(%run_scoped3A : memref<!tpu.dma_semaphore, #tpu.memory_space<semaphore_mem>>) src(%arg16 : memref<80x128xf32, #tpu.memory_space<vmem>>) dst(%dma_wait3A_57 : memref<80x128xf32, #tpu.memory_space<hbm>>)
      tpu.yield
    }) : () -> ()
    "tpu.region"() ({
      %run_scoped3A = tpu.sem_alloc : memref<!tpu.dma_semaphore, #tpu.memory_space<semaphore_mem>>
      %dma_start3A_50 = arith.constant 0 : i32
      %dma_start3A_51 = tpu.memref_slice %arg8[%add3A_38, %dma_start3A_50] : memref<153600x128xf32, #tpu.memory_space<hbm>> -> memref<80x128xf32, #tpu.memory_space<hbm>>
      %dma_start3A_52 = arith.constant 0 : i32
      %dma_start3A_53 = tpu.memref_slice %arg8[%add3A_38, %dma_start3A_52] : memref<153600x128xf32, #tpu.memory_space<hbm>> -> memref<80x128xf32, #tpu.memory_space<hbm>>
      tpu.enqueue_dma source(%arg17 : memref<80x128xf32, #tpu.memory_space<vmem>>) target(%dma_start3A_53 : memref<80x128xf32, #tpu.memory_space<hbm>>) target_semaphore(%run_scoped3A : memref<!tpu.dma_semaphore, #tpu.memory_space<semaphore_mem>>)
      %dma_wait3A_54 = arith.constant 0 : i32
      %dma_wait3A_55 = tpu.memref_slice %arg8[%add3A_38, %dma_wait3A_54] : memref<153600x128xf32, #tpu.memory_space<hbm>> -> memref<80x128xf32, #tpu.memory_space<hbm>>
      %dma_wait3A_56 = arith.constant 0 : i32
      %dma_wait3A_57 = tpu.memref_slice %arg8[%add3A_38, %dma_wait3A_56] : memref<153600x128xf32, #tpu.memory_space<hbm>> -> memref<80x128xf32, #tpu.memory_space<hbm>>
      tpu.wait_dma2 semaphore(%run_scoped3A : memref<!tpu.dma_semaphore, #tpu.memory_space<semaphore_mem>>) src(%arg17 : memref<80x128xf32, #tpu.memory_space<vmem>>) dst(%dma_wait3A_57 : memref<80x128xf32, #tpu.memory_space<hbm>>)
      tpu.yield
    }) : () -> ()
    "tpu.region"() ({
      %run_scoped3A = tpu.sem_alloc : memref<!tpu.dma_semaphore, #tpu.memory_space<semaphore_mem>>
      %dma_start3A_50 = arith.constant 0 : i32
      %dma_start3A_51 = tpu.memref_slice %arg9[%add3A_38, %dma_start3A_50] : memref<153600x128xf32, #tpu.memory_space<hbm>> -> memref<80x128xf32, #tpu.memory_space<hbm>>
      %dma_start3A_52 = arith.constant 0 : i32
      %dma_start3A_53 = tpu.memref_slice %arg9[%add3A_38, %dma_start3A_52] : memref<153600x128xf32, #tpu.memory_space<hbm>> -> memref<80x128xf32, #tpu.memory_space<hbm>>
      tpu.enqueue_dma source(%arg18 : memref<80x128xf32, #tpu.memory_space<vmem>>) target(%dma_start3A_53 : memref<80x128xf32, #tpu.memory_space<hbm>>) target_semaphore(%run_scoped3A : memref<!tpu.dma_semaphore, #tpu.memory_space<semaphore_mem>>)
      %dma_wait3A_54 = arith.constant 0 : i32
      %dma_wait3A_55 = tpu.memref_slice %arg9[%add3A_38, %dma_wait3A_54] : memref<153600x128xf32, #tpu.memory_space<hbm>> -> memref<80x128xf32, #tpu.memory_space<hbm>>
      %dma_wait3A_56 = arith.constant 0 : i32
      %dma_wait3A_57 = tpu.memref_slice %arg9[%add3A_38, %dma_wait3A_56] : memref<153600x128xf32, #tpu.memory_space<hbm>> -> memref<80x128xf32, #tpu.memory_space<hbm>>
      tpu.wait_dma2 semaphore(%run_scoped3A : memref<!tpu.dma_semaphore, #tpu.memory_space<semaphore_mem>>) src(%arg18 : memref<80x128xf32, #tpu.memory_space<vmem>>) dst(%dma_wait3A_57 : memref<80x128xf32, #tpu.memory_space<hbm>>)
      tpu.yield
    }) : () -> ()
    %dma_wait3A_39 = arith.constant 0 : i32
    %dma_wait3A_40 = arith.constant 0 : i32
    %dma_wait3A_41 = tpu.memref_slice %arg5[%dma_wait3A_39, %dma_wait3A_40] : memref<100000x128xf32, #tpu.memory_space<hbm>> -> memref<100000x128xf32, #tpu.memory_space<hbm>>
    tpu.wait_indirect_dma semaphore(%arg25 : memref<!tpu.dma_semaphore, #tpu.memory_space<semaphore_mem>>) src(%dma_wait3A_41 : memref<100000x128xf32, #tpu.memory_space<hbm>>) dst(%arg19 : memref<80x128xf32, #tpu.memory_space<vmem>>)
    %dma_wait3A_42 = arith.constant 0 : i32
    %dma_wait3A_43 = arith.constant 0 : i32
    %dma_wait3A_44 = tpu.memref_slice %arg6[%dma_wait3A_42, %dma_wait3A_43] : memref<100000x128xf32, #tpu.memory_space<hbm>> -> memref<100000x128xf32, #tpu.memory_space<hbm>>
    tpu.wait_indirect_dma semaphore(%arg26 : memref<!tpu.dma_semaphore, #tpu.memory_space<semaphore_mem>>) src(%dma_wait3A_44 : memref<100000x128xf32, #tpu.memory_space<hbm>>) dst(%arg20 : memref<80x128xf32, #tpu.memory_space<vmem>>)
    %dma_wait3A_45 = arith.constant 0 : i32
    %dma_wait3A_46 = arith.constant 0 : i32
    %dma_wait3A_47 = tpu.memref_slice %arg5[%dma_wait3A_45, %dma_wait3A_46] : memref<100000x128xf32, #tpu.memory_space<hbm>> -> memref<100000x128xf32, #tpu.memory_space<hbm>>
    tpu.wait_indirect_dma semaphore(%arg27 : memref<!tpu.dma_semaphore, #tpu.memory_space<semaphore_mem>>) src(%dma_wait3A_47 : memref<100000x128xf32, #tpu.memory_space<hbm>>) dst(%arg21 : memref<80x128xf32, #tpu.memory_space<vmem>>)
    %add3A_48 = arith.constant 4720 : i32
    %add3A_49 = arith.addi %mul3A_2, %add3A_48 : i32
    "tpu.region"() ({
      %run_scoped3A = tpu.sem_alloc : memref<!tpu.dma_semaphore, #tpu.memory_space<semaphore_mem>>
      %dma_start3A_50 = arith.constant 0 : i32
      %dma_start3A_51 = tpu.memref_slice %arg7[%add3A_49, %dma_start3A_50] : memref<153600x128xf32, #tpu.memory_space<hbm>> -> memref<80x128xf32, #tpu.memory_space<hbm>>
      %dma_start3A_52 = arith.constant 0 : i32
      %dma_start3A_53 = tpu.memref_slice %arg7[%add3A_49, %dma_start3A_52] : memref<153600x128xf32, #tpu.memory_space<hbm>> -> memref<80x128xf32, #tpu.memory_space<hbm>>
      tpu.enqueue_dma source(%arg19 : memref<80x128xf32, #tpu.memory_space<vmem>>) target(%dma_start3A_53 : memref<80x128xf32, #tpu.memory_space<hbm>>) target_semaphore(%run_scoped3A : memref<!tpu.dma_semaphore, #tpu.memory_space<semaphore_mem>>)
      %dma_wait3A_54 = arith.constant 0 : i32
      %dma_wait3A_55 = tpu.memref_slice %arg7[%add3A_49, %dma_wait3A_54] : memref<153600x128xf32, #tpu.memory_space<hbm>> -> memref<80x128xf32, #tpu.memory_space<hbm>>
      %dma_wait3A_56 = arith.constant 0 : i32
      %dma_wait3A_57 = tpu.memref_slice %arg7[%add3A_49, %dma_wait3A_56] : memref<153600x128xf32, #tpu.memory_space<hbm>> -> memref<80x128xf32, #tpu.memory_space<hbm>>
      tpu.wait_dma2 semaphore(%run_scoped3A : memref<!tpu.dma_semaphore, #tpu.memory_space<semaphore_mem>>) src(%arg19 : memref<80x128xf32, #tpu.memory_space<vmem>>) dst(%dma_wait3A_57 : memref<80x128xf32, #tpu.memory_space<hbm>>)
      tpu.yield
    }) : () -> ()
    "tpu.region"() ({
      %run_scoped3A = tpu.sem_alloc : memref<!tpu.dma_semaphore, #tpu.memory_space<semaphore_mem>>
      %dma_start3A_50 = arith.constant 0 : i32
      %dma_start3A_51 = tpu.memref_slice %arg8[%add3A_49, %dma_start3A_50] : memref<153600x128xf32, #tpu.memory_space<hbm>> -> memref<80x128xf32, #tpu.memory_space<hbm>>
      %dma_start3A_52 = arith.constant 0 : i32
      %dma_start3A_53 = tpu.memref_slice %arg8[%add3A_49, %dma_start3A_52] : memref<153600x128xf32, #tpu.memory_space<hbm>> -> memref<80x128xf32, #tpu.memory_space<hbm>>
      tpu.enqueue_dma source(%arg20 : memref<80x128xf32, #tpu.memory_space<vmem>>) target(%dma_start3A_53 : memref<80x128xf32, #tpu.memory_space<hbm>>) target_semaphore(%run_scoped3A : memref<!tpu.dma_semaphore, #tpu.memory_space<semaphore_mem>>)
      %dma_wait3A_54 = arith.constant 0 : i32
      %dma_wait3A_55 = tpu.memref_slice %arg8[%add3A_49, %dma_wait3A_54] : memref<153600x128xf32, #tpu.memory_space<hbm>> -> memref<80x128xf32, #tpu.memory_space<hbm>>
      %dma_wait3A_56 = arith.constant 0 : i32
      %dma_wait3A_57 = tpu.memref_slice %arg8[%add3A_49, %dma_wait3A_56] : memref<153600x128xf32, #tpu.memory_space<hbm>> -> memref<80x128xf32, #tpu.memory_space<hbm>>
      tpu.wait_dma2 semaphore(%run_scoped3A : memref<!tpu.dma_semaphore, #tpu.memory_space<semaphore_mem>>) src(%arg20 : memref<80x128xf32, #tpu.memory_space<vmem>>) dst(%dma_wait3A_57 : memref<80x128xf32, #tpu.memory_space<hbm>>)
      tpu.yield
    }) : () -> ()
    "tpu.region"() ({
      %run_scoped3A = tpu.sem_alloc : memref<!tpu.dma_semaphore, #tpu.memory_space<semaphore_mem>>
      %dma_start3A_50 = arith.constant 0 : i32
      %dma_start3A_51 = tpu.memref_slice %arg9[%add3A_49, %dma_start3A_50] : memref<153600x128xf32, #tpu.memory_space<hbm>> -> memref<80x128xf32, #tpu.memory_space<hbm>>
      %dma_start3A_52 = arith.constant 0 : i32
      %dma_start3A_53 = tpu.memref_slice %arg9[%add3A_49, %dma_start3A_52] : memref<153600x128xf32, #tpu.memory_space<hbm>> -> memref<80x128xf32, #tpu.memory_space<hbm>>
      tpu.enqueue_dma source(%arg21 : memref<80x128xf32, #tpu.memory_space<vmem>>) target(%dma_start3A_53 : memref<80x128xf32, #tpu.memory_space<hbm>>) target_semaphore(%run_scoped3A : memref<!tpu.dma_semaphore, #tpu.memory_space<semaphore_mem>>)
      %dma_wait3A_54 = arith.constant 0 : i32
      %dma_wait3A_55 = tpu.memref_slice %arg9[%add3A_49, %dma_wait3A_54] : memref<153600x128xf32, #tpu.memory_space<hbm>> -> memref<80x128xf32, #tpu.memory_space<hbm>>
      %dma_wait3A_56 = arith.constant 0 : i32
      %dma_wait3A_57 = tpu.memref_slice %arg9[%add3A_49, %dma_wait3A_56] : memref<153600x128xf32, #tpu.memory_space<hbm>> -> memref<80x128xf32, #tpu.memory_space<hbm>>
      tpu.wait_dma2 semaphore(%run_scoped3A : memref<!tpu.dma_semaphore, #tpu.memory_space<semaphore_mem>>) src(%arg21 : memref<80x128xf32, #tpu.memory_space<vmem>>) dst(%dma_wait3A_57 : memref<80x128xf32, #tpu.memory_space<hbm>>)
      tpu.yield
    }) : () -> ()
    return
  }
}

#map = affine_map<(d0, d1) -> (0)>
#map1 = affine_map<(d0, d1) -> (0, 0)>
module attributes {stable_mosaic.version = 14 : i64} {
  func.func @gather_kernel(%arg0: i32, %arg1: i32, %arg2: memref<166400xi32, #tpu.memory_space<hbm>>, %arg3: memref<166400xi32, #tpu.memory_space<hbm>>, %arg4: memref<166400xi32, #tpu.memory_space<hbm>>, %arg5: memref<100000x128xf32, #tpu.memory_space<hbm>>, %arg6: memref<100000x128xf32, #tpu.memory_space<hbm>>, %arg7: memref<166400x128xf32, #tpu.memory_space<hbm>>, %arg8: memref<166400x128xf32, #tpu.memory_space<hbm>>, %arg9: memref<166400x128xf32, #tpu.memory_space<hbm>>, %arg10: memref<80xi32, #tpu.memory_space<vmem>>, %arg11: memref<80xi32, #tpu.memory_space<vmem>>, %arg12: memref<80xi32, #tpu.memory_space<vmem>>, %arg13: memref<80xi32, #tpu.memory_space<vmem>>, %arg14: memref<80xi32, #tpu.memory_space<vmem>>, %arg15: memref<80xi32, #tpu.memory_space<vmem>>, %arg16: memref<80x128xf32, #tpu.memory_space<vmem>>, %arg17: memref<80x128xf32, #tpu.memory_space<vmem>>, %arg18: memref<80x128xf32, #tpu.memory_space<vmem>>, %arg19: memref<80x128xf32, #tpu.memory_space<vmem>>, %arg20: memref<80x128xf32, #tpu.memory_space<vmem>>, %arg21: memref<80x128xf32, #tpu.memory_space<vmem>>, %arg22: memref<!tpu.dma_semaphore, #tpu.memory_space<semaphore_mem>>, %arg23: memref<!tpu.dma_semaphore, #tpu.memory_space<semaphore_mem>>, %arg24: memref<!tpu.dma_semaphore, #tpu.memory_space<semaphore_mem>>, %arg25: memref<!tpu.dma_semaphore, #tpu.memory_space<semaphore_mem>>, %arg26: memref<!tpu.dma_semaphore, #tpu.memory_space<semaphore_mem>>, %arg27: memref<!tpu.dma_semaphore, #tpu.memory_space<semaphore_mem>>) attributes {dimension_semantics = [#tpu.dimension_semantics<core_parallel>, #tpu.dimension_semantics<subcore_parallel>], iteration_bounds = array<i64: 2, 16>, scalar_prefetch = 0 : i64, scratch_operands = 18 : i64, tpu.core_type = #tpu.core_type<sc_vector_subcore>, window_params = [{transform_indices = #map}, {transform_indices = #map}, {transform_indices = #map}, {transform_indices = #map1}, {transform_indices = #map1}, {transform_indices = #map1}, {transform_indices = #map1}, {transform_indices = #map1}]} {
    %mul3A = arith.constant 2 : i32
    %mul3A_0 = arith.muli %arg1, %mul3A : i32
    %add3A = arith.addi %mul3A_0, %arg0 : i32
    %mul3A_1 = arith.constant 5200 : i32
    %mul3A_2 = arith.muli %add3A, %mul3A_1 : i32
    %add3A_3 = arith.constant 0 : i32
    %add3A_4 = arith.addi %mul3A_2, %add3A_3 : i32
    "tpu.region"() ({
      %run_scoped3A = tpu.sem_alloc : memref<!tpu.dma_semaphore, #tpu.memory_space<semaphore_mem>>
      %dma_start3A_28 = tpu.memref_slice %arg2[%add3A_4] : memref<166400xi32, #tpu.memory_space<hbm>> -> memref<80xi32, #tpu.memory_space<hbm>>
      %dma_start3A_29 = tpu.memref_slice %arg2[%add3A_4] : memref<166400xi32, #tpu.memory_space<hbm>> -> memref<80xi32, #tpu.memory_space<hbm>>
      tpu.enqueue_dma source(%dma_start3A_29 : memref<80xi32, #tpu.memory_space<hbm>>) target(%arg10 : memref<80xi32, #tpu.memory_space<vmem>>) target_semaphore(%run_scoped3A : memref<!tpu.dma_semaphore, #tpu.memory_space<semaphore_mem>>)
      %dma_wait3A_30 = tpu.memref_slice %arg2[%add3A_4] : memref<166400xi32, #tpu.memory_space<hbm>> -> memref<80xi32, #tpu.memory_space<hbm>>
      %dma_wait3A_31 = tpu.memref_slice %arg2[%add3A_4] : memref<166400xi32, #tpu.memory_space<hbm>> -> memref<80xi32, #tpu.memory_space<hbm>>
      tpu.wait_dma2 semaphore(%run_scoped3A : memref<!tpu.dma_semaphore, #tpu.memory_space<semaphore_mem>>) src(%dma_wait3A_31 : memref<80xi32, #tpu.memory_space<hbm>>) dst(%arg10 : memref<80xi32, #tpu.memory_space<vmem>>)
      tpu.yield
    }) : () -> ()
    "tpu.region"() ({
      %run_scoped3A = tpu.sem_alloc : memref<!tpu.dma_semaphore, #tpu.memory_space<semaphore_mem>>
      %dma_start3A_28 = tpu.memref_slice %arg3[%add3A_4] : memref<166400xi32, #tpu.memory_space<hbm>> -> memref<80xi32, #tpu.memory_space<hbm>>
      %dma_start3A_29 = tpu.memref_slice %arg3[%add3A_4] : memref<166400xi32, #tpu.memory_space<hbm>> -> memref<80xi32, #tpu.memory_space<hbm>>
      tpu.enqueue_dma source(%dma_start3A_29 : memref<80xi32, #tpu.memory_space<hbm>>) target(%arg11 : memref<80xi32, #tpu.memory_space<vmem>>) target_semaphore(%run_scoped3A : memref<!tpu.dma_semaphore, #tpu.memory_space<semaphore_mem>>)
      %dma_wait3A_30 = tpu.memref_slice %arg3[%add3A_4] : memref<166400xi32, #tpu.memory_space<hbm>> -> memref<80xi32, #tpu.memory_space<hbm>>
      %dma_wait3A_31 = tpu.memref_slice %arg3[%add3A_4] : memref<166400xi32, #tpu.memory_space<hbm>> -> memref<80xi32, #tpu.memory_space<hbm>>
      tpu.wait_dma2 semaphore(%run_scoped3A : memref<!tpu.dma_semaphore, #tpu.memory_space<semaphore_mem>>) src(%dma_wait3A_31 : memref<80xi32, #tpu.memory_space<hbm>>) dst(%arg11 : memref<80xi32, #tpu.memory_space<vmem>>)
      tpu.yield
    }) : () -> ()
    "tpu.region"() ({
      %run_scoped3A = tpu.sem_alloc : memref<!tpu.dma_semaphore, #tpu.memory_space<semaphore_mem>>
      %dma_start3A_28 = tpu.memref_slice %arg4[%add3A_4] : memref<166400xi32, #tpu.memory_space<hbm>> -> memref<80xi32, #tpu.memory_space<hbm>>
      %dma_start3A_29 = tpu.memref_slice %arg4[%add3A_4] : memref<166400xi32, #tpu.memory_space<hbm>> -> memref<80xi32, #tpu.memory_space<hbm>>
      tpu.enqueue_dma source(%dma_start3A_29 : memref<80xi32, #tpu.memory_space<hbm>>) target(%arg12 : memref<80xi32, #tpu.memory_space<vmem>>) target_semaphore(%run_scoped3A : memref<!tpu.dma_semaphore, #tpu.memory_space<semaphore_mem>>)
      %dma_wait3A_30 = tpu.memref_slice %arg4[%add3A_4] : memref<166400xi32, #tpu.memory_space<hbm>> -> memref<80xi32, #tpu.memory_space<hbm>>
      %dma_wait3A_31 = tpu.memref_slice %arg4[%add3A_4] : memref<166400xi32, #tpu.memory_space<hbm>> -> memref<80xi32, #tpu.memory_space<hbm>>
      tpu.wait_dma2 semaphore(%run_scoped3A : memref<!tpu.dma_semaphore, #tpu.memory_space<semaphore_mem>>) src(%dma_wait3A_31 : memref<80xi32, #tpu.memory_space<hbm>>) dst(%arg12 : memref<80xi32, #tpu.memory_space<vmem>>)
      tpu.yield
    }) : () -> ()
    %dma_start3A = arith.constant 0 : i32
    %dma_start3A_5 = arith.constant 0 : i32
    %dma_start3A_6 = tpu.memref_slice %arg5[%dma_start3A, %dma_start3A_5] : memref<100000x128xf32, #tpu.memory_space<hbm>> -> memref<100000x128xf32, #tpu.memory_space<hbm>>
    tpu.enqueue_indirect_dma source(%dma_start3A_6 : memref<100000x128xf32, #tpu.memory_space<hbm>>) target(%arg16 : memref<80x128xf32, #tpu.memory_space<vmem>>) offsets(%arg10 : memref<80xi32, #tpu.memory_space<vmem>>) semaphore(%arg22 : memref<!tpu.dma_semaphore, #tpu.memory_space<semaphore_mem>>)
    %dma_start3A_7 = arith.constant 0 : i32
    %dma_start3A_8 = arith.constant 0 : i32
    %dma_start3A_9 = tpu.memref_slice %arg6[%dma_start3A_7, %dma_start3A_8] : memref<100000x128xf32, #tpu.memory_space<hbm>> -> memref<100000x128xf32, #tpu.memory_space<hbm>>
    tpu.enqueue_indirect_dma source(%dma_start3A_9 : memref<100000x128xf32, #tpu.memory_space<hbm>>) target(%arg17 : memref<80x128xf32, #tpu.memory_space<vmem>>) offsets(%arg11 : memref<80xi32, #tpu.memory_space<vmem>>) semaphore(%arg23 : memref<!tpu.dma_semaphore, #tpu.memory_space<semaphore_mem>>)
    %dma_start3A_10 = arith.constant 0 : i32
    %dma_start3A_11 = arith.constant 0 : i32
    %dma_start3A_12 = tpu.memref_slice %arg5[%dma_start3A_10, %dma_start3A_11] : memref<100000x128xf32, #tpu.memory_space<hbm>> -> memref<100000x128xf32, #tpu.memory_space<hbm>>
    tpu.enqueue_indirect_dma source(%dma_start3A_12 : memref<100000x128xf32, #tpu.memory_space<hbm>>) target(%arg18 : memref<80x128xf32, #tpu.memory_space<vmem>>) offsets(%arg12 : memref<80xi32, #tpu.memory_space<vmem>>) semaphore(%arg24 : memref<!tpu.dma_semaphore, #tpu.memory_space<semaphore_mem>>)
    %scan3A = arith.constant 0 : i32
    %scan3A_13 = arith.constant 0 : i32
    %scan3A_14 = arith.constant 32 : i32
    %scan3A_15 = arith.addi %scan3A_13, %scan3A_14 : i32
    %scan3A_16 = arith.constant 1 : i32
    scf.for %scan3A_28 = %scan3A_13 to %scan3A_15 step %scan3A_16  : i32 {
      %mul3A_29 = arith.constant 2 : i32
      %mul3A_30 = arith.muli %mul3A_29, %scan3A_28 : i32
      %add3A_31 = arith.constant 1 : i32
      %add3A_32 = arith.addi %mul3A_30, %add3A_31 : i32
      %mul3A_33 = arith.constant 80 : i32
      %mul3A_34 = arith.muli %add3A_32, %mul3A_33 : i32
      %add3A_35 = arith.addi %mul3A_2, %mul3A_34 : i32
      "tpu.region"() ({
        %run_scoped3A = tpu.sem_alloc : memref<!tpu.dma_semaphore, #tpu.memory_space<semaphore_mem>>
        %dma_start3A_85 = tpu.memref_slice %arg2[%add3A_35] : memref<166400xi32, #tpu.memory_space<hbm>> -> memref<80xi32, #tpu.memory_space<hbm>>
        %dma_start3A_86 = tpu.memref_slice %arg2[%add3A_35] : memref<166400xi32, #tpu.memory_space<hbm>> -> memref<80xi32, #tpu.memory_space<hbm>>
        tpu.enqueue_dma source(%dma_start3A_86 : memref<80xi32, #tpu.memory_space<hbm>>) target(%arg13 : memref<80xi32, #tpu.memory_space<vmem>>) target_semaphore(%run_scoped3A : memref<!tpu.dma_semaphore, #tpu.memory_space<semaphore_mem>>)
        %dma_wait3A_87 = tpu.memref_slice %arg2[%add3A_35] : memref<166400xi32, #tpu.memory_space<hbm>> -> memref<80xi32, #tpu.memory_space<hbm>>
        %dma_wait3A_88 = tpu.memref_slice %arg2[%add3A_35] : memref<166400xi32, #tpu.memory_space<hbm>> -> memref<80xi32, #tpu.memory_space<hbm>>
        tpu.wait_dma2 semaphore(%run_scoped3A : memref<!tpu.dma_semaphore, #tpu.memory_space<semaphore_mem>>) src(%dma_wait3A_88 : memref<80xi32, #tpu.memory_space<hbm>>) dst(%arg13 : memref<80xi32, #tpu.memory_space<vmem>>)
        tpu.yield
      }) : () -> ()
      "tpu.region"() ({
        %run_scoped3A = tpu.sem_alloc : memref<!tpu.dma_semaphore, #tpu.memory_space<semaphore_mem>>
        %dma_start3A_85 = tpu.memref_slice %arg3[%add3A_35] : memref<166400xi32, #tpu.memory_space<hbm>> -> memref<80xi32, #tpu.memory_space<hbm>>
        %dma_start3A_86 = tpu.memref_slice %arg3[%add3A_35] : memref<166400xi32, #tpu.memory_space<hbm>> -> memref<80xi32, #tpu.memory_space<hbm>>
        tpu.enqueue_dma source(%dma_start3A_86 : memref<80xi32, #tpu.memory_space<hbm>>) target(%arg14 : memref<80xi32, #tpu.memory_space<vmem>>) target_semaphore(%run_scoped3A : memref<!tpu.dma_semaphore, #tpu.memory_space<semaphore_mem>>)
        %dma_wait3A_87 = tpu.memref_slice %arg3[%add3A_35] : memref<166400xi32, #tpu.memory_space<hbm>> -> memref<80xi32, #tpu.memory_space<hbm>>
        %dma_wait3A_88 = tpu.memref_slice %arg3[%add3A_35] : memref<166400xi32, #tpu.memory_space<hbm>> -> memref<80xi32, #tpu.memory_space<hbm>>
        tpu.wait_dma2 semaphore(%run_scoped3A : memref<!tpu.dma_semaphore, #tpu.memory_space<semaphore_mem>>) src(%dma_wait3A_88 : memref<80xi32, #tpu.memory_space<hbm>>) dst(%arg14 : memref<80xi32, #tpu.memory_space<vmem>>)
        tpu.yield
      }) : () -> ()
      "tpu.region"() ({
        %run_scoped3A = tpu.sem_alloc : memref<!tpu.dma_semaphore, #tpu.memory_space<semaphore_mem>>
        %dma_start3A_85 = tpu.memref_slice %arg4[%add3A_35] : memref<166400xi32, #tpu.memory_space<hbm>> -> memref<80xi32, #tpu.memory_space<hbm>>
        %dma_start3A_86 = tpu.memref_slice %arg4[%add3A_35] : memref<166400xi32, #tpu.memory_space<hbm>> -> memref<80xi32, #tpu.memory_space<hbm>>
        tpu.enqueue_dma source(%dma_start3A_86 : memref<80xi32, #tpu.memory_space<hbm>>) target(%arg15 : memref<80xi32, #tpu.memory_space<vmem>>) target_semaphore(%run_scoped3A : memref<!tpu.dma_semaphore, #tpu.memory_space<semaphore_mem>>)
        %dma_wait3A_87 = tpu.memref_slice %arg4[%add3A_35] : memref<166400xi32, #tpu.memory_space<hbm>> -> memref<80xi32, #tpu.memory_space<hbm>>
        %dma_wait3A_88 = tpu.memref_slice %arg4[%add3A_35] : memref<166400xi32, #tpu.memory_space<hbm>> -> memref<80xi32, #tpu.memory_space<hbm>>
        tpu.wait_dma2 semaphore(%run_scoped3A : memref<!tpu.dma_semaphore, #tpu.memory_space<semaphore_mem>>) src(%dma_wait3A_88 : memref<80xi32, #tpu.memory_space<hbm>>) dst(%arg15 : memref<80xi32, #tpu.memory_space<vmem>>)
        tpu.yield
      }) : () -> ()
      %dma_start3A_36 = arith.constant 0 : i32
      %dma_start3A_37 = arith.constant 0 : i32
      %dma_start3A_38 = tpu.memref_slice %arg5[%dma_start3A_36, %dma_start3A_37] : memref<100000x128xf32, #tpu.memory_space<hbm>> -> memref<100000x128xf32, #tpu.memory_space<hbm>>
      tpu.enqueue_indirect_dma source(%dma_start3A_38 : memref<100000x128xf32, #tpu.memory_space<hbm>>) target(%arg19 : memref<80x128xf32, #tpu.memory_space<vmem>>) offsets(%arg13 : memref<80xi32, #tpu.memory_space<vmem>>) semaphore(%arg25 : memref<!tpu.dma_semaphore, #tpu.memory_space<semaphore_mem>>)
      %dma_start3A_39 = arith.constant 0 : i32
      %dma_start3A_40 = arith.constant 0 : i32
      %dma_start3A_41 = tpu.memref_slice %arg6[%dma_start3A_39, %dma_start3A_40] : memref<100000x128xf32, #tpu.memory_space<hbm>> -> memref<100000x128xf32, #tpu.memory_space<hbm>>
      tpu.enqueue_indirect_dma source(%dma_start3A_41 : memref<100000x128xf32, #tpu.memory_space<hbm>>) target(%arg20 : memref<80x128xf32, #tpu.memory_space<vmem>>) offsets(%arg14 : memref<80xi32, #tpu.memory_space<vmem>>) semaphore(%arg26 : memref<!tpu.dma_semaphore, #tpu.memory_space<semaphore_mem>>)
      %dma_start3A_42 = arith.constant 0 : i32
      %dma_start3A_43 = arith.constant 0 : i32
      %dma_start3A_44 = tpu.memref_slice %arg5[%dma_start3A_42, %dma_start3A_43] : memref<100000x128xf32, #tpu.memory_space<hbm>> -> memref<100000x128xf32, #tpu.memory_space<hbm>>
      tpu.enqueue_indirect_dma source(%dma_start3A_44 : memref<100000x128xf32, #tpu.memory_space<hbm>>) target(%arg21 : memref<80x128xf32, #tpu.memory_space<vmem>>) offsets(%arg15 : memref<80xi32, #tpu.memory_space<vmem>>) semaphore(%arg27 : memref<!tpu.dma_semaphore, #tpu.memory_space<semaphore_mem>>)
      %dma_wait3A_45 = arith.constant 0 : i32
      %dma_wait3A_46 = arith.constant 0 : i32
      %dma_wait3A_47 = tpu.memref_slice %arg5[%dma_wait3A_45, %dma_wait3A_46] : memref<100000x128xf32, #tpu.memory_space<hbm>> -> memref<100000x128xf32, #tpu.memory_space<hbm>>
      tpu.wait_indirect_dma semaphore(%arg22 : memref<!tpu.dma_semaphore, #tpu.memory_space<semaphore_mem>>) src(%dma_wait3A_47 : memref<100000x128xf32, #tpu.memory_space<hbm>>) dst(%arg16 : memref<80x128xf32, #tpu.memory_space<vmem>>)
      %dma_wait3A_48 = arith.constant 0 : i32
      %dma_wait3A_49 = arith.constant 0 : i32
      %dma_wait3A_50 = tpu.memref_slice %arg6[%dma_wait3A_48, %dma_wait3A_49] : memref<100000x128xf32, #tpu.memory_space<hbm>> -> memref<100000x128xf32, #tpu.memory_space<hbm>>
      tpu.wait_indirect_dma semaphore(%arg23 : memref<!tpu.dma_semaphore, #tpu.memory_space<semaphore_mem>>) src(%dma_wait3A_50 : memref<100000x128xf32, #tpu.memory_space<hbm>>) dst(%arg17 : memref<80x128xf32, #tpu.memory_space<vmem>>)
      %dma_wait3A_51 = arith.constant 0 : i32
      %dma_wait3A_52 = arith.constant 0 : i32
      %dma_wait3A_53 = tpu.memref_slice %arg5[%dma_wait3A_51, %dma_wait3A_52] : memref<100000x128xf32, #tpu.memory_space<hbm>> -> memref<100000x128xf32, #tpu.memory_space<hbm>>
      tpu.wait_indirect_dma semaphore(%arg24 : memref<!tpu.dma_semaphore, #tpu.memory_space<semaphore_mem>>) src(%dma_wait3A_53 : memref<100000x128xf32, #tpu.memory_space<hbm>>) dst(%arg18 : memref<80x128xf32, #tpu.memory_space<vmem>>)
      %mul3A_54 = arith.constant 80 : i32
      %mul3A_55 = arith.muli %mul3A_30, %mul3A_54 : i32
      %add3A_56 = arith.addi %mul3A_2, %mul3A_55 : i32
      "tpu.region"() ({
        %run_scoped3A = tpu.sem_alloc : memref<!tpu.dma_semaphore, #tpu.memory_space<semaphore_mem>>
        %dma_start3A_85 = arith.constant 0 : i32
        %dma_start3A_86 = tpu.memref_slice %arg7[%add3A_56, %dma_start3A_85] : memref<166400x128xf32, #tpu.memory_space<hbm>> -> memref<80x128xf32, #tpu.memory_space<hbm>>
        %dma_start3A_87 = arith.constant 0 : i32
        %dma_start3A_88 = tpu.memref_slice %arg7[%add3A_56, %dma_start3A_87] : memref<166400x128xf32, #tpu.memory_space<hbm>> -> memref<80x128xf32, #tpu.memory_space<hbm>>
        tpu.enqueue_dma source(%arg16 : memref<80x128xf32, #tpu.memory_space<vmem>>) target(%dma_start3A_88 : memref<80x128xf32, #tpu.memory_space<hbm>>) target_semaphore(%run_scoped3A : memref<!tpu.dma_semaphore, #tpu.memory_space<semaphore_mem>>)
        %dma_wait3A_89 = arith.constant 0 : i32
        %dma_wait3A_90 = tpu.memref_slice %arg7[%add3A_56, %dma_wait3A_89] : memref<166400x128xf32, #tpu.memory_space<hbm>> -> memref<80x128xf32, #tpu.memory_space<hbm>>
        %dma_wait3A_91 = arith.constant 0 : i32
        %dma_wait3A_92 = tpu.memref_slice %arg7[%add3A_56, %dma_wait3A_91] : memref<166400x128xf32, #tpu.memory_space<hbm>> -> memref<80x128xf32, #tpu.memory_space<hbm>>
        tpu.wait_dma2 semaphore(%run_scoped3A : memref<!tpu.dma_semaphore, #tpu.memory_space<semaphore_mem>>) src(%arg16 : memref<80x128xf32, #tpu.memory_space<vmem>>) dst(%dma_wait3A_92 : memref<80x128xf32, #tpu.memory_space<hbm>>)
        tpu.yield
      }) : () -> ()
      "tpu.region"() ({
        %run_scoped3A = tpu.sem_alloc : memref<!tpu.dma_semaphore, #tpu.memory_space<semaphore_mem>>
        %dma_start3A_85 = arith.constant 0 : i32
        %dma_start3A_86 = tpu.memref_slice %arg8[%add3A_56, %dma_start3A_85] : memref<166400x128xf32, #tpu.memory_space<hbm>> -> memref<80x128xf32, #tpu.memory_space<hbm>>
        %dma_start3A_87 = arith.constant 0 : i32
        %dma_start3A_88 = tpu.memref_slice %arg8[%add3A_56, %dma_start3A_87] : memref<166400x128xf32, #tpu.memory_space<hbm>> -> memref<80x128xf32, #tpu.memory_space<hbm>>
        tpu.enqueue_dma source(%arg17 : memref<80x128xf32, #tpu.memory_space<vmem>>) target(%dma_start3A_88 : memref<80x128xf32, #tpu.memory_space<hbm>>) target_semaphore(%run_scoped3A : memref<!tpu.dma_semaphore, #tpu.memory_space<semaphore_mem>>)
        %dma_wait3A_89 = arith.constant 0 : i32
        %dma_wait3A_90 = tpu.memref_slice %arg8[%add3A_56, %dma_wait3A_89] : memref<166400x128xf32, #tpu.memory_space<hbm>> -> memref<80x128xf32, #tpu.memory_space<hbm>>
        %dma_wait3A_91 = arith.constant 0 : i32
        %dma_wait3A_92 = tpu.memref_slice %arg8[%add3A_56, %dma_wait3A_91] : memref<166400x128xf32, #tpu.memory_space<hbm>> -> memref<80x128xf32, #tpu.memory_space<hbm>>
        tpu.wait_dma2 semaphore(%run_scoped3A : memref<!tpu.dma_semaphore, #tpu.memory_space<semaphore_mem>>) src(%arg17 : memref<80x128xf32, #tpu.memory_space<vmem>>) dst(%dma_wait3A_92 : memref<80x128xf32, #tpu.memory_space<hbm>>)
        tpu.yield
      }) : () -> ()
      "tpu.region"() ({
        %run_scoped3A = tpu.sem_alloc : memref<!tpu.dma_semaphore, #tpu.memory_space<semaphore_mem>>
        %dma_start3A_85 = arith.constant 0 : i32
        %dma_start3A_86 = tpu.memref_slice %arg9[%add3A_56, %dma_start3A_85] : memref<166400x128xf32, #tpu.memory_space<hbm>> -> memref<80x128xf32, #tpu.memory_space<hbm>>
        %dma_start3A_87 = arith.constant 0 : i32
        %dma_start3A_88 = tpu.memref_slice %arg9[%add3A_56, %dma_start3A_87] : memref<166400x128xf32, #tpu.memory_space<hbm>> -> memref<80x128xf32, #tpu.memory_space<hbm>>
        tpu.enqueue_dma source(%arg18 : memref<80x128xf32, #tpu.memory_space<vmem>>) target(%dma_start3A_88 : memref<80x128xf32, #tpu.memory_space<hbm>>) target_semaphore(%run_scoped3A : memref<!tpu.dma_semaphore, #tpu.memory_space<semaphore_mem>>)
        %dma_wait3A_89 = arith.constant 0 : i32
        %dma_wait3A_90 = tpu.memref_slice %arg9[%add3A_56, %dma_wait3A_89] : memref<166400x128xf32, #tpu.memory_space<hbm>> -> memref<80x128xf32, #tpu.memory_space<hbm>>
        %dma_wait3A_91 = arith.constant 0 : i32
        %dma_wait3A_92 = tpu.memref_slice %arg9[%add3A_56, %dma_wait3A_91] : memref<166400x128xf32, #tpu.memory_space<hbm>> -> memref<80x128xf32, #tpu.memory_space<hbm>>
        tpu.wait_dma2 semaphore(%run_scoped3A : memref<!tpu.dma_semaphore, #tpu.memory_space<semaphore_mem>>) src(%arg18 : memref<80x128xf32, #tpu.memory_space<vmem>>) dst(%dma_wait3A_92 : memref<80x128xf32, #tpu.memory_space<hbm>>)
        tpu.yield
      }) : () -> ()
      %add3A_57 = arith.constant 2 : i32
      %add3A_58 = arith.addi %mul3A_30, %add3A_57 : i32
      %mul3A_59 = arith.constant 80 : i32
      %mul3A_60 = arith.muli %add3A_58, %mul3A_59 : i32
      %add3A_61 = arith.addi %mul3A_2, %mul3A_60 : i32
      "tpu.region"() ({
        %run_scoped3A = tpu.sem_alloc : memref<!tpu.dma_semaphore, #tpu.memory_space<semaphore_mem>>
        %dma_start3A_85 = tpu.memref_slice %arg2[%add3A_61] : memref<166400xi32, #tpu.memory_space<hbm>> -> memref<80xi32, #tpu.memory_space<hbm>>
        %dma_start3A_86 = tpu.memref_slice %arg2[%add3A_61] : memref<166400xi32, #tpu.memory_space<hbm>> -> memref<80xi32, #tpu.memory_space<hbm>>
        tpu.enqueue_dma source(%dma_start3A_86 : memref<80xi32, #tpu.memory_space<hbm>>) target(%arg10 : memref<80xi32, #tpu.memory_space<vmem>>) target_semaphore(%run_scoped3A : memref<!tpu.dma_semaphore, #tpu.memory_space<semaphore_mem>>)
        %dma_wait3A_87 = tpu.memref_slice %arg2[%add3A_61] : memref<166400xi32, #tpu.memory_space<hbm>> -> memref<80xi32, #tpu.memory_space<hbm>>
        %dma_wait3A_88 = tpu.memref_slice %arg2[%add3A_61] : memref<166400xi32, #tpu.memory_space<hbm>> -> memref<80xi32, #tpu.memory_space<hbm>>
        tpu.wait_dma2 semaphore(%run_scoped3A : memref<!tpu.dma_semaphore, #tpu.memory_space<semaphore_mem>>) src(%dma_wait3A_88 : memref<80xi32, #tpu.memory_space<hbm>>) dst(%arg10 : memref<80xi32, #tpu.memory_space<vmem>>)
        tpu.yield
      }) : () -> ()
      "tpu.region"() ({
        %run_scoped3A = tpu.sem_alloc : memref<!tpu.dma_semaphore, #tpu.memory_space<semaphore_mem>>
        %dma_start3A_85 = tpu.memref_slice %arg3[%add3A_61] : memref<166400xi32, #tpu.memory_space<hbm>> -> memref<80xi32, #tpu.memory_space<hbm>>
        %dma_start3A_86 = tpu.memref_slice %arg3[%add3A_61] : memref<166400xi32, #tpu.memory_space<hbm>> -> memref<80xi32, #tpu.memory_space<hbm>>
        tpu.enqueue_dma source(%dma_start3A_86 : memref<80xi32, #tpu.memory_space<hbm>>) target(%arg11 : memref<80xi32, #tpu.memory_space<vmem>>) target_semaphore(%run_scoped3A : memref<!tpu.dma_semaphore, #tpu.memory_space<semaphore_mem>>)
        %dma_wait3A_87 = tpu.memref_slice %arg3[%add3A_61] : memref<166400xi32, #tpu.memory_space<hbm>> -> memref<80xi32, #tpu.memory_space<hbm>>
        %dma_wait3A_88 = tpu.memref_slice %arg3[%add3A_61] : memref<166400xi32, #tpu.memory_space<hbm>> -> memref<80xi32, #tpu.memory_space<hbm>>
        tpu.wait_dma2 semaphore(%run_scoped3A : memref<!tpu.dma_semaphore, #tpu.memory_space<semaphore_mem>>) src(%dma_wait3A_88 : memref<80xi32, #tpu.memory_space<hbm>>) dst(%arg11 : memref<80xi32, #tpu.memory_space<vmem>>)
        tpu.yield
      }) : () -> ()
      "tpu.region"() ({
        %run_scoped3A = tpu.sem_alloc : memref<!tpu.dma_semaphore, #tpu.memory_space<semaphore_mem>>
        %dma_start3A_85 = tpu.memref_slice %arg4[%add3A_61] : memref<166400xi32, #tpu.memory_space<hbm>> -> memref<80xi32, #tpu.memory_space<hbm>>
        %dma_start3A_86 = tpu.memref_slice %arg4[%add3A_61] : memref<166400xi32, #tpu.memory_space<hbm>> -> memref<80xi32, #tpu.memory_space<hbm>>
        tpu.enqueue_dma source(%dma_start3A_86 : memref<80xi32, #tpu.memory_space<hbm>>) target(%arg12 : memref<80xi32, #tpu.memory_space<vmem>>) target_semaphore(%run_scoped3A : memref<!tpu.dma_semaphore, #tpu.memory_space<semaphore_mem>>)
        %dma_wait3A_87 = tpu.memref_slice %arg4[%add3A_61] : memref<166400xi32, #tpu.memory_space<hbm>> -> memref<80xi32, #tpu.memory_space<hbm>>
        %dma_wait3A_88 = tpu.memref_slice %arg4[%add3A_61] : memref<166400xi32, #tpu.memory_space<hbm>> -> memref<80xi32, #tpu.memory_space<hbm>>
        tpu.wait_dma2 semaphore(%run_scoped3A : memref<!tpu.dma_semaphore, #tpu.memory_space<semaphore_mem>>) src(%dma_wait3A_88 : memref<80xi32, #tpu.memory_space<hbm>>) dst(%arg12 : memref<80xi32, #tpu.memory_space<vmem>>)
        tpu.yield
      }) : () -> ()
      %dma_start3A_62 = arith.constant 0 : i32
      %dma_start3A_63 = arith.constant 0 : i32
      %dma_start3A_64 = tpu.memref_slice %arg5[%dma_start3A_62, %dma_start3A_63] : memref<100000x128xf32, #tpu.memory_space<hbm>> -> memref<100000x128xf32, #tpu.memory_space<hbm>>
      tpu.enqueue_indirect_dma source(%dma_start3A_64 : memref<100000x128xf32, #tpu.memory_space<hbm>>) target(%arg16 : memref<80x128xf32, #tpu.memory_space<vmem>>) offsets(%arg10 : memref<80xi32, #tpu.memory_space<vmem>>) semaphore(%arg22 : memref<!tpu.dma_semaphore, #tpu.memory_space<semaphore_mem>>)
      %dma_start3A_65 = arith.constant 0 : i32
      %dma_start3A_66 = arith.constant 0 : i32
      %dma_start3A_67 = tpu.memref_slice %arg6[%dma_start3A_65, %dma_start3A_66] : memref<100000x128xf32, #tpu.memory_space<hbm>> -> memref<100000x128xf32, #tpu.memory_space<hbm>>
      tpu.enqueue_indirect_dma source(%dma_start3A_67 : memref<100000x128xf32, #tpu.memory_space<hbm>>) target(%arg17 : memref<80x128xf32, #tpu.memory_space<vmem>>) offsets(%arg11 : memref<80xi32, #tpu.memory_space<vmem>>) semaphore(%arg23 : memref<!tpu.dma_semaphore, #tpu.memory_space<semaphore_mem>>)
      %dma_start3A_68 = arith.constant 0 : i32
      %dma_start3A_69 = arith.constant 0 : i32
      %dma_start3A_70 = tpu.memref_slice %arg5[%dma_start3A_68, %dma_start3A_69] : memref<100000x128xf32, #tpu.memory_space<hbm>> -> memref<100000x128xf32, #tpu.memory_space<hbm>>
      tpu.enqueue_indirect_dma source(%dma_start3A_70 : memref<100000x128xf32, #tpu.memory_space<hbm>>) target(%arg18 : memref<80x128xf32, #tpu.memory_space<vmem>>) offsets(%arg12 : memref<80xi32, #tpu.memory_space<vmem>>) semaphore(%arg24 : memref<!tpu.dma_semaphore, #tpu.memory_space<semaphore_mem>>)
      %dma_wait3A_71 = arith.constant 0 : i32
      %dma_wait3A_72 = arith.constant 0 : i32
      %dma_wait3A_73 = tpu.memref_slice %arg5[%dma_wait3A_71, %dma_wait3A_72] : memref<100000x128xf32, #tpu.memory_space<hbm>> -> memref<100000x128xf32, #tpu.memory_space<hbm>>
      tpu.wait_indirect_dma semaphore(%arg25 : memref<!tpu.dma_semaphore, #tpu.memory_space<semaphore_mem>>) src(%dma_wait3A_73 : memref<100000x128xf32, #tpu.memory_space<hbm>>) dst(%arg19 : memref<80x128xf32, #tpu.memory_space<vmem>>)
      %dma_wait3A_74 = arith.constant 0 : i32
      %dma_wait3A_75 = arith.constant 0 : i32
      %dma_wait3A_76 = tpu.memref_slice %arg6[%dma_wait3A_74, %dma_wait3A_75] : memref<100000x128xf32, #tpu.memory_space<hbm>> -> memref<100000x128xf32, #tpu.memory_space<hbm>>
      tpu.wait_indirect_dma semaphore(%arg26 : memref<!tpu.dma_semaphore, #tpu.memory_space<semaphore_mem>>) src(%dma_wait3A_76 : memref<100000x128xf32, #tpu.memory_space<hbm>>) dst(%arg20 : memref<80x128xf32, #tpu.memory_space<vmem>>)
      %dma_wait3A_77 = arith.constant 0 : i32
      %dma_wait3A_78 = arith.constant 0 : i32
      %dma_wait3A_79 = tpu.memref_slice %arg5[%dma_wait3A_77, %dma_wait3A_78] : memref<100000x128xf32, #tpu.memory_space<hbm>> -> memref<100000x128xf32, #tpu.memory_space<hbm>>
      tpu.wait_indirect_dma semaphore(%arg27 : memref<!tpu.dma_semaphore, #tpu.memory_space<semaphore_mem>>) src(%dma_wait3A_79 : memref<100000x128xf32, #tpu.memory_space<hbm>>) dst(%arg21 : memref<80x128xf32, #tpu.memory_space<vmem>>)
      %add3A_80 = arith.constant 1 : i32
      %add3A_81 = arith.addi %mul3A_30, %add3A_80 : i32
      %mul3A_82 = arith.constant 80 : i32
      %mul3A_83 = arith.muli %add3A_81, %mul3A_82 : i32
      %add3A_84 = arith.addi %mul3A_2, %mul3A_83 : i32
      "tpu.region"() ({
        %run_scoped3A = tpu.sem_alloc : memref<!tpu.dma_semaphore, #tpu.memory_space<semaphore_mem>>
        %dma_start3A_85 = arith.constant 0 : i32
        %dma_start3A_86 = tpu.memref_slice %arg7[%add3A_84, %dma_start3A_85] : memref<166400x128xf32, #tpu.memory_space<hbm>> -> memref<80x128xf32, #tpu.memory_space<hbm>>
        %dma_start3A_87 = arith.constant 0 : i32
        %dma_start3A_88 = tpu.memref_slice %arg7[%add3A_84, %dma_start3A_87] : memref<166400x128xf32, #tpu.memory_space<hbm>> -> memref<80x128xf32, #tpu.memory_space<hbm>>
        tpu.enqueue_dma source(%arg19 : memref<80x128xf32, #tpu.memory_space<vmem>>) target(%dma_start3A_88 : memref<80x128xf32, #tpu.memory_space<hbm>>) target_semaphore(%run_scoped3A : memref<!tpu.dma_semaphore, #tpu.memory_space<semaphore_mem>>)
        %dma_wait3A_89 = arith.constant 0 : i32
        %dma_wait3A_90 = tpu.memref_slice %arg7[%add3A_84, %dma_wait3A_89] : memref<166400x128xf32, #tpu.memory_space<hbm>> -> memref<80x128xf32, #tpu.memory_space<hbm>>
        %dma_wait3A_91 = arith.constant 0 : i32
        %dma_wait3A_92 = tpu.memref_slice %arg7[%add3A_84, %dma_wait3A_91] : memref<166400x128xf32, #tpu.memory_space<hbm>> -> memref<80x128xf32, #tpu.memory_space<hbm>>
        tpu.wait_dma2 semaphore(%run_scoped3A : memref<!tpu.dma_semaphore, #tpu.memory_space<semaphore_mem>>) src(%arg19 : memref<80x128xf32, #tpu.memory_space<vmem>>) dst(%dma_wait3A_92 : memref<80x128xf32, #tpu.memory_space<hbm>>)
        tpu.yield
      }) : () -> ()
      "tpu.region"() ({
        %run_scoped3A = tpu.sem_alloc : memref<!tpu.dma_semaphore, #tpu.memory_space<semaphore_mem>>
        %dma_start3A_85 = arith.constant 0 : i32
        %dma_start3A_86 = tpu.memref_slice %arg8[%add3A_84, %dma_start3A_85] : memref<166400x128xf32, #tpu.memory_space<hbm>> -> memref<80x128xf32, #tpu.memory_space<hbm>>
        %dma_start3A_87 = arith.constant 0 : i32
        %dma_start3A_88 = tpu.memref_slice %arg8[%add3A_84, %dma_start3A_87] : memref<166400x128xf32, #tpu.memory_space<hbm>> -> memref<80x128xf32, #tpu.memory_space<hbm>>
        tpu.enqueue_dma source(%arg20 : memref<80x128xf32, #tpu.memory_space<vmem>>) target(%dma_start3A_88 : memref<80x128xf32, #tpu.memory_space<hbm>>) target_semaphore(%run_scoped3A : memref<!tpu.dma_semaphore, #tpu.memory_space<semaphore_mem>>)
        %dma_wait3A_89 = arith.constant 0 : i32
        %dma_wait3A_90 = tpu.memref_slice %arg8[%add3A_84, %dma_wait3A_89] : memref<166400x128xf32, #tpu.memory_space<hbm>> -> memref<80x128xf32, #tpu.memory_space<hbm>>
        %dma_wait3A_91 = arith.constant 0 : i32
        %dma_wait3A_92 = tpu.memref_slice %arg8[%add3A_84, %dma_wait3A_91] : memref<166400x128xf32, #tpu.memory_space<hbm>> -> memref<80x128xf32, #tpu.memory_space<hbm>>
        tpu.wait_dma2 semaphore(%run_scoped3A : memref<!tpu.dma_semaphore, #tpu.memory_space<semaphore_mem>>) src(%arg20 : memref<80x128xf32, #tpu.memory_space<vmem>>) dst(%dma_wait3A_92 : memref<80x128xf32, #tpu.memory_space<hbm>>)
        tpu.yield
      }) : () -> ()
      "tpu.region"() ({
        %run_scoped3A = tpu.sem_alloc : memref<!tpu.dma_semaphore, #tpu.memory_space<semaphore_mem>>
        %dma_start3A_85 = arith.constant 0 : i32
        %dma_start3A_86 = tpu.memref_slice %arg9[%add3A_84, %dma_start3A_85] : memref<166400x128xf32, #tpu.memory_space<hbm>> -> memref<80x128xf32, #tpu.memory_space<hbm>>
        %dma_start3A_87 = arith.constant 0 : i32
        %dma_start3A_88 = tpu.memref_slice %arg9[%add3A_84, %dma_start3A_87] : memref<166400x128xf32, #tpu.memory_space<hbm>> -> memref<80x128xf32, #tpu.memory_space<hbm>>
        tpu.enqueue_dma source(%arg21 : memref<80x128xf32, #tpu.memory_space<vmem>>) target(%dma_start3A_88 : memref<80x128xf32, #tpu.memory_space<hbm>>) target_semaphore(%run_scoped3A : memref<!tpu.dma_semaphore, #tpu.memory_space<semaphore_mem>>)
        %dma_wait3A_89 = arith.constant 0 : i32
        %dma_wait3A_90 = tpu.memref_slice %arg9[%add3A_84, %dma_wait3A_89] : memref<166400x128xf32, #tpu.memory_space<hbm>> -> memref<80x128xf32, #tpu.memory_space<hbm>>
        %dma_wait3A_91 = arith.constant 0 : i32
        %dma_wait3A_92 = tpu.memref_slice %arg9[%add3A_84, %dma_wait3A_91] : memref<166400x128xf32, #tpu.memory_space<hbm>> -> memref<80x128xf32, #tpu.memory_space<hbm>>
        tpu.wait_dma2 semaphore(%run_scoped3A : memref<!tpu.dma_semaphore, #tpu.memory_space<semaphore_mem>>) src(%arg21 : memref<80x128xf32, #tpu.memory_space<vmem>>) dst(%dma_wait3A_92 : memref<80x128xf32, #tpu.memory_space<hbm>>)
        tpu.yield
      }) : () -> ()
    }
    %scan3A_17 = arith.constant 32 : i32
    %dma_wait3A = arith.constant 0 : i32
    %dma_wait3A_18 = arith.constant 0 : i32
    %dma_wait3A_19 = tpu.memref_slice %arg5[%dma_wait3A, %dma_wait3A_18] : memref<100000x128xf32, #tpu.memory_space<hbm>> -> memref<100000x128xf32, #tpu.memory_space<hbm>>
    tpu.wait_indirect_dma semaphore(%arg22 : memref<!tpu.dma_semaphore, #tpu.memory_space<semaphore_mem>>) src(%dma_wait3A_19 : memref<100000x128xf32, #tpu.memory_space<hbm>>) dst(%arg16 : memref<80x128xf32, #tpu.memory_space<vmem>>)
    %dma_wait3A_20 = arith.constant 0 : i32
    %dma_wait3A_21 = arith.constant 0 : i32
    %dma_wait3A_22 = tpu.memref_slice %arg6[%dma_wait3A_20, %dma_wait3A_21] : memref<100000x128xf32, #tpu.memory_space<hbm>> -> memref<100000x128xf32, #tpu.memory_space<hbm>>
    tpu.wait_indirect_dma semaphore(%arg23 : memref<!tpu.dma_semaphore, #tpu.memory_space<semaphore_mem>>) src(%dma_wait3A_22 : memref<100000x128xf32, #tpu.memory_space<hbm>>) dst(%arg17 : memref<80x128xf32, #tpu.memory_space<vmem>>)
    %dma_wait3A_23 = arith.constant 0 : i32
    %dma_wait3A_24 = arith.constant 0 : i32
    %dma_wait3A_25 = tpu.memref_slice %arg5[%dma_wait3A_23, %dma_wait3A_24] : memref<100000x128xf32, #tpu.memory_space<hbm>> -> memref<100000x128xf32, #tpu.memory_space<hbm>>
    tpu.wait_indirect_dma semaphore(%arg24 : memref<!tpu.dma_semaphore, #tpu.memory_space<semaphore_mem>>) src(%dma_wait3A_25 : memref<100000x128xf32, #tpu.memory_space<hbm>>) dst(%arg18 : memref<80x128xf32, #tpu.memory_space<vmem>>)
    %add3A_26 = arith.constant 5120 : i32
    %add3A_27 = arith.addi %mul3A_2, %add3A_26 : i32
    "tpu.region"() ({
      %run_scoped3A = tpu.sem_alloc : memref<!tpu.dma_semaphore, #tpu.memory_space<semaphore_mem>>
      %dma_start3A_28 = arith.constant 0 : i32
      %dma_start3A_29 = tpu.memref_slice %arg7[%add3A_27, %dma_start3A_28] : memref<166400x128xf32, #tpu.memory_space<hbm>> -> memref<80x128xf32, #tpu.memory_space<hbm>>
      %dma_start3A_30 = arith.constant 0 : i32
      %dma_start3A_31 = tpu.memref_slice %arg7[%add3A_27, %dma_start3A_30] : memref<166400x128xf32, #tpu.memory_space<hbm>> -> memref<80x128xf32, #tpu.memory_space<hbm>>
      tpu.enqueue_dma source(%arg16 : memref<80x128xf32, #tpu.memory_space<vmem>>) target(%dma_start3A_31 : memref<80x128xf32, #tpu.memory_space<hbm>>) target_semaphore(%run_scoped3A : memref<!tpu.dma_semaphore, #tpu.memory_space<semaphore_mem>>)
      %dma_wait3A_32 = arith.constant 0 : i32
      %dma_wait3A_33 = tpu.memref_slice %arg7[%add3A_27, %dma_wait3A_32] : memref<166400x128xf32, #tpu.memory_space<hbm>> -> memref<80x128xf32, #tpu.memory_space<hbm>>
      %dma_wait3A_34 = arith.constant 0 : i32
      %dma_wait3A_35 = tpu.memref_slice %arg7[%add3A_27, %dma_wait3A_34] : memref<166400x128xf32, #tpu.memory_space<hbm>> -> memref<80x128xf32, #tpu.memory_space<hbm>>
      tpu.wait_dma2 semaphore(%run_scoped3A : memref<!tpu.dma_semaphore, #tpu.memory_space<semaphore_mem>>) src(%arg16 : memref<80x128xf32, #tpu.memory_space<vmem>>) dst(%dma_wait3A_35 : memref<80x128xf32, #tpu.memory_space<hbm>>)
      tpu.yield
    }) : () -> ()
    "tpu.region"() ({
      %run_scoped3A = tpu.sem_alloc : memref<!tpu.dma_semaphore, #tpu.memory_space<semaphore_mem>>
      %dma_start3A_28 = arith.constant 0 : i32
      %dma_start3A_29 = tpu.memref_slice %arg8[%add3A_27, %dma_start3A_28] : memref<166400x128xf32, #tpu.memory_space<hbm>> -> memref<80x128xf32, #tpu.memory_space<hbm>>
      %dma_start3A_30 = arith.constant 0 : i32
      %dma_start3A_31 = tpu.memref_slice %arg8[%add3A_27, %dma_start3A_30] : memref<166400x128xf32, #tpu.memory_space<hbm>> -> memref<80x128xf32, #tpu.memory_space<hbm>>
      tpu.enqueue_dma source(%arg17 : memref<80x128xf32, #tpu.memory_space<vmem>>) target(%dma_start3A_31 : memref<80x128xf32, #tpu.memory_space<hbm>>) target_semaphore(%run_scoped3A : memref<!tpu.dma_semaphore, #tpu.memory_space<semaphore_mem>>)
      %dma_wait3A_32 = arith.constant 0 : i32
      %dma_wait3A_33 = tpu.memref_slice %arg8[%add3A_27, %dma_wait3A_32] : memref<166400x128xf32, #tpu.memory_space<hbm>> -> memref<80x128xf32, #tpu.memory_space<hbm>>
      %dma_wait3A_34 = arith.constant 0 : i32
      %dma_wait3A_35 = tpu.memref_slice %arg8[%add3A_27, %dma_wait3A_34] : memref<166400x128xf32, #tpu.memory_space<hbm>> -> memref<80x128xf32, #tpu.memory_space<hbm>>
      tpu.wait_dma2 semaphore(%run_scoped3A : memref<!tpu.dma_semaphore, #tpu.memory_space<semaphore_mem>>) src(%arg17 : memref<80x128xf32, #tpu.memory_space<vmem>>) dst(%dma_wait3A_35 : memref<80x128xf32, #tpu.memory_space<hbm>>)
      tpu.yield
    }) : () -> ()
    "tpu.region"() ({
      %run_scoped3A = tpu.sem_alloc : memref<!tpu.dma_semaphore, #tpu.memory_space<semaphore_mem>>
      %dma_start3A_28 = arith.constant 0 : i32
      %dma_start3A_29 = tpu.memref_slice %arg9[%add3A_27, %dma_start3A_28] : memref<166400x128xf32, #tpu.memory_space<hbm>> -> memref<80x128xf32, #tpu.memory_space<hbm>>
      %dma_start3A_30 = arith.constant 0 : i32
      %dma_start3A_31 = tpu.memref_slice %arg9[%add3A_27, %dma_start3A_30] : memref<166400x128xf32, #tpu.memory_space<hbm>> -> memref<80x128xf32, #tpu.memory_space<hbm>>
      tpu.enqueue_dma source(%arg18 : memref<80x128xf32, #tpu.memory_space<vmem>>) target(%dma_start3A_31 : memref<80x128xf32, #tpu.memory_space<hbm>>) target_semaphore(%run_scoped3A : memref<!tpu.dma_semaphore, #tpu.memory_space<semaphore_mem>>)
      %dma_wait3A_32 = arith.constant 0 : i32
      %dma_wait3A_33 = tpu.memref_slice %arg9[%add3A_27, %dma_wait3A_32] : memref<166400x128xf32, #tpu.memory_space<hbm>> -> memref<80x128xf32, #tpu.memory_space<hbm>>
      %dma_wait3A_34 = arith.constant 0 : i32
      %dma_wait3A_35 = tpu.memref_slice %arg9[%add3A_27, %dma_wait3A_34] : memref<166400x128xf32, #tpu.memory_space<hbm>> -> memref<80x128xf32, #tpu.memory_space<hbm>>
      tpu.wait_dma2 semaphore(%run_scoped3A : memref<!tpu.dma_semaphore, #tpu.memory_space<semaphore_mem>>) src(%arg18 : memref<80x128xf32, #tpu.memory_space<vmem>>) dst(%dma_wait3A_35 : memref<80x128xf32, #tpu.memory_space<hbm>>)
      tpu.yield
    }) : () -> ()
    return
  }
}

module attributes {stable_mosaic.version = 14 : i64} {
  func.func @body(%arg0: i32, %arg1: memref<41xi32, #tpu.memory_space<smem>>, %arg2: memref<153600x128xf32, #tpu.memory_space<hbm>>, %arg3: memref<153600x128xf32, #tpu.memory_space<hbm>>, %arg4: memref<153600x128xf32, #tpu.memory_space<hbm>>, %arg5: memref<1x320000xi32, #tpu.memory_space<hbm>>, %arg6: memref<128x256xf32, #tpu.memory_space<vmem>>, %arg7: memref<128x256xf32, #tpu.memory_space<vmem>>, %arg8: memref<128x256xf32, #tpu.memory_space<vmem>>, %arg9: memref<1x256xf32, #tpu.memory_space<vmem>>, %arg10: memref<1000x256xf32, #tpu.memory_space<vmem>>, %arg11: memref<1x1000xf32, #tpu.memory_space<vmem>>, %arg12: memref<256x1000xf32, #tpu.memory_space<vmem>>, %arg13: memref<2x2048x128xf32, #tpu.memory_space<vmem>>, %arg14: memref<2x2048x128xf32, #tpu.memory_space<vmem>>, %arg15: memref<2x2048x128xf32, #tpu.memory_space<vmem>>, %arg16: memref<2x1x2048xi32, #tpu.memory_space<vmem>>, %arg17: memref<2x!tpu.dma_semaphore, #tpu.memory_space<semaphore_mem>>, %arg18: memref<2x!tpu.dma_semaphore, #tpu.memory_space<semaphore_mem>>, %arg19: memref<2x!tpu.dma_semaphore, #tpu.memory_space<semaphore_mem>>, %arg20: memref<2x!tpu.dma_semaphore, #tpu.memory_space<semaphore_mem>>) attributes {dimension_semantics = [#tpu.dimension_semantics<arbitrary>], iteration_bounds = array<i64: 40>, scalar_prefetch = 0 : i64, scratch_operands = 8 : i64, tpu.core_type = #tpu.core_type<tc>, window_params = [{transform_indices = @transform_0, window_bounds = array<i64: 41>}, {}, {}, {}, {}, {pipeline_mode = #tpu.pipeline_mode<synchronous>, transform_indices = @transform_5, window_bounds = array<i64: 128, 256>}, {pipeline_mode = #tpu.pipeline_mode<synchronous>, transform_indices = @transform_6, window_bounds = array<i64: 128, 256>}, {pipeline_mode = #tpu.pipeline_mode<synchronous>, transform_indices = @transform_7, window_bounds = array<i64: 128, 256>}, {pipeline_mode = #tpu.pipeline_mode<synchronous>, transform_indices = @transform_8, window_bounds = array<i64: 1, 256>}, {pipeline_mode = #tpu.pipeline_mode<synchronous>, transform_indices = @transform_9, window_bounds = array<i64: 1000, 256>}, {pipeline_mode = #tpu.pipeline_mode<synchronous>, transform_indices = @transform_10, window_bounds = array<i64: 1, 1000>}, {transform_indices = @transform_11, window_bounds = array<i64: 256, 1000>}]} {
    %get3A = arith.index_cast %arg0 : i32 to index
    %get3A_0 = memref.load %arg1[%get3A] : memref<41xi32, #tpu.memory_space<smem>>
    %add3A = arith.constant 1 : i32
    %add3A_1 = arith.addi %arg0, %add3A : i32
    %get3A_2 = arith.index_cast %add3A_1 : i32 to index
    %get3A_3 = memref.load %arg1[%get3A_2] : memref<41xi32, #tpu.memory_space<smem>>
    %le3A = arith.constant 153600 : i32
    %le3A_4 = arith.cmpi sle, %get3A_3, %le3A : i32
    %jit3A = arith.constant 2048 : i32
    %div3A = arith.divsi %get3A_0, %jit3A : i32
    %sign3A = arith.constant 0 : i32
    %sign3A_5 = arith.cmpi sgt, %get3A_0, %sign3A : i32
    %sign3A_6 = arith.extui %sign3A_5 : i1 to i32
    %sign3A_7 = arith.constant 0 : i32
    %sign3A_8 = arith.cmpi slt, %get3A_0, %sign3A_7 : i32
    %sign3A_9 = arith.extui %sign3A_8 : i1 to i32
    %sign3A_10 = arith.subi %sign3A_6, %sign3A_9 : i32
    %sign3A_11 = arith.constant 0 : i32
    %sign3A_12 = arith.cmpi sgt, %jit3A, %sign3A_11 : i32
    %sign3A_13 = arith.extui %sign3A_12 : i1 to i32
    %sign3A_14 = arith.constant 0 : i32
    %sign3A_15 = arith.cmpi slt, %jit3A, %sign3A_14 : i32
    %sign3A_16 = arith.extui %sign3A_15 : i1 to i32
    %sign3A_17 = arith.subi %sign3A_13, %sign3A_16 : i32
    %ne3A = arith.cmpi ne, %sign3A_10, %sign3A_17 : i32
    %rem3A = arith.remsi %get3A_0, %jit3A : i32
    %ne3A_18 = arith.constant 0 : i32
    %ne3A_19 = arith.cmpi ne, %rem3A, %ne3A_18 : i32
    %and3A = arith.andi %ne3A, %ne3A_19 : i1
    %sub3A = arith.constant 1 : i32
    %sub3A_20 = arith.subi %div3A, %sub3A : i32
    %select_n3A = arith.select %and3A, %sub3A_20, %div3A : i32
    %jit3A_21 = arith.constant 0 : i32
    %select_n3A_22 = arith.select %le3A_4, %select_n3A, %jit3A_21 : i32
    %add3A_23 = arith.constant 2048 : i32
    %add3A_24 = arith.addi %get3A_3, %add3A_23 : i32
    %sub3A_25 = arith.constant 1 : i32
    %sub3A_26 = arith.subi %add3A_24, %sub3A_25 : i32
    %div3A_27 = arith.constant 2048 : i32
    %div3A_28 = arith.divsi %sub3A_26, %div3A_27 : i32
    %jit3A_29 = arith.constant 0 : i32
    %select_n3A_30 = arith.select %le3A_4, %div3A_28, %jit3A_29 : i32
    %mul3A = arith.constant 256 : i32
    %mul3A_31 = arith.muli %arg0, %mul3A : i32
    %lt3A = arith.cmpi slt, %select_n3A_22, %select_n3A_30 : i32
    %convert_element_type3A = arith.extui %lt3A : i1 to i32
    %cond3A = arith.constant 0 : i32
    %cond3A_32 = arith.cmpi ne, %convert_element_type3A, %cond3A : i32
    scf.if %cond3A_32 {
      %mul3A_76 = arith.constant 2048 : i32
      %mul3A_77 = arith.muli %select_n3A_22, %mul3A_76 : i32
      %min3A = arith.constant 317952 : i32
      %min3A_78 = arith.minsi %mul3A_77, %min3A : i32
      %dma_start3A = arith.constant 0 : i32
      %dma_start3A_79 = arith.constant 0 : i32
      %dma_start3A_80 = tpu.memref_slice %arg17[%dma_start3A_79] : memref<2x!tpu.dma_semaphore, #tpu.memory_space<semaphore_mem>> -> memref<1x!tpu.dma_semaphore, #tpu.memory_space<semaphore_mem>>
      %dma_start3A_81 = tpu.memref_squeeze %dma_start3A_80 : memref<1x!tpu.dma_semaphore, #tpu.memory_space<semaphore_mem>> -> memref<!tpu.dma_semaphore, #tpu.memory_space<semaphore_mem>>
      %dma_start3A_82 = arith.constant 0 : i32
      %dma_start3A_83 = arith.constant 0 : i32
      %dma_start3A_84 = tpu.memref_slice %arg13[%dma_start3A, %dma_start3A_82, %dma_start3A_83] : memref<2x2048x128xf32, #tpu.memory_space<vmem>> -> memref<1x2048x128xf32, #tpu.memory_space<vmem>>
      %dma_start3A_85 = tpu.memref_squeeze %dma_start3A_84 : memref<1x2048x128xf32, #tpu.memory_space<vmem>> -> memref<2048x128xf32, #tpu.memory_space<vmem>>
      %dma_start3A_86 = arith.constant 0 : i32
      %dma_start3A_87 = tpu.memref_slice %arg2[%min3A_78, %dma_start3A_86] : memref<153600x128xf32, #tpu.memory_space<hbm>> -> memref<2048x128xf32, #tpu.memory_space<hbm>>
      tpu.enqueue_dma source(%dma_start3A_87 : memref<2048x128xf32, #tpu.memory_space<hbm>>) target(%dma_start3A_85 : memref<2048x128xf32, #tpu.memory_space<vmem>>) target_semaphore(%dma_start3A_81 : memref<!tpu.dma_semaphore, #tpu.memory_space<semaphore_mem>>)
      %dma_start3A_88 = arith.constant 0 : i32
      %dma_start3A_89 = arith.constant 0 : i32
      %dma_start3A_90 = tpu.memref_slice %arg18[%dma_start3A_89] : memref<2x!tpu.dma_semaphore, #tpu.memory_space<semaphore_mem>> -> memref<1x!tpu.dma_semaphore, #tpu.memory_space<semaphore_mem>>
      %dma_start3A_91 = tpu.memref_squeeze %dma_start3A_90 : memref<1x!tpu.dma_semaphore, #tpu.memory_space<semaphore_mem>> -> memref<!tpu.dma_semaphore, #tpu.memory_space<semaphore_mem>>
      %dma_start3A_92 = arith.constant 0 : i32
      %dma_start3A_93 = arith.constant 0 : i32
      %dma_start3A_94 = tpu.memref_slice %arg14[%dma_start3A_88, %dma_start3A_92, %dma_start3A_93] : memref<2x2048x128xf32, #tpu.memory_space<vmem>> -> memref<1x2048x128xf32, #tpu.memory_space<vmem>>
      %dma_start3A_95 = tpu.memref_squeeze %dma_start3A_94 : memref<1x2048x128xf32, #tpu.memory_space<vmem>> -> memref<2048x128xf32, #tpu.memory_space<vmem>>
      %dma_start3A_96 = arith.constant 0 : i32
      %dma_start3A_97 = tpu.memref_slice %arg3[%min3A_78, %dma_start3A_96] : memref<153600x128xf32, #tpu.memory_space<hbm>> -> memref<2048x128xf32, #tpu.memory_space<hbm>>
      tpu.enqueue_dma source(%dma_start3A_97 : memref<2048x128xf32, #tpu.memory_space<hbm>>) target(%dma_start3A_95 : memref<2048x128xf32, #tpu.memory_space<vmem>>) target_semaphore(%dma_start3A_91 : memref<!tpu.dma_semaphore, #tpu.memory_space<semaphore_mem>>)
      %dma_start3A_98 = arith.constant 0 : i32
      %dma_start3A_99 = arith.constant 0 : i32
      %dma_start3A_100 = tpu.memref_slice %arg19[%dma_start3A_99] : memref<2x!tpu.dma_semaphore, #tpu.memory_space<semaphore_mem>> -> memref<1x!tpu.dma_semaphore, #tpu.memory_space<semaphore_mem>>
      %dma_start3A_101 = tpu.memref_squeeze %dma_start3A_100 : memref<1x!tpu.dma_semaphore, #tpu.memory_space<semaphore_mem>> -> memref<!tpu.dma_semaphore, #tpu.memory_space<semaphore_mem>>
      %dma_start3A_102 = arith.constant 0 : i32
      %dma_start3A_103 = arith.constant 0 : i32
      %dma_start3A_104 = tpu.memref_slice %arg15[%dma_start3A_98, %dma_start3A_102, %dma_start3A_103] : memref<2x2048x128xf32, #tpu.memory_space<vmem>> -> memref<1x2048x128xf32, #tpu.memory_space<vmem>>
      %dma_start3A_105 = tpu.memref_squeeze %dma_start3A_104 : memref<1x2048x128xf32, #tpu.memory_space<vmem>> -> memref<2048x128xf32, #tpu.memory_space<vmem>>
      %dma_start3A_106 = arith.constant 0 : i32
      %dma_start3A_107 = tpu.memref_slice %arg4[%min3A_78, %dma_start3A_106] : memref<153600x128xf32, #tpu.memory_space<hbm>> -> memref<2048x128xf32, #tpu.memory_space<hbm>>
      tpu.enqueue_dma source(%dma_start3A_107 : memref<2048x128xf32, #tpu.memory_space<hbm>>) target(%dma_start3A_105 : memref<2048x128xf32, #tpu.memory_space<vmem>>) target_semaphore(%dma_start3A_101 : memref<!tpu.dma_semaphore, #tpu.memory_space<semaphore_mem>>)
      %dma_start3A_108 = arith.constant 0 : i32
      %dma_start3A_109 = arith.constant 0 : i32
      %dma_start3A_110 = tpu.memref_slice %arg20[%dma_start3A_109] : memref<2x!tpu.dma_semaphore, #tpu.memory_space<semaphore_mem>> -> memref<1x!tpu.dma_semaphore, #tpu.memory_space<semaphore_mem>>
      %dma_start3A_111 = tpu.memref_squeeze %dma_start3A_110 : memref<1x!tpu.dma_semaphore, #tpu.memory_space<semaphore_mem>> -> memref<!tpu.dma_semaphore, #tpu.memory_space<semaphore_mem>>
      %dma_start3A_112 = arith.constant 0 : i32
      %dma_start3A_113 = arith.constant 0 : i32
      %dma_start3A_114 = tpu.memref_slice %arg16[%dma_start3A_108, %dma_start3A_112, %dma_start3A_113] : memref<2x1x2048xi32, #tpu.memory_space<vmem>> -> memref<1x1x2048xi32, #tpu.memory_space<vmem>>
      %dma_start3A_115 = tpu.memref_squeeze %dma_start3A_114 : memref<1x1x2048xi32, #tpu.memory_space<vmem>> -> memref<1x2048xi32, #tpu.memory_space<vmem>>
      %dma_start3A_116 = arith.constant 0 : i32
      %dma_start3A_117 = tpu.memref_slice %arg5[%dma_start3A_116, %min3A_78] : memref<1x320000xi32, #tpu.memory_space<hbm>> -> memref<1x2048xi32, #tpu.memory_space<hbm>>
      tpu.enqueue_dma source(%dma_start3A_117 : memref<1x2048xi32, #tpu.memory_space<hbm>>) target(%dma_start3A_115 : memref<1x2048xi32, #tpu.memory_space<vmem>>) target_semaphore(%dma_start3A_111 : memref<!tpu.dma_semaphore, #tpu.memory_space<semaphore_mem>>)
    } else {
    }
    %broadcast_in_dim3A = arith.constant -1.000000e+30 : f32
    %broadcast_in_dim3A_33 = vector.broadcast %broadcast_in_dim3A : f32 to vector<256x1xf32>
    %broadcast_in_dim3A_34 = arith.constant 0.000000e+00 : f32
    %broadcast_in_dim3A_35 = vector.broadcast %broadcast_in_dim3A_34 : f32 to vector<256x1xf32>
    %broadcast_in_dim3A_36 = arith.constant 0.000000e+00 : f32
    %broadcast_in_dim3A_37 = vector.broadcast %broadcast_in_dim3A_36 : f32 to vector<256x256xf32>
    %while3A = arith.subi %select_n3A_30, %select_n3A_22 : i32
    %while3A_38 = arith.addi %select_n3A_22, %while3A : i32
    %while3A_39 = arith.constant 1 : i32
    %while3A_40 = arith.divsi %while3A, %while3A_39 : i32
    %while3A_41 = arith.muli %while3A_40, %while3A_39 : i32
    %while3A_42 = arith.addi %select_n3A_22, %while3A_41 : i32
    %while3A_43 = arith.constant 1 : i32
    %while3A_44:3 = scf.for %while3A_76 = %select_n3A_22 to %while3A_42 step %while3A_43 iter_args(%while3A_77 = %broadcast_in_dim3A_33, %while3A_78 = %broadcast_in_dim3A_35, %while3A_79 = %broadcast_in_dim3A_37) -> (vector<256x1xf32>, vector<256x1xf32>, vector<256x256xf32>)  : i32 {
      %sub3A_80 = arith.subi %while3A_76, %select_n3A_22 : i32
      %rem3A_81 = arith.constant 2 : i32
      %rem3A_82 = arith.remsi %sub3A_80, %rem3A_81 : i32
      %add3A_83 = arith.constant 1 : i32
      %add3A_84 = arith.addi %while3A_76, %add3A_83 : i32
      %lt3A_85 = arith.cmpi slt, %add3A_84, %select_n3A_30 : i32
      %convert_element_type3A_86 = arith.extui %lt3A_85 : i1 to i32
      %cond3A_87 = arith.constant 0 : i32
      %cond3A_88 = arith.cmpi ne, %convert_element_type3A_86, %cond3A_87 : i32
      scf.if %cond3A_88 {
        %add3A_205 = arith.constant 1 : i32
        %add3A_206 = arith.addi %while3A_76, %add3A_205 : i32
        %sub3A_207 = arith.constant 1 : i32
        %sub3A_208 = arith.subi %sub3A_207, %rem3A_82 : i32
        %mul3A_209 = arith.constant 2048 : i32
        %mul3A_210 = arith.muli %add3A_206, %mul3A_209 : i32
        %min3A_211 = arith.constant 317952 : i32
        %min3A_212 = arith.minsi %mul3A_210, %min3A_211 : i32
        %dma_start3A = tpu.memref_slice %arg17[%sub3A_208] : memref<2x!tpu.dma_semaphore, #tpu.memory_space<semaphore_mem>> -> memref<1x!tpu.dma_semaphore, #tpu.memory_space<semaphore_mem>>
        %dma_start3A_213 = tpu.memref_squeeze %dma_start3A : memref<1x!tpu.dma_semaphore, #tpu.memory_space<semaphore_mem>> -> memref<!tpu.dma_semaphore, #tpu.memory_space<semaphore_mem>>
        %dma_start3A_214 = arith.constant 0 : i32
        %dma_start3A_215 = arith.constant 0 : i32
        %dma_start3A_216 = tpu.memref_slice %arg13[%sub3A_208, %dma_start3A_214, %dma_start3A_215] : memref<2x2048x128xf32, #tpu.memory_space<vmem>> -> memref<1x2048x128xf32, #tpu.memory_space<vmem>>
        %dma_start3A_217 = tpu.memref_squeeze %dma_start3A_216 : memref<1x2048x128xf32, #tpu.memory_space<vmem>> -> memref<2048x128xf32, #tpu.memory_space<vmem>>
        %dma_start3A_218 = arith.constant 0 : i32
        %dma_start3A_219 = tpu.memref_slice %arg2[%min3A_212, %dma_start3A_218] : memref<153600x128xf32, #tpu.memory_space<hbm>> -> memref<2048x128xf32, #tpu.memory_space<hbm>>
        tpu.enqueue_dma source(%dma_start3A_219 : memref<2048x128xf32, #tpu.memory_space<hbm>>) target(%dma_start3A_217 : memref<2048x128xf32, #tpu.memory_space<vmem>>) target_semaphore(%dma_start3A_213 : memref<!tpu.dma_semaphore, #tpu.memory_space<semaphore_mem>>)
        %dma_start3A_220 = tpu.memref_slice %arg18[%sub3A_208] : memref<2x!tpu.dma_semaphore, #tpu.memory_space<semaphore_mem>> -> memref<1x!tpu.dma_semaphore, #tpu.memory_space<semaphore_mem>>
        %dma_start3A_221 = tpu.memref_squeeze %dma_start3A_220 : memref<1x!tpu.dma_semaphore, #tpu.memory_space<semaphore_mem>> -> memref<!tpu.dma_semaphore, #tpu.memory_space<semaphore_mem>>
        %dma_start3A_222 = arith.constant 0 : i32
        %dma_start3A_223 = arith.constant 0 : i32
        %dma_start3A_224 = tpu.memref_slice %arg14[%sub3A_208, %dma_start3A_222, %dma_start3A_223] : memref<2x2048x128xf32, #tpu.memory_space<vmem>> -> memref<1x2048x128xf32, #tpu.memory_space<vmem>>
        %dma_start3A_225 = tpu.memref_squeeze %dma_start3A_224 : memref<1x2048x128xf32, #tpu.memory_space<vmem>> -> memref<2048x128xf32, #tpu.memory_space<vmem>>
        %dma_start3A_226 = arith.constant 0 : i32
        %dma_start3A_227 = tpu.memref_slice %arg3[%min3A_212, %dma_start3A_226] : memref<153600x128xf32, #tpu.memory_space<hbm>> -> memref<2048x128xf32, #tpu.memory_space<hbm>>
        tpu.enqueue_dma source(%dma_start3A_227 : memref<2048x128xf32, #tpu.memory_space<hbm>>) target(%dma_start3A_225 : memref<2048x128xf32, #tpu.memory_space<vmem>>) target_semaphore(%dma_start3A_221 : memref<!tpu.dma_semaphore, #tpu.memory_space<semaphore_mem>>)
        %dma_start3A_228 = tpu.memref_slice %arg19[%sub3A_208] : memref<2x!tpu.dma_semaphore, #tpu.memory_space<semaphore_mem>> -> memref<1x!tpu.dma_semaphore, #tpu.memory_space<semaphore_mem>>
        %dma_start3A_229 = tpu.memref_squeeze %dma_start3A_228 : memref<1x!tpu.dma_semaphore, #tpu.memory_space<semaphore_mem>> -> memref<!tpu.dma_semaphore, #tpu.memory_space<semaphore_mem>>
        %dma_start3A_230 = arith.constant 0 : i32
        %dma_start3A_231 = arith.constant 0 : i32
        %dma_start3A_232 = tpu.memref_slice %arg15[%sub3A_208, %dma_start3A_230, %dma_start3A_231] : memref<2x2048x128xf32, #tpu.memory_space<vmem>> -> memref<1x2048x128xf32, #tpu.memory_space<vmem>>
        %dma_start3A_233 = tpu.memref_squeeze %dma_start3A_232 : memref<1x2048x128xf32, #tpu.memory_space<vmem>> -> memref<2048x128xf32, #tpu.memory_space<vmem>>
        %dma_start3A_234 = arith.constant 0 : i32
        %dma_start3A_235 = tpu.memref_slice %arg4[%min3A_212, %dma_start3A_234] : memref<153600x128xf32, #tpu.memory_space<hbm>> -> memref<2048x128xf32, #tpu.memory_space<hbm>>
        tpu.enqueue_dma source(%dma_start3A_235 : memref<2048x128xf32, #tpu.memory_space<hbm>>) target(%dma_start3A_233 : memref<2048x128xf32, #tpu.memory_space<vmem>>) target_semaphore(%dma_start3A_229 : memref<!tpu.dma_semaphore, #tpu.memory_space<semaphore_mem>>)
        %dma_start3A_236 = tpu.memref_slice %arg20[%sub3A_208] : memref<2x!tpu.dma_semaphore, #tpu.memory_space<semaphore_mem>> -> memref<1x!tpu.dma_semaphore, #tpu.memory_space<semaphore_mem>>
        %dma_start3A_237 = tpu.memref_squeeze %dma_start3A_236 : memref<1x!tpu.dma_semaphore, #tpu.memory_space<semaphore_mem>> -> memref<!tpu.dma_semaphore, #tpu.memory_space<semaphore_mem>>
        %dma_start3A_238 = arith.constant 0 : i32
        %dma_start3A_239 = arith.constant 0 : i32
        %dma_start3A_240 = tpu.memref_slice %arg16[%sub3A_208, %dma_start3A_238, %dma_start3A_239] : memref<2x1x2048xi32, #tpu.memory_space<vmem>> -> memref<1x1x2048xi32, #tpu.memory_space<vmem>>
        %dma_start3A_241 = tpu.memref_squeeze %dma_start3A_240 : memref<1x1x2048xi32, #tpu.memory_space<vmem>> -> memref<1x2048xi32, #tpu.memory_space<vmem>>
        %dma_start3A_242 = arith.constant 0 : i32
        %dma_start3A_243 = tpu.memref_slice %arg5[%dma_start3A_242, %min3A_212] : memref<1x320000xi32, #tpu.memory_space<hbm>> -> memref<1x2048xi32, #tpu.memory_space<hbm>>
        tpu.enqueue_dma source(%dma_start3A_243 : memref<1x2048xi32, #tpu.memory_space<hbm>>) target(%dma_start3A_241 : memref<1x2048xi32, #tpu.memory_space<vmem>>) target_semaphore(%dma_start3A_237 : memref<!tpu.dma_semaphore, #tpu.memory_space<semaphore_mem>>)
      } else {
      }
      %mul3A_89 = arith.constant 2048 : i32
      %mul3A_90 = arith.muli %while3A_76, %mul3A_89 : i32
      %min3A = arith.constant 317952 : i32
      %min3A_91 = arith.minsi %mul3A_90, %min3A : i32
      %dma_wait3A = tpu.memref_slice %arg17[%rem3A_82] : memref<2x!tpu.dma_semaphore, #tpu.memory_space<semaphore_mem>> -> memref<1x!tpu.dma_semaphore, #tpu.memory_space<semaphore_mem>>
      %dma_wait3A_92 = tpu.memref_squeeze %dma_wait3A : memref<1x!tpu.dma_semaphore, #tpu.memory_space<semaphore_mem>> -> memref<!tpu.dma_semaphore, #tpu.memory_space<semaphore_mem>>
      %dma_wait3A_93 = arith.constant 0 : i32
      %dma_wait3A_94 = arith.constant 0 : i32
      %dma_wait3A_95 = tpu.memref_slice %arg13[%rem3A_82, %dma_wait3A_93, %dma_wait3A_94] : memref<2x2048x128xf32, #tpu.memory_space<vmem>> -> memref<1x2048x128xf32, #tpu.memory_space<vmem>>
      %dma_wait3A_96 = tpu.memref_squeeze %dma_wait3A_95 : memref<1x2048x128xf32, #tpu.memory_space<vmem>> -> memref<2048x128xf32, #tpu.memory_space<vmem>>
      %dma_wait3A_97 = arith.constant 0 : i32
      %dma_wait3A_98 = tpu.memref_slice %arg2[%min3A_91, %dma_wait3A_97] : memref<153600x128xf32, #tpu.memory_space<hbm>> -> memref<2048x128xf32, #tpu.memory_space<hbm>>
      tpu.wait_dma2 semaphore(%dma_wait3A_92 : memref<!tpu.dma_semaphore, #tpu.memory_space<semaphore_mem>>) src(%dma_wait3A_98 : memref<2048x128xf32, #tpu.memory_space<hbm>>) dst(%dma_wait3A_96 : memref<2048x128xf32, #tpu.memory_space<vmem>>)
      %dma_wait3A_99 = tpu.memref_slice %arg18[%rem3A_82] : memref<2x!tpu.dma_semaphore, #tpu.memory_space<semaphore_mem>> -> memref<1x!tpu.dma_semaphore, #tpu.memory_space<semaphore_mem>>
      %dma_wait3A_100 = tpu.memref_squeeze %dma_wait3A_99 : memref<1x!tpu.dma_semaphore, #tpu.memory_space<semaphore_mem>> -> memref<!tpu.dma_semaphore, #tpu.memory_space<semaphore_mem>>
      %dma_wait3A_101 = arith.constant 0 : i32
      %dma_wait3A_102 = arith.constant 0 : i32
      %dma_wait3A_103 = tpu.memref_slice %arg14[%rem3A_82, %dma_wait3A_101, %dma_wait3A_102] : memref<2x2048x128xf32, #tpu.memory_space<vmem>> -> memref<1x2048x128xf32, #tpu.memory_space<vmem>>
      %dma_wait3A_104 = tpu.memref_squeeze %dma_wait3A_103 : memref<1x2048x128xf32, #tpu.memory_space<vmem>> -> memref<2048x128xf32, #tpu.memory_space<vmem>>
      %dma_wait3A_105 = arith.constant 0 : i32
      %dma_wait3A_106 = tpu.memref_slice %arg3[%min3A_91, %dma_wait3A_105] : memref<153600x128xf32, #tpu.memory_space<hbm>> -> memref<2048x128xf32, #tpu.memory_space<hbm>>
      tpu.wait_dma2 semaphore(%dma_wait3A_100 : memref<!tpu.dma_semaphore, #tpu.memory_space<semaphore_mem>>) src(%dma_wait3A_106 : memref<2048x128xf32, #tpu.memory_space<hbm>>) dst(%dma_wait3A_104 : memref<2048x128xf32, #tpu.memory_space<vmem>>)
      %dma_wait3A_107 = tpu.memref_slice %arg19[%rem3A_82] : memref<2x!tpu.dma_semaphore, #tpu.memory_space<semaphore_mem>> -> memref<1x!tpu.dma_semaphore, #tpu.memory_space<semaphore_mem>>
      %dma_wait3A_108 = tpu.memref_squeeze %dma_wait3A_107 : memref<1x!tpu.dma_semaphore, #tpu.memory_space<semaphore_mem>> -> memref<!tpu.dma_semaphore, #tpu.memory_space<semaphore_mem>>
      %dma_wait3A_109 = arith.constant 0 : i32
      %dma_wait3A_110 = arith.constant 0 : i32
      %dma_wait3A_111 = tpu.memref_slice %arg15[%rem3A_82, %dma_wait3A_109, %dma_wait3A_110] : memref<2x2048x128xf32, #tpu.memory_space<vmem>> -> memref<1x2048x128xf32, #tpu.memory_space<vmem>>
      %dma_wait3A_112 = tpu.memref_squeeze %dma_wait3A_111 : memref<1x2048x128xf32, #tpu.memory_space<vmem>> -> memref<2048x128xf32, #tpu.memory_space<vmem>>
      %dma_wait3A_113 = arith.constant 0 : i32
      %dma_wait3A_114 = tpu.memref_slice %arg4[%min3A_91, %dma_wait3A_113] : memref<153600x128xf32, #tpu.memory_space<hbm>> -> memref<2048x128xf32, #tpu.memory_space<hbm>>
      tpu.wait_dma2 semaphore(%dma_wait3A_108 : memref<!tpu.dma_semaphore, #tpu.memory_space<semaphore_mem>>) src(%dma_wait3A_114 : memref<2048x128xf32, #tpu.memory_space<hbm>>) dst(%dma_wait3A_112 : memref<2048x128xf32, #tpu.memory_space<vmem>>)
      %dma_wait3A_115 = tpu.memref_slice %arg20[%rem3A_82] : memref<2x!tpu.dma_semaphore, #tpu.memory_space<semaphore_mem>> -> memref<1x!tpu.dma_semaphore, #tpu.memory_space<semaphore_mem>>
      %dma_wait3A_116 = tpu.memref_squeeze %dma_wait3A_115 : memref<1x!tpu.dma_semaphore, #tpu.memory_space<semaphore_mem>> -> memref<!tpu.dma_semaphore, #tpu.memory_space<semaphore_mem>>
      %dma_wait3A_117 = arith.constant 0 : i32
      %dma_wait3A_118 = arith.constant 0 : i32
      %dma_wait3A_119 = tpu.memref_slice %arg16[%rem3A_82, %dma_wait3A_117, %dma_wait3A_118] : memref<2x1x2048xi32, #tpu.memory_space<vmem>> -> memref<1x1x2048xi32, #tpu.memory_space<vmem>>
      %dma_wait3A_120 = tpu.memref_squeeze %dma_wait3A_119 : memref<1x1x2048xi32, #tpu.memory_space<vmem>> -> memref<1x2048xi32, #tpu.memory_space<vmem>>
      %dma_wait3A_121 = arith.constant 0 : i32
      %dma_wait3A_122 = tpu.memref_slice %arg5[%dma_wait3A_121, %min3A_91] : memref<1x320000xi32, #tpu.memory_space<hbm>> -> memref<1x2048xi32, #tpu.memory_space<hbm>>
      tpu.wait_dma2 semaphore(%dma_wait3A_116 : memref<!tpu.dma_semaphore, #tpu.memory_space<semaphore_mem>>) src(%dma_wait3A_122 : memref<1x2048xi32, #tpu.memory_space<hbm>>) dst(%dma_wait3A_120 : memref<1x2048xi32, #tpu.memory_space<vmem>>)
      %get3A_123 = arith.index_cast %rem3A_82 : i32 to index
      %get3A_124 = arith.constant 0 : index
      %get3A_125 = arith.constant 0 : index
      %get3A_126 = vector.load %arg13[%get3A_123, %get3A_124, %get3A_125] : memref<2x2048x128xf32, #tpu.memory_space<vmem>>, vector<1x2048x128xf32>
      %get3A_127 = vector.shape_cast %get3A_126 : vector<1x2048x128xf32> to vector<2048x128xf32>
      %get3A_128 = arith.constant 0 : index
      %get3A_129 = arith.constant 0 : index
      %get3A_130 = vector.load %arg6[%get3A_128, %get3A_129] : memref<128x256xf32, #tpu.memory_space<vmem>>, vector<128x256xf32>
      %dot_general3A_131 = arith.constant dense<0.000000e+00> : vector<2048x256xf32>
      %dot_general3A_132 = tpu.matmul %get3A_127, %get3A_130, %dot_general3A_131 {dimension_numbers = #tpu.dot_dimension_numbers<[1], [0], [0], [1], [0, 0, 1, 1], [], []>, transpose_lhs_hint = false} : vector<2048x128xf32>, vector<128x256xf32>, vector<2048x256xf32> -> vector<2048x256xf32>
      %get3A_133 = arith.index_cast %rem3A_82 : i32 to index
      %get3A_134 = arith.constant 0 : index
      %get3A_135 = arith.constant 0 : index
      %get3A_136 = vector.load %arg14[%get3A_133, %get3A_134, %get3A_135] : memref<2x2048x128xf32, #tpu.memory_space<vmem>>, vector<1x2048x128xf32>
      %get3A_137 = vector.shape_cast %get3A_136 : vector<1x2048x128xf32> to vector<2048x128xf32>
      %get3A_138 = arith.constant 0 : index
      %get3A_139 = arith.constant 0 : index
      %get3A_140 = vector.load %arg7[%get3A_138, %get3A_139] : memref<128x256xf32, #tpu.memory_space<vmem>>, vector<128x256xf32>
      %dot_general3A_141 = arith.constant dense<0.000000e+00> : vector<2048x256xf32>
      %dot_general3A_142 = tpu.matmul %get3A_137, %get3A_140, %dot_general3A_141 {dimension_numbers = #tpu.dot_dimension_numbers<[1], [0], [0], [1], [0, 0, 1, 1], [], []>, transpose_lhs_hint = false} : vector<2048x128xf32>, vector<128x256xf32>, vector<2048x256xf32> -> vector<2048x256xf32>
      %add3A_143 = arith.addf %dot_general3A_132, %dot_general3A_142 : vector<2048x256xf32>
      %get3A_144 = arith.index_cast %rem3A_82 : i32 to index
      %get3A_145 = arith.constant 0 : index
      %get3A_146 = arith.constant 0 : index
      %get3A_147 = vector.load %arg15[%get3A_144, %get3A_145, %get3A_146] : memref<2x2048x128xf32, #tpu.memory_space<vmem>>, vector<1x2048x128xf32>
      %get3A_148 = vector.shape_cast %get3A_147 : vector<1x2048x128xf32> to vector<2048x128xf32>
      %get3A_149 = arith.constant 0 : index
      %get3A_150 = arith.constant 0 : index
      %get3A_151 = vector.load %arg8[%get3A_149, %get3A_150] : memref<128x256xf32, #tpu.memory_space<vmem>>, vector<128x256xf32>
      %dot_general3A_152 = arith.constant dense<0.000000e+00> : vector<2048x256xf32>
      %dot_general3A_153 = tpu.matmul %get3A_148, %get3A_151, %dot_general3A_152 {dimension_numbers = #tpu.dot_dimension_numbers<[1], [0], [0], [1], [0, 0, 1, 1], [], []>, transpose_lhs_hint = false} : vector<2048x128xf32>, vector<128x256xf32>, vector<2048x256xf32> -> vector<2048x256xf32>
      %add3A_154 = arith.addf %add3A_143, %dot_general3A_153 : vector<2048x256xf32>
      %tanh3A = math.tanh %add3A_154 : vector<2048x256xf32>
      %get3A_155 = arith.constant 0 : index
      %get3A_156 = arith.constant 0 : index
      %get3A_157 = vector.load %arg9[%get3A_155, %get3A_156] : memref<1x256xf32, #tpu.memory_space<vmem>>, vector<1x256xf32>
      %dot_general3A_158 = arith.constant dense<0.000000e+00> : vector<1x2048xf32>
      %dot_general3A_159 = tpu.matmul %get3A_157, %tanh3A, %dot_general3A_158 {dimension_numbers = #tpu.dot_dimension_numbers<[1], [1], [0], [0], [0, 0, 1, 0], [], []>, transpose_lhs_hint = false} : vector<1x256xf32>, vector<2048x256xf32>, vector<1x2048xf32> -> vector<1x2048xf32>
      %mul3A_160 = arith.constant 2048 : i32
      %mul3A_161 = arith.muli %while3A_76, %mul3A_160 : i32
      %min3A_162 = arith.constant 317952 : i32
      %min3A_163 = arith.minsi %mul3A_161, %min3A_162 : i32
      %iota3A = tpu.iota {dimensions = array<i32: 1>} : vector<1x2048xi32>
      %add3A_164 = vector.broadcast %min3A_163 : i32 to vector<1x2048xi32>
      %add3A_165 = arith.addi %add3A_164, %iota3A : vector<1x2048xi32>
      %mul3A_166 = arith.constant 2048 : i32
      %mul3A_167 = arith.muli %while3A_76, %mul3A_166 : i32
      %ge3A = vector.broadcast %mul3A_167 : i32 to vector<1x2048xi32>
      %ge3A_168 = arith.cmpi sge, %add3A_165, %ge3A : vector<1x2048xi32>
      %get3A_169 = arith.index_cast %rem3A_82 : i32 to index
      %get3A_170 = arith.constant 0 : index
      %get3A_171 = arith.constant 0 : index
      %get3A_172 = vector.load %arg16[%get3A_169, %get3A_170, %get3A_171] : memref<2x1x2048xi32, #tpu.memory_space<vmem>>, vector<1x1x2048xi32>
      %get3A_173 = vector.shape_cast %get3A_172 : vector<1x1x2048xi32> to vector<1x2048xi32>
      %sub3A_174 = vector.broadcast %mul3A_31 : i32 to vector<1x2048xi32>
      %sub3A_175 = arith.subi %get3A_173, %sub3A_174 : vector<1x2048xi32>
      %jit3A_176 = arith.constant -1 : i32
      %broadcast_in_dim3A_177 = vector.broadcast %jit3A_176 : i32 to vector<1x2048xi32>
      %select_n3A_178 = arith.select %ge3A_168, %sub3A_175, %broadcast_in_dim3A_177 : vector<1x2048xi1>, vector<1x2048xi32>
      %iota3A_179 = tpu.iota {dimensions = array<i32: 0>} : vector<256x2048xi32>
      %eq3A = vector.broadcast %select_n3A_178 : vector<1x2048xi32> to vector<256x2048xi32>
      %eq3A_180 = arith.cmpi eq, %eq3A, %iota3A_179 : vector<256x2048xi32>
      %jit3A_181 = arith.constant -1.000000e+30 : f32
      %broadcast_in_dim3A_182 = vector.shape_cast %dot_general3A_159 : vector<1x2048xf32> to vector<1x2048xf32>
      %broadcast_in_dim3A_183 = vector.broadcast %broadcast_in_dim3A_182 : vector<1x2048xf32> to vector<256x2048xf32>
      %broadcast_in_dim3A_184 = vector.broadcast %jit3A_181 : f32 to vector<256x2048xf32>
      %select_n3A_185 = arith.select %eq3A_180, %broadcast_in_dim3A_183, %broadcast_in_dim3A_184 : vector<256x2048xi1>, vector<256x2048xf32>
      %reduce_max3A = arith.constant dense<0xFF800000> : vector<256xf32>
      %reduce_max3A_186 = vector.multi_reduction <maximumf>, %select_n3A_185, %reduce_max3A [1] : vector<256x2048xf32> to vector<256xf32>
      %broadcast_in_dim3A_187 = vector.shape_cast %reduce_max3A_186 : vector<256xf32> to vector<256x1xf32>
      %max3A = arith.maximumf %while3A_77, %broadcast_in_dim3A_187 : vector<256x1xf32>
      %sub3A_188 = arith.subf %while3A_77, %max3A : vector<256x1xf32>
      %exp3A = math.exp %sub3A_188 : vector<256x1xf32>
      %sub3A_189 = vector.broadcast %dot_general3A_159 : vector<1x2048xf32> to vector<256x2048xf32>
      %sub3A_190 = vector.broadcast %max3A : vector<256x1xf32> to vector<256x2048xf32>
      %sub3A_191 = arith.subf %sub3A_189, %sub3A_190 : vector<256x2048xf32>
      %jit3A_192 = arith.constant -1.000000e+30 : f32
      %broadcast_in_dim3A_193 = vector.broadcast %jit3A_192 : f32 to vector<256x2048xf32>
      %select_n3A_194 = arith.select %eq3A_180, %sub3A_191, %broadcast_in_dim3A_193 : vector<256x2048xi1>, vector<256x2048xf32>
      %exp3A_195 = math.exp %select_n3A_194 : vector<256x2048xf32>
      %mul3A_196 = arith.mulf %while3A_78, %exp3A : vector<256x1xf32>
      %reduce_sum3A = arith.constant dense<0.000000e+00> : vector<256xf32>
      %reduce_sum3A_197 = vector.multi_reduction <add>, %exp3A_195, %reduce_sum3A [1] : vector<256x2048xf32> to vector<256xf32>
      %broadcast_in_dim3A_198 = vector.shape_cast %reduce_sum3A_197 : vector<256xf32> to vector<256x1xf32>
      %add3A_199 = arith.addf %mul3A_196, %broadcast_in_dim3A_198 : vector<256x1xf32>
      %mul3A_200 = vector.broadcast %exp3A : vector<256x1xf32> to vector<256x256xf32>
      %mul3A_201 = arith.mulf %while3A_79, %mul3A_200 : vector<256x256xf32>
      %dot_general3A_202 = arith.constant dense<0.000000e+00> : vector<256x256xf32>
      %dot_general3A_203 = tpu.matmul %exp3A_195, %tanh3A, %dot_general3A_202 {dimension_numbers = #tpu.dot_dimension_numbers<[1], [0], [0], [1], [0, 0, 1, 1], [], []>, transpose_lhs_hint = false} : vector<256x2048xf32>, vector<2048x256xf32>, vector<256x256xf32> -> vector<256x256xf32>
      %add3A_204 = arith.addf %mul3A_201, %dot_general3A_203 : vector<256x256xf32>
      scf.yield %max3A, %add3A_199, %add3A_204 : vector<256x1xf32>, vector<256x1xf32>, vector<256x256xf32>
    }
    %while3A_45 = arith.constant 1 : i32
    %while3A_46:3 = scf.for %while3A_76 = %while3A_42 to %while3A_38 step %while3A_45 iter_args(%while3A_77 = %while3A_44#0, %while3A_78 = %while3A_44#1, %while3A_79 = %while3A_44#2) -> (vector<256x1xf32>, vector<256x1xf32>, vector<256x256xf32>)  : i32 {
      %sub3A_80 = arith.subi %while3A_76, %select_n3A_22 : i32
      %rem3A_81 = arith.constant 2 : i32
      %rem3A_82 = arith.remsi %sub3A_80, %rem3A_81 : i32
      %add3A_83 = arith.constant 1 : i32
      %add3A_84 = arith.addi %while3A_76, %add3A_83 : i32
      %lt3A_85 = arith.cmpi slt, %add3A_84, %select_n3A_30 : i32
      %convert_element_type3A_86 = arith.extui %lt3A_85 : i1 to i32
      %cond3A_87 = arith.constant 0 : i32
      %cond3A_88 = arith.cmpi ne, %convert_element_type3A_86, %cond3A_87 : i32
      scf.if %cond3A_88 {
        %add3A_205 = arith.constant 1 : i32
        %add3A_206 = arith.addi %while3A_76, %add3A_205 : i32
        %sub3A_207 = arith.constant 1 : i32
        %sub3A_208 = arith.subi %sub3A_207, %rem3A_82 : i32
        %mul3A_209 = arith.constant 2048 : i32
        %mul3A_210 = arith.muli %add3A_206, %mul3A_209 : i32
        %min3A_211 = arith.constant 317952 : i32
        %min3A_212 = arith.minsi %mul3A_210, %min3A_211 : i32
        %dma_start3A = tpu.memref_slice %arg17[%sub3A_208] : memref<2x!tpu.dma_semaphore, #tpu.memory_space<semaphore_mem>> -> memref<1x!tpu.dma_semaphore, #tpu.memory_space<semaphore_mem>>
        %dma_start3A_213 = tpu.memref_squeeze %dma_start3A : memref<1x!tpu.dma_semaphore, #tpu.memory_space<semaphore_mem>> -> memref<!tpu.dma_semaphore, #tpu.memory_space<semaphore_mem>>
        %dma_start3A_214 = arith.constant 0 : i32
        %dma_start3A_215 = arith.constant 0 : i32
        %dma_start3A_216 = tpu.memref_slice %arg13[%sub3A_208, %dma_start3A_214, %dma_start3A_215] : memref<2x2048x128xf32, #tpu.memory_space<vmem>> -> memref<1x2048x128xf32, #tpu.memory_space<vmem>>
        %dma_start3A_217 = tpu.memref_squeeze %dma_start3A_216 : memref<1x2048x128xf32, #tpu.memory_space<vmem>> -> memref<2048x128xf32, #tpu.memory_space<vmem>>
        %dma_start3A_218 = arith.constant 0 : i32
        %dma_start3A_219 = tpu.memref_slice %arg2[%min3A_212, %dma_start3A_218] : memref<153600x128xf32, #tpu.memory_space<hbm>> -> memref<2048x128xf32, #tpu.memory_space<hbm>>
        tpu.enqueue_dma source(%dma_start3A_219 : memref<2048x128xf32, #tpu.memory_space<hbm>>) target(%dma_start3A_217 : memref<2048x128xf32, #tpu.memory_space<vmem>>) target_semaphore(%dma_start3A_213 : memref<!tpu.dma_semaphore, #tpu.memory_space<semaphore_mem>>)
        %dma_start3A_220 = tpu.memref_slice %arg18[%sub3A_208] : memref<2x!tpu.dma_semaphore, #tpu.memory_space<semaphore_mem>> -> memref<1x!tpu.dma_semaphore, #tpu.memory_space<semaphore_mem>>
        %dma_start3A_221 = tpu.memref_squeeze %dma_start3A_220 : memref<1x!tpu.dma_semaphore, #tpu.memory_space<semaphore_mem>> -> memref<!tpu.dma_semaphore, #tpu.memory_space<semaphore_mem>>
        %dma_start3A_222 = arith.constant 0 : i32
        %dma_start3A_223 = arith.constant 0 : i32
        %dma_start3A_224 = tpu.memref_slice %arg14[%sub3A_208, %dma_start3A_222, %dma_start3A_223] : memref<2x2048x128xf32, #tpu.memory_space<vmem>> -> memref<1x2048x128xf32, #tpu.memory_space<vmem>>
        %dma_start3A_225 = tpu.memref_squeeze %dma_start3A_224 : memref<1x2048x128xf32, #tpu.memory_space<vmem>> -> memref<2048x128xf32, #tpu.memory_space<vmem>>
        %dma_start3A_226 = arith.constant 0 : i32
        %dma_start3A_227 = tpu.memref_slice %arg3[%min3A_212, %dma_start3A_226] : memref<153600x128xf32, #tpu.memory_space<hbm>> -> memref<2048x128xf32, #tpu.memory_space<hbm>>
        tpu.enqueue_dma source(%dma_start3A_227 : memref<2048x128xf32, #tpu.memory_space<hbm>>) target(%dma_start3A_225 : memref<2048x128xf32, #tpu.memory_space<vmem>>) target_semaphore(%dma_start3A_221 : memref<!tpu.dma_semaphore, #tpu.memory_space<semaphore_mem>>)
        %dma_start3A_228 = tpu.memref_slice %arg19[%sub3A_208] : memref<2x!tpu.dma_semaphore, #tpu.memory_space<semaphore_mem>> -> memref<1x!tpu.dma_semaphore, #tpu.memory_space<semaphore_mem>>
        %dma_start3A_229 = tpu.memref_squeeze %dma_start3A_228 : memref<1x!tpu.dma_semaphore, #tpu.memory_space<semaphore_mem>> -> memref<!tpu.dma_semaphore, #tpu.memory_space<semaphore_mem>>
        %dma_start3A_230 = arith.constant 0 : i32
        %dma_start3A_231 = arith.constant 0 : i32
        %dma_start3A_232 = tpu.memref_slice %arg15[%sub3A_208, %dma_start3A_230, %dma_start3A_231] : memref<2x2048x128xf32, #tpu.memory_space<vmem>> -> memref<1x2048x128xf32, #tpu.memory_space<vmem>>
        %dma_start3A_233 = tpu.memref_squeeze %dma_start3A_232 : memref<1x2048x128xf32, #tpu.memory_space<vmem>> -> memref<2048x128xf32, #tpu.memory_space<vmem>>
        %dma_start3A_234 = arith.constant 0 : i32
        %dma_start3A_235 = tpu.memref_slice %arg4[%min3A_212, %dma_start3A_234] : memref<153600x128xf32, #tpu.memory_space<hbm>> -> memref<2048x128xf32, #tpu.memory_space<hbm>>
        tpu.enqueue_dma source(%dma_start3A_235 : memref<2048x128xf32, #tpu.memory_space<hbm>>) target(%dma_start3A_233 : memref<2048x128xf32, #tpu.memory_space<vmem>>) target_semaphore(%dma_start3A_229 : memref<!tpu.dma_semaphore, #tpu.memory_space<semaphore_mem>>)
        %dma_start3A_236 = tpu.memref_slice %arg20[%sub3A_208] : memref<2x!tpu.dma_semaphore, #tpu.memory_space<semaphore_mem>> -> memref<1x!tpu.dma_semaphore, #tpu.memory_space<semaphore_mem>>
        %dma_start3A_237 = tpu.memref_squeeze %dma_start3A_236 : memref<1x!tpu.dma_semaphore, #tpu.memory_space<semaphore_mem>> -> memref<!tpu.dma_semaphore, #tpu.memory_space<semaphore_mem>>
        %dma_start3A_238 = arith.constant 0 : i32
        %dma_start3A_239 = arith.constant 0 : i32
        %dma_start3A_240 = tpu.memref_slice %arg16[%sub3A_208, %dma_start3A_238, %dma_start3A_239] : memref<2x1x2048xi32, #tpu.memory_space<vmem>> -> memref<1x1x2048xi32, #tpu.memory_space<vmem>>
        %dma_start3A_241 = tpu.memref_squeeze %dma_start3A_240 : memref<1x1x2048xi32, #tpu.memory_space<vmem>> -> memref<1x2048xi32, #tpu.memory_space<vmem>>
        %dma_start3A_242 = arith.constant 0 : i32
        %dma_start3A_243 = tpu.memref_slice %arg5[%dma_start3A_242, %min3A_212] : memref<1x320000xi32, #tpu.memory_space<hbm>> -> memref<1x2048xi32, #tpu.memory_space<hbm>>
        tpu.enqueue_dma source(%dma_start3A_243 : memref<1x2048xi32, #tpu.memory_space<hbm>>) target(%dma_start3A_241 : memref<1x2048xi32, #tpu.memory_space<vmem>>) target_semaphore(%dma_start3A_237 : memref<!tpu.dma_semaphore, #tpu.memory_space<semaphore_mem>>)
      } else {
      }
      %mul3A_89 = arith.constant 2048 : i32
      %mul3A_90 = arith.muli %while3A_76, %mul3A_89 : i32
      %min3A = arith.constant 317952 : i32
      %min3A_91 = arith.minsi %mul3A_90, %min3A : i32
      %dma_wait3A = tpu.memref_slice %arg17[%rem3A_82] : memref<2x!tpu.dma_semaphore, #tpu.memory_space<semaphore_mem>> -> memref<1x!tpu.dma_semaphore, #tpu.memory_space<semaphore_mem>>
      %dma_wait3A_92 = tpu.memref_squeeze %dma_wait3A : memref<1x!tpu.dma_semaphore, #tpu.memory_space<semaphore_mem>> -> memref<!tpu.dma_semaphore, #tpu.memory_space<semaphore_mem>>
      %dma_wait3A_93 = arith.constant 0 : i32
      %dma_wait3A_94 = arith.constant 0 : i32
      %dma_wait3A_95 = tpu.memref_slice %arg13[%rem3A_82, %dma_wait3A_93, %dma_wait3A_94] : memref<2x2048x128xf32, #tpu.memory_space<vmem>> -> memref<1x2048x128xf32, #tpu.memory_space<vmem>>
      %dma_wait3A_96 = tpu.memref_squeeze %dma_wait3A_95 : memref<1x2048x128xf32, #tpu.memory_space<vmem>> -> memref<2048x128xf32, #tpu.memory_space<vmem>>
      %dma_wait3A_97 = arith.constant 0 : i32
      %dma_wait3A_98 = tpu.memref_slice %arg2[%min3A_91, %dma_wait3A_97] : memref<153600x128xf32, #tpu.memory_space<hbm>> -> memref<2048x128xf32, #tpu.memory_space<hbm>>
      tpu.wait_dma2 semaphore(%dma_wait3A_92 : memref<!tpu.dma_semaphore, #tpu.memory_space<semaphore_mem>>) src(%dma_wait3A_98 : memref<2048x128xf32, #tpu.memory_space<hbm>>) dst(%dma_wait3A_96 : memref<2048x128xf32, #tpu.memory_space<vmem>>)
      %dma_wait3A_99 = tpu.memref_slice %arg18[%rem3A_82] : memref<2x!tpu.dma_semaphore, #tpu.memory_space<semaphore_mem>> -> memref<1x!tpu.dma_semaphore, #tpu.memory_space<semaphore_mem>>
      %dma_wait3A_100 = tpu.memref_squeeze %dma_wait3A_99 : memref<1x!tpu.dma_semaphore, #tpu.memory_space<semaphore_mem>> -> memref<!tpu.dma_semaphore, #tpu.memory_space<semaphore_mem>>
      %dma_wait3A_101 = arith.constant 0 : i32
      %dma_wait3A_102 = arith.constant 0 : i32
      %dma_wait3A_103 = tpu.memref_slice %arg14[%rem3A_82, %dma_wait3A_101, %dma_wait3A_102] : memref<2x2048x128xf32, #tpu.memory_space<vmem>> -> memref<1x2048x128xf32, #tpu.memory_space<vmem>>
      %dma_wait3A_104 = tpu.memref_squeeze %dma_wait3A_103 : memref<1x2048x128xf32, #tpu.memory_space<vmem>> -> memref<2048x128xf32, #tpu.memory_space<vmem>>
      %dma_wait3A_105 = arith.constant 0 : i32
      %dma_wait3A_106 = tpu.memref_slice %arg3[%min3A_91, %dma_wait3A_105] : memref<153600x128xf32, #tpu.memory_space<hbm>> -> memref<2048x128xf32, #tpu.memory_space<hbm>>
      tpu.wait_dma2 semaphore(%dma_wait3A_100 : memref<!tpu.dma_semaphore, #tpu.memory_space<semaphore_mem>>) src(%dma_wait3A_106 : memref<2048x128xf32, #tpu.memory_space<hbm>>) dst(%dma_wait3A_104 : memref<2048x128xf32, #tpu.memory_space<vmem>>)
      %dma_wait3A_107 = tpu.memref_slice %arg19[%rem3A_82] : memref<2x!tpu.dma_semaphore, #tpu.memory_space<semaphore_mem>> -> memref<1x!tpu.dma_semaphore, #tpu.memory_space<semaphore_mem>>
      %dma_wait3A_108 = tpu.memref_squeeze %dma_wait3A_107 : memref<1x!tpu.dma_semaphore, #tpu.memory_space<semaphore_mem>> -> memref<!tpu.dma_semaphore, #tpu.memory_space<semaphore_mem>>
      %dma_wait3A_109 = arith.constant 0 : i32
      %dma_wait3A_110 = arith.constant 0 : i32
      %dma_wait3A_111 = tpu.memref_slice %arg15[%rem3A_82, %dma_wait3A_109, %dma_wait3A_110] : memref<2x2048x128xf32, #tpu.memory_space<vmem>> -> memref<1x2048x128xf32, #tpu.memory_space<vmem>>
      %dma_wait3A_112 = tpu.memref_squeeze %dma_wait3A_111 : memref<1x2048x128xf32, #tpu.memory_space<vmem>> -> memref<2048x128xf32, #tpu.memory_space<vmem>>
      %dma_wait3A_113 = arith.constant 0 : i32
      %dma_wait3A_114 = tpu.memref_slice %arg4[%min3A_91, %dma_wait3A_113] : memref<153600x128xf32, #tpu.memory_space<hbm>> -> memref<2048x128xf32, #tpu.memory_space<hbm>>
      tpu.wait_dma2 semaphore(%dma_wait3A_108 : memref<!tpu.dma_semaphore, #tpu.memory_space<semaphore_mem>>) src(%dma_wait3A_114 : memref<2048x128xf32, #tpu.memory_space<hbm>>) dst(%dma_wait3A_112 : memref<2048x128xf32, #tpu.memory_space<vmem>>)
      %dma_wait3A_115 = tpu.memref_slice %arg20[%rem3A_82] : memref<2x!tpu.dma_semaphore, #tpu.memory_space<semaphore_mem>> -> memref<1x!tpu.dma_semaphore, #tpu.memory_space<semaphore_mem>>
      %dma_wait3A_116 = tpu.memref_squeeze %dma_wait3A_115 : memref<1x!tpu.dma_semaphore, #tpu.memory_space<semaphore_mem>> -> memref<!tpu.dma_semaphore, #tpu.memory_space<semaphore_mem>>
      %dma_wait3A_117 = arith.constant 0 : i32
      %dma_wait3A_118 = arith.constant 0 : i32
      %dma_wait3A_119 = tpu.memref_slice %arg16[%rem3A_82, %dma_wait3A_117, %dma_wait3A_118] : memref<2x1x2048xi32, #tpu.memory_space<vmem>> -> memref<1x1x2048xi32, #tpu.memory_space<vmem>>
      %dma_wait3A_120 = tpu.memref_squeeze %dma_wait3A_119 : memref<1x1x2048xi32, #tpu.memory_space<vmem>> -> memref<1x2048xi32, #tpu.memory_space<vmem>>
      %dma_wait3A_121 = arith.constant 0 : i32
      %dma_wait3A_122 = tpu.memref_slice %arg5[%dma_wait3A_121, %min3A_91] : memref<1x320000xi32, #tpu.memory_space<hbm>> -> memref<1x2048xi32, #tpu.memory_space<hbm>>
      tpu.wait_dma2 semaphore(%dma_wait3A_116 : memref<!tpu.dma_semaphore, #tpu.memory_space<semaphore_mem>>) src(%dma_wait3A_122 : memref<1x2048xi32, #tpu.memory_space<hbm>>) dst(%dma_wait3A_120 : memref<1x2048xi32, #tpu.memory_space<vmem>>)
      %get3A_123 = arith.index_cast %rem3A_82 : i32 to index
      %get3A_124 = arith.constant 0 : index
      %get3A_125 = arith.constant 0 : index
      %get3A_126 = vector.load %arg13[%get3A_123, %get3A_124, %get3A_125] : memref<2x2048x128xf32, #tpu.memory_space<vmem>>, vector<1x2048x128xf32>
      %get3A_127 = vector.shape_cast %get3A_126 : vector<1x2048x128xf32> to vector<2048x128xf32>
      %get3A_128 = arith.constant 0 : index
      %get3A_129 = arith.constant 0 : index
      %get3A_130 = vector.load %arg6[%get3A_128, %get3A_129] : memref<128x256xf32, #tpu.memory_space<vmem>>, vector<128x256xf32>
      %dot_general3A_131 = arith.constant dense<0.000000e+00> : vector<2048x256xf32>
      %dot_general3A_132 = tpu.matmul %get3A_127, %get3A_130, %dot_general3A_131 {dimension_numbers = #tpu.dot_dimension_numbers<[1], [0], [0], [1], [0, 0, 1, 1], [], []>, transpose_lhs_hint = false} : vector<2048x128xf32>, vector<128x256xf32>, vector<2048x256xf32> -> vector<2048x256xf32>
      %get3A_133 = arith.index_cast %rem3A_82 : i32 to index
      %get3A_134 = arith.constant 0 : index
      %get3A_135 = arith.constant 0 : index
      %get3A_136 = vector.load %arg14[%get3A_133, %get3A_134, %get3A_135] : memref<2x2048x128xf32, #tpu.memory_space<vmem>>, vector<1x2048x128xf32>
      %get3A_137 = vector.shape_cast %get3A_136 : vector<1x2048x128xf32> to vector<2048x128xf32>
      %get3A_138 = arith.constant 0 : index
      %get3A_139 = arith.constant 0 : index
      %get3A_140 = vector.load %arg7[%get3A_138, %get3A_139] : memref<128x256xf32, #tpu.memory_space<vmem>>, vector<128x256xf32>
      %dot_general3A_141 = arith.constant dense<0.000000e+00> : vector<2048x256xf32>
      %dot_general3A_142 = tpu.matmul %get3A_137, %get3A_140, %dot_general3A_141 {dimension_numbers = #tpu.dot_dimension_numbers<[1], [0], [0], [1], [0, 0, 1, 1], [], []>, transpose_lhs_hint = false} : vector<2048x128xf32>, vector<128x256xf32>, vector<2048x256xf32> -> vector<2048x256xf32>
      %add3A_143 = arith.addf %dot_general3A_132, %dot_general3A_142 : vector<2048x256xf32>
      %get3A_144 = arith.index_cast %rem3A_82 : i32 to index
      %get3A_145 = arith.constant 0 : index
      %get3A_146 = arith.constant 0 : index
      %get3A_147 = vector.load %arg15[%get3A_144, %get3A_145, %get3A_146] : memref<2x2048x128xf32, #tpu.memory_space<vmem>>, vector<1x2048x128xf32>
      %get3A_148 = vector.shape_cast %get3A_147 : vector<1x2048x128xf32> to vector<2048x128xf32>
      %get3A_149 = arith.constant 0 : index
      %get3A_150 = arith.constant 0 : index
      %get3A_151 = vector.load %arg8[%get3A_149, %get3A_150] : memref<128x256xf32, #tpu.memory_space<vmem>>, vector<128x256xf32>
      %dot_general3A_152 = arith.constant dense<0.000000e+00> : vector<2048x256xf32>
      %dot_general3A_153 = tpu.matmul %get3A_148, %get3A_151, %dot_general3A_152 {dimension_numbers = #tpu.dot_dimension_numbers<[1], [0], [0], [1], [0, 0, 1, 1], [], []>, transpose_lhs_hint = false} : vector<2048x128xf32>, vector<128x256xf32>, vector<2048x256xf32> -> vector<2048x256xf32>
      %add3A_154 = arith.addf %add3A_143, %dot_general3A_153 : vector<2048x256xf32>
      %tanh3A = math.tanh %add3A_154 : vector<2048x256xf32>
      %get3A_155 = arith.constant 0 : index
      %get3A_156 = arith.constant 0 : index
      %get3A_157 = vector.load %arg9[%get3A_155, %get3A_156] : memref<1x256xf32, #tpu.memory_space<vmem>>, vector<1x256xf32>
      %dot_general3A_158 = arith.constant dense<0.000000e+00> : vector<1x2048xf32>
      %dot_general3A_159 = tpu.matmul %get3A_157, %tanh3A, %dot_general3A_158 {dimension_numbers = #tpu.dot_dimension_numbers<[1], [1], [0], [0], [0, 0, 1, 0], [], []>, transpose_lhs_hint = false} : vector<1x256xf32>, vector<2048x256xf32>, vector<1x2048xf32> -> vector<1x2048xf32>
      %mul3A_160 = arith.constant 2048 : i32
      %mul3A_161 = arith.muli %while3A_76, %mul3A_160 : i32
      %min3A_162 = arith.constant 317952 : i32
      %min3A_163 = arith.minsi %mul3A_161, %min3A_162 : i32
      %iota3A = tpu.iota {dimensions = array<i32: 1>} : vector<1x2048xi32>
      %add3A_164 = vector.broadcast %min3A_163 : i32 to vector<1x2048xi32>
      %add3A_165 = arith.addi %add3A_164, %iota3A : vector<1x2048xi32>
      %mul3A_166 = arith.constant 2048 : i32
      %mul3A_167 = arith.muli %while3A_76, %mul3A_166 : i32
      %ge3A = vector.broadcast %mul3A_167 : i32 to vector<1x2048xi32>
      %ge3A_168 = arith.cmpi sge, %add3A_165, %ge3A : vector<1x2048xi32>
      %get3A_169 = arith.index_cast %rem3A_82 : i32 to index
      %get3A_170 = arith.constant 0 : index
      %get3A_171 = arith.constant 0 : index
      %get3A_172 = vector.load %arg16[%get3A_169, %get3A_170, %get3A_171] : memref<2x1x2048xi32, #tpu.memory_space<vmem>>, vector<1x1x2048xi32>
      %get3A_173 = vector.shape_cast %get3A_172 : vector<1x1x2048xi32> to vector<1x2048xi32>
      %sub3A_174 = vector.broadcast %mul3A_31 : i32 to vector<1x2048xi32>
      %sub3A_175 = arith.subi %get3A_173, %sub3A_174 : vector<1x2048xi32>
      %jit3A_176 = arith.constant -1 : i32
      %broadcast_in_dim3A_177 = vector.broadcast %jit3A_176 : i32 to vector<1x2048xi32>
      %select_n3A_178 = arith.select %ge3A_168, %sub3A_175, %broadcast_in_dim3A_177 : vector<1x2048xi1>, vector<1x2048xi32>
      %iota3A_179 = tpu.iota {dimensions = array<i32: 0>} : vector<256x2048xi32>
      %eq3A = vector.broadcast %select_n3A_178 : vector<1x2048xi32> to vector<256x2048xi32>
      %eq3A_180 = arith.cmpi eq, %eq3A, %iota3A_179 : vector<256x2048xi32>
      %jit3A_181 = arith.constant -1.000000e+30 : f32
      %broadcast_in_dim3A_182 = vector.shape_cast %dot_general3A_159 : vector<1x2048xf32> to vector<1x2048xf32>
      %broadcast_in_dim3A_183 = vector.broadcast %broadcast_in_dim3A_182 : vector<1x2048xf32> to vector<256x2048xf32>
      %broadcast_in_dim3A_184 = vector.broadcast %jit3A_181 : f32 to vector<256x2048xf32>
      %select_n3A_185 = arith.select %eq3A_180, %broadcast_in_dim3A_183, %broadcast_in_dim3A_184 : vector<256x2048xi1>, vector<256x2048xf32>
      %reduce_max3A = arith.constant dense<0xFF800000> : vector<256xf32>
      %reduce_max3A_186 = vector.multi_reduction <maximumf>, %select_n3A_185, %reduce_max3A [1] : vector<256x2048xf32> to vector<256xf32>
      %broadcast_in_dim3A_187 = vector.shape_cast %reduce_max3A_186 : vector<256xf32> to vector<256x1xf32>
      %max3A = arith.maximumf %while3A_77, %broadcast_in_dim3A_187 : vector<256x1xf32>
      %sub3A_188 = arith.subf %while3A_77, %max3A : vector<256x1xf32>
      %exp3A = math.exp %sub3A_188 : vector<256x1xf32>
      %sub3A_189 = vector.broadcast %dot_general3A_159 : vector<1x2048xf32> to vector<256x2048xf32>
      %sub3A_190 = vector.broadcast %max3A : vector<256x1xf32> to vector<256x2048xf32>
      %sub3A_191 = arith.subf %sub3A_189, %sub3A_190 : vector<256x2048xf32>
      %jit3A_192 = arith.constant -1.000000e+30 : f32
      %broadcast_in_dim3A_193 = vector.broadcast %jit3A_192 : f32 to vector<256x2048xf32>
      %select_n3A_194 = arith.select %eq3A_180, %sub3A_191, %broadcast_in_dim3A_193 : vector<256x2048xi1>, vector<256x2048xf32>
      %exp3A_195 = math.exp %select_n3A_194 : vector<256x2048xf32>
      %mul3A_196 = arith.mulf %while3A_78, %exp3A : vector<256x1xf32>
      %reduce_sum3A = arith.constant dense<0.000000e+00> : vector<256xf32>
      %reduce_sum3A_197 = vector.multi_reduction <add>, %exp3A_195, %reduce_sum3A [1] : vector<256x2048xf32> to vector<256xf32>
      %broadcast_in_dim3A_198 = vector.shape_cast %reduce_sum3A_197 : vector<256xf32> to vector<256x1xf32>
      %add3A_199 = arith.addf %mul3A_196, %broadcast_in_dim3A_198 : vector<256x1xf32>
      %mul3A_200 = vector.broadcast %exp3A : vector<256x1xf32> to vector<256x256xf32>
      %mul3A_201 = arith.mulf %while3A_79, %mul3A_200 : vector<256x256xf32>
      %dot_general3A_202 = arith.constant dense<0.000000e+00> : vector<256x256xf32>
      %dot_general3A_203 = tpu.matmul %exp3A_195, %tanh3A, %dot_general3A_202 {dimension_numbers = #tpu.dot_dimension_numbers<[1], [0], [0], [1], [0, 0, 1, 1], [], []>, transpose_lhs_hint = false} : vector<256x2048xf32>, vector<2048x256xf32>, vector<256x256xf32> -> vector<256x256xf32>
      %add3A_204 = arith.addf %mul3A_201, %dot_general3A_203 : vector<256x256xf32>
      scf.yield %max3A, %add3A_199, %add3A_204 : vector<256x1xf32>, vector<256x1xf32>, vector<256x256xf32>
    }
    %gt3A = arith.constant 0.000000e+00 : f32
    %gt3A_47 = vector.broadcast %gt3A : f32 to vector<256x1xf32>
    %gt3A_48 = arith.cmpf ogt, %while3A_46#1, %gt3A_47 : vector<256x1xf32>
    %gt3A_49 = arith.constant 0.000000e+00 : f32
    %gt3A_50 = vector.broadcast %gt3A_49 : f32 to vector<256x1xf32>
    %gt3A_51 = arith.cmpf ogt, %while3A_46#1, %gt3A_50 : vector<256x1xf32>
    %jit3A_52 = arith.constant 1.000000e+00 : f32
    %broadcast_in_dim3A_53 = vector.broadcast %jit3A_52 : f32 to vector<256x1xf32>
    %select_n3A_54 = arith.select %gt3A_51, %while3A_46#1, %broadcast_in_dim3A_53 : vector<256x1xi1>, vector<256x1xf32>
    %div3A_55 = vector.broadcast %select_n3A_54 : vector<256x1xf32> to vector<256x256xf32>
    %div3A_56 = arith.divf %while3A_46#2, %div3A_55 : vector<256x256xf32>
    %jit3A_57 = arith.constant 0.000000e+00 : f32
    %broadcast_in_dim3A_58 = vector.shape_cast %gt3A_48 : vector<256x1xi1> to vector<256x1xi1>
    %broadcast_in_dim3A_59 = vector.broadcast %broadcast_in_dim3A_58 : vector<256x1xi1> to vector<256x256xi1>
    %broadcast_in_dim3A_60 = vector.broadcast %jit3A_57 : f32 to vector<256x256xf32>
    %select_n3A_61 = arith.select %broadcast_in_dim3A_59, %div3A_56, %broadcast_in_dim3A_60 : vector<256x256xi1>, vector<256x256xf32>
    %get3A_62 = arith.constant 0 : index
    %get3A_63 = arith.constant 0 : index
    %get3A_64 = vector.load %arg10[%get3A_62, %get3A_63] : memref<1000x256xf32, #tpu.memory_space<vmem>>, vector<1000x256xf32>
    %dot_general3A = arith.constant dense<0.000000e+00> : vector<256x1000xf32>
    %dot_general3A_65 = tpu.matmul %select_n3A_61, %get3A_64, %dot_general3A {dimension_numbers = #tpu.dot_dimension_numbers<[1], [1], [0], [0], [0, 0, 1, 0], [], []>, transpose_lhs_hint = false} : vector<256x256xf32>, vector<1000x256xf32>, vector<256x1000xf32> -> vector<256x1000xf32>
    %get3A_66 = arith.constant 0 : index
    %get3A_67 = arith.constant 0 : index
    %get3A_68 = vector.load %arg11[%get3A_66, %get3A_67] : memref<1x1000xf32, #tpu.memory_space<vmem>>, vector<1x1000xf32>
    %add3A_69 = vector.broadcast %get3A_68 : vector<1x1000xf32> to vector<256x1000xf32>
    %add3A_70 = arith.addf %dot_general3A_65, %add3A_69 : vector<256x1000xf32>
    %jit3A_71 = arith.constant 0.000000e+00 : f32
    %broadcast_in_dim3A_72 = vector.broadcast %jit3A_71 : f32 to vector<256x1000xf32>
    %select_n3A_73 = arith.select %le3A_4, %add3A_70, %broadcast_in_dim3A_72 : vector<256x1000xf32>
    %swap3A = arith.constant 0 : index
    %swap3A_74 = arith.constant 0 : index
    %swap3A_75 = vector.load %arg12[%swap3A, %swap3A_74] : memref<256x1000xf32, #tpu.memory_space<vmem>>, vector<256x1000xf32>
    tpu.vector_store %arg12[%swap3A, %swap3A_74], %select_n3A_73 {strides = array<i32>} : memref<256x1000xf32, #tpu.memory_space<vmem>>, vector<256x1000xf32>,
    return
  }
  func.func @transform_0(%arg0: i32) -> i32 {
    %c0_i32 = arith.constant 0 : i32
    %c0_i32_0 = arith.constant 0 : i32
    return %c0_i32 : i32
  }
  func.func @transform_5(%arg0: i32) -> (i32, i32) {
    %c0_i32 = arith.constant 0 : i32
    %c0_i32_0 = arith.constant 0 : i32
    %c0_i32_1 = arith.constant 0 : i32
    return %c0_i32, %c0_i32_0 : i32, i32
  }
  func.func @transform_6(%arg0: i32) -> (i32, i32) {
    %c0_i32 = arith.constant 0 : i32
    %c0_i32_0 = arith.constant 0 : i32
    %c0_i32_1 = arith.constant 0 : i32
    return %c0_i32, %c0_i32_0 : i32, i32
  }
  func.func @transform_7(%arg0: i32) -> (i32, i32) {
    %c0_i32 = arith.constant 0 : i32
    %c0_i32_0 = arith.constant 0 : i32
    %c0_i32_1 = arith.constant 0 : i32
    return %c0_i32, %c0_i32_0 : i32, i32
  }
  func.func @transform_8(%arg0: i32) -> (i32, i32) {
    %c0_i32 = arith.constant 0 : i32
    %c0_i32_0 = arith.constant 0 : i32
    %c0_i32_1 = arith.constant 0 : i32
    return %c0_i32, %c0_i32_0 : i32, i32
  }
  func.func @transform_9(%arg0: i32) -> (i32, i32) {
    %c0_i32 = arith.constant 0 : i32
    %c0_i32_0 = arith.constant 0 : i32
    %c0_i32_1 = arith.constant 0 : i32
    return %c0_i32, %c0_i32_0 : i32, i32
  }
  func.func @transform_10(%arg0: i32) -> (i32, i32) {
    %c0_i32 = arith.constant 0 : i32
    %c0_i32_0 = arith.constant 0 : i32
    %c0_i32_1 = arith.constant 0 : i32
    return %c0_i32, %c0_i32_0 : i32, i32
  }
  func.func @transform_11(%arg0: i32) -> (i32, i32) {
    %c0_i32 = arith.constant 0 : i32
    %c0_i32_0 = arith.constant 0 : i32
    return %arg0, %c0_i32 : i32, i32
  }
}

module attributes {stable_mosaic.version = 14 : i64} {
  func.func @body(%arg0: i32, %arg1: memref<41xi32, #tpu.memory_space<smem>>, %arg2: memref<153600x128xf32, #tpu.memory_space<hbm>>, %arg3: memref<153600x128xf32, #tpu.memory_space<hbm>>, %arg4: memref<153600x128xf32, #tpu.memory_space<hbm>>, %arg5: memref<166400x128xf32, #tpu.memory_space<hbm>>, %arg6: memref<166400x128xf32, #tpu.memory_space<hbm>>, %arg7: memref<166400x128xf32, #tpu.memory_space<hbm>>, %arg8: memref<1x320000xi32, #tpu.memory_space<hbm>>, %arg9: memref<128x256xf32, #tpu.memory_space<vmem>>, %arg10: memref<128x256xf32, #tpu.memory_space<vmem>>, %arg11: memref<128x256xf32, #tpu.memory_space<vmem>>, %arg12: memref<1x256xf32, #tpu.memory_space<vmem>>, %arg13: memref<1000x256xf32, #tpu.memory_space<vmem>>, %arg14: memref<1x1000xf32, #tpu.memory_space<vmem>>, %arg15: memref<256x1000xf32, #tpu.memory_space<vmem>>, %arg16: memref<2x2048x128xf32, #tpu.memory_space<vmem>>, %arg17: memref<2x2048x128xf32, #tpu.memory_space<vmem>>, %arg18: memref<2x2048x128xf32, #tpu.memory_space<vmem>>, %arg19: memref<2x1x2048xi32, #tpu.memory_space<vmem>>, %arg20: memref<2x!tpu.dma_semaphore, #tpu.memory_space<semaphore_mem>>, %arg21: memref<2x!tpu.dma_semaphore, #tpu.memory_space<semaphore_mem>>, %arg22: memref<2x!tpu.dma_semaphore, #tpu.memory_space<semaphore_mem>>, %arg23: memref<2x!tpu.dma_semaphore, #tpu.memory_space<semaphore_mem>>) attributes {dimension_semantics = [#tpu.dimension_semantics<arbitrary>], iteration_bounds = array<i64: 40>, scalar_prefetch = 0 : i64, scratch_operands = 8 : i64, tpu.core_type = #tpu.core_type<tc>, window_params = [{transform_indices = @transform_0, window_bounds = array<i64: 41>}, {}, {}, {}, {}, {}, {}, {}, {pipeline_mode = #tpu.pipeline_mode<synchronous>, transform_indices = @transform_8, window_bounds = array<i64: 128, 256>}, {pipeline_mode = #tpu.pipeline_mode<synchronous>, transform_indices = @transform_9, window_bounds = array<i64: 128, 256>}, {pipeline_mode = #tpu.pipeline_mode<synchronous>, transform_indices = @transform_10, window_bounds = array<i64: 128, 256>}, {pipeline_mode = #tpu.pipeline_mode<synchronous>, transform_indices = @transform_11, window_bounds = array<i64: 1, 256>}, {pipeline_mode = #tpu.pipeline_mode<synchronous>, transform_indices = @transform_12, window_bounds = array<i64: 1000, 256>}, {pipeline_mode = #tpu.pipeline_mode<synchronous>, transform_indices = @transform_13, window_bounds = array<i64: 1, 1000>}, {transform_indices = @transform_14, window_bounds = array<i64: 256, 1000>}]} {
    %get3A = arith.index_cast %arg0 : i32 to index
    %get3A_0 = memref.load %arg1[%get3A] : memref<41xi32, #tpu.memory_space<smem>>
    %add3A = arith.constant 1 : i32
    %add3A_1 = arith.addi %arg0, %add3A : i32
    %get3A_2 = arith.index_cast %add3A_1 : i32 to index
    %get3A_3 = memref.load %arg1[%get3A_2] : memref<41xi32, #tpu.memory_space<smem>>
    %gt3A = arith.constant 153600 : i32
    %gt3A_4 = arith.cmpi sgt, %get3A_3, %gt3A : i32
    %jit3A = arith.constant 2048 : i32
    %div3A = arith.divsi %get3A_0, %jit3A : i32
    %sign3A = arith.constant 0 : i32
    %sign3A_5 = arith.cmpi sgt, %get3A_0, %sign3A : i32
    %sign3A_6 = arith.extui %sign3A_5 : i1 to i32
    %sign3A_7 = arith.constant 0 : i32
    %sign3A_8 = arith.cmpi slt, %get3A_0, %sign3A_7 : i32
    %sign3A_9 = arith.extui %sign3A_8 : i1 to i32
    %sign3A_10 = arith.subi %sign3A_6, %sign3A_9 : i32
    %sign3A_11 = arith.constant 0 : i32
    %sign3A_12 = arith.cmpi sgt, %jit3A, %sign3A_11 : i32
    %sign3A_13 = arith.extui %sign3A_12 : i1 to i32
    %sign3A_14 = arith.constant 0 : i32
    %sign3A_15 = arith.cmpi slt, %jit3A, %sign3A_14 : i32
    %sign3A_16 = arith.extui %sign3A_15 : i1 to i32
    %sign3A_17 = arith.subi %sign3A_13, %sign3A_16 : i32
    %ne3A = arith.cmpi ne, %sign3A_10, %sign3A_17 : i32
    %rem3A = arith.remsi %get3A_0, %jit3A : i32
    %ne3A_18 = arith.constant 0 : i32
    %ne3A_19 = arith.cmpi ne, %rem3A, %ne3A_18 : i32
    %and3A = arith.andi %ne3A, %ne3A_19 : i1
    %sub3A = arith.constant 1 : i32
    %sub3A_20 = arith.subi %div3A, %sub3A : i32
    %select_n3A = arith.select %and3A, %sub3A_20, %div3A : i32
    %jit3A_21 = arith.constant 0 : i32
    %select_n3A_22 = arith.select %gt3A_4, %select_n3A, %jit3A_21 : i32
    %add3A_23 = arith.constant 2048 : i32
    %add3A_24 = arith.addi %get3A_3, %add3A_23 : i32
    %sub3A_25 = arith.constant 1 : i32
    %sub3A_26 = arith.subi %add3A_24, %sub3A_25 : i32
    %div3A_27 = arith.constant 2048 : i32
    %div3A_28 = arith.divsi %sub3A_26, %div3A_27 : i32
    %jit3A_29 = arith.constant 0 : i32
    %select_n3A_30 = arith.select %gt3A_4, %div3A_28, %jit3A_29 : i32
    %mul3A = arith.constant 256 : i32
    %mul3A_31 = arith.muli %arg0, %mul3A : i32
    %lt3A = arith.cmpi slt, %select_n3A_22, %select_n3A_30 : i32
    %convert_element_type3A = arith.extui %lt3A : i1 to i32
    %cond3A = arith.constant 0 : i32
    %cond3A_32 = arith.cmpi ne, %convert_element_type3A, %cond3A : i32
    scf.if %cond3A_32 {
      %mul3A_77 = arith.constant 2048 : i32
      %mul3A_78 = arith.muli %select_n3A_22, %mul3A_77 : i32
      %min3A = arith.constant 317952 : i32
      %min3A_79 = arith.minsi %mul3A_78, %min3A : i32
      %lt3A_80 = arith.constant 75 : i32
      %lt3A_81 = arith.cmpi slt, %select_n3A_22, %lt3A_80 : i32
      %convert_element_type3A_82 = arith.extui %lt3A_81 : i1 to i32
      %cond3A_83 = arith.constant 0 : i32
      %cond3A_84 = arith.cmpi ne, %convert_element_type3A_82, %cond3A_83 : i32
      scf.if %cond3A_84 {
        %dma_start3A_98 = arith.constant 0 : i32
        %dma_start3A_99 = arith.constant 0 : i32
        %dma_start3A_100 = tpu.memref_slice %arg20[%dma_start3A_99] : memref<2x!tpu.dma_semaphore, #tpu.memory_space<semaphore_mem>> -> memref<1x!tpu.dma_semaphore, #tpu.memory_space<semaphore_mem>>
        %dma_start3A_101 = tpu.memref_squeeze %dma_start3A_100 : memref<1x!tpu.dma_semaphore, #tpu.memory_space<semaphore_mem>> -> memref<!tpu.dma_semaphore, #tpu.memory_space<semaphore_mem>>
        %dma_start3A_102 = arith.constant 0 : i32
        %dma_start3A_103 = arith.constant 0 : i32
        %dma_start3A_104 = tpu.memref_slice %arg16[%dma_start3A_98, %dma_start3A_102, %dma_start3A_103] : memref<2x2048x128xf32, #tpu.memory_space<vmem>> -> memref<1x2048x128xf32, #tpu.memory_space<vmem>>
        %dma_start3A_105 = tpu.memref_squeeze %dma_start3A_104 : memref<1x2048x128xf32, #tpu.memory_space<vmem>> -> memref<2048x128xf32, #tpu.memory_space<vmem>>
        %dma_start3A_106 = arith.constant 0 : i32
        %dma_start3A_107 = tpu.memref_slice %arg2[%min3A_79, %dma_start3A_106] : memref<153600x128xf32, #tpu.memory_space<hbm>> -> memref<2048x128xf32, #tpu.memory_space<hbm>>
        tpu.enqueue_dma source(%dma_start3A_107 : memref<2048x128xf32, #tpu.memory_space<hbm>>) target(%dma_start3A_105 : memref<2048x128xf32, #tpu.memory_space<vmem>>) target_semaphore(%dma_start3A_101 : memref<!tpu.dma_semaphore, #tpu.memory_space<semaphore_mem>>)
        %dma_start3A_108 = arith.constant 0 : i32
        %dma_start3A_109 = arith.constant 0 : i32
        %dma_start3A_110 = tpu.memref_slice %arg21[%dma_start3A_109] : memref<2x!tpu.dma_semaphore, #tpu.memory_space<semaphore_mem>> -> memref<1x!tpu.dma_semaphore, #tpu.memory_space<semaphore_mem>>
        %dma_start3A_111 = tpu.memref_squeeze %dma_start3A_110 : memref<1x!tpu.dma_semaphore, #tpu.memory_space<semaphore_mem>> -> memref<!tpu.dma_semaphore, #tpu.memory_space<semaphore_mem>>
        %dma_start3A_112 = arith.constant 0 : i32
        %dma_start3A_113 = arith.constant 0 : i32
        %dma_start3A_114 = tpu.memref_slice %arg17[%dma_start3A_108, %dma_start3A_112, %dma_start3A_113] : memref<2x2048x128xf32, #tpu.memory_space<vmem>> -> memref<1x2048x128xf32, #tpu.memory_space<vmem>>
        %dma_start3A_115 = tpu.memref_squeeze %dma_start3A_114 : memref<1x2048x128xf32, #tpu.memory_space<vmem>> -> memref<2048x128xf32, #tpu.memory_space<vmem>>
        %dma_start3A_116 = arith.constant 0 : i32
        %dma_start3A_117 = tpu.memref_slice %arg3[%min3A_79, %dma_start3A_116] : memref<153600x128xf32, #tpu.memory_space<hbm>> -> memref<2048x128xf32, #tpu.memory_space<hbm>>
        tpu.enqueue_dma source(%dma_start3A_117 : memref<2048x128xf32, #tpu.memory_space<hbm>>) target(%dma_start3A_115 : memref<2048x128xf32, #tpu.memory_space<vmem>>) target_semaphore(%dma_start3A_111 : memref<!tpu.dma_semaphore, #tpu.memory_space<semaphore_mem>>)
        %dma_start3A_118 = arith.constant 0 : i32
        %dma_start3A_119 = arith.constant 0 : i32
        %dma_start3A_120 = tpu.memref_slice %arg22[%dma_start3A_119] : memref<2x!tpu.dma_semaphore, #tpu.memory_space<semaphore_mem>> -> memref<1x!tpu.dma_semaphore, #tpu.memory_space<semaphore_mem>>
        %dma_start3A_121 = tpu.memref_squeeze %dma_start3A_120 : memref<1x!tpu.dma_semaphore, #tpu.memory_space<semaphore_mem>> -> memref<!tpu.dma_semaphore, #tpu.memory_space<semaphore_mem>>
        %dma_start3A_122 = arith.constant 0 : i32
        %dma_start3A_123 = arith.constant 0 : i32
        %dma_start3A_124 = tpu.memref_slice %arg18[%dma_start3A_118, %dma_start3A_122, %dma_start3A_123] : memref<2x2048x128xf32, #tpu.memory_space<vmem>> -> memref<1x2048x128xf32, #tpu.memory_space<vmem>>
        %dma_start3A_125 = tpu.memref_squeeze %dma_start3A_124 : memref<1x2048x128xf32, #tpu.memory_space<vmem>> -> memref<2048x128xf32, #tpu.memory_space<vmem>>
        %dma_start3A_126 = arith.constant 0 : i32
        %dma_start3A_127 = tpu.memref_slice %arg4[%min3A_79, %dma_start3A_126] : memref<153600x128xf32, #tpu.memory_space<hbm>> -> memref<2048x128xf32, #tpu.memory_space<hbm>>
        tpu.enqueue_dma source(%dma_start3A_127 : memref<2048x128xf32, #tpu.memory_space<hbm>>) target(%dma_start3A_125 : memref<2048x128xf32, #tpu.memory_space<vmem>>) target_semaphore(%dma_start3A_121 : memref<!tpu.dma_semaphore, #tpu.memory_space<semaphore_mem>>)
      } else {
      }
      %ge3A = arith.constant 75 : i32
      %ge3A_85 = arith.cmpi sge, %select_n3A_22, %ge3A : i32
      %convert_element_type3A_86 = arith.extui %ge3A_85 : i1 to i32
      %cond3A_87 = arith.constant 0 : i32
      %cond3A_88 = arith.cmpi ne, %convert_element_type3A_86, %cond3A_87 : i32
      scf.if %cond3A_88 {
        %sub3A_98 = arith.constant 153600 : i32
        %sub3A_99 = arith.subi %min3A_79, %sub3A_98 : i32
        %dma_start3A_100 = arith.constant 0 : i32
        %dma_start3A_101 = arith.constant 0 : i32
        %dma_start3A_102 = tpu.memref_slice %arg20[%dma_start3A_101] : memref<2x!tpu.dma_semaphore, #tpu.memory_space<semaphore_mem>> -> memref<1x!tpu.dma_semaphore, #tpu.memory_space<semaphore_mem>>
        %dma_start3A_103 = tpu.memref_squeeze %dma_start3A_102 : memref<1x!tpu.dma_semaphore, #tpu.memory_space<semaphore_mem>> -> memref<!tpu.dma_semaphore, #tpu.memory_space<semaphore_mem>>
        %dma_start3A_104 = arith.constant 0 : i32
        %dma_start3A_105 = arith.constant 0 : i32
        %dma_start3A_106 = tpu.memref_slice %arg16[%dma_start3A_100, %dma_start3A_104, %dma_start3A_105] : memref<2x2048x128xf32, #tpu.memory_space<vmem>> -> memref<1x2048x128xf32, #tpu.memory_space<vmem>>
        %dma_start3A_107 = tpu.memref_squeeze %dma_start3A_106 : memref<1x2048x128xf32, #tpu.memory_space<vmem>> -> memref<2048x128xf32, #tpu.memory_space<vmem>>
        %dma_start3A_108 = arith.constant 0 : i32
        %dma_start3A_109 = tpu.memref_slice %arg5[%sub3A_99, %dma_start3A_108] : memref<166400x128xf32, #tpu.memory_space<hbm>> -> memref<2048x128xf32, #tpu.memory_space<hbm>>
        tpu.enqueue_dma source(%dma_start3A_109 : memref<2048x128xf32, #tpu.memory_space<hbm>>) target(%dma_start3A_107 : memref<2048x128xf32, #tpu.memory_space<vmem>>) target_semaphore(%dma_start3A_103 : memref<!tpu.dma_semaphore, #tpu.memory_space<semaphore_mem>>)
        %sub3A_110 = arith.constant 153600 : i32
        %sub3A_111 = arith.subi %min3A_79, %sub3A_110 : i32
        %dma_start3A_112 = arith.constant 0 : i32
        %dma_start3A_113 = arith.constant 0 : i32
        %dma_start3A_114 = tpu.memref_slice %arg21[%dma_start3A_113] : memref<2x!tpu.dma_semaphore, #tpu.memory_space<semaphore_mem>> -> memref<1x!tpu.dma_semaphore, #tpu.memory_space<semaphore_mem>>
        %dma_start3A_115 = tpu.memref_squeeze %dma_start3A_114 : memref<1x!tpu.dma_semaphore, #tpu.memory_space<semaphore_mem>> -> memref<!tpu.dma_semaphore, #tpu.memory_space<semaphore_mem>>
        %dma_start3A_116 = arith.constant 0 : i32
        %dma_start3A_117 = arith.constant 0 : i32
        %dma_start3A_118 = tpu.memref_slice %arg17[%dma_start3A_112, %dma_start3A_116, %dma_start3A_117] : memref<2x2048x128xf32, #tpu.memory_space<vmem>> -> memref<1x2048x128xf32, #tpu.memory_space<vmem>>
        %dma_start3A_119 = tpu.memref_squeeze %dma_start3A_118 : memref<1x2048x128xf32, #tpu.memory_space<vmem>> -> memref<2048x128xf32, #tpu.memory_space<vmem>>
        %dma_start3A_120 = arith.constant 0 : i32
        %dma_start3A_121 = tpu.memref_slice %arg6[%sub3A_111, %dma_start3A_120] : memref<166400x128xf32, #tpu.memory_space<hbm>> -> memref<2048x128xf32, #tpu.memory_space<hbm>>
        tpu.enqueue_dma source(%dma_start3A_121 : memref<2048x128xf32, #tpu.memory_space<hbm>>) target(%dma_start3A_119 : memref<2048x128xf32, #tpu.memory_space<vmem>>) target_semaphore(%dma_start3A_115 : memref<!tpu.dma_semaphore, #tpu.memory_space<semaphore_mem>>)
        %sub3A_122 = arith.constant 153600 : i32
        %sub3A_123 = arith.subi %min3A_79, %sub3A_122 : i32
        %dma_start3A_124 = arith.constant 0 : i32
        %dma_start3A_125 = arith.constant 0 : i32
        %dma_start3A_126 = tpu.memref_slice %arg22[%dma_start3A_125] : memref<2x!tpu.dma_semaphore, #tpu.memory_space<semaphore_mem>> -> memref<1x!tpu.dma_semaphore, #tpu.memory_space<semaphore_mem>>
        %dma_start3A_127 = tpu.memref_squeeze %dma_start3A_126 : memref<1x!tpu.dma_semaphore, #tpu.memory_space<semaphore_mem>> -> memref<!tpu.dma_semaphore, #tpu.memory_space<semaphore_mem>>
        %dma_start3A_128 = arith.constant 0 : i32
        %dma_start3A_129 = arith.constant 0 : i32
        %dma_start3A_130 = tpu.memref_slice %arg18[%dma_start3A_124, %dma_start3A_128, %dma_start3A_129] : memref<2x2048x128xf32, #tpu.memory_space<vmem>> -> memref<1x2048x128xf32, #tpu.memory_space<vmem>>
        %dma_start3A_131 = tpu.memref_squeeze %dma_start3A_130 : memref<1x2048x128xf32, #tpu.memory_space<vmem>> -> memref<2048x128xf32, #tpu.memory_space<vmem>>
        %dma_start3A_132 = arith.constant 0 : i32
        %dma_start3A_133 = tpu.memref_slice %arg7[%sub3A_123, %dma_start3A_132] : memref<166400x128xf32, #tpu.memory_space<hbm>> -> memref<2048x128xf32, #tpu.memory_space<hbm>>
        tpu.enqueue_dma source(%dma_start3A_133 : memref<2048x128xf32, #tpu.memory_space<hbm>>) target(%dma_start3A_131 : memref<2048x128xf32, #tpu.memory_space<vmem>>) target_semaphore(%dma_start3A_127 : memref<!tpu.dma_semaphore, #tpu.memory_space<semaphore_mem>>)
      } else {
      }
      %dma_start3A = arith.constant 0 : i32
      %dma_start3A_89 = arith.constant 0 : i32
      %dma_start3A_90 = tpu.memref_slice %arg23[%dma_start3A_89] : memref<2x!tpu.dma_semaphore, #tpu.memory_space<semaphore_mem>> -> memref<1x!tpu.dma_semaphore, #tpu.memory_space<semaphore_mem>>
      %dma_start3A_91 = tpu.memref_squeeze %dma_start3A_90 : memref<1x!tpu.dma_semaphore, #tpu.memory_space<semaphore_mem>> -> memref<!tpu.dma_semaphore, #tpu.memory_space<semaphore_mem>>
      %dma_start3A_92 = arith.constant 0 : i32
      %dma_start3A_93 = arith.constant 0 : i32
      %dma_start3A_94 = tpu.memref_slice %arg19[%dma_start3A, %dma_start3A_92, %dma_start3A_93] : memref<2x1x2048xi32, #tpu.memory_space<vmem>> -> memref<1x1x2048xi32, #tpu.memory_space<vmem>>
      %dma_start3A_95 = tpu.memref_squeeze %dma_start3A_94 : memref<1x1x2048xi32, #tpu.memory_space<vmem>> -> memref<1x2048xi32, #tpu.memory_space<vmem>>
      %dma_start3A_96 = arith.constant 0 : i32
      %dma_start3A_97 = tpu.memref_slice %arg8[%dma_start3A_96, %min3A_79] : memref<1x320000xi32, #tpu.memory_space<hbm>> -> memref<1x2048xi32, #tpu.memory_space<hbm>>
      tpu.enqueue_dma source(%dma_start3A_97 : memref<1x2048xi32, #tpu.memory_space<hbm>>) target(%dma_start3A_95 : memref<1x2048xi32, #tpu.memory_space<vmem>>) target_semaphore(%dma_start3A_91 : memref<!tpu.dma_semaphore, #tpu.memory_space<semaphore_mem>>)
    } else {
    }
    %broadcast_in_dim3A = arith.constant -1.000000e+30 : f32
    %broadcast_in_dim3A_33 = vector.broadcast %broadcast_in_dim3A : f32 to vector<256x1xf32>
    %broadcast_in_dim3A_34 = arith.constant 0.000000e+00 : f32
    %broadcast_in_dim3A_35 = vector.broadcast %broadcast_in_dim3A_34 : f32 to vector<256x1xf32>
    %broadcast_in_dim3A_36 = arith.constant 0.000000e+00 : f32
    %broadcast_in_dim3A_37 = vector.broadcast %broadcast_in_dim3A_36 : f32 to vector<256x256xf32>
    %while3A = arith.subi %select_n3A_30, %select_n3A_22 : i32
    %while3A_38 = arith.addi %select_n3A_22, %while3A : i32
    %while3A_39 = arith.constant 1 : i32
    %while3A_40 = arith.divsi %while3A, %while3A_39 : i32
    %while3A_41 = arith.muli %while3A_40, %while3A_39 : i32
    %while3A_42 = arith.addi %select_n3A_22, %while3A_41 : i32
    %while3A_43 = arith.constant 1 : i32
    %while3A_44:3 = scf.for %while3A_77 = %select_n3A_22 to %while3A_42 step %while3A_43 iter_args(%while3A_78 = %broadcast_in_dim3A_33, %while3A_79 = %broadcast_in_dim3A_35, %while3A_80 = %broadcast_in_dim3A_37) -> (vector<256x1xf32>, vector<256x1xf32>, vector<256x256xf32>)  : i32 {
      %sub3A_81 = arith.subi %while3A_77, %select_n3A_22 : i32
      %rem3A_82 = arith.constant 2 : i32
      %rem3A_83 = arith.remsi %sub3A_81, %rem3A_82 : i32
      %add3A_84 = arith.constant 1 : i32
      %add3A_85 = arith.addi %while3A_77, %add3A_84 : i32
      %lt3A_86 = arith.cmpi slt, %add3A_85, %select_n3A_30 : i32
      %convert_element_type3A_87 = arith.extui %lt3A_86 : i1 to i32
      %cond3A_88 = arith.constant 0 : i32
      %cond3A_89 = arith.cmpi ne, %convert_element_type3A_87, %cond3A_88 : i32
      scf.if %cond3A_89 {
        %add3A_192 = arith.constant 1 : i32
        %add3A_193 = arith.addi %while3A_77, %add3A_192 : i32
        %sub3A_194 = arith.constant 1 : i32
        %sub3A_195 = arith.subi %sub3A_194, %rem3A_83 : i32
        %mul3A_196 = arith.constant 2048 : i32
        %mul3A_197 = arith.muli %add3A_193, %mul3A_196 : i32
        %min3A_198 = arith.constant 317952 : i32
        %min3A_199 = arith.minsi %mul3A_197, %min3A_198 : i32
        %lt3A_200 = arith.constant 75 : i32
        %lt3A_201 = arith.cmpi slt, %add3A_193, %lt3A_200 : i32
        %convert_element_type3A_202 = arith.extui %lt3A_201 : i1 to i32
        %cond3A_203 = arith.constant 0 : i32
        %cond3A_204 = arith.cmpi ne, %convert_element_type3A_202, %cond3A_203 : i32
        scf.if %cond3A_204 {
          %dma_start3A_217 = tpu.memref_slice %arg20[%sub3A_195] : memref<2x!tpu.dma_semaphore, #tpu.memory_space<semaphore_mem>> -> memref<1x!tpu.dma_semaphore, #tpu.memory_space<semaphore_mem>>
          %dma_start3A_218 = tpu.memref_squeeze %dma_start3A_217 : memref<1x!tpu.dma_semaphore, #tpu.memory_space<semaphore_mem>> -> memref<!tpu.dma_semaphore, #tpu.memory_space<semaphore_mem>>
          %dma_start3A_219 = arith.constant 0 : i32
          %dma_start3A_220 = arith.constant 0 : i32
          %dma_start3A_221 = tpu.memref_slice %arg16[%sub3A_195, %dma_start3A_219, %dma_start3A_220] : memref<2x2048x128xf32, #tpu.memory_space<vmem>> -> memref<1x2048x128xf32, #tpu.memory_space<vmem>>
          %dma_start3A_222 = tpu.memref_squeeze %dma_start3A_221 : memref<1x2048x128xf32, #tpu.memory_space<vmem>> -> memref<2048x128xf32, #tpu.memory_space<vmem>>
          %dma_start3A_223 = arith.constant 0 : i32
          %dma_start3A_224 = tpu.memref_slice %arg2[%min3A_199, %dma_start3A_223] : memref<153600x128xf32, #tpu.memory_space<hbm>> -> memref<2048x128xf32, #tpu.memory_space<hbm>>
          tpu.enqueue_dma source(%dma_start3A_224 : memref<2048x128xf32, #tpu.memory_space<hbm>>) target(%dma_start3A_222 : memref<2048x128xf32, #tpu.memory_space<vmem>>) target_semaphore(%dma_start3A_218 : memref<!tpu.dma_semaphore, #tpu.memory_space<semaphore_mem>>)
          %dma_start3A_225 = tpu.memref_slice %arg21[%sub3A_195] : memref<2x!tpu.dma_semaphore, #tpu.memory_space<semaphore_mem>> -> memref<1x!tpu.dma_semaphore, #tpu.memory_space<semaphore_mem>>
          %dma_start3A_226 = tpu.memref_squeeze %dma_start3A_225 : memref<1x!tpu.dma_semaphore, #tpu.memory_space<semaphore_mem>> -> memref<!tpu.dma_semaphore, #tpu.memory_space<semaphore_mem>>
          %dma_start3A_227 = arith.constant 0 : i32
          %dma_start3A_228 = arith.constant 0 : i32
          %dma_start3A_229 = tpu.memref_slice %arg17[%sub3A_195, %dma_start3A_227, %dma_start3A_228] : memref<2x2048x128xf32, #tpu.memory_space<vmem>> -> memref<1x2048x128xf32, #tpu.memory_space<vmem>>
          %dma_start3A_230 = tpu.memref_squeeze %dma_start3A_229 : memref<1x2048x128xf32, #tpu.memory_space<vmem>> -> memref<2048x128xf32, #tpu.memory_space<vmem>>
          %dma_start3A_231 = arith.constant 0 : i32
          %dma_start3A_232 = tpu.memref_slice %arg3[%min3A_199, %dma_start3A_231] : memref<153600x128xf32, #tpu.memory_space<hbm>> -> memref<2048x128xf32, #tpu.memory_space<hbm>>
          tpu.enqueue_dma source(%dma_start3A_232 : memref<2048x128xf32, #tpu.memory_space<hbm>>) target(%dma_start3A_230 : memref<2048x128xf32, #tpu.memory_space<vmem>>) target_semaphore(%dma_start3A_226 : memref<!tpu.dma_semaphore, #tpu.memory_space<semaphore_mem>>)
          %dma_start3A_233 = tpu.memref_slice %arg22[%sub3A_195] : memref<2x!tpu.dma_semaphore, #tpu.memory_space<semaphore_mem>> -> memref<1x!tpu.dma_semaphore, #tpu.memory_space<semaphore_mem>>
          %dma_start3A_234 = tpu.memref_squeeze %dma_start3A_233 : memref<1x!tpu.dma_semaphore, #tpu.memory_space<semaphore_mem>> -> memref<!tpu.dma_semaphore, #tpu.memory_space<semaphore_mem>>
          %dma_start3A_235 = arith.constant 0 : i32
          %dma_start3A_236 = arith.constant 0 : i32
          %dma_start3A_237 = tpu.memref_slice %arg18[%sub3A_195, %dma_start3A_235, %dma_start3A_236] : memref<2x2048x128xf32, #tpu.memory_space<vmem>> -> memref<1x2048x128xf32, #tpu.memory_space<vmem>>
          %dma_start3A_238 = tpu.memref_squeeze %dma_start3A_237 : memref<1x2048x128xf32, #tpu.memory_space<vmem>> -> memref<2048x128xf32, #tpu.memory_space<vmem>>
          %dma_start3A_239 = arith.constant 0 : i32
          %dma_start3A_240 = tpu.memref_slice %arg4[%min3A_199, %dma_start3A_239] : memref<153600x128xf32, #tpu.memory_space<hbm>> -> memref<2048x128xf32, #tpu.memory_space<hbm>>
          tpu.enqueue_dma source(%dma_start3A_240 : memref<2048x128xf32, #tpu.memory_space<hbm>>) target(%dma_start3A_238 : memref<2048x128xf32, #tpu.memory_space<vmem>>) target_semaphore(%dma_start3A_234 : memref<!tpu.dma_semaphore, #tpu.memory_space<semaphore_mem>>)
        } else {
        }
        %ge3A_205 = arith.constant 75 : i32
        %ge3A_206 = arith.cmpi sge, %add3A_193, %ge3A_205 : i32
        %convert_element_type3A_207 = arith.extui %ge3A_206 : i1 to i32
        %cond3A_208 = arith.constant 0 : i32
        %cond3A_209 = arith.cmpi ne, %convert_element_type3A_207, %cond3A_208 : i32
        scf.if %cond3A_209 {
          %sub3A_217 = arith.constant 153600 : i32
          %sub3A_218 = arith.subi %min3A_199, %sub3A_217 : i32
          %dma_start3A_219 = tpu.memref_slice %arg20[%sub3A_195] : memref<2x!tpu.dma_semaphore, #tpu.memory_space<semaphore_mem>> -> memref<1x!tpu.dma_semaphore, #tpu.memory_space<semaphore_mem>>
          %dma_start3A_220 = tpu.memref_squeeze %dma_start3A_219 : memref<1x!tpu.dma_semaphore, #tpu.memory_space<semaphore_mem>> -> memref<!tpu.dma_semaphore, #tpu.memory_space<semaphore_mem>>
          %dma_start3A_221 = arith.constant 0 : i32
          %dma_start3A_222 = arith.constant 0 : i32
          %dma_start3A_223 = tpu.memref_slice %arg16[%sub3A_195, %dma_start3A_221, %dma_start3A_222] : memref<2x2048x128xf32, #tpu.memory_space<vmem>> -> memref<1x2048x128xf32, #tpu.memory_space<vmem>>
          %dma_start3A_224 = tpu.memref_squeeze %dma_start3A_223 : memref<1x2048x128xf32, #tpu.memory_space<vmem>> -> memref<2048x128xf32, #tpu.memory_space<vmem>>
          %dma_start3A_225 = arith.constant 0 : i32
          %dma_start3A_226 = tpu.memref_slice %arg5[%sub3A_218, %dma_start3A_225] : memref<166400x128xf32, #tpu.memory_space<hbm>> -> memref<2048x128xf32, #tpu.memory_space<hbm>>
          tpu.enqueue_dma source(%dma_start3A_226 : memref<2048x128xf32, #tpu.memory_space<hbm>>) target(%dma_start3A_224 : memref<2048x128xf32, #tpu.memory_space<vmem>>) target_semaphore(%dma_start3A_220 : memref<!tpu.dma_semaphore, #tpu.memory_space<semaphore_mem>>)
          %sub3A_227 = arith.constant 153600 : i32
          %sub3A_228 = arith.subi %min3A_199, %sub3A_227 : i32
          %dma_start3A_229 = tpu.memref_slice %arg21[%sub3A_195] : memref<2x!tpu.dma_semaphore, #tpu.memory_space<semaphore_mem>> -> memref<1x!tpu.dma_semaphore, #tpu.memory_space<semaphore_mem>>
          %dma_start3A_230 = tpu.memref_squeeze %dma_start3A_229 : memref<1x!tpu.dma_semaphore, #tpu.memory_space<semaphore_mem>> -> memref<!tpu.dma_semaphore, #tpu.memory_space<semaphore_mem>>
          %dma_start3A_231 = arith.constant 0 : i32
          %dma_start3A_232 = arith.constant 0 : i32
          %dma_start3A_233 = tpu.memref_slice %arg17[%sub3A_195, %dma_start3A_231, %dma_start3A_232] : memref<2x2048x128xf32, #tpu.memory_space<vmem>> -> memref<1x2048x128xf32, #tpu.memory_space<vmem>>
          %dma_start3A_234 = tpu.memref_squeeze %dma_start3A_233 : memref<1x2048x128xf32, #tpu.memory_space<vmem>> -> memref<2048x128xf32, #tpu.memory_space<vmem>>
          %dma_start3A_235 = arith.constant 0 : i32
          %dma_start3A_236 = tpu.memref_slice %arg6[%sub3A_228, %dma_start3A_235] : memref<166400x128xf32, #tpu.memory_space<hbm>> -> memref<2048x128xf32, #tpu.memory_space<hbm>>
          tpu.enqueue_dma source(%dma_start3A_236 : memref<2048x128xf32, #tpu.memory_space<hbm>>) target(%dma_start3A_234 : memref<2048x128xf32, #tpu.memory_space<vmem>>) target_semaphore(%dma_start3A_230 : memref<!tpu.dma_semaphore, #tpu.memory_space<semaphore_mem>>)
          %sub3A_237 = arith.constant 153600 : i32
          %sub3A_238 = arith.subi %min3A_199, %sub3A_237 : i32
          %dma_start3A_239 = tpu.memref_slice %arg22[%sub3A_195] : memref<2x!tpu.dma_semaphore, #tpu.memory_space<semaphore_mem>> -> memref<1x!tpu.dma_semaphore, #tpu.memory_space<semaphore_mem>>
          %dma_start3A_240 = tpu.memref_squeeze %dma_start3A_239 : memref<1x!tpu.dma_semaphore, #tpu.memory_space<semaphore_mem>> -> memref<!tpu.dma_semaphore, #tpu.memory_space<semaphore_mem>>
          %dma_start3A_241 = arith.constant 0 : i32
          %dma_start3A_242 = arith.constant 0 : i32
          %dma_start3A_243 = tpu.memref_slice %arg18[%sub3A_195, %dma_start3A_241, %dma_start3A_242] : memref<2x2048x128xf32, #tpu.memory_space<vmem>> -> memref<1x2048x128xf32, #tpu.memory_space<vmem>>
          %dma_start3A_244 = tpu.memref_squeeze %dma_start3A_243 : memref<1x2048x128xf32, #tpu.memory_space<vmem>> -> memref<2048x128xf32, #tpu.memory_space<vmem>>
          %dma_start3A_245 = arith.constant 0 : i32
          %dma_start3A_246 = tpu.memref_slice %arg7[%sub3A_238, %dma_start3A_245] : memref<166400x128xf32, #tpu.memory_space<hbm>> -> memref<2048x128xf32, #tpu.memory_space<hbm>>
          tpu.enqueue_dma source(%dma_start3A_246 : memref<2048x128xf32, #tpu.memory_space<hbm>>) target(%dma_start3A_244 : memref<2048x128xf32, #tpu.memory_space<vmem>>) target_semaphore(%dma_start3A_240 : memref<!tpu.dma_semaphore, #tpu.memory_space<semaphore_mem>>)
        } else {
        }
        %dma_start3A = tpu.memref_slice %arg23[%sub3A_195] : memref<2x!tpu.dma_semaphore, #tpu.memory_space<semaphore_mem>> -> memref<1x!tpu.dma_semaphore, #tpu.memory_space<semaphore_mem>>
        %dma_start3A_210 = tpu.memref_squeeze %dma_start3A : memref<1x!tpu.dma_semaphore, #tpu.memory_space<semaphore_mem>> -> memref<!tpu.dma_semaphore, #tpu.memory_space<semaphore_mem>>
        %dma_start3A_211 = arith.constant 0 : i32
        %dma_start3A_212 = arith.constant 0 : i32
        %dma_start3A_213 = tpu.memref_slice %arg19[%sub3A_195, %dma_start3A_211, %dma_start3A_212] : memref<2x1x2048xi32, #tpu.memory_space<vmem>> -> memref<1x1x2048xi32, #tpu.memory_space<vmem>>
        %dma_start3A_214 = tpu.memref_squeeze %dma_start3A_213 : memref<1x1x2048xi32, #tpu.memory_space<vmem>> -> memref<1x2048xi32, #tpu.memory_space<vmem>>
        %dma_start3A_215 = arith.constant 0 : i32
        %dma_start3A_216 = tpu.memref_slice %arg8[%dma_start3A_215, %min3A_199] : memref<1x320000xi32, #tpu.memory_space<hbm>> -> memref<1x2048xi32, #tpu.memory_space<hbm>>
        tpu.enqueue_dma source(%dma_start3A_216 : memref<1x2048xi32, #tpu.memory_space<hbm>>) target(%dma_start3A_214 : memref<1x2048xi32, #tpu.memory_space<vmem>>) target_semaphore(%dma_start3A_210 : memref<!tpu.dma_semaphore, #tpu.memory_space<semaphore_mem>>)
      } else {
      }
      %mul3A_90 = arith.constant 2048 : i32
      %mul3A_91 = arith.muli %while3A_77, %mul3A_90 : i32
      %min3A = arith.constant 317952 : i32
      %min3A_92 = arith.minsi %mul3A_91, %min3A : i32
      %lt3A_93 = arith.constant 75 : i32
      %lt3A_94 = arith.cmpi slt, %while3A_77, %lt3A_93 : i32
      %convert_element_type3A_95 = arith.extui %lt3A_94 : i1 to i32
      %cond3A_96 = arith.constant 0 : i32
      %cond3A_97 = arith.cmpi ne, %convert_element_type3A_95, %cond3A_96 : i32
      scf.if %cond3A_97 {
        %dma_wait3A_192 = tpu.memref_slice %arg20[%rem3A_83] : memref<2x!tpu.dma_semaphore, #tpu.memory_space<semaphore_mem>> -> memref<1x!tpu.dma_semaphore, #tpu.memory_space<semaphore_mem>>
        %dma_wait3A_193 = tpu.memref_squeeze %dma_wait3A_192 : memref<1x!tpu.dma_semaphore, #tpu.memory_space<semaphore_mem>> -> memref<!tpu.dma_semaphore, #tpu.memory_space<semaphore_mem>>
        %dma_wait3A_194 = arith.constant 0 : i32
        %dma_wait3A_195 = arith.constant 0 : i32
        %dma_wait3A_196 = tpu.memref_slice %arg16[%rem3A_83, %dma_wait3A_194, %dma_wait3A_195] : memref<2x2048x128xf32, #tpu.memory_space<vmem>> -> memref<1x2048x128xf32, #tpu.memory_space<vmem>>
        %dma_wait3A_197 = tpu.memref_squeeze %dma_wait3A_196 : memref<1x2048x128xf32, #tpu.memory_space<vmem>> -> memref<2048x128xf32, #tpu.memory_space<vmem>>
        %dma_wait3A_198 = arith.constant 0 : i32
        %dma_wait3A_199 = tpu.memref_slice %arg2[%min3A_92, %dma_wait3A_198] : memref<153600x128xf32, #tpu.memory_space<hbm>> -> memref<2048x128xf32, #tpu.memory_space<hbm>>
        tpu.wait_dma2 semaphore(%dma_wait3A_193 : memref<!tpu.dma_semaphore, #tpu.memory_space<semaphore_mem>>) src(%dma_wait3A_199 : memref<2048x128xf32, #tpu.memory_space<hbm>>) dst(%dma_wait3A_197 : memref<2048x128xf32, #tpu.memory_space<vmem>>)
        %dma_wait3A_200 = tpu.memref_slice %arg21[%rem3A_83] : memref<2x!tpu.dma_semaphore, #tpu.memory_space<semaphore_mem>> -> memref<1x!tpu.dma_semaphore, #tpu.memory_space<semaphore_mem>>
        %dma_wait3A_201 = tpu.memref_squeeze %dma_wait3A_200 : memref<1x!tpu.dma_semaphore, #tpu.memory_space<semaphore_mem>> -> memref<!tpu.dma_semaphore, #tpu.memory_space<semaphore_mem>>
        %dma_wait3A_202 = arith.constant 0 : i32
        %dma_wait3A_203 = arith.constant 0 : i32
        %dma_wait3A_204 = tpu.memref_slice %arg17[%rem3A_83, %dma_wait3A_202, %dma_wait3A_203] : memref<2x2048x128xf32, #tpu.memory_space<vmem>> -> memref<1x2048x128xf32, #tpu.memory_space<vmem>>
        %dma_wait3A_205 = tpu.memref_squeeze %dma_wait3A_204 : memref<1x2048x128xf32, #tpu.memory_space<vmem>> -> memref<2048x128xf32, #tpu.memory_space<vmem>>
        %dma_wait3A_206 = arith.constant 0 : i32
        %dma_wait3A_207 = tpu.memref_slice %arg3[%min3A_92, %dma_wait3A_206] : memref<153600x128xf32, #tpu.memory_space<hbm>> -> memref<2048x128xf32, #tpu.memory_space<hbm>>
        tpu.wait_dma2 semaphore(%dma_wait3A_201 : memref<!tpu.dma_semaphore, #tpu.memory_space<semaphore_mem>>) src(%dma_wait3A_207 : memref<2048x128xf32, #tpu.memory_space<hbm>>) dst(%dma_wait3A_205 : memref<2048x128xf32, #tpu.memory_space<vmem>>)
        %dma_wait3A_208 = tpu.memref_slice %arg22[%rem3A_83] : memref<2x!tpu.dma_semaphore, #tpu.memory_space<semaphore_mem>> -> memref<1x!tpu.dma_semaphore, #tpu.memory_space<semaphore_mem>>
        %dma_wait3A_209 = tpu.memref_squeeze %dma_wait3A_208 : memref<1x!tpu.dma_semaphore, #tpu.memory_space<semaphore_mem>> -> memref<!tpu.dma_semaphore, #tpu.memory_space<semaphore_mem>>
        %dma_wait3A_210 = arith.constant 0 : i32
        %dma_wait3A_211 = arith.constant 0 : i32
        %dma_wait3A_212 = tpu.memref_slice %arg18[%rem3A_83, %dma_wait3A_210, %dma_wait3A_211] : memref<2x2048x128xf32, #tpu.memory_space<vmem>> -> memref<1x2048x128xf32, #tpu.memory_space<vmem>>
        %dma_wait3A_213 = tpu.memref_squeeze %dma_wait3A_212 : memref<1x2048x128xf32, #tpu.memory_space<vmem>> -> memref<2048x128xf32, #tpu.memory_space<vmem>>
        %dma_wait3A_214 = arith.constant 0 : i32
        %dma_wait3A_215 = tpu.memref_slice %arg4[%min3A_92, %dma_wait3A_214] : memref<153600x128xf32, #tpu.memory_space<hbm>> -> memref<2048x128xf32, #tpu.memory_space<hbm>>
        tpu.wait_dma2 semaphore(%dma_wait3A_209 : memref<!tpu.dma_semaphore, #tpu.memory_space<semaphore_mem>>) src(%dma_wait3A_215 : memref<2048x128xf32, #tpu.memory_space<hbm>>) dst(%dma_wait3A_213 : memref<2048x128xf32, #tpu.memory_space<vmem>>)
      } else {
      }
      %ge3A = arith.constant 75 : i32
      %ge3A_98 = arith.cmpi sge, %while3A_77, %ge3A : i32
      %convert_element_type3A_99 = arith.extui %ge3A_98 : i1 to i32
      %cond3A_100 = arith.constant 0 : i32
      %cond3A_101 = arith.cmpi ne, %convert_element_type3A_99, %cond3A_100 : i32
      scf.if %cond3A_101 {
        %sub3A_192 = arith.constant 153600 : i32
        %sub3A_193 = arith.subi %min3A_92, %sub3A_192 : i32
        %dma_wait3A_194 = tpu.memref_slice %arg20[%rem3A_83] : memref<2x!tpu.dma_semaphore, #tpu.memory_space<semaphore_mem>> -> memref<1x!tpu.dma_semaphore, #tpu.memory_space<semaphore_mem>>
        %dma_wait3A_195 = tpu.memref_squeeze %dma_wait3A_194 : memref<1x!tpu.dma_semaphore, #tpu.memory_space<semaphore_mem>> -> memref<!tpu.dma_semaphore, #tpu.memory_space<semaphore_mem>>
        %dma_wait3A_196 = arith.constant 0 : i32
        %dma_wait3A_197 = arith.constant 0 : i32
        %dma_wait3A_198 = tpu.memref_slice %arg16[%rem3A_83, %dma_wait3A_196, %dma_wait3A_197] : memref<2x2048x128xf32, #tpu.memory_space<vmem>> -> memref<1x2048x128xf32, #tpu.memory_space<vmem>>
        %dma_wait3A_199 = tpu.memref_squeeze %dma_wait3A_198 : memref<1x2048x128xf32, #tpu.memory_space<vmem>> -> memref<2048x128xf32, #tpu.memory_space<vmem>>
        %dma_wait3A_200 = arith.constant 0 : i32
        %dma_wait3A_201 = tpu.memref_slice %arg5[%sub3A_193, %dma_wait3A_200] : memref<166400x128xf32, #tpu.memory_space<hbm>> -> memref<2048x128xf32, #tpu.memory_space<hbm>>
        tpu.wait_dma2 semaphore(%dma_wait3A_195 : memref<!tpu.dma_semaphore, #tpu.memory_space<semaphore_mem>>) src(%dma_wait3A_201 : memref<2048x128xf32, #tpu.memory_space<hbm>>) dst(%dma_wait3A_199 : memref<2048x128xf32, #tpu.memory_space<vmem>>)
        %sub3A_202 = arith.constant 153600 : i32
        %sub3A_203 = arith.subi %min3A_92, %sub3A_202 : i32
        %dma_wait3A_204 = tpu.memref_slice %arg21[%rem3A_83] : memref<2x!tpu.dma_semaphore, #tpu.memory_space<semaphore_mem>> -> memref<1x!tpu.dma_semaphore, #tpu.memory_space<semaphore_mem>>
        %dma_wait3A_205 = tpu.memref_squeeze %dma_wait3A_204 : memref<1x!tpu.dma_semaphore, #tpu.memory_space<semaphore_mem>> -> memref<!tpu.dma_semaphore, #tpu.memory_space<semaphore_mem>>
        %dma_wait3A_206 = arith.constant 0 : i32
        %dma_wait3A_207 = arith.constant 0 : i32
        %dma_wait3A_208 = tpu.memref_slice %arg17[%rem3A_83, %dma_wait3A_206, %dma_wait3A_207] : memref<2x2048x128xf32, #tpu.memory_space<vmem>> -> memref<1x2048x128xf32, #tpu.memory_space<vmem>>
        %dma_wait3A_209 = tpu.memref_squeeze %dma_wait3A_208 : memref<1x2048x128xf32, #tpu.memory_space<vmem>> -> memref<2048x128xf32, #tpu.memory_space<vmem>>
        %dma_wait3A_210 = arith.constant 0 : i32
        %dma_wait3A_211 = tpu.memref_slice %arg6[%sub3A_203, %dma_wait3A_210] : memref<166400x128xf32, #tpu.memory_space<hbm>> -> memref<2048x128xf32, #tpu.memory_space<hbm>>
        tpu.wait_dma2 semaphore(%dma_wait3A_205 : memref<!tpu.dma_semaphore, #tpu.memory_space<semaphore_mem>>) src(%dma_wait3A_211 : memref<2048x128xf32, #tpu.memory_space<hbm>>) dst(%dma_wait3A_209 : memref<2048x128xf32, #tpu.memory_space<vmem>>)
        %sub3A_212 = arith.constant 153600 : i32
        %sub3A_213 = arith.subi %min3A_92, %sub3A_212 : i32
        %dma_wait3A_214 = tpu.memref_slice %arg22[%rem3A_83] : memref<2x!tpu.dma_semaphore, #tpu.memory_space<semaphore_mem>> -> memref<1x!tpu.dma_semaphore, #tpu.memory_space<semaphore_mem>>
        %dma_wait3A_215 = tpu.memref_squeeze %dma_wait3A_214 : memref<1x!tpu.dma_semaphore, #tpu.memory_space<semaphore_mem>> -> memref<!tpu.dma_semaphore, #tpu.memory_space<semaphore_mem>>
        %dma_wait3A_216 = arith.constant 0 : i32
        %dma_wait3A_217 = arith.constant 0 : i32
        %dma_wait3A_218 = tpu.memref_slice %arg18[%rem3A_83, %dma_wait3A_216, %dma_wait3A_217] : memref<2x2048x128xf32, #tpu.memory_space<vmem>> -> memref<1x2048x128xf32, #tpu.memory_space<vmem>>
        %dma_wait3A_219 = tpu.memref_squeeze %dma_wait3A_218 : memref<1x2048x128xf32, #tpu.memory_space<vmem>> -> memref<2048x128xf32, #tpu.memory_space<vmem>>
        %dma_wait3A_220 = arith.constant 0 : i32
        %dma_wait3A_221 = tpu.memref_slice %arg7[%sub3A_213, %dma_wait3A_220] : memref<166400x128xf32, #tpu.memory_space<hbm>> -> memref<2048x128xf32, #tpu.memory_space<hbm>>
        tpu.wait_dma2 semaphore(%dma_wait3A_215 : memref<!tpu.dma_semaphore, #tpu.memory_space<semaphore_mem>>) src(%dma_wait3A_221 : memref<2048x128xf32, #tpu.memory_space<hbm>>) dst(%dma_wait3A_219 : memref<2048x128xf32, #tpu.memory_space<vmem>>)
      } else {
      }
      %dma_wait3A = tpu.memref_slice %arg23[%rem3A_83] : memref<2x!tpu.dma_semaphore, #tpu.memory_space<semaphore_mem>> -> memref<1x!tpu.dma_semaphore, #tpu.memory_space<semaphore_mem>>
      %dma_wait3A_102 = tpu.memref_squeeze %dma_wait3A : memref<1x!tpu.dma_semaphore, #tpu.memory_space<semaphore_mem>> -> memref<!tpu.dma_semaphore, #tpu.memory_space<semaphore_mem>>
      %dma_wait3A_103 = arith.constant 0 : i32
      %dma_wait3A_104 = arith.constant 0 : i32
      %dma_wait3A_105 = tpu.memref_slice %arg19[%rem3A_83, %dma_wait3A_103, %dma_wait3A_104] : memref<2x1x2048xi32, #tpu.memory_space<vmem>> -> memref<1x1x2048xi32, #tpu.memory_space<vmem>>
      %dma_wait3A_106 = tpu.memref_squeeze %dma_wait3A_105 : memref<1x1x2048xi32, #tpu.memory_space<vmem>> -> memref<1x2048xi32, #tpu.memory_space<vmem>>
      %dma_wait3A_107 = arith.constant 0 : i32
      %dma_wait3A_108 = tpu.memref_slice %arg8[%dma_wait3A_107, %min3A_92] : memref<1x320000xi32, #tpu.memory_space<hbm>> -> memref<1x2048xi32, #tpu.memory_space<hbm>>
      tpu.wait_dma2 semaphore(%dma_wait3A_102 : memref<!tpu.dma_semaphore, #tpu.memory_space<semaphore_mem>>) src(%dma_wait3A_108 : memref<1x2048xi32, #tpu.memory_space<hbm>>) dst(%dma_wait3A_106 : memref<1x2048xi32, #tpu.memory_space<vmem>>)
      %get3A_109 = arith.index_cast %rem3A_83 : i32 to index
      %get3A_110 = arith.constant 0 : index
      %get3A_111 = arith.constant 0 : index
      %get3A_112 = vector.load %arg16[%get3A_109, %get3A_110, %get3A_111] : memref<2x2048x128xf32, #tpu.memory_space<vmem>>, vector<1x2048x128xf32>
      %get3A_113 = vector.shape_cast %get3A_112 : vector<1x2048x128xf32> to vector<2048x128xf32>
      %get3A_114 = arith.constant 0 : index
      %get3A_115 = arith.constant 0 : index
      %get3A_116 = vector.load %arg9[%get3A_114, %get3A_115] : memref<128x256xf32, #tpu.memory_space<vmem>>, vector<128x256xf32>
      %dot_general3A_117 = arith.constant dense<0.000000e+00> : vector<2048x256xf32>
      %dot_general3A_118 = tpu.matmul %get3A_113, %get3A_116, %dot_general3A_117 {dimension_numbers = #tpu.dot_dimension_numbers<[1], [0], [0], [1], [0, 0, 1, 1], [], []>, transpose_lhs_hint = false} : vector<2048x128xf32>, vector<128x256xf32>, vector<2048x256xf32> -> vector<2048x256xf32>
      %get3A_119 = arith.index_cast %rem3A_83 : i32 to index
      %get3A_120 = arith.constant 0 : index
      %get3A_121 = arith.constant 0 : index
      %get3A_122 = vector.load %arg17[%get3A_119, %get3A_120, %get3A_121] : memref<2x2048x128xf32, #tpu.memory_space<vmem>>, vector<1x2048x128xf32>
      %get3A_123 = vector.shape_cast %get3A_122 : vector<1x2048x128xf32> to vector<2048x128xf32>
      %get3A_124 = arith.constant 0 : index
      %get3A_125 = arith.constant 0 : index
      %get3A_126 = vector.load %arg10[%get3A_124, %get3A_125] : memref<128x256xf32, #tpu.memory_space<vmem>>, vector<128x256xf32>
      %dot_general3A_127 = arith.constant dense<0.000000e+00> : vector<2048x256xf32>
      %dot_general3A_128 = tpu.matmul %get3A_123, %get3A_126, %dot_general3A_127 {dimension_numbers = #tpu.dot_dimension_numbers<[1], [0], [0], [1], [0, 0, 1, 1], [], []>, transpose_lhs_hint = false} : vector<2048x128xf32>, vector<128x256xf32>, vector<2048x256xf32> -> vector<2048x256xf32>
      %add3A_129 = arith.addf %dot_general3A_118, %dot_general3A_128 : vector<2048x256xf32>
      %get3A_130 = arith.index_cast %rem3A_83 : i32 to index
      %get3A_131 = arith.constant 0 : index
      %get3A_132 = arith.constant 0 : index
      %get3A_133 = vector.load %arg18[%get3A_130, %get3A_131, %get3A_132] : memref<2x2048x128xf32, #tpu.memory_space<vmem>>, vector<1x2048x128xf32>
      %get3A_134 = vector.shape_cast %get3A_133 : vector<1x2048x128xf32> to vector<2048x128xf32>
      %get3A_135 = arith.constant 0 : index
      %get3A_136 = arith.constant 0 : index
      %get3A_137 = vector.load %arg11[%get3A_135, %get3A_136] : memref<128x256xf32, #tpu.memory_space<vmem>>, vector<128x256xf32>
      %dot_general3A_138 = arith.constant dense<0.000000e+00> : vector<2048x256xf32>
      %dot_general3A_139 = tpu.matmul %get3A_134, %get3A_137, %dot_general3A_138 {dimension_numbers = #tpu.dot_dimension_numbers<[1], [0], [0], [1], [0, 0, 1, 1], [], []>, transpose_lhs_hint = false} : vector<2048x128xf32>, vector<128x256xf32>, vector<2048x256xf32> -> vector<2048x256xf32>
      %add3A_140 = arith.addf %add3A_129, %dot_general3A_139 : vector<2048x256xf32>
      %tanh3A = math.tanh %add3A_140 : vector<2048x256xf32>
      %get3A_141 = arith.constant 0 : index
      %get3A_142 = arith.constant 0 : index
      %get3A_143 = vector.load %arg12[%get3A_141, %get3A_142] : memref<1x256xf32, #tpu.memory_space<vmem>>, vector<1x256xf32>
      %dot_general3A_144 = arith.constant dense<0.000000e+00> : vector<1x2048xf32>
      %dot_general3A_145 = tpu.matmul %get3A_143, %tanh3A, %dot_general3A_144 {dimension_numbers = #tpu.dot_dimension_numbers<[1], [1], [0], [0], [0, 0, 1, 0], [], []>, transpose_lhs_hint = false} : vector<1x256xf32>, vector<2048x256xf32>, vector<1x2048xf32> -> vector<1x2048xf32>
      %mul3A_146 = arith.constant 2048 : i32
      %mul3A_147 = arith.muli %while3A_77, %mul3A_146 : i32
      %min3A_148 = arith.constant 317952 : i32
      %min3A_149 = arith.minsi %mul3A_147, %min3A_148 : i32
      %iota3A = tpu.iota {dimensions = array<i32: 1>} : vector<1x2048xi32>
      %add3A_150 = vector.broadcast %min3A_149 : i32 to vector<1x2048xi32>
      %add3A_151 = arith.addi %add3A_150, %iota3A : vector<1x2048xi32>
      %mul3A_152 = arith.constant 2048 : i32
      %mul3A_153 = arith.muli %while3A_77, %mul3A_152 : i32
      %ge3A_154 = vector.broadcast %mul3A_153 : i32 to vector<1x2048xi32>
      %ge3A_155 = arith.cmpi sge, %add3A_151, %ge3A_154 : vector<1x2048xi32>
      %get3A_156 = arith.index_cast %rem3A_83 : i32 to index
      %get3A_157 = arith.constant 0 : index
      %get3A_158 = arith.constant 0 : index
      %get3A_159 = vector.load %arg19[%get3A_156, %get3A_157, %get3A_158] : memref<2x1x2048xi32, #tpu.memory_space<vmem>>, vector<1x1x2048xi32>
      %get3A_160 = vector.shape_cast %get3A_159 : vector<1x1x2048xi32> to vector<1x2048xi32>
      %sub3A_161 = vector.broadcast %mul3A_31 : i32 to vector<1x2048xi32>
      %sub3A_162 = arith.subi %get3A_160, %sub3A_161 : vector<1x2048xi32>
      %jit3A_163 = arith.constant -1 : i32
      %broadcast_in_dim3A_164 = vector.broadcast %jit3A_163 : i32 to vector<1x2048xi32>
      %select_n3A_165 = arith.select %ge3A_155, %sub3A_162, %broadcast_in_dim3A_164 : vector<1x2048xi1>, vector<1x2048xi32>
      %iota3A_166 = tpu.iota {dimensions = array<i32: 0>} : vector<256x2048xi32>
      %eq3A = vector.broadcast %select_n3A_165 : vector<1x2048xi32> to vector<256x2048xi32>
      %eq3A_167 = arith.cmpi eq, %eq3A, %iota3A_166 : vector<256x2048xi32>
      %jit3A_168 = arith.constant -1.000000e+30 : f32
      %broadcast_in_dim3A_169 = vector.shape_cast %dot_general3A_145 : vector<1x2048xf32> to vector<1x2048xf32>
      %broadcast_in_dim3A_170 = vector.broadcast %broadcast_in_dim3A_169 : vector<1x2048xf32> to vector<256x2048xf32>
      %broadcast_in_dim3A_171 = vector.broadcast %jit3A_168 : f32 to vector<256x2048xf32>
      %select_n3A_172 = arith.select %eq3A_167, %broadcast_in_dim3A_170, %broadcast_in_dim3A_171 : vector<256x2048xi1>, vector<256x2048xf32>
      %reduce_max3A = arith.constant dense<0xFF800000> : vector<256xf32>
      %reduce_max3A_173 = vector.multi_reduction <maximumf>, %select_n3A_172, %reduce_max3A [1] : vector<256x2048xf32> to vector<256xf32>
      %broadcast_in_dim3A_174 = vector.shape_cast %reduce_max3A_173 : vector<256xf32> to vector<256x1xf32>
      %max3A = arith.maximumf %while3A_78, %broadcast_in_dim3A_174 : vector<256x1xf32>
      %sub3A_175 = arith.subf %while3A_78, %max3A : vector<256x1xf32>
      %exp3A = math.exp %sub3A_175 : vector<256x1xf32>
      %sub3A_176 = vector.broadcast %dot_general3A_145 : vector<1x2048xf32> to vector<256x2048xf32>
      %sub3A_177 = vector.broadcast %max3A : vector<256x1xf32> to vector<256x2048xf32>
      %sub3A_178 = arith.subf %sub3A_176, %sub3A_177 : vector<256x2048xf32>
      %jit3A_179 = arith.constant -1.000000e+30 : f32
      %broadcast_in_dim3A_180 = vector.broadcast %jit3A_179 : f32 to vector<256x2048xf32>
      %select_n3A_181 = arith.select %eq3A_167, %sub3A_178, %broadcast_in_dim3A_180 : vector<256x2048xi1>, vector<256x2048xf32>
      %exp3A_182 = math.exp %select_n3A_181 : vector<256x2048xf32>
      %mul3A_183 = arith.mulf %while3A_79, %exp3A : vector<256x1xf32>
      %reduce_sum3A = arith.constant dense<0.000000e+00> : vector<256xf32>
      %reduce_sum3A_184 = vector.multi_reduction <add>, %exp3A_182, %reduce_sum3A [1] : vector<256x2048xf32> to vector<256xf32>
      %broadcast_in_dim3A_185 = vector.shape_cast %reduce_sum3A_184 : vector<256xf32> to vector<256x1xf32>
      %add3A_186 = arith.addf %mul3A_183, %broadcast_in_dim3A_185 : vector<256x1xf32>
      %mul3A_187 = vector.broadcast %exp3A : vector<256x1xf32> to vector<256x256xf32>
      %mul3A_188 = arith.mulf %while3A_80, %mul3A_187 : vector<256x256xf32>
      %dot_general3A_189 = arith.constant dense<0.000000e+00> : vector<256x256xf32>
      %dot_general3A_190 = tpu.matmul %exp3A_182, %tanh3A, %dot_general3A_189 {dimension_numbers = #tpu.dot_dimension_numbers<[1], [0], [0], [1], [0, 0, 1, 1], [], []>, transpose_lhs_hint = false} : vector<256x2048xf32>, vector<2048x256xf32>, vector<256x256xf32> -> vector<256x256xf32>
      %add3A_191 = arith.addf %mul3A_188, %dot_general3A_190 : vector<256x256xf32>
      scf.yield %max3A, %add3A_186, %add3A_191 : vector<256x1xf32>, vector<256x1xf32>, vector<256x256xf32>
    }
    %while3A_45 = arith.constant 1 : i32
    %while3A_46:3 = scf.for %while3A_77 = %while3A_42 to %while3A_38 step %while3A_45 iter_args(%while3A_78 = %while3A_44#0, %while3A_79 = %while3A_44#1, %while3A_80 = %while3A_44#2) -> (vector<256x1xf32>, vector<256x1xf32>, vector<256x256xf32>)  : i32 {
      %sub3A_81 = arith.subi %while3A_77, %select_n3A_22 : i32
      %rem3A_82 = arith.constant 2 : i32
      %rem3A_83 = arith.remsi %sub3A_81, %rem3A_82 : i32
      %add3A_84 = arith.constant 1 : i32
      %add3A_85 = arith.addi %while3A_77, %add3A_84 : i32
      %lt3A_86 = arith.cmpi slt, %add3A_85, %select_n3A_30 : i32
      %convert_element_type3A_87 = arith.extui %lt3A_86 : i1 to i32
      %cond3A_88 = arith.constant 0 : i32
      %cond3A_89 = arith.cmpi ne, %convert_element_type3A_87, %cond3A_88 : i32
      scf.if %cond3A_89 {
        %add3A_192 = arith.constant 1 : i32
        %add3A_193 = arith.addi %while3A_77, %add3A_192 : i32
        %sub3A_194 = arith.constant 1 : i32
        %sub3A_195 = arith.subi %sub3A_194, %rem3A_83 : i32
        %mul3A_196 = arith.constant 2048 : i32
        %mul3A_197 = arith.muli %add3A_193, %mul3A_196 : i32
        %min3A_198 = arith.constant 317952 : i32
        %min3A_199 = arith.minsi %mul3A_197, %min3A_198 : i32
        %lt3A_200 = arith.constant 75 : i32
        %lt3A_201 = arith.cmpi slt, %add3A_193, %lt3A_200 : i32
        %convert_element_type3A_202 = arith.extui %lt3A_201 : i1 to i32
        %cond3A_203 = arith.constant 0 : i32
        %cond3A_204 = arith.cmpi ne, %convert_element_type3A_202, %cond3A_203 : i32
        scf.if %cond3A_204 {
          %dma_start3A_217 = tpu.memref_slice %arg20[%sub3A_195] : memref<2x!tpu.dma_semaphore, #tpu.memory_space<semaphore_mem>> -> memref<1x!tpu.dma_semaphore, #tpu.memory_space<semaphore_mem>>
          %dma_start3A_218 = tpu.memref_squeeze %dma_start3A_217 : memref<1x!tpu.dma_semaphore, #tpu.memory_space<semaphore_mem>> -> memref<!tpu.dma_semaphore, #tpu.memory_space<semaphore_mem>>
          %dma_start3A_219 = arith.constant 0 : i32
          %dma_start3A_220 = arith.constant 0 : i32
          %dma_start3A_221 = tpu.memref_slice %arg16[%sub3A_195, %dma_start3A_219, %dma_start3A_220] : memref<2x2048x128xf32, #tpu.memory_space<vmem>> -> memref<1x2048x128xf32, #tpu.memory_space<vmem>>
          %dma_start3A_222 = tpu.memref_squeeze %dma_start3A_221 : memref<1x2048x128xf32, #tpu.memory_space<vmem>> -> memref<2048x128xf32, #tpu.memory_space<vmem>>
          %dma_start3A_223 = arith.constant 0 : i32
          %dma_start3A_224 = tpu.memref_slice %arg2[%min3A_199, %dma_start3A_223] : memref<153600x128xf32, #tpu.memory_space<hbm>> -> memref<2048x128xf32, #tpu.memory_space<hbm>>
          tpu.enqueue_dma source(%dma_start3A_224 : memref<2048x128xf32, #tpu.memory_space<hbm>>) target(%dma_start3A_222 : memref<2048x128xf32, #tpu.memory_space<vmem>>) target_semaphore(%dma_start3A_218 : memref<!tpu.dma_semaphore, #tpu.memory_space<semaphore_mem>>)
          %dma_start3A_225 = tpu.memref_slice %arg21[%sub3A_195] : memref<2x!tpu.dma_semaphore, #tpu.memory_space<semaphore_mem>> -> memref<1x!tpu.dma_semaphore, #tpu.memory_space<semaphore_mem>>
          %dma_start3A_226 = tpu.memref_squeeze %dma_start3A_225 : memref<1x!tpu.dma_semaphore, #tpu.memory_space<semaphore_mem>> -> memref<!tpu.dma_semaphore, #tpu.memory_space<semaphore_mem>>
          %dma_start3A_227 = arith.constant 0 : i32
          %dma_start3A_228 = arith.constant 0 : i32
          %dma_start3A_229 = tpu.memref_slice %arg17[%sub3A_195, %dma_start3A_227, %dma_start3A_228] : memref<2x2048x128xf32, #tpu.memory_space<vmem>> -> memref<1x2048x128xf32, #tpu.memory_space<vmem>>
          %dma_start3A_230 = tpu.memref_squeeze %dma_start3A_229 : memref<1x2048x128xf32, #tpu.memory_space<vmem>> -> memref<2048x128xf32, #tpu.memory_space<vmem>>
          %dma_start3A_231 = arith.constant 0 : i32
          %dma_start3A_232 = tpu.memref_slice %arg3[%min3A_199, %dma_start3A_231] : memref<153600x128xf32, #tpu.memory_space<hbm>> -> memref<2048x128xf32, #tpu.memory_space<hbm>>
          tpu.enqueue_dma source(%dma_start3A_232 : memref<2048x128xf32, #tpu.memory_space<hbm>>) target(%dma_start3A_230 : memref<2048x128xf32, #tpu.memory_space<vmem>>) target_semaphore(%dma_start3A_226 : memref<!tpu.dma_semaphore, #tpu.memory_space<semaphore_mem>>)
          %dma_start3A_233 = tpu.memref_slice %arg22[%sub3A_195] : memref<2x!tpu.dma_semaphore, #tpu.memory_space<semaphore_mem>> -> memref<1x!tpu.dma_semaphore, #tpu.memory_space<semaphore_mem>>
          %dma_start3A_234 = tpu.memref_squeeze %dma_start3A_233 : memref<1x!tpu.dma_semaphore, #tpu.memory_space<semaphore_mem>> -> memref<!tpu.dma_semaphore, #tpu.memory_space<semaphore_mem>>
          %dma_start3A_235 = arith.constant 0 : i32
          %dma_start3A_236 = arith.constant 0 : i32
          %dma_start3A_237 = tpu.memref_slice %arg18[%sub3A_195, %dma_start3A_235, %dma_start3A_236] : memref<2x2048x128xf32, #tpu.memory_space<vmem>> -> memref<1x2048x128xf32, #tpu.memory_space<vmem>>
          %dma_start3A_238 = tpu.memref_squeeze %dma_start3A_237 : memref<1x2048x128xf32, #tpu.memory_space<vmem>> -> memref<2048x128xf32, #tpu.memory_space<vmem>>
          %dma_start3A_239 = arith.constant 0 : i32
          %dma_start3A_240 = tpu.memref_slice %arg4[%min3A_199, %dma_start3A_239] : memref<153600x128xf32, #tpu.memory_space<hbm>> -> memref<2048x128xf32, #tpu.memory_space<hbm>>
          tpu.enqueue_dma source(%dma_start3A_240 : memref<2048x128xf32, #tpu.memory_space<hbm>>) target(%dma_start3A_238 : memref<2048x128xf32, #tpu.memory_space<vmem>>) target_semaphore(%dma_start3A_234 : memref<!tpu.dma_semaphore, #tpu.memory_space<semaphore_mem>>)
        } else {
        }
        %ge3A_205 = arith.constant 75 : i32
        %ge3A_206 = arith.cmpi sge, %add3A_193, %ge3A_205 : i32
        %convert_element_type3A_207 = arith.extui %ge3A_206 : i1 to i32
        %cond3A_208 = arith.constant 0 : i32
        %cond3A_209 = arith.cmpi ne, %convert_element_type3A_207, %cond3A_208 : i32
        scf.if %cond3A_209 {
          %sub3A_217 = arith.constant 153600 : i32
          %sub3A_218 = arith.subi %min3A_199, %sub3A_217 : i32
          %dma_start3A_219 = tpu.memref_slice %arg20[%sub3A_195] : memref<2x!tpu.dma_semaphore, #tpu.memory_space<semaphore_mem>> -> memref<1x!tpu.dma_semaphore, #tpu.memory_space<semaphore_mem>>
          %dma_start3A_220 = tpu.memref_squeeze %dma_start3A_219 : memref<1x!tpu.dma_semaphore, #tpu.memory_space<semaphore_mem>> -> memref<!tpu.dma_semaphore, #tpu.memory_space<semaphore_mem>>
          %dma_start3A_221 = arith.constant 0 : i32
          %dma_start3A_222 = arith.constant 0 : i32
          %dma_start3A_223 = tpu.memref_slice %arg16[%sub3A_195, %dma_start3A_221, %dma_start3A_222] : memref<2x2048x128xf32, #tpu.memory_space<vmem>> -> memref<1x2048x128xf32, #tpu.memory_space<vmem>>
          %dma_start3A_224 = tpu.memref_squeeze %dma_start3A_223 : memref<1x2048x128xf32, #tpu.memory_space<vmem>> -> memref<2048x128xf32, #tpu.memory_space<vmem>>
          %dma_start3A_225 = arith.constant 0 : i32
          %dma_start3A_226 = tpu.memref_slice %arg5[%sub3A_218, %dma_start3A_225] : memref<166400x128xf32, #tpu.memory_space<hbm>> -> memref<2048x128xf32, #tpu.memory_space<hbm>>
          tpu.enqueue_dma source(%dma_start3A_226 : memref<2048x128xf32, #tpu.memory_space<hbm>>) target(%dma_start3A_224 : memref<2048x128xf32, #tpu.memory_space<vmem>>) target_semaphore(%dma_start3A_220 : memref<!tpu.dma_semaphore, #tpu.memory_space<semaphore_mem>>)
          %sub3A_227 = arith.constant 153600 : i32
          %sub3A_228 = arith.subi %min3A_199, %sub3A_227 : i32
          %dma_start3A_229 = tpu.memref_slice %arg21[%sub3A_195] : memref<2x!tpu.dma_semaphore, #tpu.memory_space<semaphore_mem>> -> memref<1x!tpu.dma_semaphore, #tpu.memory_space<semaphore_mem>>
          %dma_start3A_230 = tpu.memref_squeeze %dma_start3A_229 : memref<1x!tpu.dma_semaphore, #tpu.memory_space<semaphore_mem>> -> memref<!tpu.dma_semaphore, #tpu.memory_space<semaphore_mem>>
          %dma_start3A_231 = arith.constant 0 : i32
          %dma_start3A_232 = arith.constant 0 : i32
          %dma_start3A_233 = tpu.memref_slice %arg17[%sub3A_195, %dma_start3A_231, %dma_start3A_232] : memref<2x2048x128xf32, #tpu.memory_space<vmem>> -> memref<1x2048x128xf32, #tpu.memory_space<vmem>>
          %dma_start3A_234 = tpu.memref_squeeze %dma_start3A_233 : memref<1x2048x128xf32, #tpu.memory_space<vmem>> -> memref<2048x128xf32, #tpu.memory_space<vmem>>
          %dma_start3A_235 = arith.constant 0 : i32
          %dma_start3A_236 = tpu.memref_slice %arg6[%sub3A_228, %dma_start3A_235] : memref<166400x128xf32, #tpu.memory_space<hbm>> -> memref<2048x128xf32, #tpu.memory_space<hbm>>
          tpu.enqueue_dma source(%dma_start3A_236 : memref<2048x128xf32, #tpu.memory_space<hbm>>) target(%dma_start3A_234 : memref<2048x128xf32, #tpu.memory_space<vmem>>) target_semaphore(%dma_start3A_230 : memref<!tpu.dma_semaphore, #tpu.memory_space<semaphore_mem>>)
          %sub3A_237 = arith.constant 153600 : i32
          %sub3A_238 = arith.subi %min3A_199, %sub3A_237 : i32
          %dma_start3A_239 = tpu.memref_slice %arg22[%sub3A_195] : memref<2x!tpu.dma_semaphore, #tpu.memory_space<semaphore_mem>> -> memref<1x!tpu.dma_semaphore, #tpu.memory_space<semaphore_mem>>
          %dma_start3A_240 = tpu.memref_squeeze %dma_start3A_239 : memref<1x!tpu.dma_semaphore, #tpu.memory_space<semaphore_mem>> -> memref<!tpu.dma_semaphore, #tpu.memory_space<semaphore_mem>>
          %dma_start3A_241 = arith.constant 0 : i32
          %dma_start3A_242 = arith.constant 0 : i32
          %dma_start3A_243 = tpu.memref_slice %arg18[%sub3A_195, %dma_start3A_241, %dma_start3A_242] : memref<2x2048x128xf32, #tpu.memory_space<vmem>> -> memref<1x2048x128xf32, #tpu.memory_space<vmem>>
          %dma_start3A_244 = tpu.memref_squeeze %dma_start3A_243 : memref<1x2048x128xf32, #tpu.memory_space<vmem>> -> memref<2048x128xf32, #tpu.memory_space<vmem>>
          %dma_start3A_245 = arith.constant 0 : i32
          %dma_start3A_246 = tpu.memref_slice %arg7[%sub3A_238, %dma_start3A_245] : memref<166400x128xf32, #tpu.memory_space<hbm>> -> memref<2048x128xf32, #tpu.memory_space<hbm>>
          tpu.enqueue_dma source(%dma_start3A_246 : memref<2048x128xf32, #tpu.memory_space<hbm>>) target(%dma_start3A_244 : memref<2048x128xf32, #tpu.memory_space<vmem>>) target_semaphore(%dma_start3A_240 : memref<!tpu.dma_semaphore, #tpu.memory_space<semaphore_mem>>)
        } else {
        }
        %dma_start3A = tpu.memref_slice %arg23[%sub3A_195] : memref<2x!tpu.dma_semaphore, #tpu.memory_space<semaphore_mem>> -> memref<1x!tpu.dma_semaphore, #tpu.memory_space<semaphore_mem>>
        %dma_start3A_210 = tpu.memref_squeeze %dma_start3A : memref<1x!tpu.dma_semaphore, #tpu.memory_space<semaphore_mem>> -> memref<!tpu.dma_semaphore, #tpu.memory_space<semaphore_mem>>
        %dma_start3A_211 = arith.constant 0 : i32
        %dma_start3A_212 = arith.constant 0 : i32
        %dma_start3A_213 = tpu.memref_slice %arg19[%sub3A_195, %dma_start3A_211, %dma_start3A_212] : memref<2x1x2048xi32, #tpu.memory_space<vmem>> -> memref<1x1x2048xi32, #tpu.memory_space<vmem>>
        %dma_start3A_214 = tpu.memref_squeeze %dma_start3A_213 : memref<1x1x2048xi32, #tpu.memory_space<vmem>> -> memref<1x2048xi32, #tpu.memory_space<vmem>>
        %dma_start3A_215 = arith.constant 0 : i32
        %dma_start3A_216 = tpu.memref_slice %arg8[%dma_start3A_215, %min3A_199] : memref<1x320000xi32, #tpu.memory_space<hbm>> -> memref<1x2048xi32, #tpu.memory_space<hbm>>
        tpu.enqueue_dma source(%dma_start3A_216 : memref<1x2048xi32, #tpu.memory_space<hbm>>) target(%dma_start3A_214 : memref<1x2048xi32, #tpu.memory_space<vmem>>) target_semaphore(%dma_start3A_210 : memref<!tpu.dma_semaphore, #tpu.memory_space<semaphore_mem>>)
      } else {
      }
      %mul3A_90 = arith.constant 2048 : i32
      %mul3A_91 = arith.muli %while3A_77, %mul3A_90 : i32
      %min3A = arith.constant 317952 : i32
      %min3A_92 = arith.minsi %mul3A_91, %min3A : i32
      %lt3A_93 = arith.constant 75 : i32
      %lt3A_94 = arith.cmpi slt, %while3A_77, %lt3A_93 : i32
      %convert_element_type3A_95 = arith.extui %lt3A_94 : i1 to i32
      %cond3A_96 = arith.constant 0 : i32
      %cond3A_97 = arith.cmpi ne, %convert_element_type3A_95, %cond3A_96 : i32
      scf.if %cond3A_97 {
        %dma_wait3A_192 = tpu.memref_slice %arg20[%rem3A_83] : memref<2x!tpu.dma_semaphore, #tpu.memory_space<semaphore_mem>> -> memref<1x!tpu.dma_semaphore, #tpu.memory_space<semaphore_mem>>
        %dma_wait3A_193 = tpu.memref_squeeze %dma_wait3A_192 : memref<1x!tpu.dma_semaphore, #tpu.memory_space<semaphore_mem>> -> memref<!tpu.dma_semaphore, #tpu.memory_space<semaphore_mem>>
        %dma_wait3A_194 = arith.constant 0 : i32
        %dma_wait3A_195 = arith.constant 0 : i32
        %dma_wait3A_196 = tpu.memref_slice %arg16[%rem3A_83, %dma_wait3A_194, %dma_wait3A_195] : memref<2x2048x128xf32, #tpu.memory_space<vmem>> -> memref<1x2048x128xf32, #tpu.memory_space<vmem>>
        %dma_wait3A_197 = tpu.memref_squeeze %dma_wait3A_196 : memref<1x2048x128xf32, #tpu.memory_space<vmem>> -> memref<2048x128xf32, #tpu.memory_space<vmem>>
        %dma_wait3A_198 = arith.constant 0 : i32
        %dma_wait3A_199 = tpu.memref_slice %arg2[%min3A_92, %dma_wait3A_198] : memref<153600x128xf32, #tpu.memory_space<hbm>> -> memref<2048x128xf32, #tpu.memory_space<hbm>>
        tpu.wait_dma2 semaphore(%dma_wait3A_193 : memref<!tpu.dma_semaphore, #tpu.memory_space<semaphore_mem>>) src(%dma_wait3A_199 : memref<2048x128xf32, #tpu.memory_space<hbm>>) dst(%dma_wait3A_197 : memref<2048x128xf32, #tpu.memory_space<vmem>>)
        %dma_wait3A_200 = tpu.memref_slice %arg21[%rem3A_83] : memref<2x!tpu.dma_semaphore, #tpu.memory_space<semaphore_mem>> -> memref<1x!tpu.dma_semaphore, #tpu.memory_space<semaphore_mem>>
        %dma_wait3A_201 = tpu.memref_squeeze %dma_wait3A_200 : memref<1x!tpu.dma_semaphore, #tpu.memory_space<semaphore_mem>> -> memref<!tpu.dma_semaphore, #tpu.memory_space<semaphore_mem>>
        %dma_wait3A_202 = arith.constant 0 : i32
        %dma_wait3A_203 = arith.constant 0 : i32
        %dma_wait3A_204 = tpu.memref_slice %arg17[%rem3A_83, %dma_wait3A_202, %dma_wait3A_203] : memref<2x2048x128xf32, #tpu.memory_space<vmem>> -> memref<1x2048x128xf32, #tpu.memory_space<vmem>>
        %dma_wait3A_205 = tpu.memref_squeeze %dma_wait3A_204 : memref<1x2048x128xf32, #tpu.memory_space<vmem>> -> memref<2048x128xf32, #tpu.memory_space<vmem>>
        %dma_wait3A_206 = arith.constant 0 : i32
        %dma_wait3A_207 = tpu.memref_slice %arg3[%min3A_92, %dma_wait3A_206] : memref<153600x128xf32, #tpu.memory_space<hbm>> -> memref<2048x128xf32, #tpu.memory_space<hbm>>
        tpu.wait_dma2 semaphore(%dma_wait3A_201 : memref<!tpu.dma_semaphore, #tpu.memory_space<semaphore_mem>>) src(%dma_wait3A_207 : memref<2048x128xf32, #tpu.memory_space<hbm>>) dst(%dma_wait3A_205 : memref<2048x128xf32, #tpu.memory_space<vmem>>)
        %dma_wait3A_208 = tpu.memref_slice %arg22[%rem3A_83] : memref<2x!tpu.dma_semaphore, #tpu.memory_space<semaphore_mem>> -> memref<1x!tpu.dma_semaphore, #tpu.memory_space<semaphore_mem>>
        %dma_wait3A_209 = tpu.memref_squeeze %dma_wait3A_208 : memref<1x!tpu.dma_semaphore, #tpu.memory_space<semaphore_mem>> -> memref<!tpu.dma_semaphore, #tpu.memory_space<semaphore_mem>>
        %dma_wait3A_210 = arith.constant 0 : i32
        %dma_wait3A_211 = arith.constant 0 : i32
        %dma_wait3A_212 = tpu.memref_slice %arg18[%rem3A_83, %dma_wait3A_210, %dma_wait3A_211] : memref<2x2048x128xf32, #tpu.memory_space<vmem>> -> memref<1x2048x128xf32, #tpu.memory_space<vmem>>
        %dma_wait3A_213 = tpu.memref_squeeze %dma_wait3A_212 : memref<1x2048x128xf32, #tpu.memory_space<vmem>> -> memref<2048x128xf32, #tpu.memory_space<vmem>>
        %dma_wait3A_214 = arith.constant 0 : i32
        %dma_wait3A_215 = tpu.memref_slice %arg4[%min3A_92, %dma_wait3A_214] : memref<153600x128xf32, #tpu.memory_space<hbm>> -> memref<2048x128xf32, #tpu.memory_space<hbm>>
        tpu.wait_dma2 semaphore(%dma_wait3A_209 : memref<!tpu.dma_semaphore, #tpu.memory_space<semaphore_mem>>) src(%dma_wait3A_215 : memref<2048x128xf32, #tpu.memory_space<hbm>>) dst(%dma_wait3A_213 : memref<2048x128xf32, #tpu.memory_space<vmem>>)
      } else {
      }
      %ge3A = arith.constant 75 : i32
      %ge3A_98 = arith.cmpi sge, %while3A_77, %ge3A : i32
      %convert_element_type3A_99 = arith.extui %ge3A_98 : i1 to i32
      %cond3A_100 = arith.constant 0 : i32
      %cond3A_101 = arith.cmpi ne, %convert_element_type3A_99, %cond3A_100 : i32
      scf.if %cond3A_101 {
        %sub3A_192 = arith.constant 153600 : i32
        %sub3A_193 = arith.subi %min3A_92, %sub3A_192 : i32
        %dma_wait3A_194 = tpu.memref_slice %arg20[%rem3A_83] : memref<2x!tpu.dma_semaphore, #tpu.memory_space<semaphore_mem>> -> memref<1x!tpu.dma_semaphore, #tpu.memory_space<semaphore_mem>>
        %dma_wait3A_195 = tpu.memref_squeeze %dma_wait3A_194 : memref<1x!tpu.dma_semaphore, #tpu.memory_space<semaphore_mem>> -> memref<!tpu.dma_semaphore, #tpu.memory_space<semaphore_mem>>
        %dma_wait3A_196 = arith.constant 0 : i32
        %dma_wait3A_197 = arith.constant 0 : i32
        %dma_wait3A_198 = tpu.memref_slice %arg16[%rem3A_83, %dma_wait3A_196, %dma_wait3A_197] : memref<2x2048x128xf32, #tpu.memory_space<vmem>> -> memref<1x2048x128xf32, #tpu.memory_space<vmem>>
        %dma_wait3A_199 = tpu.memref_squeeze %dma_wait3A_198 : memref<1x2048x128xf32, #tpu.memory_space<vmem>> -> memref<2048x128xf32, #tpu.memory_space<vmem>>
        %dma_wait3A_200 = arith.constant 0 : i32
        %dma_wait3A_201 = tpu.memref_slice %arg5[%sub3A_193, %dma_wait3A_200] : memref<166400x128xf32, #tpu.memory_space<hbm>> -> memref<2048x128xf32, #tpu.memory_space<hbm>>
        tpu.wait_dma2 semaphore(%dma_wait3A_195 : memref<!tpu.dma_semaphore, #tpu.memory_space<semaphore_mem>>) src(%dma_wait3A_201 : memref<2048x128xf32, #tpu.memory_space<hbm>>) dst(%dma_wait3A_199 : memref<2048x128xf32, #tpu.memory_space<vmem>>)
        %sub3A_202 = arith.constant 153600 : i32
        %sub3A_203 = arith.subi %min3A_92, %sub3A_202 : i32
        %dma_wait3A_204 = tpu.memref_slice %arg21[%rem3A_83] : memref<2x!tpu.dma_semaphore, #tpu.memory_space<semaphore_mem>> -> memref<1x!tpu.dma_semaphore, #tpu.memory_space<semaphore_mem>>
        %dma_wait3A_205 = tpu.memref_squeeze %dma_wait3A_204 : memref<1x!tpu.dma_semaphore, #tpu.memory_space<semaphore_mem>> -> memref<!tpu.dma_semaphore, #tpu.memory_space<semaphore_mem>>
        %dma_wait3A_206 = arith.constant 0 : i32
        %dma_wait3A_207 = arith.constant 0 : i32
        %dma_wait3A_208 = tpu.memref_slice %arg17[%rem3A_83, %dma_wait3A_206, %dma_wait3A_207] : memref<2x2048x128xf32, #tpu.memory_space<vmem>> -> memref<1x2048x128xf32, #tpu.memory_space<vmem>>
        %dma_wait3A_209 = tpu.memref_squeeze %dma_wait3A_208 : memref<1x2048x128xf32, #tpu.memory_space<vmem>> -> memref<2048x128xf32, #tpu.memory_space<vmem>>
        %dma_wait3A_210 = arith.constant 0 : i32
        %dma_wait3A_211 = tpu.memref_slice %arg6[%sub3A_203, %dma_wait3A_210] : memref<166400x128xf32, #tpu.memory_space<hbm>> -> memref<2048x128xf32, #tpu.memory_space<hbm>>
        tpu.wait_dma2 semaphore(%dma_wait3A_205 : memref<!tpu.dma_semaphore, #tpu.memory_space<semaphore_mem>>) src(%dma_wait3A_211 : memref<2048x128xf32, #tpu.memory_space<hbm>>) dst(%dma_wait3A_209 : memref<2048x128xf32, #tpu.memory_space<vmem>>)
        %sub3A_212 = arith.constant 153600 : i32
        %sub3A_213 = arith.subi %min3A_92, %sub3A_212 : i32
        %dma_wait3A_214 = tpu.memref_slice %arg22[%rem3A_83] : memref<2x!tpu.dma_semaphore, #tpu.memory_space<semaphore_mem>> -> memref<1x!tpu.dma_semaphore, #tpu.memory_space<semaphore_mem>>
        %dma_wait3A_215 = tpu.memref_squeeze %dma_wait3A_214 : memref<1x!tpu.dma_semaphore, #tpu.memory_space<semaphore_mem>> -> memref<!tpu.dma_semaphore, #tpu.memory_space<semaphore_mem>>
        %dma_wait3A_216 = arith.constant 0 : i32
        %dma_wait3A_217 = arith.constant 0 : i32
        %dma_wait3A_218 = tpu.memref_slice %arg18[%rem3A_83, %dma_wait3A_216, %dma_wait3A_217] : memref<2x2048x128xf32, #tpu.memory_space<vmem>> -> memref<1x2048x128xf32, #tpu.memory_space<vmem>>
        %dma_wait3A_219 = tpu.memref_squeeze %dma_wait3A_218 : memref<1x2048x128xf32, #tpu.memory_space<vmem>> -> memref<2048x128xf32, #tpu.memory_space<vmem>>
        %dma_wait3A_220 = arith.constant 0 : i32
        %dma_wait3A_221 = tpu.memref_slice %arg7[%sub3A_213, %dma_wait3A_220] : memref<166400x128xf32, #tpu.memory_space<hbm>> -> memref<2048x128xf32, #tpu.memory_space<hbm>>
        tpu.wait_dma2 semaphore(%dma_wait3A_215 : memref<!tpu.dma_semaphore, #tpu.memory_space<semaphore_mem>>) src(%dma_wait3A_221 : memref<2048x128xf32, #tpu.memory_space<hbm>>) dst(%dma_wait3A_219 : memref<2048x128xf32, #tpu.memory_space<vmem>>)
      } else {
      }
      %dma_wait3A = tpu.memref_slice %arg23[%rem3A_83] : memref<2x!tpu.dma_semaphore, #tpu.memory_space<semaphore_mem>> -> memref<1x!tpu.dma_semaphore, #tpu.memory_space<semaphore_mem>>
      %dma_wait3A_102 = tpu.memref_squeeze %dma_wait3A : memref<1x!tpu.dma_semaphore, #tpu.memory_space<semaphore_mem>> -> memref<!tpu.dma_semaphore, #tpu.memory_space<semaphore_mem>>
      %dma_wait3A_103 = arith.constant 0 : i32
      %dma_wait3A_104 = arith.constant 0 : i32
      %dma_wait3A_105 = tpu.memref_slice %arg19[%rem3A_83, %dma_wait3A_103, %dma_wait3A_104] : memref<2x1x2048xi32, #tpu.memory_space<vmem>> -> memref<1x1x2048xi32, #tpu.memory_space<vmem>>
      %dma_wait3A_106 = tpu.memref_squeeze %dma_wait3A_105 : memref<1x1x2048xi32, #tpu.memory_space<vmem>> -> memref<1x2048xi32, #tpu.memory_space<vmem>>
      %dma_wait3A_107 = arith.constant 0 : i32
      %dma_wait3A_108 = tpu.memref_slice %arg8[%dma_wait3A_107, %min3A_92] : memref<1x320000xi32, #tpu.memory_space<hbm>> -> memref<1x2048xi32, #tpu.memory_space<hbm>>
      tpu.wait_dma2 semaphore(%dma_wait3A_102 : memref<!tpu.dma_semaphore, #tpu.memory_space<semaphore_mem>>) src(%dma_wait3A_108 : memref<1x2048xi32, #tpu.memory_space<hbm>>) dst(%dma_wait3A_106 : memref<1x2048xi32, #tpu.memory_space<vmem>>)
      %get3A_109 = arith.index_cast %rem3A_83 : i32 to index
      %get3A_110 = arith.constant 0 : index
      %get3A_111 = arith.constant 0 : index
      %get3A_112 = vector.load %arg16[%get3A_109, %get3A_110, %get3A_111] : memref<2x2048x128xf32, #tpu.memory_space<vmem>>, vector<1x2048x128xf32>
      %get3A_113 = vector.shape_cast %get3A_112 : vector<1x2048x128xf32> to vector<2048x128xf32>
      %get3A_114 = arith.constant 0 : index
      %get3A_115 = arith.constant 0 : index
      %get3A_116 = vector.load %arg9[%get3A_114, %get3A_115] : memref<128x256xf32, #tpu.memory_space<vmem>>, vector<128x256xf32>
      %dot_general3A_117 = arith.constant dense<0.000000e+00> : vector<2048x256xf32>
      %dot_general3A_118 = tpu.matmul %get3A_113, %get3A_116, %dot_general3A_117 {dimension_numbers = #tpu.dot_dimension_numbers<[1], [0], [0], [1], [0, 0, 1, 1], [], []>, transpose_lhs_hint = false} : vector<2048x128xf32>, vector<128x256xf32>, vector<2048x256xf32> -> vector<2048x256xf32>
      %get3A_119 = arith.index_cast %rem3A_83 : i32 to index
      %get3A_120 = arith.constant 0 : index
      %get3A_121 = arith.constant 0 : index
      %get3A_122 = vector.load %arg17[%get3A_119, %get3A_120, %get3A_121] : memref<2x2048x128xf32, #tpu.memory_space<vmem>>, vector<1x2048x128xf32>
      %get3A_123 = vector.shape_cast %get3A_122 : vector<1x2048x128xf32> to vector<2048x128xf32>
      %get3A_124 = arith.constant 0 : index
      %get3A_125 = arith.constant 0 : index
      %get3A_126 = vector.load %arg10[%get3A_124, %get3A_125] : memref<128x256xf32, #tpu.memory_space<vmem>>, vector<128x256xf32>
      %dot_general3A_127 = arith.constant dense<0.000000e+00> : vector<2048x256xf32>
      %dot_general3A_128 = tpu.matmul %get3A_123, %get3A_126, %dot_general3A_127 {dimension_numbers = #tpu.dot_dimension_numbers<[1], [0], [0], [1], [0, 0, 1, 1], [], []>, transpose_lhs_hint = false} : vector<2048x128xf32>, vector<128x256xf32>, vector<2048x256xf32> -> vector<2048x256xf32>
      %add3A_129 = arith.addf %dot_general3A_118, %dot_general3A_128 : vector<2048x256xf32>
      %get3A_130 = arith.index_cast %rem3A_83 : i32 to index
      %get3A_131 = arith.constant 0 : index
      %get3A_132 = arith.constant 0 : index
      %get3A_133 = vector.load %arg18[%get3A_130, %get3A_131, %get3A_132] : memref<2x2048x128xf32, #tpu.memory_space<vmem>>, vector<1x2048x128xf32>
      %get3A_134 = vector.shape_cast %get3A_133 : vector<1x2048x128xf32> to vector<2048x128xf32>
      %get3A_135 = arith.constant 0 : index
      %get3A_136 = arith.constant 0 : index
      %get3A_137 = vector.load %arg11[%get3A_135, %get3A_136] : memref<128x256xf32, #tpu.memory_space<vmem>>, vector<128x256xf32>
      %dot_general3A_138 = arith.constant dense<0.000000e+00> : vector<2048x256xf32>
      %dot_general3A_139 = tpu.matmul %get3A_134, %get3A_137, %dot_general3A_138 {dimension_numbers = #tpu.dot_dimension_numbers<[1], [0], [0], [1], [0, 0, 1, 1], [], []>, transpose_lhs_hint = false} : vector<2048x128xf32>, vector<128x256xf32>, vector<2048x256xf32> -> vector<2048x256xf32>
      %add3A_140 = arith.addf %add3A_129, %dot_general3A_139 : vector<2048x256xf32>
      %tanh3A = math.tanh %add3A_140 : vector<2048x256xf32>
      %get3A_141 = arith.constant 0 : index
      %get3A_142 = arith.constant 0 : index
      %get3A_143 = vector.load %arg12[%get3A_141, %get3A_142] : memref<1x256xf32, #tpu.memory_space<vmem>>, vector<1x256xf32>
      %dot_general3A_144 = arith.constant dense<0.000000e+00> : vector<1x2048xf32>
      %dot_general3A_145 = tpu.matmul %get3A_143, %tanh3A, %dot_general3A_144 {dimension_numbers = #tpu.dot_dimension_numbers<[1], [1], [0], [0], [0, 0, 1, 0], [], []>, transpose_lhs_hint = false} : vector<1x256xf32>, vector<2048x256xf32>, vector<1x2048xf32> -> vector<1x2048xf32>
      %mul3A_146 = arith.constant 2048 : i32
      %mul3A_147 = arith.muli %while3A_77, %mul3A_146 : i32
      %min3A_148 = arith.constant 317952 : i32
      %min3A_149 = arith.minsi %mul3A_147, %min3A_148 : i32
      %iota3A = tpu.iota {dimensions = array<i32: 1>} : vector<1x2048xi32>
      %add3A_150 = vector.broadcast %min3A_149 : i32 to vector<1x2048xi32>
      %add3A_151 = arith.addi %add3A_150, %iota3A : vector<1x2048xi32>
      %mul3A_152 = arith.constant 2048 : i32
      %mul3A_153 = arith.muli %while3A_77, %mul3A_152 : i32
      %ge3A_154 = vector.broadcast %mul3A_153 : i32 to vector<1x2048xi32>
      %ge3A_155 = arith.cmpi sge, %add3A_151, %ge3A_154 : vector<1x2048xi32>
      %get3A_156 = arith.index_cast %rem3A_83 : i32 to index
      %get3A_157 = arith.constant 0 : index
      %get3A_158 = arith.constant 0 : index
      %get3A_159 = vector.load %arg19[%get3A_156, %get3A_157, %get3A_158] : memref<2x1x2048xi32, #tpu.memory_space<vmem>>, vector<1x1x2048xi32>
      %get3A_160 = vector.shape_cast %get3A_159 : vector<1x1x2048xi32> to vector<1x2048xi32>
      %sub3A_161 = vector.broadcast %mul3A_31 : i32 to vector<1x2048xi32>
      %sub3A_162 = arith.subi %get3A_160, %sub3A_161 : vector<1x2048xi32>
      %jit3A_163 = arith.constant -1 : i32
      %broadcast_in_dim3A_164 = vector.broadcast %jit3A_163 : i32 to vector<1x2048xi32>
      %select_n3A_165 = arith.select %ge3A_155, %sub3A_162, %broadcast_in_dim3A_164 : vector<1x2048xi1>, vector<1x2048xi32>
      %iota3A_166 = tpu.iota {dimensions = array<i32: 0>} : vector<256x2048xi32>
      %eq3A = vector.broadcast %select_n3A_165 : vector<1x2048xi32> to vector<256x2048xi32>
      %eq3A_167 = arith.cmpi eq, %eq3A, %iota3A_166 : vector<256x2048xi32>
      %jit3A_168 = arith.constant -1.000000e+30 : f32
      %broadcast_in_dim3A_169 = vector.shape_cast %dot_general3A_145 : vector<1x2048xf32> to vector<1x2048xf32>
      %broadcast_in_dim3A_170 = vector.broadcast %broadcast_in_dim3A_169 : vector<1x2048xf32> to vector<256x2048xf32>
      %broadcast_in_dim3A_171 = vector.broadcast %jit3A_168 : f32 to vector<256x2048xf32>
      %select_n3A_172 = arith.select %eq3A_167, %broadcast_in_dim3A_170, %broadcast_in_dim3A_171 : vector<256x2048xi1>, vector<256x2048xf32>
      %reduce_max3A = arith.constant dense<0xFF800000> : vector<256xf32>
      %reduce_max3A_173 = vector.multi_reduction <maximumf>, %select_n3A_172, %reduce_max3A [1] : vector<256x2048xf32> to vector<256xf32>
      %broadcast_in_dim3A_174 = vector.shape_cast %reduce_max3A_173 : vector<256xf32> to vector<256x1xf32>
      %max3A = arith.maximumf %while3A_78, %broadcast_in_dim3A_174 : vector<256x1xf32>
      %sub3A_175 = arith.subf %while3A_78, %max3A : vector<256x1xf32>
      %exp3A = math.exp %sub3A_175 : vector<256x1xf32>
      %sub3A_176 = vector.broadcast %dot_general3A_145 : vector<1x2048xf32> to vector<256x2048xf32>
      %sub3A_177 = vector.broadcast %max3A : vector<256x1xf32> to vector<256x2048xf32>
      %sub3A_178 = arith.subf %sub3A_176, %sub3A_177 : vector<256x2048xf32>
      %jit3A_179 = arith.constant -1.000000e+30 : f32
      %broadcast_in_dim3A_180 = vector.broadcast %jit3A_179 : f32 to vector<256x2048xf32>
      %select_n3A_181 = arith.select %eq3A_167, %sub3A_178, %broadcast_in_dim3A_180 : vector<256x2048xi1>, vector<256x2048xf32>
      %exp3A_182 = math.exp %select_n3A_181 : vector<256x2048xf32>
      %mul3A_183 = arith.mulf %while3A_79, %exp3A : vector<256x1xf32>
      %reduce_sum3A = arith.constant dense<0.000000e+00> : vector<256xf32>
      %reduce_sum3A_184 = vector.multi_reduction <add>, %exp3A_182, %reduce_sum3A [1] : vector<256x2048xf32> to vector<256xf32>
      %broadcast_in_dim3A_185 = vector.shape_cast %reduce_sum3A_184 : vector<256xf32> to vector<256x1xf32>
      %add3A_186 = arith.addf %mul3A_183, %broadcast_in_dim3A_185 : vector<256x1xf32>
      %mul3A_187 = vector.broadcast %exp3A : vector<256x1xf32> to vector<256x256xf32>
      %mul3A_188 = arith.mulf %while3A_80, %mul3A_187 : vector<256x256xf32>
      %dot_general3A_189 = arith.constant dense<0.000000e+00> : vector<256x256xf32>
      %dot_general3A_190 = tpu.matmul %exp3A_182, %tanh3A, %dot_general3A_189 {dimension_numbers = #tpu.dot_dimension_numbers<[1], [0], [0], [1], [0, 0, 1, 1], [], []>, transpose_lhs_hint = false} : vector<256x2048xf32>, vector<2048x256xf32>, vector<256x256xf32> -> vector<256x256xf32>
      %add3A_191 = arith.addf %mul3A_188, %dot_general3A_190 : vector<256x256xf32>
      scf.yield %max3A, %add3A_186, %add3A_191 : vector<256x1xf32>, vector<256x1xf32>, vector<256x256xf32>
    }
    %gt3A_47 = arith.constant 0.000000e+00 : f32
    %gt3A_48 = vector.broadcast %gt3A_47 : f32 to vector<256x1xf32>
    %gt3A_49 = arith.cmpf ogt, %while3A_46#1, %gt3A_48 : vector<256x1xf32>
    %gt3A_50 = arith.constant 0.000000e+00 : f32
    %gt3A_51 = vector.broadcast %gt3A_50 : f32 to vector<256x1xf32>
    %gt3A_52 = arith.cmpf ogt, %while3A_46#1, %gt3A_51 : vector<256x1xf32>
    %jit3A_53 = arith.constant 1.000000e+00 : f32
    %broadcast_in_dim3A_54 = vector.broadcast %jit3A_53 : f32 to vector<256x1xf32>
    %select_n3A_55 = arith.select %gt3A_52, %while3A_46#1, %broadcast_in_dim3A_54 : vector<256x1xi1>, vector<256x1xf32>
    %div3A_56 = vector.broadcast %select_n3A_55 : vector<256x1xf32> to vector<256x256xf32>
    %div3A_57 = arith.divf %while3A_46#2, %div3A_56 : vector<256x256xf32>
    %jit3A_58 = arith.constant 0.000000e+00 : f32
    %broadcast_in_dim3A_59 = vector.shape_cast %gt3A_49 : vector<256x1xi1> to vector<256x1xi1>
    %broadcast_in_dim3A_60 = vector.broadcast %broadcast_in_dim3A_59 : vector<256x1xi1> to vector<256x256xi1>
    %broadcast_in_dim3A_61 = vector.broadcast %jit3A_58 : f32 to vector<256x256xf32>
    %select_n3A_62 = arith.select %broadcast_in_dim3A_60, %div3A_57, %broadcast_in_dim3A_61 : vector<256x256xi1>, vector<256x256xf32>
    %get3A_63 = arith.constant 0 : index
    %get3A_64 = arith.constant 0 : index
    %get3A_65 = vector.load %arg13[%get3A_63, %get3A_64] : memref<1000x256xf32, #tpu.memory_space<vmem>>, vector<1000x256xf32>
    %dot_general3A = arith.constant dense<0.000000e+00> : vector<256x1000xf32>
    %dot_general3A_66 = tpu.matmul %select_n3A_62, %get3A_65, %dot_general3A {dimension_numbers = #tpu.dot_dimension_numbers<[1], [1], [0], [0], [0, 0, 1, 0], [], []>, transpose_lhs_hint = false} : vector<256x256xf32>, vector<1000x256xf32>, vector<256x1000xf32> -> vector<256x1000xf32>
    %get3A_67 = arith.constant 0 : index
    %get3A_68 = arith.constant 0 : index
    %get3A_69 = vector.load %arg14[%get3A_67, %get3A_68] : memref<1x1000xf32, #tpu.memory_space<vmem>>, vector<1x1000xf32>
    %add3A_70 = vector.broadcast %get3A_69 : vector<1x1000xf32> to vector<256x1000xf32>
    %add3A_71 = arith.addf %dot_general3A_66, %add3A_70 : vector<256x1000xf32>
    %jit3A_72 = arith.constant 0.000000e+00 : f32
    %broadcast_in_dim3A_73 = vector.broadcast %jit3A_72 : f32 to vector<256x1000xf32>
    %select_n3A_74 = arith.select %gt3A_4, %add3A_71, %broadcast_in_dim3A_73 : vector<256x1000xf32>
    %swap3A = arith.constant 0 : index
    %swap3A_75 = arith.constant 0 : index
    %swap3A_76 = vector.load %arg15[%swap3A, %swap3A_75] : memref<256x1000xf32, #tpu.memory_space<vmem>>, vector<256x1000xf32>
    tpu.vector_store %arg15[%swap3A, %swap3A_75], %select_n3A_74 {strides = array<i32>} : memref<256x1000xf32, #tpu.memory_space<vmem>>, vector<256x1000xf32>,
    return
  }
  func.func @transform_0(%arg0: i32) -> i32 {
    %c0_i32 = arith.constant 0 : i32
    %c0_i32_0 = arith.constant 0 : i32
    return %c0_i32 : i32
  }
  func.func @transform_8(%arg0: i32) -> (i32, i32) {
    %c0_i32 = arith.constant 0 : i32
    %c0_i32_0 = arith.constant 0 : i32
    %c0_i32_1 = arith.constant 0 : i32
    return %c0_i32, %c0_i32_0 : i32, i32
  }
  func.func @transform_9(%arg0: i32) -> (i32, i32) {
    %c0_i32 = arith.constant 0 : i32
    %c0_i32_0 = arith.constant 0 : i32
    %c0_i32_1 = arith.constant 0 : i32
    return %c0_i32, %c0_i32_0 : i32, i32
  }
  func.func @transform_10(%arg0: i32) -> (i32, i32) {
    %c0_i32 = arith.constant 0 : i32
    %c0_i32_0 = arith.constant 0 : i32
    %c0_i32_1 = arith.constant 0 : i32
    return %c0_i32, %c0_i32_0 : i32, i32
  }
  func.func @transform_11(%arg0: i32) -> (i32, i32) {
    %c0_i32 = arith.constant 0 : i32
    %c0_i32_0 = arith.constant 0 : i32
    %c0_i32_1 = arith.constant 0 : i32
    return %c0_i32, %c0_i32_0 : i32, i32
  }
  func.func @transform_12(%arg0: i32) -> (i32, i32) {
    %c0_i32 = arith.constant 0 : i32
    %c0_i32_0 = arith.constant 0 : i32
    %c0_i32_1 = arith.constant 0 : i32
    return %c0_i32, %c0_i32_0 : i32, i32
  }
  func.func @transform_13(%arg0: i32) -> (i32, i32) {
    %c0_i32 = arith.constant 0 : i32
    %c0_i32_0 = arith.constant 0 : i32
    %c0_i32_1 = arith.constant 0 : i32
    return %c0_i32, %c0_i32_0 : i32, i32
  }
  func.func @transform_14(%arg0: i32) -> (i32, i32) {
    %c0_i32 = arith.constant 0 : i32
    %c0_i32_0 = arith.constant 0 : i32
    return %arg0, %c0_i32 : i32, i32
  }
}

</mosaic_0001>

<sc_bundles>
// kernel: kernel.6.cloned.1.call-start
scs
__scs_entry_jumppad:
0x0: {  	(pc) =	sbr.rel $0x88, $3  }
0x1: {  	(tag) =	ssettag $0x0;
	lr =	simm.s32 $0x1  }
0x2: {  	[smem:$0x3F99] =	sst lr;
	_ =	strace $0xD0000000  }
0x3: {  	_ = 	snop  }
0x4: {  	_ = 	snop  }
0x5: {  	_ = 	snop  }
0x6: {  	_ = 	snop  }
0x7: {  	_ = 	snop  }
__scs_overlays_trampoline_lowered:
0x8: {  	[smem:$0x3FA8] =	sst s0  }
0x9: {  	[smem:$0x3FA9] =	sst s1  }
0xa: {  	[smem:$0x3FAA] =	sst s2  }
0xb: {  	[smem:$0x3FAB] =	sst s3  }
0xc: {  	[smem:$0x3FAC] =	sst s4  }
0xd: {  	[smem:$0x3FAD] =	sst s5  }
0xe: {  	[smem:$0x3FAE] =	sst s6  }
0xf: {  	[smem:$0x3FAF] =	sst s7  }
0x10: {  	[smem:$0x3FB0] =	sst s8  }
0x11: {  	[smem:$0x3FB1] =	sst s9;
	s0 =	simm.s32 @!p0 $0x0  }
0x12: {  	s1 =	sld [smem:$0x3F97];
	s0 =	simm.s32 @p0 $0x1  }
0x13: {  	[smem:$0x3FB2] =	sst s0;
	s0 =	simm.s32 @!p1 $0x0  }
0x14: {  	s2 =	sld [smem:$0x3F96];
	s0 =	simm.s32 @p1 $0x1  }
0x15: {  	[smem:$0x3FB3] =	sst s0;
	s0 =	simm.s32 @!p2 $0x0  }
0x16: {  	s3 =	sld [smem:$0x3FDB];
	s0 =	simm.s32 @p2 $0x1  }
0x17: {  	s4 =	simm.s32 $0x1BF5;
	[smem:$0x3FB5] =	sst s0  }
0x18: {  	s0 =	sld [smem:$0x3F98];
	_ =	swait.ge [sflag:s4], $0x0  }
0x19: {  	s7 =	sld [smem:$0x3F99]  }
0x1a: {  	s8 =	sadd.s32 $0xFFFFE003, lr  }
0x1b: {  	s9 =	sadd.s32 $0xFFFFFEF7, lr;
	s5 =	simm.s32 $0xFFFFFFFF;
	p2 =	slt.u32 s8, $0xFFFFF086  }
0x1c: {  	p1 =	slt.u32 s9, $0xF7A;
	s5 =	simm.s32 @!p2 $0x0  }
0x1d: {  	s5 =	simm.s32 @p1 $0x1;
	p0 =	seq.s32 s7, s2  }
0x1e: {  	s7 =	smul.u32 @!p0 $0xF7A, s2;
	p2 =	seq.s32 @!p0 s5, $0x0  }
0x1f: {  	s9 =	smul.u32 $0xF7A, s1;
	s8 =	simm.s32 @!p0 $0x1BF5;
	p2 =	por !p2, p0  }
0x20: {  	[sflag:s8] =	ssyncset.s32 @!p0 $0xFFFFF086;
	s6 =	sadd.s32 @!p0 s3, s7;
	s7 =	simm.s32 @!p0 $0x108  }
0x21: {  	s3 =	sadd.s32 s3, s9;
	s6 =	sadd.s32 @!p0 $0x88, s6;
	s7 =	simm.s32 @p2 $0x1082  }
0x22: {  	[simem:s7], [sflag:s8] =	dma.local @!p0 [hbm:s6], $0xF7A  }
0x23: {  	s9 =	sor.u32 $0xD0000000, s2;
	s6 =	simm.s32 $0x108;
	_ =	swait.ge @!p0 [sflag:s8], $0x0  }
0x24: {  	s3 =	sadd.s32 $0x88, s3;
	s6 =	simm.s32 @!p1 $0x1082;
	[sflag:s4] =	ssyncset.s32 $0xFFFFF086  }
0x25: {  	[simem:s6], [sflag:s4] =	dma.local [hbm:s3], $0xF7A  }
0x26: {  	[smem:$0x3F99] =	sst s1;
	(tag) =	ssettag s2;
	_ =	strace s9  }
0x27: {  	s1 =	sld [smem:$0x3FA9]  }
0x28: {  	s2 =	sld [smem:$0x3FAA]  }
0x29: {  	s4 =	sld [smem:$0x3FAC]  }
0x2a: {  	p0 =	seq.s32 s5, $0x0;
	s5 =	sld [smem:$0x3FAD]  }
0x2b: {  	s6 =	sld [smem:$0x3FAE]  }
0x2c: {  	s7 =	sld [smem:$0x3FAF]  }
0x2d: {  	s3 =	simm.s32 $0x108;
	s8 =	sld [smem:$0x3FB0]  }
0x2e: {  	s3 =	simm.s32 @!p0 $0x1082;
	s9 =	sld [smem:$0x3FB1]  }
0x2f: {  	lr =	sadd.s32 s0, s3;
	s0 =	sld [smem:$0x3FA8]  }
0x30: {  	s3 =	sld [smem:$0x3FAB]  }
0x31: {  	[smem:$0x3FB4] =	sst s10  }
0x32: {  	s10 =	sld [smem:$0x3FB2];
	_ =	sdelay $0x3  }
0x33: {  	p0 =	seq.s32 s10, $0x1;
	s10 =	sld [smem:$0x3FB4];
	_ =	sdelay $0x3  }
0x34: {  	[smem:$0x3FB4] =	sst s10  }
0x35: {  	s10 =	sld [smem:$0x3FB3];
	_ =	sdelay $0x3  }
0x36: {  	p1 =	seq.s32 s10, $0x1;
	s10 =	sld [smem:$0x3FB4];
	_ =	sdelay $0x3  }
0x37: {  	[smem:$0x3FB4] =	sst s10  }
0x38: {  	s10 =	sld [smem:$0x3FB5]  }
0x39: {  	_ = 	snop;
	(pc) =	sbr.ind lr, $3  }
0x3a: {  	_ = 	snop  }
0x3b: {  	_ = 	snop  }
0x3c: {  	p2 =	seq.s32 s10, $0x1;
	s10 =	sld [smem:$0x3FB4]  }
0x3d: {  	_ =	shalt  }
0x3e: {  	_ =	shalt  }
0x3f: {  	_ =	shalt  }
0x40: {  	_ =	shalt  }
0x41: {  	_ =	shalt  }
0x42: {  	_ =	shalt  }
0x43: {  	_ =	shalt  }
0x44: {  	_ =	shalt  }
0x45: {  	_ =	shalt  }
0x46: {  	_ =	shalt  }
0x47: {  	_ =	shalt  }
0x48: {  	_ =	shalt  }
0x49: {  	_ =	shalt  }
0x4a: {  	_ =	shalt  }
0x4b: {  	_ =	shalt  }
0x4c: {  	_ =	shalt  }
0x4d: {  	_ =	shalt  }
0x4e: {  	_ =	shalt  }
0x4f: {  	_ =	shalt  }
0x50: {  	_ =	shalt  }
0x51: {  	_ =	shalt  }
0x52: {  	_ =	shalt  }
0x53: {  	_ =	shalt  }
0x54: {  	_ =	shalt  }
0x55: {  	_ =	shalt  }
0x56: {  	_ =	shalt  }
0x57: {  	_ =	shalt  }
0x58: {  	_ =	shalt  }
0x59: {  	_ =	shalt  }
0x5a: {  	_ =	shalt  }
0x5b: {  	_ =	shalt  }
0x5c: {  	_ =	shalt  }
0x5d: {  	_ =	shalt  }
0x5e: {  	_ =	shalt  }
0x5f: {  	_ =	shalt  }
0x60: {  	_ =	shalt  }
0x61: {  	_ =	shalt  }
0x62: {  	_ =	shalt  }
0x63: {  	_ =	shalt  }
0x64: {  	_ =	shalt  }
0x65: {  	_ =	shalt  }
0x66: {  	_ =	shalt  }
0x67: {  	_ =	shalt  }
0x68: {  	_ =	shalt  }
0x69: {  	_ =	shalt  }
0x6a: {  	_ =	shalt  }
0x6b: {  	_ =	shalt  }
0x6c: {  	_ =	shalt  }
0x6d: {  	_ =	shalt  }
0x6e: {  	_ =	shalt  }
0x6f: {  	_ =	shalt  }
0x70: {  	_ =	shalt  }
0x71: {  	_ =	shalt  }
0x72: {  	_ =	shalt  }
0x73: {  	_ =	shalt  }
0x74: {  	_ =	shalt  }
0x75: {  	_ =	shalt  }
0x76: {  	_ =	shalt  }
0x77: {  	_ =	shalt  }
0x78: {  	_ =	shalt  }
0x79: {  	_ =	shalt  }
0x7a: {  	_ =	shalt  }
0x7b: {  	_ =	shalt  }
0x7c: {  	_ =	shalt  }
0x7d: {  	_ =	shalt  }
0x7e: {  	_ =	shalt  }
0x7f: {  	_ =	shalt  }
0x80: {  	_ =	shalt  }
0x81: {  	_ =	shalt  }
0x82: {  	_ =	shalt  }
0x83: {  	_ =	shalt  }
0x84: {  	_ =	shalt  }
0x85: {  	_ =	shalt  }
0x86: {  	_ =	shalt  }
0x87: {  	_ =	shalt  }
.Lfunc_end0:
.L_simem_size_0:
called_computation.1_lowered:
.L_overlay_start_0:
0x88: {  	s2 =	sld [smem:$0x3FD9]  }
0x89: {  	s3 =	sld [smem:$0x3FFE];
	_ =	sdelay $0x1  }
0x8a: {  	s1 =	srdreg.scid  }
0x8b: {  	s0 =	sand.u32 $0x1, s1  }
0x8c: {  	s17 =	sshll.u32 s0, $0xA;
	s2 =	sadd.s32 s3, s2  }
0x8d: {  	s2 =	sadd.s32 s2, s17  }
0x8e: {  	[smem:$0x3FC0] =	sst s2  }
0x8f: {  	_ = 	snop  }
0x90: {  	s2 =	sld [smem:$0x3FC7]  }
0x91: {  	s18 =	sld [smem:$0x3FC6];
	(tm) =	ssettm $0x1  }
0x92: {  	s4 =	sld [smem:$0x3FFB];
	_ =	sdelay $0x3  }
0x93: {  	_ =	strace s4  }
0x94: {  	s4 =	sld [smem:$0x3FFC];
	_ =	sdelay $0x3  }
0x95: {  	_ =	strace s4  }
0x96: {  	s4 =	sld [smem:$0x3FFD];
	_ =	sdelay $0x3  }
0x97: {  	_ =	strace s4  }
0x98: {  	_ =	strace $0x8FFFFFFF  }
0x99: {  	s19 =	sld [smem:$0x3FDB];
	_ =	sdelay $0x1  }
0x9a: {  	s5 =	simm.s32 $_scs_section_size  }
0x9b: {  	s6 =	simm.s32 $_size__tile_overlayer_lowered;
	s7 =	simm.s32 $_tile_overlayer_lowered  }
0x9c: {  	s22 =	simm.s32 $0x1BFF;
	s21 =	sshll.u32 s7, $0x1;
	s4 =	sadd.s32 s5, s19  }
0x9d: {  	s8 =	simm.s32 $0x0;
	s20 =	sshll.u32 s6, $0x1;
	s6 =	sadd.s32 s21, s4  }
0x9e: {  	[timem:s8], [sflag:s22] =	dma.local [hbm:s6], s20  }
0x9f: {  	_ =	swait.ge [sflag:s22], s20  }
0xa0: {  	s5 =	ssub.s32 $0x0, s20;
	[sflag:s22] =	ssyncset.done $0x0  }
0xa1: {  	[sflag:s22] =	ssyncadd.s32 s5;
	_ =	sdelay $0x1  }
0xa2: {  	s23 =	simm.s32 $0x1B8B  }
0xa3: {  	_ =	swait.ge [sflag:s23], $0x1  }
0xa4: {  	[sflag:s23] =	ssyncset.done $0x0  }
0xa5: {  	s25 =	simm.s32 $0x1B8E;
	s24 =	sld [smem:$0x3FFE];
	[sflag:s23] =	ssyncadd.s32 $0xFFFFFFFF  }
0xa6: {  	s26 =	simm.s32 $execute0_lowered;
	[smem:$0x3FD2] =	sst s25  }
0xa7: {  	s6 =	sshll.u32 s26, $0x1;
	_ =	strace $0x80000046;
	[dreg:$0x1] =	wrdreg $0xFFFFFFFF  }
0xa8: {  	s28 =	simm.s32 $_size_execute0_lowered;
	s4 =	sadd.s32 s4, s6;
	[dreg:$0x0] =	wrdreg $0x0  }
0xa9: {  	s6 =	sshll.u32 s28, $0x1;
	[dreg:$0x2] =	wrdreg s4  }
0xaa: {  	[dreg:$0x3] =	wrdreg s6  }
0xab: {  	[dreg:$0x4] =	wrdreg $0xC0  }
0xac: {  	_ =	task [dreg:s8], $0x5FFFF  }
0xad: {  	[dreg:$0x1] =	wrdreg $0xFFFFFFFF  }
0xae: {  	[dreg:$0x0] =	wrdreg $0x60  }
0xaf: {  	[dreg:$0x2] =	wrdreg s24  }
0xb0: {  	[dreg:$0x3] =	wrdreg s2  }
0xb1: {  	[dreg:$0x4] =	wrdreg s18  }
0xb2: {  	[dreg:$0x5] =	wrdreg $0x9  }
0xb3: {  	_ =	task.clear_ibuf [dreg:s8], $0x6FFFF;
	_ =	strace $0x90000046  }
0xb4: {  	s29 =	simm.s32 $0x9;
	_ =	strace $0x80000048  }
0xb5: {  	_ =	swait.ge [sflag:s29], $0x1  }
0xb6: {  	[sflag:s29] =	ssyncadd.s32 $0xFFFFFFFF  }
0xb7: {  	_ =	strace $0x90000048  }
0xb8: {  	_ =	sfence  }
0xb9: {  	s30 =	sld [smem:$0x0];
	_ =	sdelay $0x2  }
0xba: {  	s31 =	sshll.u32 s1, $0xD;
	s1 =	sshrl.u32 s1, $0x2  }
0xbb: {  	s3 =	sand.u32 $0x4000, s31;
	s1 =	sadd.s32 s1, s30  }
0xbc: {  	s0 =	sor.u32 s3, s0;
	s1 =	sshll.u32 s1, $0x11  }
0xbd: {  	s0 =	sor.u32 s1, s0  }
0xbe: {  	s0 =	sadd.s32 $0x8F2B, s0  }
0xbf: {  	[sflag:s0] =	ssyncadd.remote.s32 $0x1  }
0xc0: {  	_ =	sfence.sel $0xFFFF  }
0xc1: {  	[dreg:$0x0] =	wrdreg $0xFFFFFFFF;
	(pc) =	sbr.abs _section_cstart, $3  }
0xc2: {  	[dreg:$0x1] =	wrdreg $0xFFFFFFFF  }
0xc3: {  	_ =	task.clear_ibuf [dreg:s8], $0x2FFFF;
	_ =	strace $0x9FFFFFFF  }
0xc4: {  	(tm) =	ssettm $0x7FFFFFFF  }
0xc5: {  	_ =	shalt  }
tec
execute0_lowered:
.L_overlay_start_1:
0x0: {  	(tag) =	ssettag $0x1  }
0x1: {  	s0 =	rddreg [dreg:$0x0]  }
0x2: {  	s1 =	rddreg [dreg:$0x1]  }
0x3: {  	s4 =	simm.s32 $0x0;
	s2 =	srdreg.scid;
	s6 =	stileid.u32  }
0x4: {  	s31 =	simm.s32 $0x100;
	[smem:$0x7FF] =	sst s4;
	s21 =	smul.u32 $0x2580, s6  }
0x5: {  	s2 =	sand.u32 $0x1, s2;
	s3 =	sshll.u32 s6, $0x1;
	s24 =	smul.u32 $0x25800, s6  }
0x6: {  	s7 =	sadd.s32 $0x6C00, s0;
	s10 =	sadd.s32 $0xB800, s0;
	s23 =	smul.u32 $0x12C0, s2  }
0x7: {  	s3 =	sor.u32 s2, s3;
	s13 =	ssub.s32 $0x2, s2;
	s2 =	smul.u32 $0x12C00, s2  }
0x8: {  	s28 =	sadd.s32 $0x2000, s0;
	s8 =	sadd.s32 $0x10400, s0;
	s5 =	smul.u32 $0x12C0, s3  }
0x9: {  	_ =	strace $0x80000047;
	[dreg:$0x7] =	wrdreg s10;
	s6 =	sadd.s32 s24, s8  }
0xa: {  	s11 =	sshrl.u32 s13, $0x1;
	s16 =	sadd.s32 s2, s6;
	s12 =	sshrl.u32 s5, $0x3  }
0xb: {  	s3 =	smul.u32 $0x96000, s3;
	[dreg:$0x4] =	wrdreg s16;
	s17 =	sadd.s32 s7, s12  }
0xc: {  	s5 =	sadd.s32 $0x1270, s5;
	s18 =	sadd.s32 s10, s12;
	[dreg:$0x8] =	wrdreg s17  }
0xd: {  	s19 =	sshrl.u32 s5, $0x3;
	s12 =	sadd.s32 s28, s12;
	[dreg:$0x9] =	wrdreg s18  }
0xe: {  	s14 =	ssub.s32 s13, s11;
	[dreg:$0xa] =	wrdreg s12;
	s20 =	sadd.s32 s7, s19  }
0xf: {  	s3 =	sshrl.u32 s3, $0x3;
	s22 =	sadd.s32 s10, s19;
	[dreg:$0xb] =	wrdreg s20  }
0x10: {  	s3 =	sadd.s32 $0x12200, s3;
	s11 =	sadd.s32 s28, s19;
	[dreg:$0xc] =	wrdreg s22  }
0x11: {  	s9 =	sadd.s32 $0x268400, s0;
	s25 =	sadd.s32 s8, s3;
	[dreg:$0xd] =	wrdreg s11  }
0x12: {  	s0 =	sadd.s32 $0x4C0400, s0;
	s26 =	sadd.s32 s9, s3;
	[dreg:$0xe] =	wrdreg s25  }
0x13: {  	s5 =	sshll.u32 s5, $0x4;
	s3 =	sadd.s32 s0, s3;
	[dreg:$0xf] =	wrdreg s26  }
0x14: {  	s29 =	simm.s32 $0x50;
	s15 =	sadd.s32 s8, s5;
	[dreg:$0x10] =	wrdreg s3  }
0x15: {  	s30 =	simm.s32 $0x1;
	s17 =	sadd.s32 s9, s5;
	[dreg:$0x11] =	wrdreg s15  }
0x16: {  	s16 =	simm.s32 $0x4;
	s18 =	sadd.s32 s0, s5;
	[dreg:$0x12] =	wrdreg s17  }
0x17: {  	s12 =	sadd.s32 s23, s21;
	s19 =	smax.u32 s14, $0x1;
	[dreg:$0x13] =	wrdreg s18  }
0x18: {  	s0 =	sadd.s32 s24, s0;
	s14 =	simm.s32 $0x2;
	[dreg:$0x14] =	wrdreg s19  }
0x19: {  	s20 =	sadd.s32 s24, s9;
	s21 =	sadd.s32 $0xA0, s12;
	s22 =	sadd.s32 $0x50, s12  }
0x1a: {  	s0 =	sadd.s32 s2, s0;
	s15 =	simm.s32 $0x3;
	[dreg:$0x15] =	wrdreg s21  }
0x1b: {  	s3 =	sadd.s32 s2, s20;
	s23 =	sshrl.u32 s22, $0x3;
	[dreg:$0x6] =	wrdreg s0  }
0x1c: {  	s17 =	simm.s32 $0x5;
	[dreg:$0x5] =	wrdreg s3;
	s24 =	sadd.s32 s23, s28  }
0x1d: {  	s18 =	simm.s32 $0x6;
	s25 =	sadd.s32 s23, s10;
	[dreg:$0x16] =	wrdreg s24  }
0x1e: {  	s0 =	simm.s32 $0x80;
	s26 =	sadd.s32 s23, s7;
	[dreg:$0x17] =	wrdreg s25  }
0x1f: {  	s2 =	simm.s32 $0x0;
	[dreg:$0x18] =	wrdreg s26;
	s25 =	simm.s32 $0x7  }
.LBB2_1:
0x20: {  	[dreg:$0x19] =	wrdreg s2  }
0x21: {  	s3 =	rddreg [dreg:$0x8]  }
0x22: {  	[tilespmem:s4], [sflag:$0x7] =	stream.linear.gather [hbm4b:s3+s4], $0x50, $0x38;
	[tilespmem:$0xF300] =	vst v63  }
0x23: {  	_ =	swait.ge [sflag:s25], $0x50  }
0x24: {  	[sflag:s25] =	ssyncset.done $0x0  }
0x25: {  	s12 =	rddreg [dreg:$0x9];
	[sflag:s25] =	ssyncadd.s32 $0xFFFFFFB0  }
0x26: {  	[tilespmem:s0], [sflag:$0x7] =	stream.linear.gather [hbm4b:s12+s4], $0x50, $0x38;
	[tilespmem:$0xF300] =	vst v63  }
0x27: {  	_ =	swait.ge [sflag:s25], $0x50  }
0x28: {  	[sflag:s25] =	ssyncset.done $0x0  }
0x29: {  	s13 =	rddreg [dreg:$0xa];
	[sflag:s25] =	ssyncadd.s32 $0xFFFFFFB0  }
0x2a: {  	[tilespmem:s31], [sflag:$0x7] =	stream.linear.gather [hbm4b:s13+s4], $0x50, $0x38;
	[tilespmem:$0xF300] =	vst v63  }
0x2b: {  	_ =	swait.ge [sflag:s25], $0x50  }
0x2c: {  	[sflag:s25] =	ssyncset.done $0x0  }
0x2d: {  	s2 =	simm.s32 $0x300;
	[sflag:s25] =	ssyncadd.s32 $0xFFFFFFB0  }
0x2e: {  	[tilespmem:s2], [sflag:$0x1] =	stream.indirect.gather [hbm4b:s1+s29], $0x80, s4, s29, $0xb8;
	[tilespmem:$0xF300] =	vst v63  }
0x2f: {  	s8 =	simm.s32 $0x2B00;
	s6 =	rddreg [dreg:$0x2]  }
0x30: {  	[tilespmem:s8], [sflag:$0x2] =	stream.indirect.gather [hbm4b:s6+s29], $0x80, s0, s29, $0xb8;
	[tilespmem:$0xF300] =	vst v63  }
0x31: {  	s9 =	simm.s32 $0x5300  }
0x32: {  	[tilespmem:s9], [sflag:$0x3] =	stream.indirect.gather [hbm4b:s1+s29], $0x80, s31, s29, $0xb8;
	[tilespmem:$0xF300] =	vst v63  }
0x33: {  	s19 =	simm.s32 $0x180;
	s26 =	rddreg [dreg:$0x18]  }
0x34: {  	[tilespmem:s19], [sflag:$0x7] =	stream.linear.gather [hbm4b:s26+s4], $0x50, $0x38;
	[tilespmem:$0xF300] =	vst v63  }
0x35: {  	_ =	swait.ge [sflag:s25], $0x50  }
0x36: {  	[sflag:s25] =	ssyncset.done $0x0  }
0x37: {  	s20 =	simm.s32 $0x200;
	s23 =	rddreg [dreg:$0x17];
	[sflag:s25] =	ssyncadd.s32 $0xFFFFFFB0  }
0x38: {  	[tilespmem:s20], [sflag:$0x7] =	stream.linear.gather [hbm4b:s23+s4], $0x50, $0x38;
	[tilespmem:$0xF300] =	vst v63  }
0x39: {  	_ =	swait.ge [sflag:s25], $0x50  }
0x3a: {  	[sflag:s25] =	ssyncset.done $0x0  }
0x3b: {  	s5 =	simm.s32 $0x280;
	s22 =	rddreg [dreg:$0x16];
	[sflag:s25] =	ssyncadd.s32 $0xFFFFFFB0  }
0x3c: {  	[tilespmem:s5], [sflag:$0x7] =	stream.linear.gather [hbm4b:s22+s4], $0x50, $0x38;
	[tilespmem:$0xF300] =	vst v63  }
0x3d: {  	_ =	swait.ge [sflag:s25], $0x50  }
0x3e: {  	[sflag:s25] =	ssyncset.done $0x0  }
0x3f: {  	s13 =	simm.s32 $0x7B00;
	[sflag:s25] =	ssyncadd.s32 $0xFFFFFFB0  }
0x40: {  	[tilespmem:s13], [sflag:$0x4] =	stream.indirect.gather [hbm4b:s1+s29], $0x80, s19, s29, $0xb8;
	[tilespmem:$0xF300] =	vst v63  }
0x41: {  	s11 =	simm.s32 $0xA300  }
0x42: {  	[tilespmem:s11], [sflag:$0x5] =	stream.indirect.gather [hbm4b:s6+s29], $0x80, s20, s29, $0xb8;
	[tilespmem:$0xF300] =	vst v63  }
0x43: {  	s0 =	simm.s32 $0xCB00  }
0x44: {  	[tilespmem:s0], [sflag:$0x6] =	stream.indirect.gather [hbm4b:s1+s29], $0x80, s5, s29, $0xb8;
	[tilespmem:$0xF300] =	vst v63  }
0x45: {  	_ =	swait.ge [sflag:s30], $0x2800  }
0x46: {  	[sflag:s30] =	ssyncset.done $0x0  }
0x47: {  	[sflag:s30] =	ssyncadd.s32 $0xFFFFD800  }
0x48: {  	_ =	swait.ge [sflag:s14], $0x2800  }
0x49: {  	[sflag:s14] =	ssyncset.done $0x0  }
0x4a: {  	[sflag:s14] =	ssyncadd.s32 $0xFFFFD800  }
0x4b: {  	_ =	swait.ge [sflag:s15], $0x2800  }
0x4c: {  	s21 =	rddreg [dreg:$0x4];
	[sflag:s15] =	ssyncset.done $0x0  }
0x4d: {  	[sflag:s15] =	ssyncadd.s32 $0xFFFFD800;
	s3 =	sadd.s32 $0x0, s21  }
0x4e: {  	[hbm4b:s3+s4] =	stream.linear.scatter [tilespmem:s2], [sflag:$0x7], $0x2800, $0x38;
	[tilespmem:$0xF300] =	vst v63  }
0x4f: {  	_ =	swait.ge [sflag:s25], $0x2800  }
0x50: {  	s24 =	rddreg [dreg:$0x5];
	[sflag:s25] =	ssyncset.done $0x0  }
0x51: {  	[sflag:s25] =	ssyncadd.s32 $0xFFFFD800;
	s5 =	sadd.s32 $0x0, s24  }
0x52: {  	[hbm4b:s5+s4] =	stream.linear.scatter [tilespmem:s8], [sflag:$0x7], $0x2800, $0x38;
	[tilespmem:$0xF300] =	vst v63  }
0x53: {  	_ =	swait.ge [sflag:s25], $0x2800  }
0x54: {  	s19 =	rddreg [dreg:$0x6];
	[sflag:s25] =	ssyncset.done $0x0  }
0x55: {  	[sflag:s25] =	ssyncadd.s32 $0xFFFFD800;
	s19 =	sadd.s32 $0x0, s19  }
0x56: {  	[hbm4b:s19+s4] =	stream.linear.scatter [tilespmem:s9], [sflag:$0x7], $0x2800, $0x38;
	[tilespmem:$0xF300] =	vst v63  }
0x57: {  	_ =	swait.ge [sflag:s25], $0x2800  }
0x58: {  	s24 =	rddreg [dreg:$0x15]  }
0x59: {  	[sflag:s25] =	ssyncset.done $0x0;
	s20 =	sshrl.u32 s24, $0x3  }
0x5a: {  	[sflag:s25] =	ssyncadd.s32 $0xFFFFD800;
	s21 =	sadd.s32 s7, s20  }
0x5b: {  	[tilespmem:s4], [sflag:$0x7] =	stream.linear.gather [hbm4b:s21+s4], $0x50, $0x38;
	[tilespmem:$0xF300] =	vst v63  }
0x5c: {  	_ =	swait.ge [sflag:s25], $0x50  }
0x5d: {  	[sflag:s25] =	ssyncset.done $0x0  }
0x5e: {  	s12 =	simm.s32 $0x80;
	s10 =	sadd.s32 s10, s20;
	[sflag:s25] =	ssyncadd.s32 $0xFFFFFFB0  }
0x5f: {  	[tilespmem:s12], [sflag:$0x7] =	stream.linear.gather [hbm4b:s10+s4], $0x50, $0x38;
	[tilespmem:$0xF300] =	vst v63  }
0x60: {  	_ =	swait.ge [sflag:s25], $0x50  }
0x61: {  	[sflag:s25] =	ssyncset.done $0x0  }
0x62: {  	s20 =	sadd.s32 s28, s20;
	[sflag:s25] =	ssyncadd.s32 $0xFFFFFFB0  }
0x63: {  	[tilespmem:s31], [sflag:$0x7] =	stream.linear.gather [hbm4b:s20+s4], $0x50, $0x38;
	[tilespmem:$0xF300] =	vst v63  }
0x64: {  	_ =	swait.ge [sflag:s25], $0x50  }
0x65: {  	[sflag:s25] =	ssyncset.done $0x0  }
0x66: {  	[sflag:s25] =	ssyncadd.s32 $0xFFFFFFB0  }
0x67: {  	[tilespmem:s2], [sflag:$0x1] =	stream.indirect.gather [hbm4b:s1+s29], $0x80, s4, s29, $0xb8;
	[tilespmem:$0xF300] =	vst v63  }
0x68: {  	_ = 	snop  }
0x69: {  	[tilespmem:s8], [sflag:$0x2] =	stream.indirect.gather [hbm4b:s6+s29], $0x80, s12, s29, $0xb8;
	[tilespmem:$0xF300] =	vst v63  }
0x6a: {  	_ = 	snop  }
0x6b: {  	[tilespmem:s9], [sflag:$0x3] =	stream.indirect.gather [hbm4b:s1+s29], $0x80, s31, s29, $0xb8;
	[tilespmem:$0xF300] =	vst v63  }
0x6c: {  	_ =	swait.ge [sflag:s16], $0x2800  }
0x6d: {  	[sflag:s16] =	ssyncset.done $0x0  }
0x6e: {  	[sflag:s16] =	ssyncadd.s32 $0xFFFFD800  }
0x6f: {  	_ =	swait.ge [sflag:s17], $0x2800  }
0x70: {  	[sflag:s17] =	ssyncset.done $0x0  }
0x71: {  	[sflag:s17] =	ssyncadd.s32 $0xFFFFD800  }
0x72: {  	_ =	swait.ge [sflag:s18], $0x2800  }
0x73: {  	[sflag:s18] =	ssyncset.done $0x0  }
0x74: {  	s3 =	sadd.s32 $0x500, s3;
	[sflag:s18] =	ssyncadd.s32 $0xFFFFD800  }
0x75: {  	[hbm4b:s3+s4] =	stream.linear.scatter [tilespmem:s13], [sflag:$0x7], $0x2800, $0x38;
	[tilespmem:$0xF300] =	vst v63  }
0x76: {  	_ =	swait.ge [sflag:s25], $0x2800  }
0x77: {  	[sflag:s25] =	ssyncset.done $0x0  }
0x78: {  	s21 =	sadd.s32 $0x500, s5;
	[sflag:s25] =	ssyncadd.s32 $0xFFFFD800  }
0x79: {  	[hbm4b:s21+s4] =	stream.linear.scatter [tilespmem:s11], [sflag:$0x7], $0x2800, $0x38;
	[tilespmem:$0xF300] =	vst v63  }
0x7a: {  	_ =	swait.ge [sflag:s25], $0x2800  }
0x7b: {  	[sflag:s25] =	ssyncset.done $0x0  }
0x7c: {  	s31 =	sadd.s32 $0x500, s19;
	[sflag:s25] =	ssyncadd.s32 $0xFFFFD800  }
0x7d: {  	[hbm4b:s31+s4] =	stream.linear.scatter [tilespmem:s0], [sflag:$0x7], $0x2800, $0x38;
	[tilespmem:$0xF300] =	vst v63  }
0x7e: {  	s20 =	simm.s32 $0xA00;
	_ =	swait.ge [sflag:s25], $0x2800  }
0x7f: {  	s21 =	sadd.s32 $0x14, s23;
	s23 =	sadd.s32 $0x14, s26;
	[sflag:s25] =	ssyncset.done $0x0  }
.LBB2_2:
0x80: {  	[sflag:s25] =	ssyncadd.s32 $0xFFFFD800;
	s2 =	simm.s32 $0x180  }
0x81: {  	[tilespmem:s2], [sflag:$0x7] =	stream.linear.gather [hbm4b:s23+s4], $0x50, $0x38;
	[tilespmem:$0xF300] =	vst v63  }
0x82: {  	_ =	swait.ge [sflag:s25], $0x50  }
0x83: {  	[sflag:s25] =	ssyncset.done $0x0  }
0x84: {  	s3 =	simm.s32 $0x200;
	[sflag:s25] =	ssyncadd.s32 $0xFFFFFFB0  }
0x85: {  	[tilespmem:s3], [sflag:$0x7] =	stream.linear.gather [hbm4b:s21+s4], $0x50, $0x38;
	[tilespmem:$0xF300] =	vst v63  }
0x86: {  	_ =	swait.ge [sflag:s25], $0x50  }
0x87: {  	[sflag:s25] =	ssyncset.done $0x0  }
0x88: {  	s22 =	sadd.s32 $0x14, s22;
	s6 =	simm.s32 $0x280;
	[sflag:s25] =	ssyncadd.s32 $0xFFFFFFB0  }
0x89: {  	[tilespmem:s6], [sflag:$0x7] =	stream.linear.gather [hbm4b:s22+s4], $0x50, $0x38;
	[tilespmem:$0xF300] =	vst v63  }
0x8a: {  	_ =	swait.ge [sflag:s25], $0x50  }
0x8b: {  	[sflag:s25] =	ssyncset.done $0x0  }
0x8c: {  	s11 =	simm.s32 $0x7B00;
	[sflag:s25] =	ssyncadd.s32 $0xFFFFFFB0  }
0x8d: {  	[tilespmem:s11], [sflag:$0x4] =	stream.indirect.gather [hbm4b:s1+s29], $0x80, s2, s29, $0xb8;
	[tilespmem:$0xF300] =	vst v63  }
0x8e: {  	s12 =	simm.s32 $0xA300;
	s26 =	rddreg [dreg:$0x2]  }
0x8f: {  	[tilespmem:s12], [sflag:$0x5] =	stream.indirect.gather [hbm4b:s26+s29], $0x80, s3, s29, $0xb8;
	[tilespmem:$0xF300] =	vst v63  }
0x90: {  	s0 =	simm.s32 $0xCB00  }
0x91: {  	[tilespmem:s0], [sflag:$0x6] =	stream.indirect.gather [hbm4b:s1+s29], $0x80, s6, s29, $0xb8;
	[tilespmem:$0xF300] =	vst v63  }
0x92: {  	_ =	swait.ge [sflag:s30], $0x2800  }
0x93: {  	[sflag:s30] =	ssyncset.done $0x0  }
0x94: {  	[sflag:s30] =	ssyncadd.s32 $0xFFFFD800  }
0x95: {  	_ =	swait.ge [sflag:s14], $0x2800  }
0x96: {  	[sflag:s14] =	ssyncset.done $0x0  }
0x97: {  	[sflag:s14] =	ssyncadd.s32 $0xFFFFD800  }
0x98: {  	_ =	swait.ge [sflag:s15], $0x2800  }
0x99: {  	s5 =	smov.u32 s20;
	s8 =	rddreg [dreg:$0x4];
	[sflag:s15] =	ssyncset.done $0x0  }
0x9a: {  	[sflag:s15] =	ssyncadd.s32 $0xFFFFD800;
	s19 =	sadd.s32 s5, s8;
	s8 =	simm.s32 $0x300  }
0x9b: {  	[hbm4b:s19+s4] =	stream.linear.scatter [tilespmem:s8], [sflag:$0x7], $0x2800, $0x38;
	[tilespmem:$0xF300] =	vst v63  }
0x9c: {  	_ =	swait.ge [sflag:s25], $0x2800  }
0x9d: {  	s9 =	rddreg [dreg:$0x5];
	[sflag:s25] =	ssyncset.done $0x0  }
0x9e: {  	[sflag:s25] =	ssyncadd.s32 $0xFFFFD800;
	s3 =	sadd.s32 s5, s9;
	s9 =	simm.s32 $0x2B00  }
0x9f: {  	[hbm4b:s3+s4] =	stream.linear.scatter [tilespmem:s9], [sflag:$0x7], $0x2800, $0x38;
	[tilespmem:$0xF300] =	vst v63  }
0xa0: {  	_ =	swait.ge [sflag:s25], $0x2800  }
0xa1: {  	s10 =	rddreg [dreg:$0x6];
	[sflag:s25] =	ssyncset.done $0x0  }
0xa2: {  	[sflag:s25] =	ssyncadd.s32 $0xFFFFD800;
	s5 =	sadd.s32 s5, s10;
	s10 =	simm.s32 $0x5300  }
0xa3: {  	[hbm4b:s5+s4] =	stream.linear.scatter [tilespmem:s10], [sflag:$0x7], $0x2800, $0x38;
	[tilespmem:$0xF300] =	vst v63  }
0xa4: {  	s24 =	sadd.s32 $0xA0, s24;
	_ =	swait.ge [sflag:s25], $0x2800  }
0xa5: {  	s6 =	sshrl.u32 s24, $0x3;
	[sflag:s25] =	ssyncset.done $0x0  }
0xa6: {  	s31 =	smov.u32 s28;
	s28 =	sadd.s32 s7, s6;
	[sflag:s25] =	ssyncadd.s32 $0xFFFFD800  }
0xa7: {  	[tilespmem:s4], [sflag:$0x7] =	stream.linear.gather [hbm4b:s28+s4], $0x50, $0x38;
	[tilespmem:$0xF300] =	vst v63  }
0xa8: {  	_ =	swait.ge [sflag:s25], $0x50  }
0xa9: {  	[sflag:s25] =	ssyncset.done $0x0;
	s13 =	rddreg [dreg:$0x7]  }
0xaa: {  	[sflag:s25] =	ssyncadd.s32 $0xFFFFFFB0;
	s28 =	sadd.s32 s13, s6;
	s13 =	simm.s32 $0x80  }
0xab: {  	[tilespmem:s13], [sflag:$0x7] =	stream.linear.gather [hbm4b:s28+s4], $0x50, $0x38;
	[tilespmem:$0xF300] =	vst v63  }
0xac: {  	_ =	swait.ge [sflag:s25], $0x50  }
0xad: {  	s28 =	smov.u32 s31;
	[sflag:s25] =	ssyncset.done $0x0  }
0xae: {  	s31 =	simm.s32 $0x100;
	s6 =	sadd.s32 s28, s6;
	[sflag:s25] =	ssyncadd.s32 $0xFFFFFFB0  }
0xaf: {  	[tilespmem:s31], [sflag:$0x7] =	stream.linear.gather [hbm4b:s6+s4], $0x50, $0x38;
	[tilespmem:$0xF300] =	vst v63  }
0xb0: {  	_ =	swait.ge [sflag:s25], $0x50  }
0xb1: {  	[sflag:s25] =	ssyncset.done $0x0  }
0xb2: {  	[sflag:s25] =	ssyncadd.s32 $0xFFFFFFB0  }
0xb3: {  	[tilespmem:s8], [sflag:$0x1] =	stream.indirect.gather [hbm4b:s1+s29], $0x80, s4, s29, $0xb8;
	[tilespmem:$0xF300] =	vst v63  }
0xb4: {  	_ = 	snop  }
0xb5: {  	[tilespmem:s9], [sflag:$0x2] =	stream.indirect.gather [hbm4b:s26+s29], $0x80, s13, s29, $0xb8;
	[tilespmem:$0xF300] =	vst v63  }
0xb6: {  	_ = 	snop  }
0xb7: {  	[tilespmem:s10], [sflag:$0x3] =	stream.indirect.gather [hbm4b:s1+s29], $0x80, s31, s29, $0xb8;
	[tilespmem:$0xF300] =	vst v63  }
0xb8: {  	_ =	swait.ge [sflag:s16], $0x2800  }
0xb9: {  	[sflag:s16] =	ssyncset.done $0x0  }
0xba: {  	[sflag:s16] =	ssyncadd.s32 $0xFFFFD800  }
0xbb: {  	_ =	swait.ge [sflag:s17], $0x2800  }
0xbc: {  	[sflag:s17] =	ssyncset.done $0x0  }
0xbd: {  	[sflag:s17] =	ssyncadd.s32 $0xFFFFD800  }
0xbe: {  	_ =	swait.ge [sflag:s18], $0x2800  }
0xbf: {  	[sflag:s18] =	ssyncset.done $0x0  }
0xc0: {  	s19 =	sadd.s32 $0x500, s19;
	[sflag:s18] =	ssyncadd.s32 $0xFFFFD800  }
0xc1: {  	[hbm4b:s19+s4] =	stream.linear.scatter [tilespmem:s11], [sflag:$0x7], $0x2800, $0x38;
	[tilespmem:$0xF300] =	vst v63  }
0xc2: {  	_ =	swait.ge [sflag:s25], $0x2800  }
0xc3: {  	[sflag:s25] =	ssyncset.done $0x0  }
0xc4: {  	s3 =	sadd.s32 $0x500, s3;
	[sflag:s25] =	ssyncadd.s32 $0xFFFFD800  }
0xc5: {  	[hbm4b:s3+s4] =	stream.linear.scatter [tilespmem:s12], [sflag:$0x7], $0x2800, $0x38;
	[tilespmem:$0xF300] =	vst v63  }
0xc6: {  	p0 =	sne.s32 s20, $0x11800;
	_ =	swait.ge [sflag:s25], $0x2800  }
.Ltmp0:
0xc7: {  	s20 =	sadd.s32 $0xA00, s20;
	[sflag:s25] =	ssyncset.done $0x0;
	(pc) =	sbr.rel @p0 .LBB2_2-.Ltmp0, $4  }
0xc8: {  	s23 =	sadd.s32 $0x14, s23;
	s26 =	sadd.s32 $0x500, s5;
	[sflag:s25] =	ssyncadd.s32 $0xFFFFD800  }
0xc9: {  	[hbm4b:s26+s4] =	stream.linear.scatter [tilespmem:s0], [sflag:$0x7], $0x2800, $0x38;
	[tilespmem:$0xF300] =	vst v63  }
0xca: {  	s21 =	sadd.s32 $0x14, s21;
	s2 =	simm.s32 $0x300;
	_ =	swait.ge [sflag:s25], $0x2800  }
0xcb: {  	s8 =	simm.s32 $0x2B00;
	s9 =	simm.s32 $0x5300;
	[sflag:s25] =	ssyncset.done $0x0  }
0xcc: {  	[sflag:s25] =	ssyncadd.s32 $0xFFFFD800;
	s3 =	rddreg [dreg:$0xb];
	s0 =	simm.s32 $0x180  }
0xcd: {  	[tilespmem:s0], [sflag:$0x7] =	stream.linear.gather [hbm4b:s3+s4], $0x50, $0x38;
	[tilespmem:$0xF300] =	vst v63  }
0xce: {  	_ =	swait.ge [sflag:s25], $0x50  }
0xcf: {  	[sflag:s25] =	ssyncset.done $0x0  }
0xd0: {  	s5 =	simm.s32 $0x200;
	s24 =	rddreg [dreg:$0xc];
	[sflag:s25] =	ssyncadd.s32 $0xFFFFFFB0  }
0xd1: {  	[tilespmem:s5], [sflag:$0x7] =	stream.linear.gather [hbm4b:s24+s4], $0x50, $0x38;
	[tilespmem:$0xF300] =	vst v63  }
0xd2: {  	_ =	swait.ge [sflag:s25], $0x50  }
0xd3: {  	[sflag:s25] =	ssyncset.done $0x0  }
0xd4: {  	s6 =	simm.s32 $0x280;
	s26 =	rddreg [dreg:$0xd];
	[sflag:s25] =	ssyncadd.s32 $0xFFFFFFB0  }
0xd5: {  	[tilespmem:s6], [sflag:$0x7] =	stream.linear.gather [hbm4b:s26+s4], $0x50, $0x38;
	[tilespmem:$0xF300] =	vst v63  }
0xd6: {  	_ =	swait.ge [sflag:s25], $0x50  }
0xd7: {  	[sflag:s25] =	ssyncset.done $0x0  }
0xd8: {  	s10 =	simm.s32 $0x7B00;
	[sflag:s25] =	ssyncadd.s32 $0xFFFFFFB0  }
0xd9: {  	[tilespmem:s10], [sflag:$0x4] =	stream.indirect.gather [hbm4b:s1+s29], $0x80, s0, s29, $0xb8;
	[tilespmem:$0xF300] =	vst v63  }
0xda: {  	s11 =	simm.s32 $0xA300;
	s0 =	rddreg [dreg:$0x2]  }
0xdb: {  	[tilespmem:s11], [sflag:$0x5] =	stream.indirect.gather [hbm4b:s0+s29], $0x80, s5, s29, $0xb8;
	[tilespmem:$0xF300] =	vst v63  }
0xdc: {  	s12 =	simm.s32 $0xCB00  }
0xdd: {  	[tilespmem:s12], [sflag:$0x6] =	stream.indirect.gather [hbm4b:s1+s29], $0x80, s6, s29, $0xb8;
	[tilespmem:$0xF300] =	vst v63  }
0xde: {  	_ =	swait.ge [sflag:s30], $0x2800  }
0xdf: {  	[sflag:s30] =	ssyncset.done $0x0  }
0xe0: {  	[sflag:s30] =	ssyncadd.s32 $0xFFFFD800  }
0xe1: {  	_ =	swait.ge [sflag:s14], $0x2800  }
0xe2: {  	[sflag:s14] =	ssyncset.done $0x0  }
0xe3: {  	[sflag:s14] =	ssyncadd.s32 $0xFFFFD800  }
0xe4: {  	_ =	swait.ge [sflag:s15], $0x2800  }
0xe5: {  	[sflag:s15] =	ssyncset.done $0x0  }
0xe6: {  	s13 =	rddreg [dreg:$0xe];
	[sflag:s15] =	ssyncadd.s32 $0xFFFFD800  }
0xe7: {  	[hbm4b:s13+s4] =	stream.linear.scatter [tilespmem:s2], [sflag:$0x7], $0x2800, $0x38;
	[tilespmem:$0xF300] =	vst v63  }
0xe8: {  	_ =	swait.ge [sflag:s25], $0x2800  }
0xe9: {  	[sflag:s25] =	ssyncset.done $0x0  }
0xea: {  	s19 =	rddreg [dreg:$0xf];
	[sflag:s25] =	ssyncadd.s32 $0xFFFFD800  }
0xeb: {  	[hbm4b:s19+s4] =	stream.linear.scatter [tilespmem:s8], [sflag:$0x7], $0x2800, $0x38;
	[tilespmem:$0xF300] =	vst v63  }
0xec: {  	_ =	swait.ge [sflag:s25], $0x2800  }
0xed: {  	[sflag:s25] =	ssyncset.done $0x0  }
0xee: {  	s20 =	rddreg [dreg:$0x10];
	[sflag:s25] =	ssyncadd.s32 $0xFFFFD800  }
0xef: {  	[hbm4b:s20+s4] =	stream.linear.scatter [tilespmem:s9], [sflag:$0x7], $0x2800, $0x38;
	[tilespmem:$0xF300] =	vst v63  }
0xf0: {  	_ =	swait.ge [sflag:s25], $0x2800  }
0xf1: {  	[sflag:s25] =	ssyncset.done $0x0  }
0xf2: {  	[sflag:s25] =	ssyncadd.s32 $0xFFFFD800  }
0xf3: {  	_ =	swait.ge [sflag:s16], $0x2800  }
0xf4: {  	[sflag:s16] =	ssyncset.done $0x0  }
0xf5: {  	[sflag:s16] =	ssyncadd.s32 $0xFFFFD800  }
0xf6: {  	_ =	swait.ge [sflag:s17], $0x2800  }
0xf7: {  	[sflag:s17] =	ssyncset.done $0x0  }
0xf8: {  	[sflag:s17] =	ssyncadd.s32 $0xFFFFD800  }
0xf9: {  	_ =	swait.ge [sflag:s18], $0x2800  }
0xfa: {  	[sflag:s18] =	ssyncset.done $0x0  }
0xfb: {  	s21 =	rddreg [dreg:$0x11];
	[sflag:s18] =	ssyncadd.s32 $0xFFFFD800  }
0xfc: {  	[hbm4b:s21+s4] =	stream.linear.scatter [tilespmem:s10], [sflag:$0x7], $0x2800, $0x38;
	[tilespmem:$0xF300] =	vst v63  }
0xfd: {  	_ =	swait.ge [sflag:s25], $0x2800  }
0xfe: {  	[sflag:s25] =	ssyncset.done $0x0  }
0xff: {  	s22 =	rddreg [dreg:$0x12];
	[sflag:s25] =	ssyncadd.s32 $0xFFFFD800  }
0x100: {  	[hbm4b:s22+s4] =	stream.linear.scatter [tilespmem:s11], [sflag:$0x7], $0x2800, $0x38;
	[tilespmem:$0xF300] =	vst v63  }
0x101: {  	_ =	swait.ge [sflag:s25], $0x2800  }
0x102: {  	[sflag:s25] =	ssyncset.done $0x0  }
0x103: {  	s23 =	rddreg [dreg:$0x13];
	[sflag:s25] =	ssyncadd.s32 $0xFFFFD800  }
0x104: {  	[hbm4b:s23+s4] =	stream.linear.scatter [tilespmem:s12], [sflag:$0x7], $0x2800, $0x38;
	[tilespmem:$0xF300] =	vst v63  }
0x105: {  	_ =	swait.ge [sflag:s25], $0x2800  }
0x106: {  	s24 =	rddreg [dreg:$0x19]  }
0x107: {  	s26 =	rddreg [dreg:$0x14];
	s2 =	sadd.s32 $0x1, s24  }
0x108: {  	p0 =	sne.s32 s2, s26  }
.Ltmp1:
0x109: {  	_ = 	snop;
	(pc) =	sbr.rel @p0 .LBB2_1-.Ltmp1, $3  }
0x10a: {  	_ =	sdelay $0x1  }
0x10b: {  	[sflag:s25] =	ssyncset.done $0x0  }
0x10c: {  	s0 =	simm.s32 $0x80;
	s10 =	rddreg [dreg:$0x7];
	[sflag:s25] =	ssyncadd.s32 $0xFFFFD800  }
0x10d: {  	_ =	sfence.sel $0x180000  }
0x10e: {  	[bflag:$0x0] =	sbarrier.arrive $0xFFFF  }
0x10f: {  	_ =	strace $0x90000047  }
0x110: {  	s0 =	stileid.u32;
	[bflag:$0x2] =	sbarrier.arrive $0xFFFF  }
0x111: {  	p0 =	sne.s32 s0, $0x0;
	s0 =	rddreg [dreg:$0x3]  }
0x112: {  	s0 =	sadd.s32 @!p0 $0x100000, s0  }
0x113: {  	[sflag:s0] =	ssyncadd.tile.s32 @!p0 $0x1;
	_ =	shalt  }
.Lfunc_end2:
_tile_overlayer_lowered:
.L_overlay_start_2:
0x114: {  	(tag) =	ssettag $0x2  }
0x115: {  	s0 =	rddreg [dreg:$0x0];
	s2 =	stileid.u32  }
0x116: {  	s1 =	rddreg [dreg:$0x1];
	p0 =	sne.s32 s2, $0x0  }
0x117: {  	s3 =	rddreg [dreg:$0x2];
	[bflag:$0x3] =	sbarrier.arrive $0xFFFF;
	s2 =	simm.s32 @!p0 $0x1C07  }
0x118: {  	[timem:s3], [sflag:s2] =	dma.local @!p0 [hbm:s0], s1  }
0x119: {  	s0 =	simm.s32 @!p0 $0x7  }
0x11a: {  	_ =	swait.ge @!p0 [sflag:s0], s1  }
0x11b: {  	s1 =	ssub.s32 @!p0 $0x0, s1;
	[sflag:s0] =	ssyncset.done @!p0 $0x0  }
0x11c: {  	[sflag:s0] =	ssyncadd.s32 @!p0 s1  }
0x11d: {  	[bflag:$0x3] =	sbarrier.arrive $0xFFFF  }
0x11e: {  	_ =	shalt  }

// kernel: kernel.9.cloned.1.call-start
scs
__scs_entry_jumppad:
0x0: {  	(pc) =	sbr.rel $0x88, $3  }
0x1: {  	(tag) =	ssettag $0x0;
	lr =	simm.s32 $0x1  }
0x2: {  	[smem:$0x3F99] =	sst lr;
	_ =	strace $0xD0000000  }
0x3: {  	_ = 	snop  }
0x4: {  	_ = 	snop  }
0x5: {  	_ = 	snop  }
0x6: {  	_ = 	snop  }
0x7: {  	_ = 	snop  }
__scs_overlays_trampoline_lowered:
0x8: {  	[smem:$0x3FA8] =	sst s0  }
0x9: {  	[smem:$0x3FA9] =	sst s1  }
0xa: {  	[smem:$0x3FAA] =	sst s2  }
0xb: {  	[smem:$0x3FAB] =	sst s3  }
0xc: {  	[smem:$0x3FAC] =	sst s4  }
0xd: {  	[smem:$0x3FAD] =	sst s5  }
0xe: {  	[smem:$0x3FAE] =	sst s6  }
0xf: {  	[smem:$0x3FAF] =	sst s7  }
0x10: {  	[smem:$0x3FB0] =	sst s8  }
0x11: {  	[smem:$0x3FB1] =	sst s9;
	s0 =	simm.s32 @!p0 $0x0  }
0x12: {  	s1 =	sld [smem:$0x3F97];
	s0 =	simm.s32 @p0 $0x1  }
0x13: {  	[smem:$0x3FB2] =	sst s0;
	s0 =	simm.s32 @!p1 $0x0  }
0x14: {  	s2 =	sld [smem:$0x3F96];
	s0 =	simm.s32 @p1 $0x1  }
0x15: {  	[smem:$0x3FB3] =	sst s0;
	s0 =	simm.s32 @!p2 $0x0  }
0x16: {  	s3 =	sld [smem:$0x3FDB];
	s0 =	simm.s32 @p2 $0x1  }
0x17: {  	s4 =	simm.s32 $0x1BF5;
	[smem:$0x3FB5] =	sst s0  }
0x18: {  	s0 =	sld [smem:$0x3F98];
	_ =	swait.ge [sflag:s4], $0x0  }
0x19: {  	s7 =	sld [smem:$0x3F99]  }
0x1a: {  	s8 =	sadd.s32 $0xFFFFE003, lr  }
0x1b: {  	s9 =	sadd.s32 $0xFFFFFEF7, lr;
	s5 =	simm.s32 $0xFFFFFFFF;
	p2 =	slt.u32 s8, $0xFFFFF086  }
0x1c: {  	p1 =	slt.u32 s9, $0xF7A;
	s5 =	simm.s32 @!p2 $0x0  }
0x1d: {  	s5 =	simm.s32 @p1 $0x1;
	p0 =	seq.s32 s7, s2  }
0x1e: {  	s7 =	smul.u32 @!p0 $0xF7A, s2;
	p2 =	seq.s32 @!p0 s5, $0x0  }
0x1f: {  	s9 =	smul.u32 $0xF7A, s1;
	s8 =	simm.s32 @!p0 $0x1BF5;
	p2 =	por !p2, p0  }
0x20: {  	[sflag:s8] =	ssyncset.s32 @!p0 $0xFFFFF086;
	s6 =	sadd.s32 @!p0 s3, s7;
	s7 =	simm.s32 @!p0 $0x108  }
0x21: {  	s3 =	sadd.s32 s3, s9;
	s6 =	sadd.s32 @!p0 $0x88, s6;
	s7 =	simm.s32 @p2 $0x1082  }
0x22: {  	[simem:s7], [sflag:s8] =	dma.local @!p0 [hbm:s6], $0xF7A  }
0x23: {  	s9 =	sor.u32 $0xD0000000, s2;
	s6 =	simm.s32 $0x108;
	_ =	swait.ge @!p0 [sflag:s8], $0x0  }
0x24: {  	s3 =	sadd.s32 $0x88, s3;
	s6 =	simm.s32 @!p1 $0x1082;
	[sflag:s4] =	ssyncset.s32 $0xFFFFF086  }
0x25: {  	[simem:s6], [sflag:s4] =	dma.local [hbm:s3], $0xF7A  }
0x26: {  	[smem:$0x3F99] =	sst s1;
	(tag) =	ssettag s2;
	_ =	strace s9  }
0x27: {  	s1 =	sld [smem:$0x3FA9]  }
0x28: {  	s2 =	sld [smem:$0x3FAA]  }
0x29: {  	s4 =	sld [smem:$0x3FAC]  }
0x2a: {  	p0 =	seq.s32 s5, $0x0;
	s5 =	sld [smem:$0x3FAD]  }
0x2b: {  	s6 =	sld [smem:$0x3FAE]  }
0x2c: {  	s7 =	sld [smem:$0x3FAF]  }
0x2d: {  	s3 =	simm.s32 $0x108;
	s8 =	sld [smem:$0x3FB0]  }
0x2e: {  	s3 =	simm.s32 @!p0 $0x1082;
	s9 =	sld [smem:$0x3FB1]  }
0x2f: {  	lr =	sadd.s32 s0, s3;
	s0 =	sld [smem:$0x3FA8]  }
0x30: {  	s3 =	sld [smem:$0x3FAB]  }
0x31: {  	[smem:$0x3FB4] =	sst s10  }
0x32: {  	s10 =	sld [smem:$0x3FB2];
	_ =	sdelay $0x3  }
0x33: {  	p0 =	seq.s32 s10, $0x1;
	s10 =	sld [smem:$0x3FB4];
	_ =	sdelay $0x3  }
0x34: {  	[smem:$0x3FB4] =	sst s10  }
0x35: {  	s10 =	sld [smem:$0x3FB3];
	_ =	sdelay $0x3  }
0x36: {  	p1 =	seq.s32 s10, $0x1;
	s10 =	sld [smem:$0x3FB4];
	_ =	sdelay $0x3  }
0x37: {  	[smem:$0x3FB4] =	sst s10  }
0x38: {  	s10 =	sld [smem:$0x3FB5]  }
0x39: {  	_ = 	snop;
	(pc) =	sbr.ind lr, $3  }
0x3a: {  	_ = 	snop  }
0x3b: {  	_ = 	snop  }
0x3c: {  	p2 =	seq.s32 s10, $0x1;
	s10 =	sld [smem:$0x3FB4]  }
0x3d: {  	_ =	shalt  }
0x3e: {  	_ =	shalt  }
0x3f: {  	_ =	shalt  }
0x40: {  	_ =	shalt  }
0x41: {  	_ =	shalt  }
0x42: {  	_ =	shalt  }
0x43: {  	_ =	shalt  }
0x44: {  	_ =	shalt  }
0x45: {  	_ =	shalt  }
0x46: {  	_ =	shalt  }
0x47: {  	_ =	shalt  }
0x48: {  	_ =	shalt  }
0x49: {  	_ =	shalt  }
0x4a: {  	_ =	shalt  }
0x4b: {  	_ =	shalt  }
0x4c: {  	_ =	shalt  }
0x4d: {  	_ =	shalt  }
0x4e: {  	_ =	shalt  }
0x4f: {  	_ =	shalt  }
0x50: {  	_ =	shalt  }
0x51: {  	_ =	shalt  }
0x52: {  	_ =	shalt  }
0x53: {  	_ =	shalt  }
0x54: {  	_ =	shalt  }
0x55: {  	_ =	shalt  }
0x56: {  	_ =	shalt  }
0x57: {  	_ =	shalt  }
0x58: {  	_ =	shalt  }
0x59: {  	_ =	shalt  }
0x5a: {  	_ =	shalt  }
0x5b: {  	_ =	shalt  }
0x5c: {  	_ =	shalt  }
0x5d: {  	_ =	shalt  }
0x5e: {  	_ =	shalt  }
0x5f: {  	_ =	shalt  }
0x60: {  	_ =	shalt  }
0x61: {  	_ =	shalt  }
0x62: {  	_ =	shalt  }
0x63: {  	_ =	shalt  }
0x64: {  	_ =	shalt  }
0x65: {  	_ =	shalt  }
0x66: {  	_ =	shalt  }
0x67: {  	_ =	shalt  }
0x68: {  	_ =	shalt  }
0x69: {  	_ =	shalt  }
0x6a: {  	_ =	shalt  }
0x6b: {  	_ =	shalt  }
0x6c: {  	_ =	shalt  }
0x6d: {  	_ =	shalt  }
0x6e: {  	_ =	shalt  }
0x6f: {  	_ =	shalt  }
0x70: {  	_ =	shalt  }
0x71: {  	_ =	shalt  }
0x72: {  	_ =	shalt  }
0x73: {  	_ =	shalt  }
0x74: {  	_ =	shalt  }
0x75: {  	_ =	shalt  }
0x76: {  	_ =	shalt  }
0x77: {  	_ =	shalt  }
0x78: {  	_ =	shalt  }
0x79: {  	_ =	shalt  }
0x7a: {  	_ =	shalt  }
0x7b: {  	_ =	shalt  }
0x7c: {  	_ =	shalt  }
0x7d: {  	_ =	shalt  }
0x7e: {  	_ =	shalt  }
0x7f: {  	_ =	shalt  }
0x80: {  	_ =	shalt  }
0x81: {  	_ =	shalt  }
0x82: {  	_ =	shalt  }
0x83: {  	_ =	shalt  }
0x84: {  	_ =	shalt  }
0x85: {  	_ =	shalt  }
0x86: {  	_ =	shalt  }
0x87: {  	_ =	shalt  }
.Lfunc_end0:
.L_simem_size_0:
called_computation.2_lowered:
.L_overlay_start_0:
0x88: {  	s2 =	sld [smem:$0x3FD9]  }
0x89: {  	s3 =	sld [smem:$0x3FFE];
	_ =	sdelay $0x1  }
0x8a: {  	s1 =	srdreg.scid  }
0x8b: {  	s0 =	sand.u32 $0x1, s1  }
0x8c: {  	s17 =	sshll.u32 s0, $0xA;
	s2 =	sadd.s32 s3, s2  }
0x8d: {  	s2 =	sadd.s32 s2, s17  }
0x8e: {  	[smem:$0x3FC0] =	sst s2  }
0x8f: {  	_ = 	snop  }
0x90: {  	s18 =	sld [smem:$0x3FC7]  }
0x91: {  	s4 =	sld [smem:$0x3FC6]  }
0x92: {  	s5 =	sld [smem:$0x3FD0];
	(tm) =	ssettm $0x1  }
0x93: {  	s19 =	sld [smem:$0x3FFB];
	_ =	sdelay $0x3  }
0x94: {  	_ =	strace s19  }
0x95: {  	s2 =	sld [smem:$0x3FFC];
	_ =	sdelay $0x3  }
0x96: {  	_ =	strace s2  }
0x97: {  	s2 =	sld [smem:$0x3FFD];
	_ =	sdelay $0x3  }
0x98: {  	_ =	strace s2  }
0x99: {  	_ =	strace $0x8FFFFFFF  }
0x9a: {  	s20 =	sld [smem:$0x3FDB];
	_ =	sdelay $0x1  }
0x9b: {  	s6 =	simm.s32 $_scs_section_size  }
0x9c: {  	s7 =	simm.s32 $_size__tile_overlayer_lowered;
	s8 =	simm.s32 $_tile_overlayer_lowered  }
0x9d: {  	s9 =	simm.s32 $0x1BFF;
	s21 =	sshll.u32 s8, $0x1;
	s6 =	sadd.s32 s6, s20  }
0x9e: {  	s22 =	simm.s32 $0x0;
	s7 =	sshll.u32 s7, $0x1;
	s8 =	sadd.s32 s21, s6  }
0x9f: {  	[timem:s22], [sflag:s9] =	dma.local [hbm:s8], s7  }
0xa0: {  	_ =	swait.ge [sflag:s9], s7  }
0xa1: {  	s7 =	ssub.s32 $0x0, s7;
	[sflag:s9] =	ssyncset.done $0x0  }
0xa2: {  	[sflag:s9] =	ssyncadd.s32 s7;
	_ =	sdelay $0x1  }
0xa3: {  	s23 =	simm.s32 $0x1B8B  }
0xa4: {  	_ =	swait.ge [sflag:s23], $0x1  }
0xa5: {  	[sflag:s23] =	ssyncset.done $0x0  }
0xa6: {  	[sflag:s23] =	ssyncadd.s32 $0xFFFFFFFF  }
0xa7: {  	s7 =	sld [smem:$0x0]  }
0xa8: {  	s8 =	sand.u32 $0xFFFFFFFE, s1  }
0xa9: {  	p0 =	sne.s32 s1, s8  }
0xaa: {  	s8 =	sshll.u32 @p0 s8, $0xE  }
0xab: {  	s8 =	sadd.s32 @p0 $0x11B8D, s8;
	s9 =	sshll.u32 @p0 s7, $0x11  }
0xac: {  	s8 =	sor.u32 @p0 s9, s8  }
0xad: {  	[sflag:s8] =	ssyncadd.remote.s32 @p0 $0x1;
	_ =	sdelay $0x1  }
0xae: {  	s8 =	simm.s32 @p0 $0x1B8D  }
0xaf: {  	_ =	swait.eq @p0 [sflag:s8], $0x1  }
0xb0: {  	[sflag:s8] =	ssyncadd.s32 @p0 $0xFFFFFFFF  }
0xb1: {  	s9 =	sshll.u32 @!p0 s1, $0xE  }
0xb2: {  	s9 =	sor.u32 @!p0 $0x4000, s9;
	s8 =	simm.s32 @!p0 $0x1B8D  }
0xb3: {  	s7 =	sshll.u32 @!p0 s7, $0x11;
	s9 =	sadd.s32 @!p0 $0x11B8D, s9;
	_ =	swait.eq @!p0 [sflag:s8], $0x1  }
0xb4: {  	s7 =	sor.u32 @!p0 s7, s9;
	[sflag:s8] =	ssyncadd.s32 @!p0 $0xFFFFFFFF  }
0xb5: {  	s25 =	simm.s32 $0x1B8E;
	s24 =	sld [smem:$0x3FFE];
	[sflag:s7] =	ssyncadd.remote.s32 @!p0 $0x1  }
0xb6: {  	s26 =	simm.s32 $execute0_lowered;
	[smem:$0x3FD2] =	sst s25  }
0xb7: {  	s8 =	sshll.u32 s26, $0x1;
	_ =	strace $0x80000049;
	[dreg:$0x1] =	wrdreg $0xFFFFFFFF  }
0xb8: {  	s28 =	simm.s32 $_size_execute0_lowered;
	s6 =	sadd.s32 s6, s8;
	[dreg:$0x0] =	wrdreg $0x0  }
0xb9: {  	s8 =	sshll.u32 s28, $0x1;
	[dreg:$0x2] =	wrdreg s6  }
0xba: {  	[dreg:$0x3] =	wrdreg s8  }
0xbb: {  	[dreg:$0x4] =	wrdreg $0xC0  }
0xbc: {  	_ =	task [dreg:s22], $0x5FFFF  }
0xbd: {  	[dreg:$0x1] =	wrdreg $0xFFFFFFFF  }
0xbe: {  	[dreg:$0x0] =	wrdreg $0x60  }
0xbf: {  	[dreg:$0x2] =	wrdreg s5  }
0xc0: {  	[dreg:$0x3] =	wrdreg s24  }
0xc1: {  	[dreg:$0x4] =	wrdreg s18  }
0xc2: {  	[dreg:$0x5] =	wrdreg s4  }
0xc3: {  	[dreg:$0x6] =	wrdreg $0xA  }
0xc4: {  	_ =	task.clear_ibuf [dreg:s22], $0x7FFFF;
	_ =	strace $0x90000049  }
0xc5: {  	s29 =	simm.s32 $0xA;
	_ =	strace $0x8000004B  }
0xc6: {  	_ =	swait.ge [sflag:s29], $0x1  }
0xc7: {  	[sflag:s29] =	ssyncadd.s32 $0xFFFFFFFF  }
0xc8: {  	_ =	strace $0x9000004B  }
0xc9: {  	_ =	sfence  }
0xca: {  	s30 =	sld [smem:$0x0];
	_ =	sdelay $0x2  }
0xcb: {  	s31 =	sshll.u32 s1, $0xD;
	s1 =	sshrl.u32 s1, $0x2  }
0xcc: {  	s4 =	sand.u32 $0x4000, s31;
	s1 =	sadd.s32 s1, s30  }
0xcd: {  	s0 =	sor.u32 s4, s0;
	s1 =	sshll.u32 s1, $0x11  }
0xce: {  	s0 =	sor.u32 s1, s0  }
0xcf: {  	s0 =	sadd.s32 $0x8F2B, s0  }
0xd0: {  	[sflag:s0] =	ssyncadd.remote.s32 $0x1  }
0xd1: {  	_ =	sfence.sel $0xFFFF  }
0xd2: {  	[dreg:$0x0] =	wrdreg $0xFFFFFFFF;
	(pc) =	sbr.abs _section_cstart, $3  }
0xd3: {  	[dreg:$0x1] =	wrdreg $0xFFFFFFFF  }
0xd4: {  	_ =	task.clear_ibuf [dreg:s22], $0x2FFFF;
	_ =	strace $0x9FFFFFFF  }
0xd5: {  	(tm) =	ssettm $0x7FFFFFFF  }
tec
execute0_lowered:
.L_overlay_start_1:
0x0: {  	(tag) =	ssettag $0x1  }
0x1: {  	s7 =	rddreg [dreg:$0x0]  }
0x2: {  	s0 =	rddreg [dreg:$0x1]  }
0x3: {  	s2 =	rddreg [dreg:$0x2]  }
0x4: {  	s20 =	rddreg [dreg:$0x3]  }
0x5: {  	s5 =	simm.s32 $0x0;
	s1 =	srdreg.scid;
	s30 =	simm.s32 $0x180  }
0x6: {  	s6 =	stileid.u32;
	s26 =	sadd.s32 $0x718400, s0;
	s21 =	sadd.s32 $0x71D600, s0  }
0x7: {  	[smem:$0x7FF] =	sst s5;
	s4 =	sadd.s32 $0x722800, s0;
	s29 =	smul.u32 $0x28A0, s6  }
0x8: {  	s1 =	sand.u32 $0x1, s1;
	s8 =	sadd.s32 $0x9AC800, s0;
	s14 =	smul.u32 $0x28A00, s6  }
0x9: {  	s3 =	sshll.u32 s6, $0x1;
	s0 =	sadd.s32 $0xC36800, s0;
	s31 =	smul.u32 $0x1450, s1  }
0xa: {  	s3 =	sor.u32 s1, s3;
	s9 =	ssub.s32 $0x2, s1;
	s1 =	smul.u32 $0x14500, s1  }
0xb: {  	s6 =	simm.s32 $0x0;
	_ =	strace $0x8000004A;
	s10 =	smul.u32 $0x1450, s3  }
0xc: {  	s11 =	sshrl.u32 s9, $0x1;
	s3 =	smul.u32 $0xA2800, s3;
	s18 =	sadd.s32 s14, s4  }
0xd: {  	s24 =	sadd.s32 s14, s8;
	s9 =	ssub.s32 s9, s11;
	s22 =	sadd.s32 s31, s29  }
0xe: {  	s11 =	simm.s32 $0x5;
	s10 =	sshrl.u32 s10, $0x3;
	s19 =	smax.u32 s9, $0x1  }
0xf: {  	s3 =	sshrl.u32 s3, $0x3;
	s23 =	sadd.s32 $0xA0, s22;
	[dreg:$0xe] =	wrdreg s19  }
0x10: {  	s9 =	simm.s32 $0x3;
	s12 =	sadd.s32 s7, s10;
	[dreg:$0xf] =	wrdreg s23  }
0x11: {  	s13 =	sadd.s32 s26, s10;
	s3 =	sadd.s32 $0x14000, s3;
	[dreg:$0x8] =	wrdreg s12  }
0x12: {  	s15 =	sadd.s32 s21, s10;
	s19 =	simm.s32 $0x7;
	[dreg:$0x9] =	wrdreg s13  }
0x13: {  	s10 =	simm.s32 $0x4;
	[dreg:$0xa] =	wrdreg s15;
	s16 =	sadd.s32 s4, s3  }
0x14: {  	s17 =	sadd.s32 s8, s3;
	s3 =	sadd.s32 s0, s3;
	s0 =	sadd.s32 s14, s0  }
0x15: {  	s4 =	sadd.s32 $0x50, s22;
	s22 =	simm.s32 $0x50;
	[dreg:$0xb] =	wrdreg s16  }
0x16: {  	s13 =	simm.s32 $0x200;
	s14 =	simm.s32 $0x7B00;
	[dreg:$0xc] =	wrdreg s17  }
0x17: {  	s15 =	simm.s32 $0xA300;
	[dreg:$0xd] =	wrdreg s3;
	s3 =	sadd.s32 s1, s18  }
0x18: {  	s8 =	simm.s32 $0x2;
	s0 =	sadd.s32 s1, s0;
	[dreg:$0x5] =	wrdreg s3  }
0x19: {  	s25 =	sshrl.u32 s4, $0x3;
	s3 =	sadd.s32 s1, s24;
	[dreg:$0x7] =	wrdreg s0  }
0x1a: {  	s12 =	simm.s32 $0x6;
	s28 =	sadd.s32 s25, s21;
	[dreg:$0x6] =	wrdreg s3  }
0x1b: {  	s18 =	simm.s32 $0xCB00;
	s29 =	sadd.s32 s25, s26;
	[dreg:$0x10] =	wrdreg s28  }
0x1c: {  	s31 =	sadd.s32 s25, s7;
	s24 =	simm.s32 $0x100;
	[dreg:$0x11] =	wrdreg s29  }
0x1d: {  	s0 =	simm.s32 $0x280;
	[dreg:$0x12] =	wrdreg s31;
	s3 =	simm.s32 $0x80  }
.LBB2_1:
0x1e: {  	[dreg:$0x13] =	wrdreg s6  }
0x1f: {  	s1 =	rddreg [dreg:$0x8]  }
0x20: {  	[tilespmem:s5], [sflag:$0x7] =	stream.linear.gather [hbm4b:s1+s5], $0x50, $0x38;
	[tilespmem:$0xF300] =	vst v63  }
0x21: {  	_ =	swait.ge [sflag:s19], $0x50  }
0x22: {  	[sflag:s19] =	ssyncset.done $0x0  }
0x23: {  	s4 =	rddreg [dreg:$0x9];
	[sflag:s19] =	ssyncadd.s32 $0xFFFFFFB0  }
0x24: {  	[tilespmem:s3], [sflag:$0x7] =	stream.linear.gather [hbm4b:s4+s5], $0x50, $0x38;
	[tilespmem:$0xF300] =	vst v63  }
0x25: {  	_ =	swait.ge [sflag:s19], $0x50  }
0x26: {  	[sflag:s19] =	ssyncset.done $0x0  }
0x27: {  	s6 =	rddreg [dreg:$0xa];
	[sflag:s19] =	ssyncadd.s32 $0xFFFFFFB0  }
0x28: {  	[tilespmem:s24], [sflag:$0x7] =	stream.linear.gather [hbm4b:s6+s5], $0x50, $0x38;
	[tilespmem:$0xF300] =	vst v63  }
0x29: {  	_ =	swait.ge [sflag:s19], $0x50  }
0x2a: {  	[sflag:s19] =	ssyncset.done $0x0  }
0x2b: {  	s31 =	simm.s32 $0x300;
	[sflag:s19] =	ssyncadd.s32 $0xFFFFFFB0  }
0x2c: {  	[tilespmem:s31], [sflag:$0x1] =	stream.indirect.gather [hbm4b:s2+s22], $0x80, s5, s22, $0xb8;
	[tilespmem:$0xF300] =	vst v63  }
0x2d: {  	s28 =	simm.s32 $0x2B00  }
0x2e: {  	[tilespmem:s28], [sflag:$0x2] =	stream.indirect.gather [hbm4b:s20+s22], $0x80, s3, s22, $0xb8;
	[tilespmem:$0xF300] =	vst v63  }
0x2f: {  	s29 =	simm.s32 $0x5300  }
0x30: {  	[tilespmem:s29], [sflag:$0x3] =	stream.indirect.gather [hbm4b:s2+s22], $0x80, s24, s22, $0xb8;
	[tilespmem:$0xF300] =	vst v63  }
0x31: {  	s17 =	rddreg [dreg:$0x12]  }
0x32: {  	[tilespmem:s30], [sflag:$0x7] =	stream.linear.gather [hbm4b:s17+s5], $0x50, $0x38;
	[tilespmem:$0xF300] =	vst v63  }
0x33: {  	_ =	swait.ge [sflag:s19], $0x50  }
0x34: {  	[sflag:s19] =	ssyncset.done $0x0  }
0x35: {  	s6 =	rddreg [dreg:$0x11];
	[sflag:s19] =	ssyncadd.s32 $0xFFFFFFB0  }
0x36: {  	[tilespmem:s13], [sflag:$0x7] =	stream.linear.gather [hbm4b:s6+s5], $0x50, $0x38;
	[tilespmem:$0xF300] =	vst v63  }
0x37: {  	_ =	swait.ge [sflag:s19], $0x50  }
0x38: {  	[sflag:s19] =	ssyncset.done $0x0  }
0x39: {  	s16 =	rddreg [dreg:$0x10];
	[sflag:s19] =	ssyncadd.s32 $0xFFFFFFB0  }
0x3a: {  	[tilespmem:s0], [sflag:$0x7] =	stream.linear.gather [hbm4b:s16+s5], $0x50, $0x38;
	[tilespmem:$0xF300] =	vst v63  }
0x3b: {  	_ =	swait.ge [sflag:s19], $0x50  }
0x3c: {  	[sflag:s19] =	ssyncset.done $0x0  }
0x3d: {  	[sflag:s19] =	ssyncadd.s32 $0xFFFFFFB0  }
0x3e: {  	[tilespmem:s14], [sflag:$0x4] =	stream.indirect.gather [hbm4b:s2+s22], $0x80, s30, s22, $0xb8;
	[tilespmem:$0xF300] =	vst v63  }
0x3f: {  	_ = 	snop  }
0x40: {  	[tilespmem:s15], [sflag:$0x5] =	stream.indirect.gather [hbm4b:s20+s22], $0x80, s13, s22, $0xb8;
	[tilespmem:$0xF300] =	vst v63  }
0x41: {  	s14 =	simm.s32 $0x1  }
0x42: {  	[tilespmem:s18], [sflag:$0x6] =	stream.indirect.gather [hbm4b:s2+s22], $0x80, s0, s22, $0xb8;
	[tilespmem:$0xF300] =	vst v63  }
0x43: {  	_ =	swait.ge [sflag:s14], $0x2800  }
0x44: {  	[sflag:s14] =	ssyncset.done $0x0  }
0x45: {  	[sflag:s14] =	ssyncadd.s32 $0xFFFFD800  }
0x46: {  	_ =	swait.ge [sflag:s8], $0x2800  }
0x47: {  	[sflag:s8] =	ssyncset.done $0x0  }
0x48: {  	[sflag:s8] =	ssyncadd.s32 $0xFFFFD800  }
0x49: {  	_ =	swait.ge [sflag:s9], $0x2800  }
0x4a: {  	s15 =	rddreg [dreg:$0x5];
	[sflag:s9] =	ssyncset.done $0x0  }
0x4b: {  	[sflag:s9] =	ssyncadd.s32 $0xFFFFD800;
	s1 =	sadd.s32 $0x0, s15  }
0x4c: {  	[hbm4b:s1+s5] =	stream.linear.scatter [tilespmem:s31], [sflag:$0x7], $0x2800, $0x38;
	[tilespmem:$0xF300] =	vst v63  }
0x4d: {  	_ =	swait.ge [sflag:s19], $0x2800  }
0x4e: {  	s18 =	rddreg [dreg:$0x6];
	[sflag:s19] =	ssyncset.done $0x0  }
0x4f: {  	[sflag:s19] =	ssyncadd.s32 $0xFFFFD800;
	s3 =	sadd.s32 $0x0, s18  }
0x50: {  	[hbm4b:s3+s5] =	stream.linear.scatter [tilespmem:s28], [sflag:$0x7], $0x2800, $0x38;
	[tilespmem:$0xF300] =	vst v63  }
0x51: {  	_ =	swait.ge [sflag:s19], $0x2800  }
0x52: {  	s25 =	rddreg [dreg:$0x7];
	[sflag:s19] =	ssyncset.done $0x0  }
0x53: {  	[sflag:s19] =	ssyncadd.s32 $0xFFFFD800;
	s13 =	sadd.s32 $0x0, s25  }
0x54: {  	[hbm4b:s13+s5] =	stream.linear.scatter [tilespmem:s29], [sflag:$0x7], $0x2800, $0x38;
	[tilespmem:$0xF300] =	vst v63  }
0x55: {  	_ =	swait.ge [sflag:s19], $0x2800  }
0x56: {  	s18 =	rddreg [dreg:$0xf]  }
0x57: {  	[sflag:s19] =	ssyncset.done $0x0;
	s14 =	sshrl.u32 s18, $0x3  }
0x58: {  	[sflag:s19] =	ssyncadd.s32 $0xFFFFD800;
	s15 =	sadd.s32 s7, s14  }
0x59: {  	[tilespmem:s5], [sflag:$0x7] =	stream.linear.gather [hbm4b:s15+s5], $0x50, $0x38;
	[tilespmem:$0xF300] =	vst v63  }
0x5a: {  	_ =	swait.ge [sflag:s19], $0x50  }
0x5b: {  	[sflag:s19] =	ssyncset.done $0x0  }
0x5c: {  	s23 =	simm.s32 $0x80;
	s15 =	sadd.s32 s26, s14;
	[sflag:s19] =	ssyncadd.s32 $0xFFFFFFB0  }
0x5d: {  	[tilespmem:s23], [sflag:$0x7] =	stream.linear.gather [hbm4b:s15+s5], $0x50, $0x38;
	[tilespmem:$0xF300] =	vst v63  }
0x5e: {  	_ =	swait.ge [sflag:s19], $0x50  }
0x5f: {  	[sflag:s19] =	ssyncset.done $0x0  }
0x60: {  	s14 =	sadd.s32 s21, s14;
	[sflag:s19] =	ssyncadd.s32 $0xFFFFFFB0  }
0x61: {  	[tilespmem:s24], [sflag:$0x7] =	stream.linear.gather [hbm4b:s14+s5], $0x50, $0x38;
	[tilespmem:$0xF300] =	vst v63  }
0x62: {  	_ =	swait.ge [sflag:s19], $0x50  }
0x63: {  	[sflag:s19] =	ssyncset.done $0x0  }
0x64: {  	[sflag:s19] =	ssyncadd.s32 $0xFFFFFFB0  }
0x65: {  	[tilespmem:s31], [sflag:$0x1] =	stream.indirect.gather [hbm4b:s2+s22], $0x80, s5, s22, $0xb8;
	[tilespmem:$0xF300] =	vst v63  }
0x66: {  	_ = 	snop  }
0x67: {  	[tilespmem:s28], [sflag:$0x2] =	stream.indirect.gather [hbm4b:s20+s22], $0x80, s23, s22, $0xb8;
	[tilespmem:$0xF300] =	vst v63  }
0x68: {  	_ = 	snop  }
0x69: {  	[tilespmem:s29], [sflag:$0x3] =	stream.indirect.gather [hbm4b:s2+s22], $0x80, s24, s22, $0xb8;
	[tilespmem:$0xF300] =	vst v63  }
0x6a: {  	_ =	swait.ge [sflag:s10], $0x2800  }
0x6b: {  	[sflag:s10] =	ssyncset.done $0x0  }
0x6c: {  	[sflag:s10] =	ssyncadd.s32 $0xFFFFD800  }
0x6d: {  	_ =	swait.ge [sflag:s11], $0x2800  }
0x6e: {  	[sflag:s11] =	ssyncset.done $0x0  }
0x6f: {  	[sflag:s11] =	ssyncadd.s32 $0xFFFFD800  }
0x70: {  	_ =	swait.ge [sflag:s12], $0x2800  }
0x71: {  	[sflag:s12] =	ssyncset.done $0x0  }
0x72: {  	s1 =	sadd.s32 $0x500, s1;
	s25 =	simm.s32 $0x7B00;
	[sflag:s12] =	ssyncadd.s32 $0xFFFFD800  }
0x73: {  	[hbm4b:s1+s5] =	stream.linear.scatter [tilespmem:s25], [sflag:$0x7], $0x2800, $0x38;
	[tilespmem:$0xF300] =	vst v63  }
0x74: {  	_ =	swait.ge [sflag:s19], $0x2800  }
0x75: {  	[sflag:s19] =	ssyncset.done $0x0  }
0x76: {  	s4 =	simm.s32 $0xA300;
	s29 =	sadd.s32 $0x500, s3;
	[sflag:s19] =	ssyncadd.s32 $0xFFFFD800  }
0x77: {  	[hbm4b:s29+s5] =	stream.linear.scatter [tilespmem:s4], [sflag:$0x7], $0x2800, $0x38;
	[tilespmem:$0xF300] =	vst v63  }
0x78: {  	_ =	swait.ge [sflag:s19], $0x2800  }
0x79: {  	[sflag:s19] =	ssyncset.done $0x0  }
0x7a: {  	s0 =	simm.s32 $0xCB00;
	s31 =	sadd.s32 $0x500, s13;
	[sflag:s19] =	ssyncadd.s32 $0xFFFFD800  }
0x7b: {  	[hbm4b:s31+s5] =	stream.linear.scatter [tilespmem:s0], [sflag:$0x7], $0x2800, $0x38;
	[tilespmem:$0xF300] =	vst v63  }
0x7c: {  	s17 =	sadd.s32 $0x14, s17;
	s15 =	sadd.s32 $0x14, s6;
	_ =	swait.ge [sflag:s19], $0x2800  }
0x7d: {  	s14 =	simm.s32 $0xA00;
	s23 =	smov.u32 s26;
	[sflag:s19] =	ssyncset.done $0x0  }
.LBB2_2:
0x7e: {  	[sflag:s19] =	ssyncadd.s32 $0xFFFFD800  }
0x7f: {  	[tilespmem:s30], [sflag:$0x7] =	stream.linear.gather [hbm4b:s17+s5], $0x50, $0x38;
	[tilespmem:$0xF300] =	vst v63  }
0x80: {  	_ =	swait.ge [sflag:s19], $0x50  }
0x81: {  	[sflag:s19] =	ssyncset.done $0x0  }
0x82: {  	s0 =	simm.s32 $0x200;
	[sflag:s19] =	ssyncadd.s32 $0xFFFFFFB0  }
0x83: {  	[tilespmem:s0], [sflag:$0x7] =	stream.linear.gather [hbm4b:s15+s5], $0x50, $0x38;
	[tilespmem:$0xF300] =	vst v63  }
0x84: {  	_ =	swait.ge [sflag:s19], $0x50  }
0x85: {  	[sflag:s19] =	ssyncset.done $0x0  }
0x86: {  	s16 =	sadd.s32 $0x14, s16;
	s1 =	simm.s32 $0x280;
	[sflag:s19] =	ssyncadd.s32 $0xFFFFFFB0  }
0x87: {  	[tilespmem:s1], [sflag:$0x7] =	stream.linear.gather [hbm4b:s16+s5], $0x50, $0x38;
	[tilespmem:$0xF300] =	vst v63  }
0x88: {  	_ =	swait.ge [sflag:s19], $0x50  }
0x89: {  	[sflag:s19] =	ssyncset.done $0x0  }
0x8a: {  	s31 =	simm.s32 $0x7B00;
	[sflag:s19] =	ssyncadd.s32 $0xFFFFFFB0  }
0x8b: {  	[tilespmem:s31], [sflag:$0x4] =	stream.indirect.gather [hbm4b:s2+s22], $0x80, s30, s22, $0xb8;
	[tilespmem:$0xF300] =	vst v63  }
0x8c: {  	s4 =	simm.s32 $0xA300  }
0x8d: {  	[tilespmem:s4], [sflag:$0x5] =	stream.indirect.gather [hbm4b:s20+s22], $0x80, s0, s22, $0xb8;
	[tilespmem:$0xF300] =	vst v63  }
0x8e: {  	s25 =	simm.s32 $0xCB00;
	s13 =	simm.s32 $0x1  }
0x8f: {  	[tilespmem:s25], [sflag:$0x6] =	stream.indirect.gather [hbm4b:s2+s22], $0x80, s1, s22, $0xb8;
	[tilespmem:$0xF300] =	vst v63  }
0x90: {  	_ =	swait.ge [sflag:s13], $0x2800  }
0x91: {  	[sflag:s13] =	ssyncset.done $0x0  }
0x92: {  	[sflag:s13] =	ssyncadd.s32 $0xFFFFD800  }
0x93: {  	_ =	swait.ge [sflag:s8], $0x2800  }
0x94: {  	[sflag:s8] =	ssyncset.done $0x0  }
0x95: {  	[sflag:s8] =	ssyncadd.s32 $0xFFFFD800  }
0x96: {  	_ =	swait.ge [sflag:s9], $0x2800  }
0x97: {  	s3 =	smov.u32 s14;
	s24 =	rddreg [dreg:$0x5];
	[sflag:s9] =	ssyncset.done $0x0  }
0x98: {  	s28 =	simm.s32 $0x300;
	[sflag:s9] =	ssyncadd.s32 $0xFFFFD800;
	s13 =	sadd.s32 s3, s24  }
0x99: {  	[hbm4b:s13+s5] =	stream.linear.scatter [tilespmem:s28], [sflag:$0x7], $0x2800, $0x38;
	[tilespmem:$0xF300] =	vst v63  }
0x9a: {  	_ =	swait.ge [sflag:s19], $0x2800  }
0x9b: {  	s26 =	rddreg [dreg:$0x6];
	[sflag:s19] =	ssyncset.done $0x0  }
0x9c: {  	s29 =	simm.s32 $0x2B00;
	[sflag:s19] =	ssyncadd.s32 $0xFFFFD800;
	s1 =	sadd.s32 s3, s26  }
0x9d: {  	[hbm4b:s1+s5] =	stream.linear.scatter [tilespmem:s29], [sflag:$0x7], $0x2800, $0x38;
	[tilespmem:$0xF300] =	vst v63  }
0x9e: {  	_ =	swait.ge [sflag:s19], $0x2800  }
0x9f: {  	s6 =	rddreg [dreg:$0x7];
	[sflag:s19] =	ssyncset.done $0x0  }
0xa0: {  	s30 =	simm.s32 $0x5300;
	[sflag:s19] =	ssyncadd.s32 $0xFFFFD800;
	s3 =	sadd.s32 s3, s6  }
0xa1: {  	[hbm4b:s3+s5] =	stream.linear.scatter [tilespmem:s30], [sflag:$0x7], $0x2800, $0x38;
	[tilespmem:$0xF300] =	vst v63  }
0xa2: {  	s18 =	sadd.s32 $0xA0, s18;
	_ =	swait.ge [sflag:s19], $0x2800  }
0xa3: {  	s6 =	sshrl.u32 s18, $0x3;
	[sflag:s19] =	ssyncset.done $0x0  }
0xa4: {  	s0 =	sadd.s32 s7, s6;
	[sflag:s19] =	ssyncadd.s32 $0xFFFFD800  }
0xa5: {  	[tilespmem:s5], [sflag:$0x7] =	stream.linear.gather [hbm4b:s0+s5], $0x50, $0x38;
	[tilespmem:$0xF300] =	vst v63  }
0xa6: {  	_ =	swait.ge [sflag:s19], $0x50  }
0xa7: {  	[sflag:s19] =	ssyncset.done $0x0  }
0xa8: {  	s26 =	sadd.s32 s23, s6;
	s0 =	simm.s32 $0x80;
	[sflag:s19] =	ssyncadd.s32 $0xFFFFFFB0  }
0xa9: {  	[tilespmem:s0], [sflag:$0x7] =	stream.linear.gather [hbm4b:s26+s5], $0x50, $0x38;
	[tilespmem:$0xF300] =	vst v63  }
0xaa: {  	s24 =	smov.u32 s21;
	s21 =	smov.u32 s20;
	_ =	swait.ge [sflag:s19], $0x50  }
0xab: {  	s20 =	smov.u32 s21;
	s21 =	smov.u32 s24;
	[sflag:s19] =	ssyncset.done $0x0  }
0xac: {  	s24 =	simm.s32 $0x100;
	s6 =	sadd.s32 s21, s6;
	[sflag:s19] =	ssyncadd.s32 $0xFFFFFFB0  }
0xad: {  	[tilespmem:s24], [sflag:$0x7] =	stream.linear.gather [hbm4b:s6+s5], $0x50, $0x38;
	[tilespmem:$0xF300] =	vst v63  }
0xae: {  	_ =	swait.ge [sflag:s19], $0x50  }
0xaf: {  	[sflag:s19] =	ssyncset.done $0x0  }
0xb0: {  	[sflag:s19] =	ssyncadd.s32 $0xFFFFFFB0  }
0xb1: {  	[tilespmem:s28], [sflag:$0x1] =	stream.indirect.gather [hbm4b:s2+s22], $0x80, s5, s22, $0xb8;
	[tilespmem:$0xF300] =	vst v63  }
0xb2: {  	_ = 	snop  }
0xb3: {  	[tilespmem:s29], [sflag:$0x2] =	stream.indirect.gather [hbm4b:s20+s22], $0x80, s0, s22, $0xb8;
	[tilespmem:$0xF300] =	vst v63  }
0xb4: {  	_ = 	snop  }
0xb5: {  	[tilespmem:s30], [sflag:$0x3] =	stream.indirect.gather [hbm4b:s2+s22], $0x80, s24, s22, $0xb8;
	[tilespmem:$0xF300] =	vst v63  }
0xb6: {  	_ =	swait.ge [sflag:s10], $0x2800  }
0xb7: {  	[sflag:s10] =	ssyncset.done $0x0  }
0xb8: {  	[sflag:s10] =	ssyncadd.s32 $0xFFFFD800  }
0xb9: {  	_ =	swait.ge [sflag:s11], $0x2800  }
0xba: {  	[sflag:s11] =	ssyncset.done $0x0  }
0xbb: {  	[sflag:s11] =	ssyncadd.s32 $0xFFFFD800  }
0xbc: {  	_ =	swait.ge [sflag:s12], $0x2800  }
0xbd: {  	[sflag:s12] =	ssyncset.done $0x0  }
0xbe: {  	s13 =	sadd.s32 $0x500, s13;
	[sflag:s12] =	ssyncadd.s32 $0xFFFFD800  }
0xbf: {  	[hbm4b:s13+s5] =	stream.linear.scatter [tilespmem:s31], [sflag:$0x7], $0x2800, $0x38;
	[tilespmem:$0xF300] =	vst v63  }
0xc0: {  	_ =	swait.ge [sflag:s19], $0x2800  }
0xc1: {  	[sflag:s19] =	ssyncset.done $0x0  }
0xc2: {  	s1 =	sadd.s32 $0x500, s1;
	[sflag:s19] =	ssyncadd.s32 $0xFFFFD800  }
0xc3: {  	[hbm4b:s1+s5] =	stream.linear.scatter [tilespmem:s4], [sflag:$0x7], $0x2800, $0x38;
	[tilespmem:$0xF300] =	vst v63  }
0xc4: {  	p0 =	sne.s32 s14, $0x13600;
	s14 =	sadd.s32 $0xA00, s14;
	_ =	swait.ge [sflag:s19], $0x2800  }
.Ltmp0:
0xc5: {  	s17 =	sadd.s32 $0x14, s17;
	[sflag:s19] =	ssyncset.done $0x0;
	(pc) =	sbr.rel @p0 .LBB2_2-.Ltmp0, $4  }
0xc6: {  	s15 =	sadd.s32 $0x14, s15;
	s31 =	sadd.s32 $0x500, s3;
	[sflag:s19] =	ssyncadd.s32 $0xFFFFD800  }
0xc7: {  	[hbm4b:s31+s5] =	stream.linear.scatter [tilespmem:s25], [sflag:$0x7], $0x2800, $0x38;
	[tilespmem:$0xF300] =	vst v63  }
0xc8: {  	s26 =	simm.s32 $0x300;
	s28 =	simm.s32 $0x2B00;
	_ =	swait.ge [sflag:s19], $0x2800  }
0xc9: {  	s29 =	simm.s32 $0x5300;
	s30 =	simm.s32 $0x180;
	[sflag:s19] =	ssyncset.done $0x0  }
0xca: {  	[sflag:s19] =	ssyncadd.s32 $0xFFFFD800;
	s0 =	simm.s32 $0x1  }
0xcb: {  	_ =	swait.ge [sflag:s0], $0x2800  }
0xcc: {  	[sflag:s0] =	ssyncset.done $0x0  }
0xcd: {  	[sflag:s0] =	ssyncadd.s32 $0xFFFFD800  }
0xce: {  	_ =	swait.ge [sflag:s8], $0x2800  }
0xcf: {  	[sflag:s8] =	ssyncset.done $0x0  }
0xd0: {  	[sflag:s8] =	ssyncadd.s32 $0xFFFFD800  }
0xd1: {  	_ =	swait.ge [sflag:s9], $0x2800  }
0xd2: {  	[sflag:s9] =	ssyncset.done $0x0  }
0xd3: {  	s1 =	rddreg [dreg:$0xb];
	[sflag:s9] =	ssyncadd.s32 $0xFFFFD800  }
0xd4: {  	[hbm4b:s1+s5] =	stream.linear.scatter [tilespmem:s26], [sflag:$0x7], $0x2800, $0x38;
	[tilespmem:$0xF300] =	vst v63  }
0xd5: {  	_ =	swait.ge [sflag:s19], $0x2800  }
0xd6: {  	[sflag:s19] =	ssyncset.done $0x0  }
0xd7: {  	s26 =	rddreg [dreg:$0xc];
	[sflag:s19] =	ssyncadd.s32 $0xFFFFD800  }
0xd8: {  	[hbm4b:s26+s5] =	stream.linear.scatter [tilespmem:s28], [sflag:$0x7], $0x2800, $0x38;
	[tilespmem:$0xF300] =	vst v63  }
0xd9: {  	_ =	swait.ge [sflag:s19], $0x2800  }
0xda: {  	[sflag:s19] =	ssyncset.done $0x0  }
0xdb: {  	s28 =	rddreg [dreg:$0xd];
	[sflag:s19] =	ssyncadd.s32 $0xFFFFD800  }
0xdc: {  	[hbm4b:s28+s5] =	stream.linear.scatter [tilespmem:s29], [sflag:$0x7], $0x2800, $0x38;
	[tilespmem:$0xF300] =	vst v63  }
0xdd: {  	_ =	swait.ge [sflag:s19], $0x2800  }
0xde: {  	s6 =	rddreg [dreg:$0x13]  }
0xdf: {  	s31 =	rddreg [dreg:$0xe];
	s6 =	sadd.s32 $0x1, s6  }
0xe0: {  	p0 =	sne.s32 s6, s31  }
.Ltmp1:
0xe1: {  	_ = 	snop;
	(pc) =	sbr.rel @p0 .LBB2_1-.Ltmp1, $4  }
0xe2: {  	_ = 	snop  }
0xe3: {  	s3 =	simm.s32 $0x80;
	s13 =	simm.s32 $0x200;
	s14 =	simm.s32 $0x7B00  }
0xe4: {  	s15 =	simm.s32 $0xA300;
	s18 =	simm.s32 $0xCB00;
	[sflag:s19] =	ssyncset.done $0x0  }
0xe5: {  	s0 =	simm.s32 $0x280;
	s26 =	smov.u32 s23;
	[sflag:s19] =	ssyncadd.s32 $0xFFFFD800  }
0xe6: {  	_ =	sfence.sel $0x180000  }
0xe7: {  	[bflag:$0x0] =	sbarrier.arrive $0xFFFF  }
0xe8: {  	_ =	strace $0x9000004A  }
0xe9: {  	s0 =	stileid.u32;
	[bflag:$0x2] =	sbarrier.arrive $0xFFFF  }
0xea: {  	p0 =	sne.s32 s0, $0x0;
	s0 =	rddreg [dreg:$0x4]  }
0xeb: {  	s0 =	sadd.s32 @!p0 $0x100000, s0  }
0xec: {  	[sflag:s0] =	ssyncadd.tile.s32 @!p0 $0x1;
	_ =	shalt  }
.Lfunc_end2:
_tile_overlayer_lowered:
.L_overlay_start_2:
0xed: {  	(tag) =	ssettag $0x2  }
0xee: {  	s0 =	rddreg [dreg:$0x0];
	s2 =	stileid.u32  }
0xef: {  	s1 =	rddreg [dreg:$0x1];
	p0 =	sne.s32 s2, $0x0  }
0xf0: {  	s3 =	rddreg [dreg:$0x2];
	[bflag:$0x3] =	sbarrier.arrive $0xFFFF;
	s2 =	simm.s32 @!p0 $0x1C07  }
0xf1: {  	[timem:s3], [sflag:s2] =	dma.local @!p0 [hbm:s0], s1  }
0xf2: {  	s0 =	simm.s32 @!p0 $0x7  }
0xf3: {  	_ =	swait.ge @!p0 [sflag:s0], s1  }
0xf4: {  	s1 =	ssub.s32 @!p0 $0x0, s1;
	[sflag:s0] =	ssyncset.done @!p0 $0x0  }
0xf5: {  	[sflag:s0] =	ssyncadd.s32 @!p0 s1  }
0xf6: {  	[bflag:$0x3] =	sbarrier.arrive $0xFFFF  }
0xf7: {  	_ =	shalt  }

// kernel: sparse-core-data-format-call.cloned.1.call-start
scs
called_computation_lowered:
.L_overlay_start_0:
0x0: {  	s2 =	sld [smem:$0x3FD9]  }
0x1: {  	s3 =	sld [smem:$0x3FFE];
	_ =	sdelay $0x1  }
0x2: {  	s1 =	srdreg.scid  }
0x3: {  	s0 =	sand.u32 $0x1, s1  }
0x4: {  	s18 =	sshll.u32 s0, $0xA;
	s2 =	sadd.s32 s3, s2  }
0x5: {  	s2 =	sadd.s32 s2, s18  }
0x6: {  	[smem:$0x3FC0] =	sst s2  }
0x7: {  	_ = 	snop  }
0x8: {  	s2 =	sld [smem:$0x3FD0];
	(tm) =	ssettm $0x1  }
0x9: {  	s19 =	sld [smem:$0x3FFB];
	_ =	sdelay $0x3  }
0xa: {  	_ =	strace s19  }
0xb: {  	s3 =	sld [smem:$0x3FFC];
	_ =	sdelay $0x3  }
0xc: {  	_ =	strace s3  }
0xd: {  	s3 =	sld [smem:$0x3FFD];
	_ =	sdelay $0x3  }
0xe: {  	_ =	strace s3  }
0xf: {  	_ =	strace $0x8FFFFFFF  }
0x10: {  	s20 =	sld [smem:$0x3FDB];
	_ =	sdelay $0x1  }
0x11: {  	s4 =	simm.s32 $_scs_section_size  }
0x12: {  	s5 =	simm.s32 $_size__tile_overlayer_lowered;
	s6 =	simm.s32 $_tile_overlayer_lowered  }
0x13: {  	s23 =	simm.s32 $0x1BFF;
	s22 =	sshll.u32 s6, $0x1;
	s3 =	sadd.s32 s4, s20  }
0x14: {  	s7 =	simm.s32 $0x0;
	s21 =	sshll.u32 s5, $0x1;
	s5 =	sadd.s32 s22, s3  }
0x15: {  	[timem:s7], [sflag:s23] =	dma.local [hbm:s5], s21  }
0x16: {  	_ =	swait.ge [sflag:s23], s21  }
0x17: {  	s4 =	ssub.s32 $0x0, s21;
	[sflag:s23] =	ssyncset.done $0x0  }
0x18: {  	[sflag:s23] =	ssyncadd.s32 s4;
	_ =	sdelay $0x1  }
0x19: {  	s24 =	simm.s32 $0x1B8B  }
0x1a: {  	_ =	swait.ge [sflag:s24], $0x1  }
0x1b: {  	[sflag:s24] =	ssyncset.done $0x0  }
0x1c: {  	s26 =	simm.s32 $0x1B8E;
	s25 =	sld [smem:$0x3FFE];
	[sflag:s24] =	ssyncadd.s32 $0xFFFFFFFF  }
0x1d: {  	s27 =	simm.s32 $execute0_lowered;
	[smem:$0x3FD2] =	sst s26  }
0x1e: {  	s5 =	sshll.u32 s27, $0x1;
	_ =	strace $0x8000004C;
	[dreg:$0x1] =	wrdreg $0xFFFFFFFF  }
0x1f: {  	s28 =	simm.s32 $_size_execute0_lowered;
	s3 =	sadd.s32 s3, s5;
	[dreg:$0x0] =	wrdreg $0x0  }
0x20: {  	s5 =	sshll.u32 s28, $0x1;
	[dreg:$0x2] =	wrdreg s3  }
0x21: {  	[dreg:$0x3] =	wrdreg s5  }
0x22: {  	[dreg:$0x4] =	wrdreg $0xC0  }
0x23: {  	_ =	task [dreg:s7], $0x5FFFF  }
0x24: {  	[dreg:$0x1] =	wrdreg $0xFFFFFFFF  }
0x25: {  	[dreg:$0x0] =	wrdreg $0x60  }
0x26: {  	[dreg:$0x2] =	wrdreg s25  }
0x27: {  	[dreg:$0x3] =	wrdreg s2  }
0x28: {  	[dreg:$0x4] =	wrdreg $0x9  }
0x29: {  	_ =	task.clear_ibuf [dreg:s7], $0x5FFFF;
	_ =	strace $0x9000004C  }
0x2a: {  	s29 =	simm.s32 $0x9;
	_ =	strace $0x8000004E  }
0x2b: {  	_ =	swait.ge [sflag:s29], $0x1  }
0x2c: {  	[sflag:s29] =	ssyncadd.s32 $0xFFFFFFFF  }
0x2d: {  	_ =	strace $0x9000004E  }
0x2e: {  	_ =	sfence  }
0x2f: {  	s30 =	sld [smem:$0x0];
	_ =	sdelay $0x2  }
0x30: {  	s31 =	sshll.u32 s1, $0xD;
	s1 =	sshrl.u32 s1, $0x2  }
0x31: {  	s3 =	sand.u32 $0x4000, s31;
	s1 =	sadd.s32 s1, s30  }
0x32: {  	s0 =	sor.u32 s3, s0;
	s1 =	sshll.u32 s1, $0x11  }
0x33: {  	s0 =	sor.u32 s1, s0  }
0x34: {  	s0 =	sadd.s32 $0x8F2B, s0  }
0x35: {  	[sflag:s0] =	ssyncadd.remote.s32 $0x1  }
0x36: {  	_ =	sfence.sel $0xFFFF  }
0x37: {  	[dreg:$0x0] =	wrdreg $0xFFFFFFFF;
	(pc) =	sbr.abs _section_cstart, $3  }
0x38: {  	[dreg:$0x1] =	wrdreg $0xFFFFFFFF  }
0x39: {  	_ =	task.clear_ibuf [dreg:s7], $0x2FFFF;
	_ =	strace $0x9FFFFFFF  }
0x3a: {  	(tm) =	ssettm $0x7FFFFFFF  }
0x3b: {  	_ =	shalt  }
tec
execute0_lowered:
.L_overlay_start_1:
0x0: {  	(tag) =	ssettag $0x1  }
0x1: {  	s0 =	rddreg [dreg:$0x0];
	s1 =	srdreg.scid  }
0x2: {  	s2 =	stileid.u32;
	_ =	strace $0x8000004D;
	s29 =	simm.s32 $0x1  }
0x3: {  	s31 =	simm.s32 $0x2;
	s15 =	simm.s32 $0x0;
	s1 =	sshll.u32 s1, $0x4  }
0x4: {  	s7 =	simm.s32 $0x0;
	s0 =	sadd.s32 $0x2000, s0;
	s1 =	sand.u32 $0x10, s1  }
0x5: {  	s6 =	simm.s32 $0x0;
	[dreg:$0x3] =	wrdreg s0;
	s1 =	sor.u32 s2, s1  }
0x6: {  	s2 =	sshll.u32 s2, $0x7;
	s28 =	sshll.u32 s1, $0x5;
	s1 =	sshll.u32 s1, $0x8  }
.Ltmp0:
0x7: {  	s12 =	sand.u32 $0x180, s2;
	[dreg:$0x7] =	wrdreg s1;
	(pc) =	sbr.rel .LBB1_1-.Ltmp0, $4  }
0x8: {  	s0 =	sand.u32 $0x380, s28;
	s30 =	ssub.s32 $0x2700, s12;
	[dreg:$0x4] =	wrdreg s12  }
0x9: {  	s13 =	simm.s32 $0x0;
	[dreg:$0x5] =	wrdreg s0;
	s0 =	sshrl.u32 s30, $0x9  }
0xa: {  	[sflag:s29] =	ssyncpa.u1 $0x0;
	[dreg:$0x6] =	wrdreg s0;
	s5 =	sadd.s32 $0x2, s0  }
0xb: {  	s14 =	simm.s32 $0x0;
	[sflag:s31] =	ssyncpa.u1 $0x0;
	[dreg:$0x8] =	wrdreg s5  }
.LBB1_12:
0xc: {  	s6 =	rddreg [dreg:$0x9]  }
0xd: {  	s0 =	sshrl.u32 s6, $0x3  }
0xe: {  	s1 =	sshll.u32 s13, $0x3;
	s0 =	smul.u32 $0x13C00, s0  }
0xf: {  	s2 =	sand.u32 $0x7F, s13;
	s4 =	rddreg [dreg:$0xb];
	s1 =	sand.u32 $0xFFFFFC00, s1  }
0x10: {  	p0 =	sgt.s32 s13, $0x2700;
	s30 =	rddreg [dreg:$0x1];
	s0 =	sadd.s32 s1, s0  }
0x11: {  	s1 =	sor.u32 s2, s0;
	s0 =	smulhi.u32 $0xCF6474A9, s0;
	s2 =	smov.u32 s13  }
0x12: {  	s31 =	simm.s32 $0x13C00;
	s3 =	smulhi.u32 $0xCF6474A9, s1;
	s2 =	simm.s32 @!p0 $0x2700  }
0x13: {  	p0 =	sgt.s32 s6, $0x368;
	s0 =	sshrl.u32 s0, $0xD;
	s2 =	sadd.s32 s4, s2  }
0x14: {  	s3 =	sshrl.u32 s3, $0xD;
	s29 =	smulhi.u32 $0x418938, s0;
	s5 =	sadd.s32 $0xFFFFD900, s2  }
0x15: {  	s3 =	smul.u32 $0x2780, s3;
	p1 =	sgt.s32 s5, $0x7F;
	s5 =	smov.u32 s6  }
0x16: {  	s2 =	ssub.s32 $0x2780, s2;
	s5 =	simm.s32 @!p0 $0x368;
	s4 =	smul.u32 $0x3E8, s29  }
0x17: {  	s7 =	rddreg [dreg:$0xa];
	s2 =	simm.s32 @p1 $0x0;
	s5 =	ssub.s32 $0x3E8, s5  }
0x18: {  	s1 =	ssub.s32 s1, s3;
	s0 =	ssub.s32 s0, s4;
	s2 =	smul.u32 s5, s2  }
0x19: {  	s3 =	sshrl.u32 s1, $0x3;
	s1 =	sand.u32 $0x7, s1;
	s0 =	smul.u32 $0x4F0, s0  }
0x1a: {  	s5 =	rddreg [dreg:$0x8];
	s3 =	sadd.s32 s30, s3;
	s1 =	sshll.u32 s1, $0x12  }
0x1b: {  	s2 =	sand.u32 $0x3FFFFFF8, s2;
	s1 =	sor.u32 $0x400, s1;
	s0 =	sadd.s32 s0, s3  }
0x1c: {  	[hbm4b:s0+s1] =	stream.strided.scatter [tilespmem:s17], [sflag:$0x2], s2, s31, s1, $0x20;
	[tilespmem:$0x10100] =	vst v63  }
.LBB1_13:
0x1d: {  	p0 =	slt.u32 s14, $0x2  }
0x1e: {  	p1 =	sgt.s32 @!p0 s7, $0x2700  }
0x1f: {  	s0 =	smov.u32 s7;
	s1 =	sshra.s32 @!p0 s7, $0x1F;
	p1 =	por !p1, p0  }
0x20: {  	s1 =	sand.u32 @!p0 s1, s7;
	s0 =	simm.s32 @p1 $0x2700  }
0x21: {  	s0 =	ssub.s32 @!p0 s0, s1  }
0x22: {  	p1 =	sgt.s32 @!p0 s15, $0x368;
	s1 =	sadd.s32 @!p0 $0xFFFFD900, s0  }
0x23: {  	p1 =	por !p1, p0;
	p2 =	sgt.s32 @!p0 s1, $0x7F  }
0x24: {  	s15 =	simm.s32 @p1 $0x368;
	s0 =	ssub.s32 @!p0 $0x2780, s0;
	p1 =	por !p2, p0  }
0x25: {  	s1 =	ssub.s32 @!p0 $0x3E8, s15;
	s0 =	simm.s32 @!p1 $0x0  }
0x26: {  	s0 =	smul.u32 @!p0 s1, s0;
	_ =	sdelay $0x1  }
0x27: {  	s1 =	simm.s32 @!p0 $0x2;
	s0 =	sand.u32 @!p0 $0x3FFFFFFF, s0  }
0x28: {  	s2 =	sadd.s32 $0x200, s12;
	_ =	swait.ge @!p0 [sflag:s1], s0  }
0x29: {  	p1 =	sgt.s32 s2, $0x270F;
	s3 =	rddreg [dreg:$0x4]  }
0x2a: {  	s2 =	smov.u32 @p1 s3;
	p1 =	sne.s32 s14, s5  }
.Ltmp1:
0x2b: {  	_ = 	snop;
	(pc) =	sbr.rel @!p1 .LBB1_14-.Ltmp1, $4  }
0x2c: {  	s31 =	sadd.s32 $0x1, s14  }
0x2d: {  	s7 =	smov.u32 s13;
	s13 =	smov.u32 s12;
	s15 =	smov.u32 s6  }
0x2e: {  	s0 =	ssub.s32 @!p0 $0x0, s0;
	[sflag:s1] =	ssyncset.done @!p0 $0x0;
	s6 =	rddreg [dreg:$0x5]  }
0x2f: {  	[sflag:s1] =	ssyncadd.s32 @!p0 s0;
	s14 =	smov.u32 s31;
	s12 =	smov.u32 s2  }
.LBB1_1:
0x30: {  	s0 =	rddreg [dreg:$0x6]  }
0x31: {  	p0 =	sgt.u32 s14, s0  }
0x32: {  	s0 =	sshll.u32 @!p0 s12, $0xA  }
0x33: {  	s1 =	rddreg [dreg:$0x7];
	s0 =	sand.u32 @!p0 $0xFFFFE000, s0  }
0x34: {  	s2 =	smov.u32 s12;
	p1 =	sgt.s32 @!p0 s12, $0x2690;
	s0 =	sor.u32 @!p0 s1, s0  }
0x35: {  	s3 =	sshra.s32 @!p0 s12, $0x1F;
	p1 =	por !p1, p0;
	s0 =	sshrl.u32 @!p0 s0, $0xA  }
0x36: {  	s3 =	sand.u32 @!p0 s3, s12;
	s2 =	simm.s32 @p1 $0x2690;
	s1 =	smulhi.u32 @!p0 $0x1A36E3, s0  }
0x37: {  	s2 =	ssub.s32 @!p0 s2, s3  }
0x38: {  	s4 =	sxor.u32 @!p0 $0xFFFFFFFF, s14;
	s2 =	sadd.s32 @!p0 $0xFFFFD970, s2;
	s1 =	sshrl.u32 @!p0 s1, $0x2  }
0x39: {  	s3 =	sshll.u32 @!p0 s4, $0xE;
	p1 =	sgt.s32 @!p0 s2, $0x7F;
	s1 =	smul.u32 @!p0 $0x2710, s1  }
0x3a: {  	s4 =	rddreg [dreg:$0x3];
	s3 =	sand.u32 @!p0 $0x4000, s3;
	p1 =	por !p1, p0  }
0x3b: {  	s0 =	ssub.s32 @!p0 s0, s1;
	s1 =	sshll.u32 @!p0 s2, $0x7;
	s2 =	sshll.u32 @!p0 s12, $0x4  }
0x3c: {  	s1 =	ssub.s32 @!p0 $0x4000, s1;
	s2 =	sand.u32 @!p0 $0x70, s2;
	s0 =	sshll.u32 @!p0 s0, $0x7  }
0x3d: {  	s1 =	sand.u32 @!p0 $0x3FFFFF80, s1;
	s2 =	sadd.s32 @!p0 s4, s2;
	s4 =	simm.s32 @!p0 $0x2000  }
0x3e: {  	s1 =	simm.s32 @!p1 $0x0;
	s0 =	sadd.s32 @!p0 s0, s2;
	s2 =	simm.s32 @!p0 $0x400  }
0x3f: {  	[tilespmem:s3], [sflag:$0x1] =	stream.strided.gather @!p0 [hbm4b:s0+s2], s1, s4, s2, $0x38;
	[tilespmem:$0x10100] =	vst v63  }
0x40: {  	p0 =	seq.s32 s14, $0x0  }
0x41: {  	p1 =	sge.u32 @!p0 s14, s5  }
0x42: {  	p0 =	por p0, p1  }
.Ltmp2:
0x43: {  	_ = 	snop;
	(pc) =	sbr.rel @p0 .LBB1_13-.Ltmp2, $1  }
0x44: {  	_ =	sdelay $0x3  }
0x45: {  	s0 =	ssub.s32 $0x0, s13  }
0x46: {  	s1 =	sshra.s32 s13, $0x1F;
	p0 =	sgt.s32 s13, $0x2690;
	s2 =	smov.u32 s13  }
0x47: {  	s0 =	sand.u32 s0, s1;
	s2 =	simm.s32 @!p0 $0x2690  }
0x48: {  	[dreg:$0xb] =	wrdreg s0;
	s0 =	sadd.s32 s0, s2  }
0x49: {  	s2 =	sadd.s32 $0x80, s13;
	s0 =	sadd.s32 $0xFFFFD970, s0  }
0x4a: {  	p1 =	slt.s32 s2, $0x2710;
	s31 =	sshll.u32 s0, $0x7  }
0x4b: {  	s2 =	simm.s32 @!p1 $0x2710;
	s1 =	ssub.s32 $0x4000, s31  }
0x4c: {  	p0 =	sgt.s32 s0, $0x7F;
	s19 =	ssub.s32 s2, s13;
	s1 =	sand.u32 $0x3FFFFF80, s1  }
0x4d: {  	s1 =	simm.s32 @p0 $0x0;
	p0 =	slt.s32 s19, $0x1  }
.Ltmp3:
0x4e: {  	[dreg:$0xa] =	wrdreg s7;
	(pc) =	sbr.rel @p0 .LBB1_12-.Ltmp3, $4  }
0x4f: {  	[dreg:$0x9] =	wrdreg s6;
	s4 =	simm.s32 $0x1;
	s0 =	sand.u32 $0x1, s14  }
0x50: {  	s3 =	smul.u32 $0x4080, s0;
	_ =	swait.ge [sflag:s4], s1  }
0x51: {  	s1 =	ssub.s32 $0x0, s1;
	[sflag:s4] =	ssyncset.done $0x0  }
0x52: {  	s17 =	sor.u32 $0x8000, s3;
	[sflag:s4] =	ssyncadd.s32 s1  }
0x53: {  	s2 =	rddreg [dreg:$0x9]  }
0x54: {  	p0 =	slt.s32 s2, $0x368;
	s1 =	smov.u32 s2  }
.Ltmp4:
0x55: {  	s1 =	simm.s32 @!p0 $0x368;
	(pc) =	sbr.rel .LBB1_4-.Ltmp4, $4  }
0x56: {  	s22 =	sshll.u32 s0, $0xE;
	s1 =	ssub.s32 s1, s2  }
0x57: {  	s24 =	simm.s32 $0x0;
	s25 =	simm.s32 $0x400;
	s2 =	sadd.s32 $0x8F, s1  }
0x58: {  	s20 =	sand.u32 $0xFFFFFFF0, s2;
	s21 =	sand.u32 $0xFFFFFF00, s2;
	s2 =	sshll.u32 s2, $0x3  }
0x59: {  	p0 =	slt.s32 s1, $0x71;
	s23 =	sand.u32 $0xFFFFF800, s2;
	p1 =	sge.s32 s21, s20  }
.LBB1_11:
0x5a: {  	s24 =	sadd.s32 $0x1, s24  }
0x5b: {  	p2 =	sne.s32 s24, s19  }
.Ltmp5:
0x5c: {  	_ = 	snop;
	(pc) =	sbr.rel @!p2 .LBB1_12-.Ltmp5, $2  }
0x5d: {  	_ =	sdelay $0x2  }
0x5e: {  	s25 =	sadd.s32 $0x80, s25  }
.LBB1_4:
.Ltmp6:
0x5f: {  	(pc) =	sbr.rel @p0 .LBB1_8-.Ltmp6, $2  }
0x60: {  	_ =	sdelay $0x2  }
0x61: {  	s26 =	sshll.u32 s24, $0x7;
	s27 =	sand.u32 $0x7F, s24  }
0x62: {  	s1 =	sshll.u32 s24, $0x3  }
0x63: {  	s5 =	sand.u32 $0x380, s26;
	s3 =	sshrl.u32 s1, $0x7;
	s2 =	sadd.s32 $0x800, s1  }
0x64: {  	s6 =	sadd.s32 $0x1000, s1;
	s9 =	sadd.s32 s5, s22;
	s18 =	sadd.s32 $0x1800, s1  }
0x65: {  	s10 =	sadd.s32 $0x2800, s1;
	s0 =	sand.u32 $0x78, s3;
	s2 =	sshrl.u32 s2, $0x7  }
0x66: {  	s16 =	sshrl.u32 s6, $0x7;
	s6 =	sshrl.u32 s18, $0x7;
	s11 =	sshrl.u32 s10, $0x7  }
0x67: {  	s18 =	sadd.s32 $0x3000, s1;
	s1 =	sadd.s32 $0x3800, s1;
	s10 =	sadd.s32 $0x10, s3  }
0x68: {  	v0 =	vmov s9;
	s9 =	sand.u32 $0x3C00, s25;
	s4 =	smul.u32 $0x204, s0;
	s2 =	sand.u32 $0x78, s2  }
0x69: {  	s5 =	sand.u32 $0x78, s16;
	s7 =	sand.u32 $0x78, s6;
	s2 =	smul.u32 $0x204, s2  }
0x6a: {  	s0 =	sxor.u32 $0x40, s0;
	s6 =	sshrl.u32 s18, $0x7;
	s5 =	smul.u32 $0x204, s5  }
0x6b: {  	s18 =	sadd.s32 $0x30, s3;
	s0 =	smul.u32 $0x204, s0;
	s4 =	sshrl.u32 s4, $0x2  }
0x6c: {  	s4 =	sadd.s32 s4, s17;
	s2 =	sshrl.u32 s2, $0x2;
	s8 =	sshrl.u32 s5, $0x2  }
0x6d: {  	s0 =	sshrl.u32 s0, $0x2;
	s5 =	sand.u32 $0x78, s10;
	s2 =	sadd.s32 s2, s17  }
0x6e: {  	s28 =	sadd.s32 s27, s4;
	s4 =	sadd.s32 s8, s17;
	s5 =	smul.u32 $0x204, s5  }
0x6f: {  	s16 =	sadd.s32 s0, s17;
	s29 =	sadd.s32 s27, s2;
	s2 =	smul.u32 $0x204, s7  }
0x70: {  	s30 =	sadd.s32 s27, s4;
	s4 =	sand.u32 $0x78, s11;
	s31 =	sadd.s32 s27, s16  }
0x71: {  	s7 =	sshrl.u32 s1, $0x7;
	s11 =	sadd.s32 $0x20, s3;
	s4 =	smul.u32 $0x204, s4  }
0x72: {  	s8 =	sand.u32 $0x78, s7;
	s5 =	sshrl.u32 s5, $0x2;
	s2 =	sshrl.u32 s2, $0x2  }
0x73: {  	s16 =	sadd.s32 s5, s17;
	s5 =	sand.u32 $0x78, s18;
	s2 =	sadd.s32 s2, s17  }
0x74: {  	s4 =	sshrl.u32 s4, $0x2;
	s5 =	smul.u32 $0x204, s5;
	s0 =	sadd.s32 s27, s2  }
0x75: {  	s2 =	sand.u32 $0x78, s6;
	s4 =	sadd.s32 s4, s17;
	s6 =	sand.u32 $0x78, s11  }
0x76: {  	s7 =	sadd.s32 $0x50, s3;
	s1 =	sadd.s32 s27, s4;
	s6 =	smul.u32 $0x204, s6  }
0x77: {  	v1 =	vld.idx.msk [tilespmem:v0+s9+$0x0 ss:$0x1], $0xffff;
	s4 =	smul.u32 $0x204, s8;
	s8 =	sadd.s32 $0x60, s3;
	s3 =	sadd.s32 $0x70, s3  }
0x78: {  	s3 =	sand.u32 $0x78, s3;
	s6 =	sshrl.u32 s6, $0x2  }
0x79: {  	s5 =	sshrl.u32 s5, $0x2;
	s18 =	smul.u32 $0x204, s3;
	s6 =	sadd.s32 s6, s17  }
0x7a: {  	s11 =	sadd.s32 s5, s17;
	s3 =	sadd.s32 s27, s6  }
0x7b: {  	s6 =	sadd.s32 s27, s11;
	s11 =	sshrl.u32 s18, $0x2;
	s18 =	sadd.s32 $0xFFFFFC00, s25  }
0x7c: {  	[tilespmem:s28+$0x0 ss:$0x81] =	vst.msk $0xffff, v1;
	v1 =	vld.idx.msk [tilespmem:v0+s9+$0x20 ss:$0x1], $0xffff;
	s5 =	sadd.s32 s27, s16;
	s16 =	sadd.s32 s11, s17;
	s11 =	sand.u32 $0x3C00, s18  }
0x7d: {  	v2 =	vld.idx.msk [tilespmem:v0+s11+$0x70 ss:$0x1], $0xffff  }
0x7e: {  	v3 =	vld.idx.msk [tilespmem:v0+s11+$0x0 ss:$0x1], $0xffff  }
0x7f: {  	s4 =	sshrl.u32 s4, $0x2;
	v4 =	vld.idx.msk [tilespmem:v0+s11+$0x10 ss:$0x1], $0xffff  }
0x80: {  	s4 =	sadd.s32 s4, s17;
	v5 =	vld.idx.msk [tilespmem:v0+s11+$0x20 ss:$0x1], $0xffff  }
0x81: {  	s7 =	sand.u32 $0x78, s7;
	s10 =	sadd.s32 s27, s4;
	v6 =	vld.idx.msk [tilespmem:v0+s11+$0x30 ss:$0x1], $0xffff  }
0x82: {  	s7 =	smul.u32 $0x204, s7;
	v7 =	vld.idx.msk [tilespmem:v0+s11+$0x40 ss:$0x1], $0xffff;
	[tilespmem:s10+$0x0 ss:$0x81] =	vst.msk $0xffff, v2  }
0x83: {  	s2 =	smul.u32 $0x204, s2;
	s8 =	sand.u32 $0x78, s8;
	v8 =	vld.idx.msk [tilespmem:v0+s11+$0x50 ss:$0x1], $0xffff;
	[tilespmem:s28+$0x0 ss:$0x81] =	vst.msk $0xffff, v3  }
0x84: {  	p2 =	sgt.s32 s21, $0x100;
	s8 =	smul.u32 $0x204, s8;
	v9 =	vld.idx.msk [tilespmem:v0+s11+$0x60 ss:$0x1], $0xffff;
	[tilespmem:s29+$0x0 ss:$0x81] =	vst.msk $0xffff, v4  }
.Ltmp7:
0x85: {  	s2 =	sshrl.u32 s2, $0x2;
	v4 =	vld.idx.msk [tilespmem:v0+s9+$0x10 ss:$0x1], $0xffff;
	[tilespmem:s30+$0x0 ss:$0x81] =	vst.msk $0xffff, v5;
	(pc) =	sbr.rel @!p2 .LBB1_7-.Ltmp7, $4  }
0x86: {  	s7 =	sshrl.u32 s7, $0x2;
	s2 =	sadd.s32 s2, s17;
	[tilespmem:s0+$0x0 ss:$0x81] =	vst.msk $0xffff, v6;
	v2 =	vld.idx.msk [tilespmem:v0+s9+$0x30 ss:$0x1], $0xffff  }
0x87: {  	s2 =	sadd.s32 s27, s2;
	s8 =	sshrl.u32 s8, $0x2;
	s4 =	sadd.s32 s7, s17;
	[tilespmem:s31+$0x0 ss:$0x81] =	vst.msk $0xffff, v7;
	v3 =	vld.idx.msk [tilespmem:v0+s9+$0x40 ss:$0x1], $0xffff  }
0x88: {  	s7 =	sadd.s32 s8, s17;
	s8 =	sadd.s32 s27, s4;
	s18 =	simm.s32 $0x100;
	[tilespmem:s1+$0x0 ss:$0x81] =	vst.msk $0xffff, v8;
	v5 =	vld.idx.msk [tilespmem:v0+s9+$0x50 ss:$0x1], $0xffff  }
0x89: {  	s7 =	sadd.s32 s27, s7;
	s4 =	sadd.s32 s27, s16;
	s11 =	sadd.s32 $0x800, s25;
	[tilespmem:s2+$0x0 ss:$0x81] =	vst.msk $0xffff, v9;
	v6 =	vld.idx.msk [tilespmem:v0+s9+$0x60 ss:$0x1], $0xffff  }
.LBB1_6:
0x8a: {  	s16 =	sadd.s32 $0xFFFFFC00, s11;
	s18 =	sadd.s32 $0x100, s18;
	[tilespmem:s5+$0x0 ss:$0x81] =	vst.msk $0xffff, v4;
	v4 =	vld.idx.msk [tilespmem:v0+s9+$0x70 ss:$0x1], $0xffff;
	s9 =	sand.u32 $0x3C00, s11  }
0x8b: {  	s16 =	sand.u32 $0x3C00, s16;
	v7 =	vld.idx.msk [tilespmem:v0+s9+$0x0 ss:$0x1], $0xffff;
	p2 =	slt.s32 s18, s21;
	[tilespmem:s3+$0x0 ss:$0x81] =	vst.msk $0xffff, v1  }
0x8c: {  	v1 =	vld.idx.msk [tilespmem:v0+s16+$0x70 ss:$0x1], $0xffff;
	[tilespmem:s6+$0x0 ss:$0x81] =	vst.msk $0xffff, v2  }
0x8d: {  	v2 =	vld.idx.msk [tilespmem:v0+s16+$0x0 ss:$0x1], $0xffff;
	[tilespmem:s31+$0x0 ss:$0x81] =	vst.msk $0xffff, v3  }
0x8e: {  	v3 =	vld.idx.msk [tilespmem:v0+s16+$0x10 ss:$0x1], $0xffff;
	[tilespmem:s8+$0x0 ss:$0x81] =	vst.msk $0xffff, v5  }
0x8f: {  	v5 =	vld.idx.msk [tilespmem:v0+s16+$0x20 ss:$0x1], $0xffff;
	[tilespmem:s7+$0x0 ss:$0x81] =	vst.msk $0xffff, v6  }
0x90: {  	v6 =	vld.idx.msk [tilespmem:v0+s16+$0x30 ss:$0x1], $0xffff;
	[tilespmem:s4+$0x0 ss:$0x81] =	vst.msk $0xffff, v4  }
0x91: {  	v8 =	vld.idx.msk [tilespmem:v0+s16+$0x40 ss:$0x1], $0xffff;
	[tilespmem:s28+$0x0 ss:$0x81] =	vst.msk $0xffff, v7  }
0x92: {  	v7 =	vld.idx.msk [tilespmem:v0+s16+$0x50 ss:$0x1], $0xffff;
	[tilespmem:s10+$0x0 ss:$0x81] =	vst.msk $0xffff, v1  }
0x93: {  	[tilespmem:s28+$0x0 ss:$0x81] =	vst.msk $0xffff, v2;
	v9 =	vld.idx.msk [tilespmem:v0+s16+$0x60 ss:$0x1], $0xffff  }
0x94: {  	[tilespmem:s29+$0x0 ss:$0x81] =	vst.msk $0xffff, v3;
	v4 =	vld.idx.msk [tilespmem:v0+s9+$0x10 ss:$0x1], $0xffff  }
.Ltmp8:
0x95: {  	[tilespmem:s30+$0x0 ss:$0x81] =	vst.msk $0xffff, v5;
	v1 =	vld.idx.msk [tilespmem:v0+s9+$0x20 ss:$0x1], $0xffff;
	(pc) =	sbr.rel @p2 .LBB1_6-.Ltmp8, $4  }
0x96: {  	[tilespmem:s0+$0x0 ss:$0x81] =	vst.msk $0xffff, v6;
	v2 =	vld.idx.msk [tilespmem:v0+s9+$0x30 ss:$0x1], $0xffff  }
0x97: {  	[tilespmem:s31+$0x0 ss:$0x81] =	vst.msk $0xffff, v8;
	v3 =	vld.idx.msk [tilespmem:v0+s9+$0x40 ss:$0x1], $0xffff  }
0x98: {  	[tilespmem:s1+$0x0 ss:$0x81] =	vst.msk $0xffff, v7;
	v5 =	vld.idx.msk [tilespmem:v0+s9+$0x50 ss:$0x1], $0xffff  }
0x99: {  	s11 =	sadd.s32 $0x800, s11;
	[tilespmem:s2+$0x0 ss:$0x81] =	vst.msk $0xffff, v9;
	v6 =	vld.idx.msk [tilespmem:v0+s9+$0x60 ss:$0x1], $0xffff  }
.LBB1_7:
0x9a: {  	_ =	sdelay $0x2  }
0x9b: {  	[tilespmem:s5+$0x0 ss:$0x81] =	vst.msk $0xffff, v4  }
0x9c: {  	v0 =	vld.idx.msk [tilespmem:v0+s9+$0x70 ss:$0x1], $0xffff;
	[tilespmem:s3+$0x0 ss:$0x81] =	vst.msk $0xffff, v1  }
0x9d: {  	[tilespmem:s6+$0x0 ss:$0x81] =	vst.msk $0xffff, v2  }
0x9e: {  	[tilespmem:s31+$0x0 ss:$0x81] =	vst.msk $0xffff, v3  }
0x9f: {  	[tilespmem:s8+$0x0 ss:$0x81] =	vst.msk $0xffff, v5  }
0xa0: {  	[tilespmem:s7+$0x0 ss:$0x81] =	vst.msk $0xffff, v6  }
0xa1: {  	[tilespmem:s4+$0x0 ss:$0x81] =	vst.msk $0xffff, v0  }
.LBB1_8:
.Ltmp9:
0xa2: {  	(pc) =	sbr.rel @p1 .LBB1_11-.Ltmp9, $1  }
0xa3: {  	_ =	sdelay $0x3  }
0xa4: {  	s1 =	sand.u32 $0x380, s26;
	s0 =	sshrl.u32 s24, $0x4;
	s2 =	sadd.s32 s27, s17  }
0xa5: {  	s3 =	smov.u32 s23;
	s4 =	smov.u32 s21;
	s1 =	sadd.s32 s1, s22  }
.LBB1_10:
0xa6: {  	s5 =	sand.u32 $0x3C00, s3  }
0xa7: {  	s5 =	sadd.s32 s26, s5  }
0xa8: {  	s5 =	sand.u32 $0x3C00, s5  }
0xa9: {  	s6 =	sand.u32 $0x70, s4;
	s30 =	sadd.s32 s4, s0;
	s5 =	sadd.s32 s5, s1  }
0xaa: {  	s4 =	sadd.s32 $0x10, s4;
	s31 =	sand.u32 $0x78, s30;
	s5 =	sadd.s32 s6, s5  }
0xab: {  	p2 =	slt.s32 s4, s20;
	v0 =	vld [tilespmem:s5+$0x0];
	s5 =	smul.u32 $0x204, s31  }
.Ltmp10:
0xac: {  	_ = 	snop;
	(pc) =	sbr.rel @p2 .LBB1_10-.Ltmp10, $4  }
0xad: {  	_ = 	snop  }
0xae: {  	s5 =	sshrl.u32 s5, $0x2  }
0xaf: {  	s5 =	sadd.s32 s5, s2  }
0xb0: {  	s3 =	sadd.s32 $0x80, s3;
	[tilespmem:s5+$0x0 ss:$0x81] =	vst.msk $0xffff, v0  }
.Ltmp11:
0xb1: {  	_ = 	snop;
	(pc) =	sbr.rel .LBB1_11-.Ltmp11, $1  }
0xb2: {  	_ =	sdelay $0x3  }
.LBB1_14:
0xb3: {  	_ =	sfence.sel $0x180000  }
0xb4: {  	s0 =	simm.s32 $0x1;
	[bflag:$0x0] =	sbarrier.arrive $0xFFFF  }
0xb5: {  	s30 =	simm.s32 $0x2;
	[sflag:s0] =	ssyncpa.u1 $0x1  }
0xb6: {  	[sflag:s30] =	ssyncpa.u1 $0x1  }
0xb7: {  	_ =	strace $0x9000004D  }
0xb8: {  	s31 =	stileid.u32;
	[bflag:$0x2] =	sbarrier.arrive $0xFFFF  }
0xb9: {  	p0 =	sne.s32 s31, $0x0;
	s0 =	rddreg [dreg:$0x2]  }
0xba: {  	s0 =	sadd.s32 @!p0 $0x100000, s0  }
0xbb: {  	[sflag:s0] =	ssyncadd.tile.s32 @!p0 $0x1;
	_ =	shalt  }
.Lfunc_end1:
_tile_overlayer_lowered:
.L_overlay_start_2:
0xbc: {  	(tag) =	ssettag $0x2  }
0xbd: {  	s0 =	rddreg [dreg:$0x0];
	s2 =	stileid.u32  }
0xbe: {  	s1 =	rddreg [dreg:$0x1];
	p0 =	sne.s32 s2, $0x0  }
0xbf: {  	s3 =	rddreg [dreg:$0x2];
	[bflag:$0x3] =	sbarrier.arrive $0xFFFF;
	s2 =	simm.s32 @!p0 $0x1C01  }
0xc0: {  	[timem:s3], [sflag:s2] =	dma.local @!p0 [hbm:s0], s1  }
0xc1: {  	s0 =	simm.s32 @!p0 $0x1  }
0xc2: {  	_ =	swait.ge @!p0 [sflag:s0], s1  }
0xc3: {  	s1 =	ssub.s32 @!p0 $0x0, s1;
	[sflag:s0] =	ssyncset.done @!p0 $0x0  }
0xc4: {  	[sflag:s0] =	ssyncadd.s32 @!p0 s1  }
0xc5: {  	[bflag:$0x3] =	sbarrier.arrive $0xFFFF  }
0xc6: {  	_ =	shalt  }

</sc_bundles>
